<compile_context>
chip_gen: v7x
topology: tpu7x:2x2x1
jax: 0.10.2.dev20260603
libtpu: 0.0.44.dev20260713+nightly
codegen_flags: <defaults>
</compile_context>

<pallas_src>
import functools

import jax
import jax.numpy as jnp
from jax import lax
from jax.experimental import pallas as pl
from jax.experimental.pallas import tpu as pltpu
from jax.experimental.pallas import tpu_sc as plsc

N_NODES = 10000
N_EDGES = 320000
F = 128
HALF = N_NODES // 2
ACC_ROWS = HALF + 64

NC = 2
NS = 16
CHUNK = 80
NCHUNK = 250
EPT = NCHUNK * CHUNK
NG = CHUNK // 16
WBR = 312
REM0 = NS * WBR
REM = HALF - REM0
ZR = 24

_MESH = plsc.VectorSubcoreMesh(core_axis_name="c", subcore_axis_name="s")


def _fill_rows(buf, nrows, value):
    vec = jnp.full((16,), value, jnp.float32)
    nc16 = F // 16

    def body(i, _):
        r = i // nc16
        col = (i % nc16) * 16
        buf[r, pl.ds(col, 16)] = vec
        return 0

    lax.fori_loop(0, nrows * nc16, body, 0)


def _zero_acc(s, zbuf, acc_sh):
    _fill_rows(zbuf, ZR, 0.0)
    for k in range(WBR // ZR):
        pltpu.sync_copy(zbuf, acc_sh.at[pl.ds(s * WBR + k * ZR, ZR)])

    @pl.when(s == NS - 1)
    def _():
        for k in range((ACC_ROWS - REM0 + ZR - 1) // ZR):
            r0 = REM0 + k * ZR
            nr = min(ZR, ACC_ROWS - r0)
            pltpu.sync_copy(zbuf.at[pl.ds(0, nr)],
                            acc_sh.at[pl.ds(r0, nr)])


def _write_acc(lo, s, acc_sh, out_hbm):
    pltpu.sync_copy(acc_sh.at[pl.ds(s * WBR, WBR)],
                    out_hbm.at[pl.ds(lo + s * WBR, WBR)])

    @pl.when(s == NS - 1)
    def _():
        pltpu.sync_copy(acc_sh.at[pl.ds(REM0, REM)],
                        out_hbm.at[pl.ds(lo + REM0, REM)])


def _remap(didx, didx2, lo):
    def body(g, _):
        v = didx[pl.ds(g * 16, 16)] - lo
        ok = (v >= 0) & (v < HALF)
        didx2[pl.ds(g * 16, 16)] = jnp.where(ok, v, HALF + (v & 63))
        return 0

    lax.fori_loop(0, NG, body, 0)


@functools.partial(
    pl.kernel,
    out_type=jax.ShapeDtypeStruct((N_NODES, F), jnp.float32),
    mesh=_MESH,
    scratch_types=(
        [pltpu.VMEM((CHUNK,), jnp.int32)] * 6 +
        [pltpu.VMEM((CHUNK, F), jnp.float32)] * 2 +
        [pltpu.VMEM((ZR, F), jnp.float32),
         pltpu.VMEM_SHARED((ACC_ROWS, F), jnp.float32)] +
        [pltpu.SemaphoreType.DMA] * 6
    ),
)
def _sc_agg(h_hbm, src_hbm, dst_hbm, out_hbm,
            sidx0, sidx1, didx0, didx1, dd0, dd1, rows0, rows1,
            zbuf, acc_sh, gsem0, gsem1, ssem0, ssem1, dsem0, dsem1):
    c = lax.axis_index("c")
    s = lax.axis_index("s")
    lo = c * HALF
    e0 = s * EPT

    sidx = (sidx0, sidx1)
    didx = (didx0, didx1)
    dd = (dd0, dd1)
    rows = (rows0, rows1)
    gsem = (gsem0, gsem1)
    ssem = (ssem0, ssem1)
    dsem = (dsem0, dsem1)

    _zero_acc(s, zbuf, acc_sh)
    plsc.subcore_barrier()

    pltpu.sync_copy(src_hbm.at[pl.ds(e0, CHUNK)], sidx0)
    pltpu.sync_copy(dst_hbm.at[pl.ds(e0, CHUNK)], didx0)
    pltpu.make_async_copy(h_hbm.at[sidx0], rows0, gsem0).start()
    pltpu.make_async_copy(src_hbm.at[pl.ds(e0 + CHUNK, CHUNK)],
                          sidx1, ssem1).start()
    pltpu.make_async_copy(dst_hbm.at[pl.ds(e0 + CHUNK, CHUNK)],
                          didx1, dsem1).start()

    def pair_body(p, _):
        for b in range(2):
            i = 2 * p + b
            nb = 1 - b
            ip1 = jnp.minimum(i + 1, NCHUNK - 1)
            ip2 = jnp.minimum(i + 2, NCHUNK - 1)
            pltpu.make_async_copy(src_hbm.at[pl.ds(e0 + ip1 * CHUNK, CHUNK)],
                                  sidx[nb], ssem[nb]).wait()
            pltpu.make_async_copy(dst_hbm.at[pl.ds(e0 + ip1 * CHUNK, CHUNK)],
                                  didx[nb], dsem[nb]).wait()
            pltpu.make_async_copy(h_hbm.at[sidx[nb]], rows[nb],
                                  gsem[nb]).start()
            pltpu.make_async_copy(h_hbm.at[sidx[b]], rows[b], gsem[b]).wait()
            _remap(didx[b], dd[b], lo)
            pltpu.make_async_copy(src_hbm.at[pl.ds(e0 + ip2 * CHUNK, CHUNK)],
                                  sidx[b], ssem[b]).start()
            pltpu.make_async_copy(dst_hbm.at[pl.ds(e0 + ip2 * CHUNK, CHUNK)],
                                  didx[b], dsem[b]).start()
            pltpu.sync_copy(rows[b], acc_sh.at[dd[b]], add=True)
        return 0

    lax.fori_loop(0, NCHUNK // 2, pair_body, 0)

    pltpu.make_async_copy(src_hbm.at[pl.ds(e0, CHUNK)], sidx1, ssem1).wait()
    pltpu.make_async_copy(dst_hbm.at[pl.ds(e0, CHUNK)], didx1, dsem1).wait()
    pltpu.make_async_copy(h_hbm.at[sidx0], rows0, gsem0).wait()

    plsc.subcore_barrier()
    _write_acc(lo, s, acc_sh, out_hbm)


@functools.partial(
    pl.kernel,
    out_type=jax.ShapeDtypeStruct((N_NODES, F), jnp.float32),
    mesh=_MESH,
    scratch_types=[
        pltpu.VMEM((CHUNK,), jnp.int32),
        pltpu.VMEM((CHUNK,), jnp.int32),
        pltpu.VMEM((CHUNK,), jnp.int32),
        pltpu.VMEM((CHUNK,), jnp.int32),
        pltpu.VMEM((CHUNK, F), jnp.float32),
        pltpu.VMEM((ZR, F), jnp.float32),
        pltpu.VMEM_SHARED((ACC_ROWS, F), jnp.float32),
        pltpu.SemaphoreType.DMA,
        pltpu.SemaphoreType.DMA,
    ],
)
def _sc_deg(dst_hbm, out_hbm, didx0, didx1, dd0, dd1, ones_rows, zbuf,
            acc_sh, dsem0, dsem1):
    c = lax.axis_index("c")
    s = lax.axis_index("s")
    lo = c * HALF
    e0 = s * EPT

    _zero_acc(s, zbuf, acc_sh)
    _fill_rows(ones_rows, CHUNK, 1.0)
    plsc.subcore_barrier()

    didx = (didx0, didx1)
    dd = (dd0, dd1)
    dsem = (dsem0, dsem1)

    pltpu.make_async_copy(dst_hbm.at[pl.ds(e0, CHUNK)],
                          didx0, dsem0).start()
    pltpu.make_async_copy(dst_hbm.at[pl.ds(e0 + CHUNK, CHUNK)],
                          didx1, dsem1).start()

    def pair_body(p, _):
        for b in range(2):
            i = 2 * p + b
            ip2 = jnp.minimum(i + 2, NCHUNK - 1)
            pltpu.make_async_copy(dst_hbm.at[pl.ds(e0 + i * CHUNK, CHUNK)],
                                  didx[b], dsem[b]).wait()
            _remap(didx[b], dd[b], lo)
            pltpu.make_async_copy(dst_hbm.at[pl.ds(e0 + ip2 * CHUNK, CHUNK)],
                                  didx[b], dsem[b]).start()
            pltpu.sync_copy(ones_rows, acc_sh.at[dd[b]], add=True)
        return 0

    lax.fori_loop(0, NCHUNK // 2, pair_body, 0)
    pltpu.make_async_copy(dst_hbm.at[pl.ds(e0, CHUNK)], didx0, dsem0).wait()
    pltpu.make_async_copy(dst_hbm.at[pl.ds(e0, CHUNK)], didx1, dsem1).wait()
    plsc.subcore_barrier()
    _write_acc(lo, s, acc_sh, out_hbm)


BLK = 1000


def _tc_layer_body(h_ref, acc_ref, deg_ref, ws_ref, wn_ref, b_ref,
                   g_ref, be_ref, m_ref, v_ref, o_ref, *, activate):
    deg = deg_ref[...][:, 0]
    inv = 1.0 / jnp.maximum(deg, 1.0)
    hn = acc_ref[...] * inv[:, None]
    out = lax.dot_general(h_ref[...], ws_ref[...], (((1,), (1,)), ((), ())),
                          preferred_element_type=jnp.float32)
    out = out + lax.dot_general(hn, wn_ref[...], (((1,), (1,)), ((), ())),
                                preferred_element_type=jnp.float32)
    out = out + b_ref[...]
    if activate:
        out = (out - m_ref[...]) * lax.rsqrt(v_ref[...] + 1e-5)
        out = out * g_ref[...] + be_ref[...]
        out = jnp.where(out > 0, out, 0.01 * out)
    o_ref[...] = out


def _tc_layer(h, acc, deg, Wself, Wneigh, b, gamma, beta, mean, var,
              activate, out_dim):
    nb = N_NODES // BLK
    grid = (nb,)
    row_spec = pl.BlockSpec((BLK, F), lambda i: (i, 0))
    w_spec = pl.BlockSpec((out_dim, F), lambda i: (0, 0))
    vec_spec = pl.BlockSpec((1, out_dim), lambda i: (0, 0))
    vecf_spec = pl.BlockSpec((1, F), lambda i: (0, 0))
    out_spec = pl.BlockSpec((BLK, out_dim), lambda i: (i, 0))

    body = functools.partial(_tc_layer_body, activate=activate)
    return pl.pallas_call(
        body,
        grid=grid,
        in_specs=[row_spec, row_spec, row_spec, w_spec, w_spec, vec_spec,
                  vecf_spec, vecf_spec, vecf_spec, vecf_spec],
        out_specs=out_spec,
        out_shape=jax.ShapeDtypeStruct((N_NODES, out_dim), jnp.float32),
    )(h, acc, deg, Wself, Wneigh, b.reshape(1, -1), gamma.reshape(1, -1),
      beta.reshape(1, -1), mean.reshape(1, -1), var.reshape(1, -1))


def kernel(x, edge_index, W_self1, W_neigh1, b1, W_self2, W_neigh2, b2,
           W_self3, W_neigh3, b3, bn_gamma, bn_beta, bn_mean, bn_var):
    src = edge_index[0]
    dst = edge_index[1]

    deg = _sc_deg(dst)
    acc1 = _sc_agg(x, src, dst)

    h1 = _tc_layer(x, acc1, deg, W_self1, W_neigh1, b1,
                   bn_gamma, bn_beta, bn_mean, bn_var, True, F)

    acc2 = _sc_agg(h1, src, dst)
    h2 = _tc_layer(h1, acc2, deg, W_self2, W_neigh2, b2,
                   bn_gamma, bn_beta, bn_mean, bn_var, True, F)

    acc3 = _sc_agg(h2, src, dst)
    out = _tc_layer(h2, acc3, deg, W_self3, W_neigh3, b3,
                    bn_gamma, bn_beta, bn_mean, bn_var, False, 40)
    return out

# --- scband reference (transcript-rebuilt; emitter-appended) ---
"""Pipeline reference for scband-model-1846835938003 (READ-ONLY COPY).

The authoritative reference and input builder live on the scoring server;
editing this copy changes nothing except your own understanding.
"""

import jax, jax.numpy as jnp
import numpy as np

N_NODES = 10000
N_EDGES = 320000
IN_FEATS = 128
H_FEATS = 128
NUM_CLASSES = 40


def setup_inputs(seed: int = 0):
    key = jax.random.key(seed)
    ks = jax.random.split(key, 12)
    x = jax.random.normal(ks[0], (N_NODES, IN_FEATS), dtype=jnp.float32)
    edge_index = jax.random.randint(ks[1], (2, N_EDGES), 0, N_NODES, dtype=jnp.int32)

    def lin(k, out_d, in_d):
        return jax.random.normal(k, (out_d, in_d), dtype=jnp.float32) * (1.0 / np.sqrt(in_d))

    return {
        "x": x,
        "edge_index": edge_index,
        "W_self1": lin(ks[2], H_FEATS, IN_FEATS),
        "W_neigh1": lin(ks[3], H_FEATS, IN_FEATS),
        "b1": jnp.zeros((H_FEATS,), jnp.float32),
        "W_self2": lin(ks[4], H_FEATS, H_FEATS),
        "W_neigh2": lin(ks[5], H_FEATS, H_FEATS),
        "b2": jnp.zeros((H_FEATS,), jnp.float32),
        "W_self3": lin(ks[6], NUM_CLASSES, H_FEATS),
        "W_neigh3": lin(ks[7], NUM_CLASSES, H_FEATS),
        "b3": jnp.zeros((NUM_CLASSES,), jnp.float32),
        "bn_gamma": jnp.ones((H_FEATS,), jnp.float32),
        "bn_beta": jnp.zeros((H_FEATS,), jnp.float32),
        "bn_mean": jnp.zeros((H_FEATS,), jnp.float32),
        "bn_var": jnp.ones((H_FEATS,), jnp.float32),
    }


def _sage(h, src, dst, Wself, Wneigh, b):
    # DGL SAGEConv with aggregator_type='mean':
    # h_neigh = mean over in-neighbors (src -> dst); zero-degree nodes get 0.
    msg = jnp.take(h, src, axis=0)
    sums = jax.ops.segment_sum(msg, dst, num_segments=N_NODES)
    deg = jax.ops.segment_sum(jnp.ones((src.shape[0],), jnp.float32), dst, num_segments=N_NODES)
    h_neigh = sums / jnp.clip(deg, 1.0, None)[:, None]
    return h @ Wself.T + h_neigh @ Wneigh.T + b


def _bn(h, gamma, beta, mean, var):
    # BatchNorm1d in eval mode with default running stats (mean=0, var=1)
    return (h - mean) / jnp.sqrt(var + 1e-5) * gamma + beta


def reference(x, edge_index, W_self1, W_neigh1, b1, W_self2, W_neigh2, b2,
              W_self3, W_neigh3, b3, bn_gamma, bn_beta, bn_mean, bn_var):
    src = edge_index[0]
    dst = edge_index[1]
    h = _sage(x, src, dst, W_self1, W_neigh1, b1)
    h = jax.nn.leaky_relu(_bn(h, bn_gamma, bn_beta, bn_mean, bn_var), negative_slope=0.01)
    # dropout: identity in eval mode
    h = _sage(h, src, dst, W_self2, W_neigh2, b2)
    h = jax.nn.leaky_relu(_bn(h, bn_gamma, bn_beta, bn_mean, bn_var), negative_slope=0.01)
    h = _sage(h, src, dst, W_self3, W_neigh3, b3)
    return h

if __name__ == "__main__":
    import jax
    _d = setup_inputs()
    print(jax.jit(kernel)(*tuple(_d.values())))

</pallas_src>

<mosaic_0001>
#map = affine_map<(d0, d1) -> (0)>
#map1 = affine_map<(d0, d1) -> (0, 0)>
module attributes {stable_mosaic.version = 14 : i64} {
  func.func @_sc_deg(%arg0: i32, %arg1: i32, %arg2: memref<320000xi32, #tpu.memory_space<hbm>>, %arg3: memref<10000x128xf32, #tpu.memory_space<hbm>>, %arg4: memref<80xi32, #tpu.memory_space<vmem>>, %arg5: memref<80xi32, #tpu.memory_space<vmem>>, %arg6: memref<80xi32, #tpu.memory_space<vmem>>, %arg7: memref<80xi32, #tpu.memory_space<vmem>>, %arg8: memref<80x128xf32, #tpu.memory_space<vmem>>, %arg9: memref<24x128xf32, #tpu.memory_space<vmem>>, %arg10: memref<5064x128xf32, #tpu.memory_space<vmem_shared>>, %arg11: memref<!tpu.dma_semaphore, #tpu.memory_space<semaphore_mem>>, %arg12: memref<!tpu.dma_semaphore, #tpu.memory_space<semaphore_mem>>) attributes {dimension_semantics = [#tpu.dimension_semantics<core_parallel>, #tpu.dimension_semantics<subcore_parallel>], iteration_bounds = array<i64: 2, 16>, scalar_prefetch = 0 : i64, scratch_operands = 9 : i64, tpu.core_type = #tpu.core_type<sc_vector_subcore>, window_params = [{transform_indices = #map}, {transform_indices = #map1}]} {
    %mul3A = arith.constant 5000 : i32
    %mul3A_0 = arith.muli %arg0, %mul3A : i32
    %mul3A_1 = arith.constant 20000 : i32
    %mul3A_2 = arith.muli %arg1, %mul3A_1 : i32
    %broadcast_in_dim3A = arith.constant 0.000000e+00 : f32
    %broadcast_in_dim3A_3 = vector.broadcast %broadcast_in_dim3A : f32 to vector<16xf32>
    %scan3A = arith.constant 0 : i32
    %scan3A_4 = arith.constant 0 : i32
    %scan3A_5 = arith.constant 192 : i32
    %scan3A_6 = arith.addi %scan3A_4, %scan3A_5 : i32
    %scan3A_7 = arith.constant 1 : i32
    %scan3A_8 = scf.for %scan3A_98 = %scan3A_4 to %scan3A_6 step %scan3A_7 iter_args(%scan3A_99 = %scan3A) -> (i32)  : i32 {
      %jit3A = arith.constant 8 : i32
      %div3A = arith.divsi %scan3A_98, %jit3A : i32
      %sign3A = arith.constant 0 : i32
      %sign3A_100 = arith.cmpi sgt, %scan3A_98, %sign3A : i32
      %sign3A_101 = arith.extui %sign3A_100 : i1 to i32
      %sign3A_102 = arith.constant 0 : i32
      %sign3A_103 = arith.cmpi slt, %scan3A_98, %sign3A_102 : i32
      %sign3A_104 = arith.extui %sign3A_103 : i1 to i32
      %sign3A_105 = arith.subi %sign3A_101, %sign3A_104 : i32
      %sign3A_106 = arith.constant 0 : i32
      %sign3A_107 = arith.cmpi sgt, %jit3A, %sign3A_106 : i32
      %sign3A_108 = arith.extui %sign3A_107 : i1 to i32
      %sign3A_109 = arith.constant 0 : i32
      %sign3A_110 = arith.cmpi slt, %jit3A, %sign3A_109 : i32
      %sign3A_111 = arith.extui %sign3A_110 : i1 to i32
      %sign3A_112 = arith.subi %sign3A_108, %sign3A_111 : i32
      %ne3A = arith.cmpi ne, %sign3A_105, %sign3A_112 : i32
      %rem3A = arith.remsi %scan3A_98, %jit3A : i32
      %ne3A_113 = arith.constant 0 : i32
      %ne3A_114 = arith.cmpi ne, %rem3A, %ne3A_113 : i32
      %and3A = arith.andi %ne3A, %ne3A_114 : i1
      %sub3A = arith.constant 1 : i32
      %sub3A_115 = arith.subi %div3A, %sub3A : i32
      %select_n3A = arith.select %and3A, %sub3A_115, %div3A : i32
      %jit3A_116 = arith.constant 8 : i32
      %eq3A_117 = arith.constant 0 : i32
      %eq3A_118 = arith.cmpi eq, %jit3A_116, %eq3A_117 : i32
      %jit3A_119 = arith.constant 1 : i32
      %select_n3A_120 = arith.select %eq3A_118, %jit3A_119, %jit3A_116 : i32
      %rem3A_121 = arith.remsi %scan3A_98, %select_n3A_120 : i32
      %ne3A_122 = arith.constant 0 : i32
      %ne3A_123 = arith.cmpi ne, %rem3A_121, %ne3A_122 : i32
      %lt3A = arith.constant 0 : i32
      %lt3A_124 = arith.cmpi slt, %rem3A_121, %lt3A : i32
      %lt3A_125 = arith.constant 0 : i32
      %lt3A_126 = arith.cmpi slt, %select_n3A_120, %lt3A_125 : i32
      %ne3A_127 = arith.xori %lt3A_124, %lt3A_126 : i1
      %and3A_128 = arith.andi %ne3A_127, %ne3A_123 : i1
      %add3A_129 = arith.addi %rem3A_121, %select_n3A_120 : i32
      %select_n3A_130 = arith.select %and3A_128, %add3A_129, %rem3A_121 : i32
      %mul3A_131 = arith.constant 16 : i32
      %mul3A_132 = arith.muli %select_n3A_130, %mul3A_131 : i32
      %swap3A = arith.index_cast %select_n3A : i32 to index
      %swap3A_133 = arith.index_cast %mul3A_132 : i32 to index
      %swap3A_134 = tpu.vector_load %arg9[%swap3A, %swap3A_133] {strides = array<i32>} : memref<24x128xf32, #tpu.memory_space<vmem>>, vector<1x16xf32>,
      %swap3A_135 = vector.shape_cast %swap3A_134 : vector<1x16xf32> to vector<16xf32>
      %swap3A_136 = vector.shape_cast %broadcast_in_dim3A_3 : vector<16xf32> to vector<1x16xf32>
      tpu.vector_store %arg9[%swap3A, %swap3A_133], %swap3A_136 {strides = array<i32>} : memref<24x128xf32, #tpu.memory_space<vmem>>, vector<1x16xf32>,
      %scan3A_137 = arith.constant 0 : i32
      scf.yield %scan3A_137 : i32
    }
    %scan3A_9 = arith.constant 192 : i32
    %mul3A_10 = arith.constant 312 : i32
    %mul3A_11 = arith.muli %arg1, %mul3A_10 : i32
    %add3A = arith.constant 0 : i32
    %add3A_12 = arith.addi %mul3A_11, %add3A : i32
    "tpu.region"() ({
      %run_scoped3A = tpu.sem_alloc : memref<!tpu.dma_semaphore, #tpu.memory_space<semaphore_mem>>
      %dma_start3A_98 = arith.constant 0 : i32
      %dma_start3A_99 = tpu.memref_slice %arg10[%add3A_12, %dma_start3A_98] : memref<5064x128xf32, #tpu.memory_space<vmem_shared>> -> memref<24x128xf32, #tpu.memory_space<vmem_shared>>
      %dma_start3A_100 = arith.constant 0 : i32
      %dma_start3A_101 = tpu.memref_slice %arg10[%add3A_12, %dma_start3A_100] : memref<5064x128xf32, #tpu.memory_space<vmem_shared>> -> memref<24x128xf32, #tpu.memory_space<vmem_shared>>
      tpu.enqueue_dma source(%arg9 : memref<24x128xf32, #tpu.memory_space<vmem>>) target(%dma_start3A_101 : memref<24x128xf32, #tpu.memory_space<vmem_shared>>) target_semaphore(%run_scoped3A : memref<!tpu.dma_semaphore, #tpu.memory_space<semaphore_mem>>)
      %dma_wait3A_102 = arith.constant 0 : i32
      %dma_wait3A_103 = tpu.memref_slice %arg10[%add3A_12, %dma_wait3A_102] : memref<5064x128xf32, #tpu.memory_space<vmem_shared>> -> memref<24x128xf32, #tpu.memory_space<vmem_shared>>
      %dma_wait3A_104 = arith.constant 0 : i32
      %dma_wait3A_105 = tpu.memref_slice %arg10[%add3A_12, %dma_wait3A_104] : memref<5064x128xf32, #tpu.memory_space<vmem_shared>> -> memref<24x128xf32, #tpu.memory_space<vmem_shared>>
      tpu.wait_dma2 semaphore(%run_scoped3A : memref<!tpu.dma_semaphore, #tpu.memory_space<semaphore_mem>>) src(%arg9 : memref<24x128xf32, #tpu.memory_space<vmem>>) dst(%dma_wait3A_105 : memref<24x128xf32, #tpu.memory_space<vmem_shared>>)
      tpu.yield
    }) : () -> ()
    %mul3A_13 = arith.constant 312 : i32
    %mul3A_14 = arith.muli %arg1, %mul3A_13 : i32
    %add3A_15 = arith.constant 24 : i32
    %add3A_16 = arith.addi %mul3A_14, %add3A_15 : i32
    "tpu.region"() ({
      %run_scoped3A = tpu.sem_alloc : memref<!tpu.dma_semaphore, #tpu.memory_space<semaphore_mem>>
      %dma_start3A_98 = arith.constant 0 : i32
      %dma_start3A_99 = tpu.memref_slice %arg10[%add3A_16, %dma_start3A_98] : memref<5064x128xf32, #tpu.memory_space<vmem_shared>> -> memref<24x128xf32, #tpu.memory_space<vmem_shared>>
      %dma_start3A_100 = arith.constant 0 : i32
      %dma_start3A_101 = tpu.memref_slice %arg10[%add3A_16, %dma_start3A_100] : memref<5064x128xf32, #tpu.memory_space<vmem_shared>> -> memref<24x128xf32, #tpu.memory_space<vmem_shared>>
      tpu.enqueue_dma source(%arg9 : memref<24x128xf32, #tpu.memory_space<vmem>>) target(%dma_start3A_101 : memref<24x128xf32, #tpu.memory_space<vmem_shared>>) target_semaphore(%run_scoped3A : memref<!tpu.dma_semaphore, #tpu.memory_space<semaphore_mem>>)
      %dma_wait3A_102 = arith.constant 0 : i32
      %dma_wait3A_103 = tpu.memref_slice %arg10[%add3A_16, %dma_wait3A_102] : memref<5064x128xf32, #tpu.memory_space<vmem_shared>> -> memref<24x128xf32, #tpu.memory_space<vmem_shared>>
      %dma_wait3A_104 = arith.constant 0 : i32
      %dma_wait3A_105 = tpu.memref_slice %arg10[%add3A_16, %dma_wait3A_104] : memref<5064x128xf32, #tpu.memory_space<vmem_shared>> -> memref<24x128xf32, #tpu.memory_space<vmem_shared>>
      tpu.wait_dma2 semaphore(%run_scoped3A : memref<!tpu.dma_semaphore, #tpu.memory_space<semaphore_mem>>) src(%arg9 : memref<24x128xf32, #tpu.memory_space<vmem>>) dst(%dma_wait3A_105 : memref<24x128xf32, #tpu.memory_space<vmem_shared>>)
      tpu.yield
    }) : () -> ()
    %mul3A_17 = arith.constant 312 : i32
    %mul3A_18 = arith.muli %arg1, %mul3A_17 : i32
    %add3A_19 = arith.constant 48 : i32
    %add3A_20 = arith.addi %mul3A_18, %add3A_19 : i32
    "tpu.region"() ({
      %run_scoped3A = tpu.sem_alloc : memref<!tpu.dma_semaphore, #tpu.memory_space<semaphore_mem>>
      %dma_start3A_98 = arith.constant 0 : i32
      %dma_start3A_99 = tpu.memref_slice %arg10[%add3A_20, %dma_start3A_98] : memref<5064x128xf32, #tpu.memory_space<vmem_shared>> -> memref<24x128xf32, #tpu.memory_space<vmem_shared>>
      %dma_start3A_100 = arith.constant 0 : i32
      %dma_start3A_101 = tpu.memref_slice %arg10[%add3A_20, %dma_start3A_100] : memref<5064x128xf32, #tpu.memory_space<vmem_shared>> -> memref<24x128xf32, #tpu.memory_space<vmem_shared>>
      tpu.enqueue_dma source(%arg9 : memref<24x128xf32, #tpu.memory_space<vmem>>) target(%dma_start3A_101 : memref<24x128xf32, #tpu.memory_space<vmem_shared>>) target_semaphore(%run_scoped3A : memref<!tpu.dma_semaphore, #tpu.memory_space<semaphore_mem>>)
      %dma_wait3A_102 = arith.constant 0 : i32
      %dma_wait3A_103 = tpu.memref_slice %arg10[%add3A_20, %dma_wait3A_102] : memref<5064x128xf32, #tpu.memory_space<vmem_shared>> -> memref<24x128xf32, #tpu.memory_space<vmem_shared>>
      %dma_wait3A_104 = arith.constant 0 : i32
      %dma_wait3A_105 = tpu.memref_slice %arg10[%add3A_20, %dma_wait3A_104] : memref<5064x128xf32, #tpu.memory_space<vmem_shared>> -> memref<24x128xf32, #tpu.memory_space<vmem_shared>>
      tpu.wait_dma2 semaphore(%run_scoped3A : memref<!tpu.dma_semaphore, #tpu.memory_space<semaphore_mem>>) src(%arg9 : memref<24x128xf32, #tpu.memory_space<vmem>>) dst(%dma_wait3A_105 : memref<24x128xf32, #tpu.memory_space<vmem_shared>>)
      tpu.yield
    }) : () -> ()
    %mul3A_21 = arith.constant 312 : i32
    %mul3A_22 = arith.muli %arg1, %mul3A_21 : i32
    %add3A_23 = arith.constant 72 : i32
    %add3A_24 = arith.addi %mul3A_22, %add3A_23 : i32
    "tpu.region"() ({
      %run_scoped3A = tpu.sem_alloc : memref<!tpu.dma_semaphore, #tpu.memory_space<semaphore_mem>>
      %dma_start3A_98 = arith.constant 0 : i32
      %dma_start3A_99 = tpu.memref_slice %arg10[%add3A_24, %dma_start3A_98] : memref<5064x128xf32, #tpu.memory_space<vmem_shared>> -> memref<24x128xf32, #tpu.memory_space<vmem_shared>>
      %dma_start3A_100 = arith.constant 0 : i32
      %dma_start3A_101 = tpu.memref_slice %arg10[%add3A_24, %dma_start3A_100] : memref<5064x128xf32, #tpu.memory_space<vmem_shared>> -> memref<24x128xf32, #tpu.memory_space<vmem_shared>>
      tpu.enqueue_dma source(%arg9 : memref<24x128xf32, #tpu.memory_space<vmem>>) target(%dma_start3A_101 : memref<24x128xf32, #tpu.memory_space<vmem_shared>>) target_semaphore(%run_scoped3A : memref<!tpu.dma_semaphore, #tpu.memory_space<semaphore_mem>>)
      %dma_wait3A_102 = arith.constant 0 : i32
      %dma_wait3A_103 = tpu.memref_slice %arg10[%add3A_24, %dma_wait3A_102] : memref<5064x128xf32, #tpu.memory_space<vmem_shared>> -> memref<24x128xf32, #tpu.memory_space<vmem_shared>>
      %dma_wait3A_104 = arith.constant 0 : i32
      %dma_wait3A_105 = tpu.memref_slice %arg10[%add3A_24, %dma_wait3A_104] : memref<5064x128xf32, #tpu.memory_space<vmem_shared>> -> memref<24x128xf32, #tpu.memory_space<vmem_shared>>
      tpu.wait_dma2 semaphore(%run_scoped3A : memref<!tpu.dma_semaphore, #tpu.memory_space<semaphore_mem>>) src(%arg9 : memref<24x128xf32, #tpu.memory_space<vmem>>) dst(%dma_wait3A_105 : memref<24x128xf32, #tpu.memory_space<vmem_shared>>)
      tpu.yield
    }) : () -> ()
    %mul3A_25 = arith.constant 312 : i32
    %mul3A_26 = arith.muli %arg1, %mul3A_25 : i32
    %add3A_27 = arith.constant 96 : i32
    %add3A_28 = arith.addi %mul3A_26, %add3A_27 : i32
    "tpu.region"() ({
      %run_scoped3A = tpu.sem_alloc : memref<!tpu.dma_semaphore, #tpu.memory_space<semaphore_mem>>
      %dma_start3A_98 = arith.constant 0 : i32
      %dma_start3A_99 = tpu.memref_slice %arg10[%add3A_28, %dma_start3A_98] : memref<5064x128xf32, #tpu.memory_space<vmem_shared>> -> memref<24x128xf32, #tpu.memory_space<vmem_shared>>
      %dma_start3A_100 = arith.constant 0 : i32
      %dma_start3A_101 = tpu.memref_slice %arg10[%add3A_28, %dma_start3A_100] : memref<5064x128xf32, #tpu.memory_space<vmem_shared>> -> memref<24x128xf32, #tpu.memory_space<vmem_shared>>
      tpu.enqueue_dma source(%arg9 : memref<24x128xf32, #tpu.memory_space<vmem>>) target(%dma_start3A_101 : memref<24x128xf32, #tpu.memory_space<vmem_shared>>) target_semaphore(%run_scoped3A : memref<!tpu.dma_semaphore, #tpu.memory_space<semaphore_mem>>)
      %dma_wait3A_102 = arith.constant 0 : i32
      %dma_wait3A_103 = tpu.memref_slice %arg10[%add3A_28, %dma_wait3A_102] : memref<5064x128xf32, #tpu.memory_space<vmem_shared>> -> memref<24x128xf32, #tpu.memory_space<vmem_shared>>
      %dma_wait3A_104 = arith.constant 0 : i32
      %dma_wait3A_105 = tpu.memref_slice %arg10[%add3A_28, %dma_wait3A_104] : memref<5064x128xf32, #tpu.memory_space<vmem_shared>> -> memref<24x128xf32, #tpu.memory_space<vmem_shared>>
      tpu.wait_dma2 semaphore(%run_scoped3A : memref<!tpu.dma_semaphore, #tpu.memory_space<semaphore_mem>>) src(%arg9 : memref<24x128xf32, #tpu.memory_space<vmem>>) dst(%dma_wait3A_105 : memref<24x128xf32, #tpu.memory_space<vmem_shared>>)
      tpu.yield
    }) : () -> ()
    %mul3A_29 = arith.constant 312 : i32
    %mul3A_30 = arith.muli %arg1, %mul3A_29 : i32
    %add3A_31 = arith.constant 120 : i32
    %add3A_32 = arith.addi %mul3A_30, %add3A_31 : i32
    "tpu.region"() ({
      %run_scoped3A = tpu.sem_alloc : memref<!tpu.dma_semaphore, #tpu.memory_space<semaphore_mem>>
      %dma_start3A_98 = arith.constant 0 : i32
      %dma_start3A_99 = tpu.memref_slice %arg10[%add3A_32, %dma_start3A_98] : memref<5064x128xf32, #tpu.memory_space<vmem_shared>> -> memref<24x128xf32, #tpu.memory_space<vmem_shared>>
      %dma_start3A_100 = arith.constant 0 : i32
      %dma_start3A_101 = tpu.memref_slice %arg10[%add3A_32, %dma_start3A_100] : memref<5064x128xf32, #tpu.memory_space<vmem_shared>> -> memref<24x128xf32, #tpu.memory_space<vmem_shared>>
      tpu.enqueue_dma source(%arg9 : memref<24x128xf32, #tpu.memory_space<vmem>>) target(%dma_start3A_101 : memref<24x128xf32, #tpu.memory_space<vmem_shared>>) target_semaphore(%run_scoped3A : memref<!tpu.dma_semaphore, #tpu.memory_space<semaphore_mem>>)
      %dma_wait3A_102 = arith.constant 0 : i32
      %dma_wait3A_103 = tpu.memref_slice %arg10[%add3A_32, %dma_wait3A_102] : memref<5064x128xf32, #tpu.memory_space<vmem_shared>> -> memref<24x128xf32, #tpu.memory_space<vmem_shared>>
      %dma_wait3A_104 = arith.constant 0 : i32
      %dma_wait3A_105 = tpu.memref_slice %arg10[%add3A_32, %dma_wait3A_104] : memref<5064x128xf32, #tpu.memory_space<vmem_shared>> -> memref<24x128xf32, #tpu.memory_space<vmem_shared>>
      tpu.wait_dma2 semaphore(%run_scoped3A : memref<!tpu.dma_semaphore, #tpu.memory_space<semaphore_mem>>) src(%arg9 : memref<24x128xf32, #tpu.memory_space<vmem>>) dst(%dma_wait3A_105 : memref<24x128xf32, #tpu.memory_space<vmem_shared>>)
      tpu.yield
    }) : () -> ()
    %mul3A_33 = arith.constant 312 : i32
    %mul3A_34 = arith.muli %arg1, %mul3A_33 : i32
    %add3A_35 = arith.constant 144 : i32
    %add3A_36 = arith.addi %mul3A_34, %add3A_35 : i32
    "tpu.region"() ({
      %run_scoped3A = tpu.sem_alloc : memref<!tpu.dma_semaphore, #tpu.memory_space<semaphore_mem>>
      %dma_start3A_98 = arith.constant 0 : i32
      %dma_start3A_99 = tpu.memref_slice %arg10[%add3A_36, %dma_start3A_98] : memref<5064x128xf32, #tpu.memory_space<vmem_shared>> -> memref<24x128xf32, #tpu.memory_space<vmem_shared>>
      %dma_start3A_100 = arith.constant 0 : i32
      %dma_start3A_101 = tpu.memref_slice %arg10[%add3A_36, %dma_start3A_100] : memref<5064x128xf32, #tpu.memory_space<vmem_shared>> -> memref<24x128xf32, #tpu.memory_space<vmem_shared>>
      tpu.enqueue_dma source(%arg9 : memref<24x128xf32, #tpu.memory_space<vmem>>) target(%dma_start3A_101 : memref<24x128xf32, #tpu.memory_space<vmem_shared>>) target_semaphore(%run_scoped3A : memref<!tpu.dma_semaphore, #tpu.memory_space<semaphore_mem>>)
      %dma_wait3A_102 = arith.constant 0 : i32
      %dma_wait3A_103 = tpu.memref_slice %arg10[%add3A_36, %dma_wait3A_102] : memref<5064x128xf32, #tpu.memory_space<vmem_shared>> -> memref<24x128xf32, #tpu.memory_space<vmem_shared>>
      %dma_wait3A_104 = arith.constant 0 : i32
      %dma_wait3A_105 = tpu.memref_slice %arg10[%add3A_36, %dma_wait3A_104] : memref<5064x128xf32, #tpu.memory_space<vmem_shared>> -> memref<24x128xf32, #tpu.memory_space<vmem_shared>>
      tpu.wait_dma2 semaphore(%run_scoped3A : memref<!tpu.dma_semaphore, #tpu.memory_space<semaphore_mem>>) src(%arg9 : memref<24x128xf32, #tpu.memory_space<vmem>>) dst(%dma_wait3A_105 : memref<24x128xf32, #tpu.memory_space<vmem_shared>>)
      tpu.yield
    }) : () -> ()
    %mul3A_37 = arith.constant 312 : i32
    %mul3A_38 = arith.muli %arg1, %mul3A_37 : i32
    %add3A_39 = arith.constant 168 : i32
    %add3A_40 = arith.addi %mul3A_38, %add3A_39 : i32
    "tpu.region"() ({
      %run_scoped3A = tpu.sem_alloc : memref<!tpu.dma_semaphore, #tpu.memory_space<semaphore_mem>>
      %dma_start3A_98 = arith.constant 0 : i32
      %dma_start3A_99 = tpu.memref_slice %arg10[%add3A_40, %dma_start3A_98] : memref<5064x128xf32, #tpu.memory_space<vmem_shared>> -> memref<24x128xf32, #tpu.memory_space<vmem_shared>>
      %dma_start3A_100 = arith.constant 0 : i32
      %dma_start3A_101 = tpu.memref_slice %arg10[%add3A_40, %dma_start3A_100] : memref<5064x128xf32, #tpu.memory_space<vmem_shared>> -> memref<24x128xf32, #tpu.memory_space<vmem_shared>>
      tpu.enqueue_dma source(%arg9 : memref<24x128xf32, #tpu.memory_space<vmem>>) target(%dma_start3A_101 : memref<24x128xf32, #tpu.memory_space<vmem_shared>>) target_semaphore(%run_scoped3A : memref<!tpu.dma_semaphore, #tpu.memory_space<semaphore_mem>>)
      %dma_wait3A_102 = arith.constant 0 : i32
      %dma_wait3A_103 = tpu.memref_slice %arg10[%add3A_40, %dma_wait3A_102] : memref<5064x128xf32, #tpu.memory_space<vmem_shared>> -> memref<24x128xf32, #tpu.memory_space<vmem_shared>>
      %dma_wait3A_104 = arith.constant 0 : i32
      %dma_wait3A_105 = tpu.memref_slice %arg10[%add3A_40, %dma_wait3A_104] : memref<5064x128xf32, #tpu.memory_space<vmem_shared>> -> memref<24x128xf32, #tpu.memory_space<vmem_shared>>
      tpu.wait_dma2 semaphore(%run_scoped3A : memref<!tpu.dma_semaphore, #tpu.memory_space<semaphore_mem>>) src(%arg9 : memref<24x128xf32, #tpu.memory_space<vmem>>) dst(%dma_wait3A_105 : memref<24x128xf32, #tpu.memory_space<vmem_shared>>)
      tpu.yield
    }) : () -> ()
    %mul3A_41 = arith.constant 312 : i32
    %mul3A_42 = arith.muli %arg1, %mul3A_41 : i32
    %add3A_43 = arith.constant 192 : i32
    %add3A_44 = arith.addi %mul3A_42, %add3A_43 : i32
    "tpu.region"() ({
      %run_scoped3A = tpu.sem_alloc : memref<!tpu.dma_semaphore, #tpu.memory_space<semaphore_mem>>
      %dma_start3A_98 = arith.constant 0 : i32
      %dma_start3A_99 = tpu.memref_slice %arg10[%add3A_44, %dma_start3A_98] : memref<5064x128xf32, #tpu.memory_space<vmem_shared>> -> memref<24x128xf32, #tpu.memory_space<vmem_shared>>
      %dma_start3A_100 = arith.constant 0 : i32
      %dma_start3A_101 = tpu.memref_slice %arg10[%add3A_44, %dma_start3A_100] : memref<5064x128xf32, #tpu.memory_space<vmem_shared>> -> memref<24x128xf32, #tpu.memory_space<vmem_shared>>
      tpu.enqueue_dma source(%arg9 : memref<24x128xf32, #tpu.memory_space<vmem>>) target(%dma_start3A_101 : memref<24x128xf32, #tpu.memory_space<vmem_shared>>) target_semaphore(%run_scoped3A : memref<!tpu.dma_semaphore, #tpu.memory_space<semaphore_mem>>)
      %dma_wait3A_102 = arith.constant 0 : i32
      %dma_wait3A_103 = tpu.memref_slice %arg10[%add3A_44, %dma_wait3A_102] : memref<5064x128xf32, #tpu.memory_space<vmem_shared>> -> memref<24x128xf32, #tpu.memory_space<vmem_shared>>
      %dma_wait3A_104 = arith.constant 0 : i32
      %dma_wait3A_105 = tpu.memref_slice %arg10[%add3A_44, %dma_wait3A_104] : memref<5064x128xf32, #tpu.memory_space<vmem_shared>> -> memref<24x128xf32, #tpu.memory_space<vmem_shared>>
      tpu.wait_dma2 semaphore(%run_scoped3A : memref<!tpu.dma_semaphore, #tpu.memory_space<semaphore_mem>>) src(%arg9 : memref<24x128xf32, #tpu.memory_space<vmem>>) dst(%dma_wait3A_105 : memref<24x128xf32, #tpu.memory_space<vmem_shared>>)
      tpu.yield
    }) : () -> ()
    %mul3A_45 = arith.constant 312 : i32
    %mul3A_46 = arith.muli %arg1, %mul3A_45 : i32
    %add3A_47 = arith.constant 216 : i32
    %add3A_48 = arith.addi %mul3A_46, %add3A_47 : i32
    "tpu.region"() ({
      %run_scoped3A = tpu.sem_alloc : memref<!tpu.dma_semaphore, #tpu.memory_space<semaphore_mem>>
      %dma_start3A_98 = arith.constant 0 : i32
      %dma_start3A_99 = tpu.memref_slice %arg10[%add3A_48, %dma_start3A_98] : memref<5064x128xf32, #tpu.memory_space<vmem_shared>> -> memref<24x128xf32, #tpu.memory_space<vmem_shared>>
      %dma_start3A_100 = arith.constant 0 : i32
      %dma_start3A_101 = tpu.memref_slice %arg10[%add3A_48, %dma_start3A_100] : memref<5064x128xf32, #tpu.memory_space<vmem_shared>> -> memref<24x128xf32, #tpu.memory_space<vmem_shared>>
      tpu.enqueue_dma source(%arg9 : memref<24x128xf32, #tpu.memory_space<vmem>>) target(%dma_start3A_101 : memref<24x128xf32, #tpu.memory_space<vmem_shared>>) target_semaphore(%run_scoped3A : memref<!tpu.dma_semaphore, #tpu.memory_space<semaphore_mem>>)
      %dma_wait3A_102 = arith.constant 0 : i32
      %dma_wait3A_103 = tpu.memref_slice %arg10[%add3A_48, %dma_wait3A_102] : memref<5064x128xf32, #tpu.memory_space<vmem_shared>> -> memref<24x128xf32, #tpu.memory_space<vmem_shared>>
      %dma_wait3A_104 = arith.constant 0 : i32
      %dma_wait3A_105 = tpu.memref_slice %arg10[%add3A_48, %dma_wait3A_104] : memref<5064x128xf32, #tpu.memory_space<vmem_shared>> -> memref<24x128xf32, #tpu.memory_space<vmem_shared>>
      tpu.wait_dma2 semaphore(%run_scoped3A : memref<!tpu.dma_semaphore, #tpu.memory_space<semaphore_mem>>) src(%arg9 : memref<24x128xf32, #tpu.memory_space<vmem>>) dst(%dma_wait3A_105 : memref<24x128xf32, #tpu.memory_space<vmem_shared>>)
      tpu.yield
    }) : () -> ()
    %mul3A_49 = arith.constant 312 : i32
    %mul3A_50 = arith.muli %arg1, %mul3A_49 : i32
    %add3A_51 = arith.constant 240 : i32
    %add3A_52 = arith.addi %mul3A_50, %add3A_51 : i32
    "tpu.region"() ({
      %run_scoped3A = tpu.sem_alloc : memref<!tpu.dma_semaphore, #tpu.memory_space<semaphore_mem>>
      %dma_start3A_98 = arith.constant 0 : i32
      %dma_start3A_99 = tpu.memref_slice %arg10[%add3A_52, %dma_start3A_98] : memref<5064x128xf32, #tpu.memory_space<vmem_shared>> -> memref<24x128xf32, #tpu.memory_space<vmem_shared>>
      %dma_start3A_100 = arith.constant 0 : i32
      %dma_start3A_101 = tpu.memref_slice %arg10[%add3A_52, %dma_start3A_100] : memref<5064x128xf32, #tpu.memory_space<vmem_shared>> -> memref<24x128xf32, #tpu.memory_space<vmem_shared>>
      tpu.enqueue_dma source(%arg9 : memref<24x128xf32, #tpu.memory_space<vmem>>) target(%dma_start3A_101 : memref<24x128xf32, #tpu.memory_space<vmem_shared>>) target_semaphore(%run_scoped3A : memref<!tpu.dma_semaphore, #tpu.memory_space<semaphore_mem>>)
      %dma_wait3A_102 = arith.constant 0 : i32
      %dma_wait3A_103 = tpu.memref_slice %arg10[%add3A_52, %dma_wait3A_102] : memref<5064x128xf32, #tpu.memory_space<vmem_shared>> -> memref<24x128xf32, #tpu.memory_space<vmem_shared>>
      %dma_wait3A_104 = arith.constant 0 : i32
      %dma_wait3A_105 = tpu.memref_slice %arg10[%add3A_52, %dma_wait3A_104] : memref<5064x128xf32, #tpu.memory_space<vmem_shared>> -> memref<24x128xf32, #tpu.memory_space<vmem_shared>>
      tpu.wait_dma2 semaphore(%run_scoped3A : memref<!tpu.dma_semaphore, #tpu.memory_space<semaphore_mem>>) src(%arg9 : memref<24x128xf32, #tpu.memory_space<vmem>>) dst(%dma_wait3A_105 : memref<24x128xf32, #tpu.memory_space<vmem_shared>>)
      tpu.yield
    }) : () -> ()
    %mul3A_53 = arith.constant 312 : i32
    %mul3A_54 = arith.muli %arg1, %mul3A_53 : i32
    %add3A_55 = arith.constant 264 : i32
    %add3A_56 = arith.addi %mul3A_54, %add3A_55 : i32
    "tpu.region"() ({
      %run_scoped3A = tpu.sem_alloc : memref<!tpu.dma_semaphore, #tpu.memory_space<semaphore_mem>>
      %dma_start3A_98 = arith.constant 0 : i32
      %dma_start3A_99 = tpu.memref_slice %arg10[%add3A_56, %dma_start3A_98] : memref<5064x128xf32, #tpu.memory_space<vmem_shared>> -> memref<24x128xf32, #tpu.memory_space<vmem_shared>>
      %dma_start3A_100 = arith.constant 0 : i32
      %dma_start3A_101 = tpu.memref_slice %arg10[%add3A_56, %dma_start3A_100] : memref<5064x128xf32, #tpu.memory_space<vmem_shared>> -> memref<24x128xf32, #tpu.memory_space<vmem_shared>>
      tpu.enqueue_dma source(%arg9 : memref<24x128xf32, #tpu.memory_space<vmem>>) target(%dma_start3A_101 : memref<24x128xf32, #tpu.memory_space<vmem_shared>>) target_semaphore(%run_scoped3A : memref<!tpu.dma_semaphore, #tpu.memory_space<semaphore_mem>>)
      %dma_wait3A_102 = arith.constant 0 : i32
      %dma_wait3A_103 = tpu.memref_slice %arg10[%add3A_56, %dma_wait3A_102] : memref<5064x128xf32, #tpu.memory_space<vmem_shared>> -> memref<24x128xf32, #tpu.memory_space<vmem_shared>>
      %dma_wait3A_104 = arith.constant 0 : i32
      %dma_wait3A_105 = tpu.memref_slice %arg10[%add3A_56, %dma_wait3A_104] : memref<5064x128xf32, #tpu.memory_space<vmem_shared>> -> memref<24x128xf32, #tpu.memory_space<vmem_shared>>
      tpu.wait_dma2 semaphore(%run_scoped3A : memref<!tpu.dma_semaphore, #tpu.memory_space<semaphore_mem>>) src(%arg9 : memref<24x128xf32, #tpu.memory_space<vmem>>) dst(%dma_wait3A_105 : memref<24x128xf32, #tpu.memory_space<vmem_shared>>)
      tpu.yield
    }) : () -> ()
    %mul3A_57 = arith.constant 312 : i32
    %mul3A_58 = arith.muli %arg1, %mul3A_57 : i32
    %add3A_59 = arith.constant 288 : i32
    %add3A_60 = arith.addi %mul3A_58, %add3A_59 : i32
    "tpu.region"() ({
      %run_scoped3A = tpu.sem_alloc : memref<!tpu.dma_semaphore, #tpu.memory_space<semaphore_mem>>
      %dma_start3A_98 = arith.constant 0 : i32
      %dma_start3A_99 = tpu.memref_slice %arg10[%add3A_60, %dma_start3A_98] : memref<5064x128xf32, #tpu.memory_space<vmem_shared>> -> memref<24x128xf32, #tpu.memory_space<vmem_shared>>
      %dma_start3A_100 = arith.constant 0 : i32
      %dma_start3A_101 = tpu.memref_slice %arg10[%add3A_60, %dma_start3A_100] : memref<5064x128xf32, #tpu.memory_space<vmem_shared>> -> memref<24x128xf32, #tpu.memory_space<vmem_shared>>
      tpu.enqueue_dma source(%arg9 : memref<24x128xf32, #tpu.memory_space<vmem>>) target(%dma_start3A_101 : memref<24x128xf32, #tpu.memory_space<vmem_shared>>) target_semaphore(%run_scoped3A : memref<!tpu.dma_semaphore, #tpu.memory_space<semaphore_mem>>)
      %dma_wait3A_102 = arith.constant 0 : i32
      %dma_wait3A_103 = tpu.memref_slice %arg10[%add3A_60, %dma_wait3A_102] : memref<5064x128xf32, #tpu.memory_space<vmem_shared>> -> memref<24x128xf32, #tpu.memory_space<vmem_shared>>
      %dma_wait3A_104 = arith.constant 0 : i32
      %dma_wait3A_105 = tpu.memref_slice %arg10[%add3A_60, %dma_wait3A_104] : memref<5064x128xf32, #tpu.memory_space<vmem_shared>> -> memref<24x128xf32, #tpu.memory_space<vmem_shared>>
      tpu.wait_dma2 semaphore(%run_scoped3A : memref<!tpu.dma_semaphore, #tpu.memory_space<semaphore_mem>>) src(%arg9 : memref<24x128xf32, #tpu.memory_space<vmem>>) dst(%dma_wait3A_105 : memref<24x128xf32, #tpu.memory_space<vmem_shared>>)
      tpu.yield
    }) : () -> ()
    %eq3A = arith.constant 15 : i32
    %eq3A_61 = arith.cmpi eq, %arg1, %eq3A : i32
    %convert_element_type3A = arith.extui %eq3A_61 : i1 to i32
    %cond3A = arith.constant 0 : i32
    %cond3A_62 = arith.cmpi ne, %convert_element_type3A, %cond3A : i32
    scf.if %cond3A_62 {
      "tpu.region"() ({
        %run_scoped3A = tpu.sem_alloc : memref<!tpu.dma_semaphore, #tpu.memory_space<semaphore_mem>>
        %dma_start3A_98 = arith.constant 0 : i32
        %dma_start3A_99 = arith.constant 0 : i32
        %dma_start3A_100 = tpu.memref_slice %arg9[%dma_start3A_98, %dma_start3A_99] : memref<24x128xf32, #tpu.memory_space<vmem>> -> memref<24x128xf32, #tpu.memory_space<vmem>>
        %dma_start3A_101 = arith.constant 4992 : i32
        %dma_start3A_102 = arith.constant 0 : i32
        %dma_start3A_103 = tpu.memref_slice %arg10[%dma_start3A_101, %dma_start3A_102] : memref<5064x128xf32, #tpu.memory_space<vmem_shared>> -> memref<24x128xf32, #tpu.memory_space<vmem_shared>>
        %dma_start3A_104 = arith.constant 4992 : i32
        %dma_start3A_105 = arith.constant 0 : i32
        %dma_start3A_106 = tpu.memref_slice %arg10[%dma_start3A_104, %dma_start3A_105] : memref<5064x128xf32, #tpu.memory_space<vmem_shared>> -> memref<24x128xf32, #tpu.memory_space<vmem_shared>>
        %dma_start3A_107 = arith.constant 0 : i32
        %dma_start3A_108 = arith.constant 0 : i32
        %dma_start3A_109 = tpu.memref_slice %arg9[%dma_start3A_107, %dma_start3A_108] : memref<24x128xf32, #tpu.memory_space<vmem>> -> memref<24x128xf32, #tpu.memory_space<vmem>>
        tpu.enqueue_dma source(%dma_start3A_109 : memref<24x128xf32, #tpu.memory_space<vmem>>) target(%dma_start3A_106 : memref<24x128xf32, #tpu.memory_space<vmem_shared>>) target_semaphore(%run_scoped3A : memref<!tpu.dma_semaphore, #tpu.memory_space<semaphore_mem>>)
        %dma_wait3A_110 = arith.constant 0 : i32
        %dma_wait3A_111 = arith.constant 0 : i32
        %dma_wait3A_112 = tpu.memref_slice %arg9[%dma_wait3A_110, %dma_wait3A_111] : memref<24x128xf32, #tpu.memory_space<vmem>> -> memref<24x128xf32, #tpu.memory_space<vmem>>
        %dma_wait3A_113 = arith.constant 4992 : i32
        %dma_wait3A_114 = arith.constant 0 : i32
        %dma_wait3A_115 = tpu.memref_slice %arg10[%dma_wait3A_113, %dma_wait3A_114] : memref<5064x128xf32, #tpu.memory_space<vmem_shared>> -> memref<24x128xf32, #tpu.memory_space<vmem_shared>>
        %dma_wait3A_116 = arith.constant 4992 : i32
        %dma_wait3A_117 = arith.constant 0 : i32
        %dma_wait3A_118 = tpu.memref_slice %arg10[%dma_wait3A_116, %dma_wait3A_117] : memref<5064x128xf32, #tpu.memory_space<vmem_shared>> -> memref<24x128xf32, #tpu.memory_space<vmem_shared>>
        %dma_wait3A_119 = arith.constant 0 : i32
        %dma_wait3A_120 = arith.constant 0 : i32
        %dma_wait3A_121 = tpu.memref_slice %arg9[%dma_wait3A_119, %dma_wait3A_120] : memref<24x128xf32, #tpu.memory_space<vmem>> -> memref<24x128xf32, #tpu.memory_space<vmem>>
        tpu.wait_dma2 semaphore(%run_scoped3A : memref<!tpu.dma_semaphore, #tpu.memory_space<semaphore_mem>>) src(%dma_wait3A_121 : memref<24x128xf32, #tpu.memory_space<vmem>>) dst(%dma_wait3A_118 : memref<24x128xf32, #tpu.memory_space<vmem_shared>>)
        tpu.yield
      }) : () -> ()
      "tpu.region"() ({
        %run_scoped3A = tpu.sem_alloc : memref<!tpu.dma_semaphore, #tpu.memory_space<semaphore_mem>>
        %dma_start3A_98 = arith.constant 0 : i32
        %dma_start3A_99 = arith.constant 0 : i32
        %dma_start3A_100 = tpu.memref_slice %arg9[%dma_start3A_98, %dma_start3A_99] : memref<24x128xf32, #tpu.memory_space<vmem>> -> memref<24x128xf32, #tpu.memory_space<vmem>>
        %dma_start3A_101 = arith.constant 5016 : i32
        %dma_start3A_102 = arith.constant 0 : i32
        %dma_start3A_103 = tpu.memref_slice %arg10[%dma_start3A_101, %dma_start3A_102] : memref<5064x128xf32, #tpu.memory_space<vmem_shared>> -> memref<24x128xf32, #tpu.memory_space<vmem_shared>>
        %dma_start3A_104 = arith.constant 5016 : i32
        %dma_start3A_105 = arith.constant 0 : i32
        %dma_start3A_106 = tpu.memref_slice %arg10[%dma_start3A_104, %dma_start3A_105] : memref<5064x128xf32, #tpu.memory_space<vmem_shared>> -> memref<24x128xf32, #tpu.memory_space<vmem_shared>>
        %dma_start3A_107 = arith.constant 0 : i32
        %dma_start3A_108 = arith.constant 0 : i32
        %dma_start3A_109 = tpu.memref_slice %arg9[%dma_start3A_107, %dma_start3A_108] : memref<24x128xf32, #tpu.memory_space<vmem>> -> memref<24x128xf32, #tpu.memory_space<vmem>>
        tpu.enqueue_dma source(%dma_start3A_109 : memref<24x128xf32, #tpu.memory_space<vmem>>) target(%dma_start3A_106 : memref<24x128xf32, #tpu.memory_space<vmem_shared>>) target_semaphore(%run_scoped3A : memref<!tpu.dma_semaphore, #tpu.memory_space<semaphore_mem>>)
        %dma_wait3A_110 = arith.constant 0 : i32
        %dma_wait3A_111 = arith.constant 0 : i32
        %dma_wait3A_112 = tpu.memref_slice %arg9[%dma_wait3A_110, %dma_wait3A_111] : memref<24x128xf32, #tpu.memory_space<vmem>> -> memref<24x128xf32, #tpu.memory_space<vmem>>
        %dma_wait3A_113 = arith.constant 5016 : i32
        %dma_wait3A_114 = arith.constant 0 : i32
        %dma_wait3A_115 = tpu.memref_slice %arg10[%dma_wait3A_113, %dma_wait3A_114] : memref<5064x128xf32, #tpu.memory_space<vmem_shared>> -> memref<24x128xf32, #tpu.memory_space<vmem_shared>>
        %dma_wait3A_116 = arith.constant 5016 : i32
        %dma_wait3A_117 = arith.constant 0 : i32
        %dma_wait3A_118 = tpu.memref_slice %arg10[%dma_wait3A_116, %dma_wait3A_117] : memref<5064x128xf32, #tpu.memory_space<vmem_shared>> -> memref<24x128xf32, #tpu.memory_space<vmem_shared>>
        %dma_wait3A_119 = arith.constant 0 : i32
        %dma_wait3A_120 = arith.constant 0 : i32
        %dma_wait3A_121 = tpu.memref_slice %arg9[%dma_wait3A_119, %dma_wait3A_120] : memref<24x128xf32, #tpu.memory_space<vmem>> -> memref<24x128xf32, #tpu.memory_space<vmem>>
        tpu.wait_dma2 semaphore(%run_scoped3A : memref<!tpu.dma_semaphore, #tpu.memory_space<semaphore_mem>>) src(%dma_wait3A_121 : memref<24x128xf32, #tpu.memory_space<vmem>>) dst(%dma_wait3A_118 : memref<24x128xf32, #tpu.memory_space<vmem_shared>>)
        tpu.yield
      }) : () -> ()
      "tpu.region"() ({
        %run_scoped3A = tpu.sem_alloc : memref<!tpu.dma_semaphore, #tpu.memory_space<semaphore_mem>>
        %dma_start3A_98 = arith.constant 0 : i32
        %dma_start3A_99 = arith.constant 0 : i32
        %dma_start3A_100 = tpu.memref_slice %arg9[%dma_start3A_98, %dma_start3A_99] : memref<24x128xf32, #tpu.memory_space<vmem>> -> memref<24x128xf32, #tpu.memory_space<vmem>>
        %dma_start3A_101 = arith.constant 5040 : i32
        %dma_start3A_102 = arith.constant 0 : i32
        %dma_start3A_103 = tpu.memref_slice %arg10[%dma_start3A_101, %dma_start3A_102] : memref<5064x128xf32, #tpu.memory_space<vmem_shared>> -> memref<24x128xf32, #tpu.memory_space<vmem_shared>>
        %dma_start3A_104 = arith.constant 5040 : i32
        %dma_start3A_105 = arith.constant 0 : i32
        %dma_start3A_106 = tpu.memref_slice %arg10[%dma_start3A_104, %dma_start3A_105] : memref<5064x128xf32, #tpu.memory_space<vmem_shared>> -> memref<24x128xf32, #tpu.memory_space<vmem_shared>>
        %dma_start3A_107 = arith.constant 0 : i32
        %dma_start3A_108 = arith.constant 0 : i32
        %dma_start3A_109 = tpu.memref_slice %arg9[%dma_start3A_107, %dma_start3A_108] : memref<24x128xf32, #tpu.memory_space<vmem>> -> memref<24x128xf32, #tpu.memory_space<vmem>>
        tpu.enqueue_dma source(%dma_start3A_109 : memref<24x128xf32, #tpu.memory_space<vmem>>) target(%dma_start3A_106 : memref<24x128xf32, #tpu.memory_space<vmem_shared>>) target_semaphore(%run_scoped3A : memref<!tpu.dma_semaphore, #tpu.memory_space<semaphore_mem>>)
        %dma_wait3A_110 = arith.constant 0 : i32
        %dma_wait3A_111 = arith.constant 0 : i32
        %dma_wait3A_112 = tpu.memref_slice %arg9[%dma_wait3A_110, %dma_wait3A_111] : memref<24x128xf32, #tpu.memory_space<vmem>> -> memref<24x128xf32, #tpu.memory_space<vmem>>
        %dma_wait3A_113 = arith.constant 5040 : i32
        %dma_wait3A_114 = arith.constant 0 : i32
        %dma_wait3A_115 = tpu.memref_slice %arg10[%dma_wait3A_113, %dma_wait3A_114] : memref<5064x128xf32, #tpu.memory_space<vmem_shared>> -> memref<24x128xf32, #tpu.memory_space<vmem_shared>>
        %dma_wait3A_116 = arith.constant 5040 : i32
        %dma_wait3A_117 = arith.constant 0 : i32
        %dma_wait3A_118 = tpu.memref_slice %arg10[%dma_wait3A_116, %dma_wait3A_117] : memref<5064x128xf32, #tpu.memory_space<vmem_shared>> -> memref<24x128xf32, #tpu.memory_space<vmem_shared>>
        %dma_wait3A_119 = arith.constant 0 : i32
        %dma_wait3A_120 = arith.constant 0 : i32
        %dma_wait3A_121 = tpu.memref_slice %arg9[%dma_wait3A_119, %dma_wait3A_120] : memref<24x128xf32, #tpu.memory_space<vmem>> -> memref<24x128xf32, #tpu.memory_space<vmem>>
        tpu.wait_dma2 semaphore(%run_scoped3A : memref<!tpu.dma_semaphore, #tpu.memory_space<semaphore_mem>>) src(%dma_wait3A_121 : memref<24x128xf32, #tpu.memory_space<vmem>>) dst(%dma_wait3A_118 : memref<24x128xf32, #tpu.memory_space<vmem_shared>>)
        tpu.yield
      }) : () -> ()
    } else {
    }
    %broadcast_in_dim3A_63 = arith.constant 1.000000e+00 : f32
    %broadcast_in_dim3A_64 = vector.broadcast %broadcast_in_dim3A_63 : f32 to vector<16xf32>
    %scan3A_65 = arith.constant 0 : i32
    %scan3A_66 = arith.constant 0 : i32
    %scan3A_67 = arith.constant 640 : i32
    %scan3A_68 = arith.addi %scan3A_66, %scan3A_67 : i32
    %scan3A_69 = arith.constant 1 : i32
    %scan3A_70 = scf.for %scan3A_98 = %scan3A_66 to %scan3A_68 step %scan3A_69 iter_args(%scan3A_99 = %scan3A_65) -> (i32)  : i32 {
      %jit3A = arith.constant 8 : i32
      %div3A = arith.divsi %scan3A_98, %jit3A : i32
      %sign3A = arith.constant 0 : i32
      %sign3A_100 = arith.cmpi sgt, %scan3A_98, %sign3A : i32
      %sign3A_101 = arith.extui %sign3A_100 : i1 to i32
      %sign3A_102 = arith.constant 0 : i32
      %sign3A_103 = arith.cmpi slt, %scan3A_98, %sign3A_102 : i32
      %sign3A_104 = arith.extui %sign3A_103 : i1 to i32
      %sign3A_105 = arith.subi %sign3A_101, %sign3A_104 : i32
      %sign3A_106 = arith.constant 0 : i32
      %sign3A_107 = arith.cmpi sgt, %jit3A, %sign3A_106 : i32
      %sign3A_108 = arith.extui %sign3A_107 : i1 to i32
      %sign3A_109 = arith.constant 0 : i32
      %sign3A_110 = arith.cmpi slt, %jit3A, %sign3A_109 : i32
      %sign3A_111 = arith.extui %sign3A_110 : i1 to i32
      %sign3A_112 = arith.subi %sign3A_108, %sign3A_111 : i32
      %ne3A = arith.cmpi ne, %sign3A_105, %sign3A_112 : i32
      %rem3A = arith.remsi %scan3A_98, %jit3A : i32
      %ne3A_113 = arith.constant 0 : i32
      %ne3A_114 = arith.cmpi ne, %rem3A, %ne3A_113 : i32
      %and3A = arith.andi %ne3A, %ne3A_114 : i1
      %sub3A = arith.constant 1 : i32
      %sub3A_115 = arith.subi %div3A, %sub3A : i32
      %select_n3A = arith.select %and3A, %sub3A_115, %div3A : i32
      %jit3A_116 = arith.constant 8 : i32
      %eq3A_117 = arith.constant 0 : i32
      %eq3A_118 = arith.cmpi eq, %jit3A_116, %eq3A_117 : i32
      %jit3A_119 = arith.constant 1 : i32
      %select_n3A_120 = arith.select %eq3A_118, %jit3A_119, %jit3A_116 : i32
      %rem3A_121 = arith.remsi %scan3A_98, %select_n3A_120 : i32
      %ne3A_122 = arith.constant 0 : i32
      %ne3A_123 = arith.cmpi ne, %rem3A_121, %ne3A_122 : i32
      %lt3A = arith.constant 0 : i32
      %lt3A_124 = arith.cmpi slt, %rem3A_121, %lt3A : i32
      %lt3A_125 = arith.constant 0 : i32
      %lt3A_126 = arith.cmpi slt, %select_n3A_120, %lt3A_125 : i32
      %ne3A_127 = arith.xori %lt3A_124, %lt3A_126 : i1
      %and3A_128 = arith.andi %ne3A_127, %ne3A_123 : i1
      %add3A_129 = arith.addi %rem3A_121, %select_n3A_120 : i32
      %select_n3A_130 = arith.select %and3A_128, %add3A_129, %rem3A_121 : i32
      %mul3A_131 = arith.constant 16 : i32
      %mul3A_132 = arith.muli %select_n3A_130, %mul3A_131 : i32
      %swap3A = arith.index_cast %select_n3A : i32 to index
      %swap3A_133 = arith.index_cast %mul3A_132 : i32 to index
      %swap3A_134 = tpu.vector_load %arg8[%swap3A, %swap3A_133] {strides = array<i32>} : memref<80x128xf32, #tpu.memory_space<vmem>>, vector<1x16xf32>,
      %swap3A_135 = vector.shape_cast %swap3A_134 : vector<1x16xf32> to vector<16xf32>
      %swap3A_136 = vector.shape_cast %broadcast_in_dim3A_64 : vector<16xf32> to vector<1x16xf32>
      tpu.vector_store %arg8[%swap3A, %swap3A_133], %swap3A_136 {strides = array<i32>} : memref<80x128xf32, #tpu.memory_space<vmem>>, vector<1x16xf32>,
      %scan3A_137 = arith.constant 0 : i32
      scf.yield %scan3A_137 : i32
    }
    %scan3A_71 = arith.constant 640 : i32
    %barrier3A = arith.constant 0 : index
    tpu.barrier barrier_id(%barrier3A)
    %dma_start3A = tpu.memref_slice %arg2[%mul3A_2] : memref<320000xi32, #tpu.memory_space<hbm>> -> memref<80xi32, #tpu.memory_space<hbm>>
    %dma_start3A_72 = tpu.memref_slice %arg2[%mul3A_2] : memref<320000xi32, #tpu.memory_space<hbm>> -> memref<80xi32, #tpu.memory_space<hbm>>
    tpu.enqueue_dma source(%dma_start3A_72 : memref<80xi32, #tpu.memory_space<hbm>>) target(%arg4 : memref<80xi32, #tpu.memory_space<vmem>>) target_semaphore(%arg11 : memref<!tpu.dma_semaphore, #tpu.memory_space<semaphore_mem>>)
    %add3A_73 = arith.constant 80 : i32
    %add3A_74 = arith.addi %mul3A_2, %add3A_73 : i32
    %dma_start3A_75 = tpu.memref_slice %arg2[%add3A_74] : memref<320000xi32, #tpu.memory_space<hbm>> -> memref<80xi32, #tpu.memory_space<hbm>>
    %dma_start3A_76 = tpu.memref_slice %arg2[%add3A_74] : memref<320000xi32, #tpu.memory_space<hbm>> -> memref<80xi32, #tpu.memory_space<hbm>>
    tpu.enqueue_dma source(%dma_start3A_76 : memref<80xi32, #tpu.memory_space<hbm>>) target(%arg5 : memref<80xi32, #tpu.memory_space<vmem>>) target_semaphore(%arg12 : memref<!tpu.dma_semaphore, #tpu.memory_space<semaphore_mem>>)
    %scan3A_77 = arith.constant 0 : i32
    %scan3A_78 = arith.constant 0 : i32
    %scan3A_79 = arith.constant 125 : i32
    %scan3A_80 = arith.addi %scan3A_78, %scan3A_79 : i32
    %scan3A_81 = arith.constant 1 : i32
    %scan3A_82 = scf.for %scan3A_98 = %scan3A_78 to %scan3A_80 step %scan3A_81 iter_args(%scan3A_99 = %scan3A_77) -> (i32)  : i32 {
      %mul3A_100 = arith.constant 2 : i32
      %mul3A_101 = arith.muli %mul3A_100, %scan3A_98 : i32
      %add3A_102 = arith.constant 0 : i32
      %add3A_103 = arith.addi %mul3A_101, %add3A_102 : i32
      %add3A_104 = arith.constant 2 : i32
      %add3A_105 = arith.addi %add3A_103, %add3A_104 : i32
      %min3A = arith.constant 249 : i32
      %min3A_106 = arith.minsi %add3A_105, %min3A : i32
      %mul3A_107 = arith.constant 80 : i32
      %mul3A_108 = arith.muli %add3A_103, %mul3A_107 : i32
      %add3A_109 = arith.addi %mul3A_2, %mul3A_108 : i32
      %dma_wait3A_110 = tpu.memref_slice %arg2[%add3A_109] : memref<320000xi32, #tpu.memory_space<hbm>> -> memref<80xi32, #tpu.memory_space<hbm>>
      %dma_wait3A_111 = tpu.memref_slice %arg2[%add3A_109] : memref<320000xi32, #tpu.memory_space<hbm>> -> memref<80xi32, #tpu.memory_space<hbm>>
      tpu.wait_dma2 semaphore(%arg11 : memref<!tpu.dma_semaphore, #tpu.memory_space<semaphore_mem>>) src(%dma_wait3A_111 : memref<80xi32, #tpu.memory_space<hbm>>) dst(%arg4 : memref<80xi32, #tpu.memory_space<vmem>>)
      %scan3A_112 = arith.constant 0 : i32
      %scan3A_113 = arith.constant 0 : i32
      %scan3A_114 = arith.constant 5 : i32
      %scan3A_115 = arith.addi %scan3A_113, %scan3A_114 : i32
      %scan3A_116 = arith.constant 1 : i32
      %scan3A_117 = scf.for %scan3A_150 = %scan3A_113 to %scan3A_115 step %scan3A_116 iter_args(%scan3A_151 = %scan3A_112) -> (i32)  : i32 {
        %mul3A_152 = arith.constant 16 : i32
        %mul3A_153 = arith.muli %scan3A_150, %mul3A_152 : i32
        %get3A = arith.index_cast %mul3A_153 : i32 to index
        %get3A_154 = tpu.vector_load %arg4[%get3A] {strides = array<i32>} : memref<80xi32, #tpu.memory_space<vmem>>, vector<16xi32>,
        %get3A_155 = vector.shape_cast %get3A_154 : vector<16xi32> to vector<16xi32>
        %sub3A = vector.broadcast %mul3A_0 : i32 to vector<16xi32>
        %sub3A_156 = arith.subi %get3A_155, %sub3A : vector<16xi32>
        %ge3A = arith.constant 0 : i32
        %ge3A_157 = vector.broadcast %ge3A : i32 to vector<16xi32>
        %ge3A_158 = arith.cmpi sge, %sub3A_156, %ge3A_157 : vector<16xi32>
        %lt3A = arith.constant 5000 : i32
        %lt3A_159 = vector.broadcast %lt3A : i32 to vector<16xi32>
        %lt3A_160 = arith.cmpi slt, %sub3A_156, %lt3A_159 : vector<16xi32>
        %and3A = arith.andi %ge3A_158, %lt3A_160 : vector<16xi1>
        %and3A_161 = arith.constant 63 : i32
        %and3A_162 = vector.broadcast %and3A_161 : i32 to vector<16xi32>
        %and3A_163 = arith.andi %sub3A_156, %and3A_162 : vector<16xi32>
        %add3A_164 = arith.constant 5000 : i32
        %add3A_165 = vector.broadcast %add3A_164 : i32 to vector<16xi32>
        %add3A_166 = arith.addi %add3A_165, %and3A_163 : vector<16xi32>
        %select_n3A = arith.select %and3A, %sub3A_156, %add3A_166 : vector<16xi1>, vector<16xi32>
        %mul3A_167 = arith.constant 16 : i32
        %mul3A_168 = arith.muli %scan3A_150, %mul3A_167 : i32
        %swap3A = arith.index_cast %mul3A_168 : i32 to index
        %swap3A_169 = tpu.vector_load %arg6[%swap3A] {strides = array<i32>} : memref<80xi32, #tpu.memory_space<vmem>>, vector<16xi32>,
        %swap3A_170 = vector.shape_cast %swap3A_169 : vector<16xi32> to vector<16xi32>
        %swap3A_171 = vector.shape_cast %select_n3A : vector<16xi32> to vector<16xi32>
        tpu.vector_store %arg6[%swap3A], %swap3A_171 {strides = array<i32>} : memref<80xi32, #tpu.memory_space<vmem>>, vector<16xi32>,
        %scan3A_172 = arith.constant 0 : i32
        scf.yield %scan3A_172 : i32
      }
      %scan3A_118 = arith.constant 5 : i32
      %mul3A_119 = arith.constant 80 : i32
      %mul3A_120 = arith.muli %min3A_106, %mul3A_119 : i32
      %add3A_121 = arith.addi %mul3A_2, %mul3A_120 : i32
      %dma_start3A_122 = tpu.memref_slice %arg2[%add3A_121] : memref<320000xi32, #tpu.memory_space<hbm>> -> memref<80xi32, #tpu.memory_space<hbm>>
      %dma_start3A_123 = tpu.memref_slice %arg2[%add3A_121] : memref<320000xi32, #tpu.memory_space<hbm>> -> memref<80xi32, #tpu.memory_space<hbm>>
      tpu.enqueue_dma source(%dma_start3A_123 : memref<80xi32, #tpu.memory_space<hbm>>) target(%arg4 : memref<80xi32, #tpu.memory_space<vmem>>) target_semaphore(%arg11 : memref<!tpu.dma_semaphore, #tpu.memory_space<semaphore_mem>>)
      "tpu.region"() ({
        %run_scoped3A = tpu.sem_alloc : memref<!tpu.dma_semaphore, #tpu.memory_space<semaphore_mem>>
        %dma_start3A_150 = arith.constant 0 : i32
        %dma_start3A_151 = arith.constant 0 : i32
        %dma_start3A_152 = tpu.memref_slice %arg10[%dma_start3A_150, %dma_start3A_151] : memref<5064x128xf32, #tpu.memory_space<vmem_shared>> -> memref<5064x128xf32, #tpu.memory_space<vmem_shared>>
        tpu.enqueue_indirect_dma source(%arg8 : memref<80x128xf32, #tpu.memory_space<vmem>>) target(%dma_start3A_152 : memref<5064x128xf32, #tpu.memory_space<vmem_shared>>) offsets(%arg6 : memref<80xi32, #tpu.memory_space<vmem>>) semaphore(%run_scoped3A : memref<!tpu.dma_semaphore, #tpu.memory_space<semaphore_mem>>) {add = true}
        %dma_wait3A_153 = arith.constant 0 : i32
        %dma_wait3A_154 = arith.constant 0 : i32
        %dma_wait3A_155 = tpu.memref_slice %arg10[%dma_wait3A_153, %dma_wait3A_154] : memref<5064x128xf32, #tpu.memory_space<vmem_shared>> -> memref<5064x128xf32, #tpu.memory_space<vmem_shared>>
        tpu.wait_indirect_dma semaphore(%run_scoped3A : memref<!tpu.dma_semaphore, #tpu.memory_space<semaphore_mem>>) src(%arg8 : memref<80x128xf32, #tpu.memory_space<vmem>>) dst(%dma_wait3A_155 : memref<5064x128xf32, #tpu.memory_space<vmem_shared>>)
        tpu.yield
      }) : () -> ()
      %mul3A_124 = arith.constant 2 : i32
      %mul3A_125 = arith.muli %mul3A_124, %scan3A_98 : i32
      %add3A_126 = arith.constant 1 : i32
      %add3A_127 = arith.addi %mul3A_125, %add3A_126 : i32
      %add3A_128 = arith.constant 2 : i32
      %add3A_129 = arith.addi %add3A_127, %add3A_128 : i32
      %min3A_130 = arith.constant 249 : i32
      %min3A_131 = arith.minsi %add3A_129, %min3A_130 : i32
      %mul3A_132 = arith.constant 80 : i32
      %mul3A_133 = arith.muli %add3A_127, %mul3A_132 : i32
      %add3A_134 = arith.addi %mul3A_2, %mul3A_133 : i32
      %dma_wait3A_135 = tpu.memref_slice %arg2[%add3A_134] : memref<320000xi32, #tpu.memory_space<hbm>> -> memref<80xi32, #tpu.memory_space<hbm>>
      %dma_wait3A_136 = tpu.memref_slice %arg2[%add3A_134] : memref<320000xi32, #tpu.memory_space<hbm>> -> memref<80xi32, #tpu.memory_space<hbm>>
      tpu.wait_dma2 semaphore(%arg12 : memref<!tpu.dma_semaphore, #tpu.memory_space<semaphore_mem>>) src(%dma_wait3A_136 : memref<80xi32, #tpu.memory_space<hbm>>) dst(%arg5 : memref<80xi32, #tpu.memory_space<vmem>>)
      %scan3A_137 = arith.constant 0 : i32
      %scan3A_138 = arith.constant 0 : i32
      %scan3A_139 = arith.constant 5 : i32
      %scan3A_140 = arith.addi %scan3A_138, %scan3A_139 : i32
      %scan3A_141 = arith.constant 1 : i32
      %scan3A_142 = scf.for %scan3A_150 = %scan3A_138 to %scan3A_140 step %scan3A_141 iter_args(%scan3A_151 = %scan3A_137) -> (i32)  : i32 {
        %mul3A_152 = arith.constant 16 : i32
        %mul3A_153 = arith.muli %scan3A_150, %mul3A_152 : i32
        %get3A = arith.index_cast %mul3A_153 : i32 to index
        %get3A_154 = tpu.vector_load %arg5[%get3A] {strides = array<i32>} : memref<80xi32, #tpu.memory_space<vmem>>, vector<16xi32>,
        %get3A_155 = vector.shape_cast %get3A_154 : vector<16xi32> to vector<16xi32>
        %sub3A = vector.broadcast %mul3A_0 : i32 to vector<16xi32>
        %sub3A_156 = arith.subi %get3A_155, %sub3A : vector<16xi32>
        %ge3A = arith.constant 0 : i32
        %ge3A_157 = vector.broadcast %ge3A : i32 to vector<16xi32>
        %ge3A_158 = arith.cmpi sge, %sub3A_156, %ge3A_157 : vector<16xi32>
        %lt3A = arith.constant 5000 : i32
        %lt3A_159 = vector.broadcast %lt3A : i32 to vector<16xi32>
        %lt3A_160 = arith.cmpi slt, %sub3A_156, %lt3A_159 : vector<16xi32>
        %and3A = arith.andi %ge3A_158, %lt3A_160 : vector<16xi1>
        %and3A_161 = arith.constant 63 : i32
        %and3A_162 = vector.broadcast %and3A_161 : i32 to vector<16xi32>
        %and3A_163 = arith.andi %sub3A_156, %and3A_162 : vector<16xi32>
        %add3A_164 = arith.constant 5000 : i32
        %add3A_165 = vector.broadcast %add3A_164 : i32 to vector<16xi32>
        %add3A_166 = arith.addi %add3A_165, %and3A_163 : vector<16xi32>
        %select_n3A = arith.select %and3A, %sub3A_156, %add3A_166 : vector<16xi1>, vector<16xi32>
        %mul3A_167 = arith.constant 16 : i32
        %mul3A_168 = arith.muli %scan3A_150, %mul3A_167 : i32
        %swap3A = arith.index_cast %mul3A_168 : i32 to index
        %swap3A_169 = tpu.vector_load %arg7[%swap3A] {strides = array<i32>} : memref<80xi32, #tpu.memory_space<vmem>>, vector<16xi32>,
        %swap3A_170 = vector.shape_cast %swap3A_169 : vector<16xi32> to vector<16xi32>
        %swap3A_171 = vector.shape_cast %select_n3A : vector<16xi32> to vector<16xi32>
        tpu.vector_store %arg7[%swap3A], %swap3A_171 {strides = array<i32>} : memref<80xi32, #tpu.memory_space<vmem>>, vector<16xi32>,
        %scan3A_172 = arith.constant 0 : i32
        scf.yield %scan3A_172 : i32
      }
      %scan3A_143 = arith.constant 5 : i32
      %mul3A_144 = arith.constant 80 : i32
      %mul3A_145 = arith.muli %min3A_131, %mul3A_144 : i32
      %add3A_146 = arith.addi %mul3A_2, %mul3A_145 : i32
      %dma_start3A_147 = tpu.memref_slice %arg2[%add3A_146] : memref<320000xi32, #tpu.memory_space<hbm>> -> memref<80xi32, #tpu.memory_space<hbm>>
      %dma_start3A_148 = tpu.memref_slice %arg2[%add3A_146] : memref<320000xi32, #tpu.memory_space<hbm>> -> memref<80xi32, #tpu.memory_space<hbm>>
      tpu.enqueue_dma source(%dma_start3A_148 : memref<80xi32, #tpu.memory_space<hbm>>) target(%arg5 : memref<80xi32, #tpu.memory_space<vmem>>) target_semaphore(%arg12 : memref<!tpu.dma_semaphore, #tpu.memory_space<semaphore_mem>>)
      "tpu.region"() ({
        %run_scoped3A = tpu.sem_alloc : memref<!tpu.dma_semaphore, #tpu.memory_space<semaphore_mem>>
        %dma_start3A_150 = arith.constant 0 : i32
        %dma_start3A_151 = arith.constant 0 : i32
        %dma_start3A_152 = tpu.memref_slice %arg10[%dma_start3A_150, %dma_start3A_151] : memref<5064x128xf32, #tpu.memory_space<vmem_shared>> -> memref<5064x128xf32, #tpu.memory_space<vmem_shared>>
        tpu.enqueue_indirect_dma source(%arg8 : memref<80x128xf32, #tpu.memory_space<vmem>>) target(%dma_start3A_152 : memref<5064x128xf32, #tpu.memory_space<vmem_shared>>) offsets(%arg7 : memref<80xi32, #tpu.memory_space<vmem>>) semaphore(%run_scoped3A : memref<!tpu.dma_semaphore, #tpu.memory_space<semaphore_mem>>) {add = true}
        %dma_wait3A_153 = arith.constant 0 : i32
        %dma_wait3A_154 = arith.constant 0 : i32
        %dma_wait3A_155 = tpu.memref_slice %arg10[%dma_wait3A_153, %dma_wait3A_154] : memref<5064x128xf32, #tpu.memory_space<vmem_shared>> -> memref<5064x128xf32, #tpu.memory_space<vmem_shared>>
        tpu.wait_indirect_dma semaphore(%run_scoped3A : memref<!tpu.dma_semaphore, #tpu.memory_space<semaphore_mem>>) src(%arg8 : memref<80x128xf32, #tpu.memory_space<vmem>>) dst(%dma_wait3A_155 : memref<5064x128xf32, #tpu.memory_space<vmem_shared>>)
        tpu.yield
      }) : () -> ()
      %scan3A_149 = arith.constant 0 : i32
      scf.yield %scan3A_149 : i32
    }
    %scan3A_83 = arith.constant 125 : i32
    %dma_wait3A = tpu.memref_slice %arg2[%mul3A_2] : memref<320000xi32, #tpu.memory_space<hbm>> -> memref<80xi32, #tpu.memory_space<hbm>>
    %dma_wait3A_84 = tpu.memref_slice %arg2[%mul3A_2] : memref<320000xi32, #tpu.memory_space<hbm>> -> memref<80xi32, #tpu.memory_space<hbm>>
    tpu.wait_dma2 semaphore(%arg11 : memref<!tpu.dma_semaphore, #tpu.memory_space<semaphore_mem>>) src(%dma_wait3A_84 : memref<80xi32, #tpu.memory_space<hbm>>) dst(%arg4 : memref<80xi32, #tpu.memory_space<vmem>>)
    %dma_wait3A_85 = tpu.memref_slice %arg2[%mul3A_2] : memref<320000xi32, #tpu.memory_space<hbm>> -> memref<80xi32, #tpu.memory_space<hbm>>
    %dma_wait3A_86 = tpu.memref_slice %arg2[%mul3A_2] : memref<320000xi32, #tpu.memory_space<hbm>> -> memref<80xi32, #tpu.memory_space<hbm>>
    tpu.wait_dma2 semaphore(%arg12 : memref<!tpu.dma_semaphore, #tpu.memory_space<semaphore_mem>>) src(%dma_wait3A_86 : memref<80xi32, #tpu.memory_space<hbm>>) dst(%arg5 : memref<80xi32, #tpu.memory_space<vmem>>)
    %barrier3A_87 = arith.constant 0 : index
    tpu.barrier barrier_id(%barrier3A_87)
    %mul3A_88 = arith.constant 312 : i32
    %mul3A_89 = arith.muli %arg1, %mul3A_88 : i32
    %mul3A_90 = arith.constant 312 : i32
    %mul3A_91 = arith.muli %arg1, %mul3A_90 : i32
    %add3A_92 = arith.addi %mul3A_0, %mul3A_91 : i32
    "tpu.region"() ({
      %run_scoped3A = tpu.sem_alloc : memref<!tpu.dma_semaphore, #tpu.memory_space<semaphore_mem>>
      %dma_start3A_98 = arith.constant 0 : i32
      %dma_start3A_99 = tpu.memref_slice %arg3[%add3A_92, %dma_start3A_98] : memref<10000x128xf32, #tpu.memory_space<hbm>> -> memref<312x128xf32, #tpu.memory_space<hbm>>
      %dma_start3A_100 = arith.constant 0 : i32
      %dma_start3A_101 = tpu.memref_slice %arg10[%mul3A_89, %dma_start3A_100] : memref<5064x128xf32, #tpu.memory_space<vmem_shared>> -> memref<312x128xf32, #tpu.memory_space<vmem_shared>>
      tpu.enqueue_dma source(%dma_start3A_101 : memref<312x128xf32, #tpu.memory_space<vmem_shared>>) target(%dma_start3A_99 : memref<312x128xf32, #tpu.memory_space<hbm>>) target_semaphore(%run_scoped3A : memref<!tpu.dma_semaphore, #tpu.memory_space<semaphore_mem>>)
      %dma_wait3A_102 = arith.constant 0 : i32
      %dma_wait3A_103 = tpu.memref_slice %arg3[%add3A_92, %dma_wait3A_102] : memref<10000x128xf32, #tpu.memory_space<hbm>> -> memref<312x128xf32, #tpu.memory_space<hbm>>
      %dma_wait3A_104 = arith.constant 0 : i32
      %dma_wait3A_105 = tpu.memref_slice %arg10[%mul3A_89, %dma_wait3A_104] : memref<5064x128xf32, #tpu.memory_space<vmem_shared>> -> memref<312x128xf32, #tpu.memory_space<vmem_shared>>
      tpu.wait_dma2 semaphore(%run_scoped3A : memref<!tpu.dma_semaphore, #tpu.memory_space<semaphore_mem>>) src(%dma_wait3A_105 : memref<312x128xf32, #tpu.memory_space<vmem_shared>>) dst(%dma_wait3A_103 : memref<312x128xf32, #tpu.memory_space<hbm>>)
      tpu.yield
    }) : () -> ()
    %eq3A_93 = arith.constant 15 : i32
    %eq3A_94 = arith.cmpi eq, %arg1, %eq3A_93 : i32
    %convert_element_type3A_95 = arith.extui %eq3A_94 : i1 to i32
    %cond3A_96 = arith.constant 0 : i32
    %cond3A_97 = arith.cmpi ne, %convert_element_type3A_95, %cond3A_96 : i32
    scf.if %cond3A_97 {
      %add3A_98 = arith.constant 4992 : i32
      %add3A_99 = arith.addi %mul3A_0, %add3A_98 : i32
      "tpu.region"() ({
        %run_scoped3A = tpu.sem_alloc : memref<!tpu.dma_semaphore, #tpu.memory_space<semaphore_mem>>
        %dma_start3A_100 = arith.constant 0 : i32
        %dma_start3A_101 = tpu.memref_slice %arg3[%add3A_99, %dma_start3A_100] : memref<10000x128xf32, #tpu.memory_space<hbm>> -> memref<8x128xf32, #tpu.memory_space<hbm>>
        %dma_start3A_102 = arith.constant 4992 : i32
        %dma_start3A_103 = arith.constant 0 : i32
        %dma_start3A_104 = tpu.memref_slice %arg10[%dma_start3A_102, %dma_start3A_103] : memref<5064x128xf32, #tpu.memory_space<vmem_shared>> -> memref<8x128xf32, #tpu.memory_space<vmem_shared>>
        tpu.enqueue_dma source(%dma_start3A_104 : memref<8x128xf32, #tpu.memory_space<vmem_shared>>) target(%dma_start3A_101 : memref<8x128xf32, #tpu.memory_space<hbm>>) target_semaphore(%run_scoped3A : memref<!tpu.dma_semaphore, #tpu.memory_space<semaphore_mem>>)
        %dma_wait3A_105 = arith.constant 0 : i32
        %dma_wait3A_106 = tpu.memref_slice %arg3[%add3A_99, %dma_wait3A_105] : memref<10000x128xf32, #tpu.memory_space<hbm>> -> memref<8x128xf32, #tpu.memory_space<hbm>>
        %dma_wait3A_107 = arith.constant 4992 : i32
        %dma_wait3A_108 = arith.constant 0 : i32
        %dma_wait3A_109 = tpu.memref_slice %arg10[%dma_wait3A_107, %dma_wait3A_108] : memref<5064x128xf32, #tpu.memory_space<vmem_shared>> -> memref<8x128xf32, #tpu.memory_space<vmem_shared>>
        tpu.wait_dma2 semaphore(%run_scoped3A : memref<!tpu.dma_semaphore, #tpu.memory_space<semaphore_mem>>) src(%dma_wait3A_109 : memref<8x128xf32, #tpu.memory_space<vmem_shared>>) dst(%dma_wait3A_106 : memref<8x128xf32, #tpu.memory_space<hbm>>)
        tpu.yield
      }) : () -> ()
    } else {
    }
    return
  }
}

#map = affine_map<(d0, d1) -> (0, 0)>
#map1 = affine_map<(d0, d1) -> (0)>
module attributes {stable_mosaic.version = 14 : i64} {
  func.func @_sc_agg(%arg0: i32, %arg1: i32, %arg2: memref<10000x128xf32, #tpu.memory_space<hbm>>, %arg3: memref<320000xi32, #tpu.memory_space<hbm>>, %arg4: memref<320000xi32, #tpu.memory_space<hbm>>, %arg5: memref<10000x128xf32, #tpu.memory_space<hbm>>, %arg6: memref<80xi32, #tpu.memory_space<vmem>>, %arg7: memref<80xi32, #tpu.memory_space<vmem>>, %arg8: memref<80xi32, #tpu.memory_space<vmem>>, %arg9: memref<80xi32, #tpu.memory_space<vmem>>, %arg10: memref<80xi32, #tpu.memory_space<vmem>>, %arg11: memref<80xi32, #tpu.memory_space<vmem>>, %arg12: memref<80x128xf32, #tpu.memory_space<vmem>>, %arg13: memref<80x128xf32, #tpu.memory_space<vmem>>, %arg14: memref<24x128xf32, #tpu.memory_space<vmem>>, %arg15: memref<5064x128xf32, #tpu.memory_space<vmem_shared>>, %arg16: memref<!tpu.dma_semaphore, #tpu.memory_space<semaphore_mem>>, %arg17: memref<!tpu.dma_semaphore, #tpu.memory_space<semaphore_mem>>, %arg18: memref<!tpu.dma_semaphore, #tpu.memory_space<semaphore_mem>>, %arg19: memref<!tpu.dma_semaphore, #tpu.memory_space<semaphore_mem>>, %arg20: memref<!tpu.dma_semaphore, #tpu.memory_space<semaphore_mem>>, %arg21: memref<!tpu.dma_semaphore, #tpu.memory_space<semaphore_mem>>) attributes {dimension_semantics = [#tpu.dimension_semantics<core_parallel>, #tpu.dimension_semantics<subcore_parallel>], iteration_bounds = array<i64: 2, 16>, scalar_prefetch = 0 : i64, scratch_operands = 16 : i64, tpu.core_type = #tpu.core_type<sc_vector_subcore>, window_params = [{transform_indices = #map}, {transform_indices = #map1}, {transform_indices = #map1}, {transform_indices = #map}]} {
    %mul3A = arith.constant 5000 : i32
    %mul3A_0 = arith.muli %arg0, %mul3A : i32
    %mul3A_1 = arith.constant 20000 : i32
    %mul3A_2 = arith.muli %arg1, %mul3A_1 : i32
    %broadcast_in_dim3A = arith.constant 0.000000e+00 : f32
    %broadcast_in_dim3A_3 = vector.broadcast %broadcast_in_dim3A : f32 to vector<16xf32>
    %scan3A = arith.constant 0 : i32
    %scan3A_4 = arith.constant 0 : i32
    %scan3A_5 = arith.constant 192 : i32
    %scan3A_6 = arith.addi %scan3A_4, %scan3A_5 : i32
    %scan3A_7 = arith.constant 1 : i32
    %scan3A_8 = scf.for %scan3A_97 = %scan3A_4 to %scan3A_6 step %scan3A_7 iter_args(%scan3A_98 = %scan3A) -> (i32)  : i32 {
      %jit3A = arith.constant 8 : i32
      %div3A = arith.divsi %scan3A_97, %jit3A : i32
      %sign3A = arith.constant 0 : i32
      %sign3A_99 = arith.cmpi sgt, %scan3A_97, %sign3A : i32
      %sign3A_100 = arith.extui %sign3A_99 : i1 to i32
      %sign3A_101 = arith.constant 0 : i32
      %sign3A_102 = arith.cmpi slt, %scan3A_97, %sign3A_101 : i32
      %sign3A_103 = arith.extui %sign3A_102 : i1 to i32
      %sign3A_104 = arith.subi %sign3A_100, %sign3A_103 : i32
      %sign3A_105 = arith.constant 0 : i32
      %sign3A_106 = arith.cmpi sgt, %jit3A, %sign3A_105 : i32
      %sign3A_107 = arith.extui %sign3A_106 : i1 to i32
      %sign3A_108 = arith.constant 0 : i32
      %sign3A_109 = arith.cmpi slt, %jit3A, %sign3A_108 : i32
      %sign3A_110 = arith.extui %sign3A_109 : i1 to i32
      %sign3A_111 = arith.subi %sign3A_107, %sign3A_110 : i32
      %ne3A = arith.cmpi ne, %sign3A_104, %sign3A_111 : i32
      %rem3A = arith.remsi %scan3A_97, %jit3A : i32
      %ne3A_112 = arith.constant 0 : i32
      %ne3A_113 = arith.cmpi ne, %rem3A, %ne3A_112 : i32
      %and3A = arith.andi %ne3A, %ne3A_113 : i1
      %sub3A = arith.constant 1 : i32
      %sub3A_114 = arith.subi %div3A, %sub3A : i32
      %select_n3A = arith.select %and3A, %sub3A_114, %div3A : i32
      %jit3A_115 = arith.constant 8 : i32
      %eq3A_116 = arith.constant 0 : i32
      %eq3A_117 = arith.cmpi eq, %jit3A_115, %eq3A_116 : i32
      %jit3A_118 = arith.constant 1 : i32
      %select_n3A_119 = arith.select %eq3A_117, %jit3A_118, %jit3A_115 : i32
      %rem3A_120 = arith.remsi %scan3A_97, %select_n3A_119 : i32
      %ne3A_121 = arith.constant 0 : i32
      %ne3A_122 = arith.cmpi ne, %rem3A_120, %ne3A_121 : i32
      %lt3A = arith.constant 0 : i32
      %lt3A_123 = arith.cmpi slt, %rem3A_120, %lt3A : i32
      %lt3A_124 = arith.constant 0 : i32
      %lt3A_125 = arith.cmpi slt, %select_n3A_119, %lt3A_124 : i32
      %ne3A_126 = arith.xori %lt3A_123, %lt3A_125 : i1
      %and3A_127 = arith.andi %ne3A_126, %ne3A_122 : i1
      %add3A_128 = arith.addi %rem3A_120, %select_n3A_119 : i32
      %select_n3A_129 = arith.select %and3A_127, %add3A_128, %rem3A_120 : i32
      %mul3A_130 = arith.constant 16 : i32
      %mul3A_131 = arith.muli %select_n3A_129, %mul3A_130 : i32
      %swap3A = arith.index_cast %select_n3A : i32 to index
      %swap3A_132 = arith.index_cast %mul3A_131 : i32 to index
      %swap3A_133 = tpu.vector_load %arg14[%swap3A, %swap3A_132] {strides = array<i32>} : memref<24x128xf32, #tpu.memory_space<vmem>>, vector<1x16xf32>,
      %swap3A_134 = vector.shape_cast %swap3A_133 : vector<1x16xf32> to vector<16xf32>
      %swap3A_135 = vector.shape_cast %broadcast_in_dim3A_3 : vector<16xf32> to vector<1x16xf32>
      tpu.vector_store %arg14[%swap3A, %swap3A_132], %swap3A_135 {strides = array<i32>} : memref<24x128xf32, #tpu.memory_space<vmem>>, vector<1x16xf32>,
      %scan3A_136 = arith.constant 0 : i32
      scf.yield %scan3A_136 : i32
    }
    %scan3A_9 = arith.constant 192 : i32
    %mul3A_10 = arith.constant 312 : i32
    %mul3A_11 = arith.muli %arg1, %mul3A_10 : i32
    %add3A = arith.constant 0 : i32
    %add3A_12 = arith.addi %mul3A_11, %add3A : i32
    "tpu.region"() ({
      %run_scoped3A = tpu.sem_alloc : memref<!tpu.dma_semaphore, #tpu.memory_space<semaphore_mem>>
      %dma_start3A_97 = arith.constant 0 : i32
      %dma_start3A_98 = tpu.memref_slice %arg15[%add3A_12, %dma_start3A_97] : memref<5064x128xf32, #tpu.memory_space<vmem_shared>> -> memref<24x128xf32, #tpu.memory_space<vmem_shared>>
      %dma_start3A_99 = arith.constant 0 : i32
      %dma_start3A_100 = tpu.memref_slice %arg15[%add3A_12, %dma_start3A_99] : memref<5064x128xf32, #tpu.memory_space<vmem_shared>> -> memref<24x128xf32, #tpu.memory_space<vmem_shared>>
      tpu.enqueue_dma source(%arg14 : memref<24x128xf32, #tpu.memory_space<vmem>>) target(%dma_start3A_100 : memref<24x128xf32, #tpu.memory_space<vmem_shared>>) target_semaphore(%run_scoped3A : memref<!tpu.dma_semaphore, #tpu.memory_space<semaphore_mem>>)
      %dma_wait3A_101 = arith.constant 0 : i32
      %dma_wait3A_102 = tpu.memref_slice %arg15[%add3A_12, %dma_wait3A_101] : memref<5064x128xf32, #tpu.memory_space<vmem_shared>> -> memref<24x128xf32, #tpu.memory_space<vmem_shared>>
      %dma_wait3A_103 = arith.constant 0 : i32
      %dma_wait3A_104 = tpu.memref_slice %arg15[%add3A_12, %dma_wait3A_103] : memref<5064x128xf32, #tpu.memory_space<vmem_shared>> -> memref<24x128xf32, #tpu.memory_space<vmem_shared>>
      tpu.wait_dma2 semaphore(%run_scoped3A : memref<!tpu.dma_semaphore, #tpu.memory_space<semaphore_mem>>) src(%arg14 : memref<24x128xf32, #tpu.memory_space<vmem>>) dst(%dma_wait3A_104 : memref<24x128xf32, #tpu.memory_space<vmem_shared>>)
      tpu.yield
    }) : () -> ()
    %mul3A_13 = arith.constant 312 : i32
    %mul3A_14 = arith.muli %arg1, %mul3A_13 : i32
    %add3A_15 = arith.constant 24 : i32
    %add3A_16 = arith.addi %mul3A_14, %add3A_15 : i32
    "tpu.region"() ({
      %run_scoped3A = tpu.sem_alloc : memref<!tpu.dma_semaphore, #tpu.memory_space<semaphore_mem>>
      %dma_start3A_97 = arith.constant 0 : i32
      %dma_start3A_98 = tpu.memref_slice %arg15[%add3A_16, %dma_start3A_97] : memref<5064x128xf32, #tpu.memory_space<vmem_shared>> -> memref<24x128xf32, #tpu.memory_space<vmem_shared>>
      %dma_start3A_99 = arith.constant 0 : i32
      %dma_start3A_100 = tpu.memref_slice %arg15[%add3A_16, %dma_start3A_99] : memref<5064x128xf32, #tpu.memory_space<vmem_shared>> -> memref<24x128xf32, #tpu.memory_space<vmem_shared>>
      tpu.enqueue_dma source(%arg14 : memref<24x128xf32, #tpu.memory_space<vmem>>) target(%dma_start3A_100 : memref<24x128xf32, #tpu.memory_space<vmem_shared>>) target_semaphore(%run_scoped3A : memref<!tpu.dma_semaphore, #tpu.memory_space<semaphore_mem>>)
      %dma_wait3A_101 = arith.constant 0 : i32
      %dma_wait3A_102 = tpu.memref_slice %arg15[%add3A_16, %dma_wait3A_101] : memref<5064x128xf32, #tpu.memory_space<vmem_shared>> -> memref<24x128xf32, #tpu.memory_space<vmem_shared>>
      %dma_wait3A_103 = arith.constant 0 : i32
      %dma_wait3A_104 = tpu.memref_slice %arg15[%add3A_16, %dma_wait3A_103] : memref<5064x128xf32, #tpu.memory_space<vmem_shared>> -> memref<24x128xf32, #tpu.memory_space<vmem_shared>>
      tpu.wait_dma2 semaphore(%run_scoped3A : memref<!tpu.dma_semaphore, #tpu.memory_space<semaphore_mem>>) src(%arg14 : memref<24x128xf32, #tpu.memory_space<vmem>>) dst(%dma_wait3A_104 : memref<24x128xf32, #tpu.memory_space<vmem_shared>>)
      tpu.yield
    }) : () -> ()
    %mul3A_17 = arith.constant 312 : i32
    %mul3A_18 = arith.muli %arg1, %mul3A_17 : i32
    %add3A_19 = arith.constant 48 : i32
    %add3A_20 = arith.addi %mul3A_18, %add3A_19 : i32
    "tpu.region"() ({
      %run_scoped3A = tpu.sem_alloc : memref<!tpu.dma_semaphore, #tpu.memory_space<semaphore_mem>>
      %dma_start3A_97 = arith.constant 0 : i32
      %dma_start3A_98 = tpu.memref_slice %arg15[%add3A_20, %dma_start3A_97] : memref<5064x128xf32, #tpu.memory_space<vmem_shared>> -> memref<24x128xf32, #tpu.memory_space<vmem_shared>>
      %dma_start3A_99 = arith.constant 0 : i32
      %dma_start3A_100 = tpu.memref_slice %arg15[%add3A_20, %dma_start3A_99] : memref<5064x128xf32, #tpu.memory_space<vmem_shared>> -> memref<24x128xf32, #tpu.memory_space<vmem_shared>>
      tpu.enqueue_dma source(%arg14 : memref<24x128xf32, #tpu.memory_space<vmem>>) target(%dma_start3A_100 : memref<24x128xf32, #tpu.memory_space<vmem_shared>>) target_semaphore(%run_scoped3A : memref<!tpu.dma_semaphore, #tpu.memory_space<semaphore_mem>>)
      %dma_wait3A_101 = arith.constant 0 : i32
      %dma_wait3A_102 = tpu.memref_slice %arg15[%add3A_20, %dma_wait3A_101] : memref<5064x128xf32, #tpu.memory_space<vmem_shared>> -> memref<24x128xf32, #tpu.memory_space<vmem_shared>>
      %dma_wait3A_103 = arith.constant 0 : i32
      %dma_wait3A_104 = tpu.memref_slice %arg15[%add3A_20, %dma_wait3A_103] : memref<5064x128xf32, #tpu.memory_space<vmem_shared>> -> memref<24x128xf32, #tpu.memory_space<vmem_shared>>
      tpu.wait_dma2 semaphore(%run_scoped3A : memref<!tpu.dma_semaphore, #tpu.memory_space<semaphore_mem>>) src(%arg14 : memref<24x128xf32, #tpu.memory_space<vmem>>) dst(%dma_wait3A_104 : memref<24x128xf32, #tpu.memory_space<vmem_shared>>)
      tpu.yield
    }) : () -> ()
    %mul3A_21 = arith.constant 312 : i32
    %mul3A_22 = arith.muli %arg1, %mul3A_21 : i32
    %add3A_23 = arith.constant 72 : i32
    %add3A_24 = arith.addi %mul3A_22, %add3A_23 : i32
    "tpu.region"() ({
      %run_scoped3A = tpu.sem_alloc : memref<!tpu.dma_semaphore, #tpu.memory_space<semaphore_mem>>
      %dma_start3A_97 = arith.constant 0 : i32
      %dma_start3A_98 = tpu.memref_slice %arg15[%add3A_24, %dma_start3A_97] : memref<5064x128xf32, #tpu.memory_space<vmem_shared>> -> memref<24x128xf32, #tpu.memory_space<vmem_shared>>
      %dma_start3A_99 = arith.constant 0 : i32
      %dma_start3A_100 = tpu.memref_slice %arg15[%add3A_24, %dma_start3A_99] : memref<5064x128xf32, #tpu.memory_space<vmem_shared>> -> memref<24x128xf32, #tpu.memory_space<vmem_shared>>
      tpu.enqueue_dma source(%arg14 : memref<24x128xf32, #tpu.memory_space<vmem>>) target(%dma_start3A_100 : memref<24x128xf32, #tpu.memory_space<vmem_shared>>) target_semaphore(%run_scoped3A : memref<!tpu.dma_semaphore, #tpu.memory_space<semaphore_mem>>)
      %dma_wait3A_101 = arith.constant 0 : i32
      %dma_wait3A_102 = tpu.memref_slice %arg15[%add3A_24, %dma_wait3A_101] : memref<5064x128xf32, #tpu.memory_space<vmem_shared>> -> memref<24x128xf32, #tpu.memory_space<vmem_shared>>
      %dma_wait3A_103 = arith.constant 0 : i32
      %dma_wait3A_104 = tpu.memref_slice %arg15[%add3A_24, %dma_wait3A_103] : memref<5064x128xf32, #tpu.memory_space<vmem_shared>> -> memref<24x128xf32, #tpu.memory_space<vmem_shared>>
      tpu.wait_dma2 semaphore(%run_scoped3A : memref<!tpu.dma_semaphore, #tpu.memory_space<semaphore_mem>>) src(%arg14 : memref<24x128xf32, #tpu.memory_space<vmem>>) dst(%dma_wait3A_104 : memref<24x128xf32, #tpu.memory_space<vmem_shared>>)
      tpu.yield
    }) : () -> ()
    %mul3A_25 = arith.constant 312 : i32
    %mul3A_26 = arith.muli %arg1, %mul3A_25 : i32
    %add3A_27 = arith.constant 96 : i32
    %add3A_28 = arith.addi %mul3A_26, %add3A_27 : i32
    "tpu.region"() ({
      %run_scoped3A = tpu.sem_alloc : memref<!tpu.dma_semaphore, #tpu.memory_space<semaphore_mem>>
      %dma_start3A_97 = arith.constant 0 : i32
      %dma_start3A_98 = tpu.memref_slice %arg15[%add3A_28, %dma_start3A_97] : memref<5064x128xf32, #tpu.memory_space<vmem_shared>> -> memref<24x128xf32, #tpu.memory_space<vmem_shared>>
      %dma_start3A_99 = arith.constant 0 : i32
      %dma_start3A_100 = tpu.memref_slice %arg15[%add3A_28, %dma_start3A_99] : memref<5064x128xf32, #tpu.memory_space<vmem_shared>> -> memref<24x128xf32, #tpu.memory_space<vmem_shared>>
      tpu.enqueue_dma source(%arg14 : memref<24x128xf32, #tpu.memory_space<vmem>>) target(%dma_start3A_100 : memref<24x128xf32, #tpu.memory_space<vmem_shared>>) target_semaphore(%run_scoped3A : memref<!tpu.dma_semaphore, #tpu.memory_space<semaphore_mem>>)
      %dma_wait3A_101 = arith.constant 0 : i32
      %dma_wait3A_102 = tpu.memref_slice %arg15[%add3A_28, %dma_wait3A_101] : memref<5064x128xf32, #tpu.memory_space<vmem_shared>> -> memref<24x128xf32, #tpu.memory_space<vmem_shared>>
      %dma_wait3A_103 = arith.constant 0 : i32
      %dma_wait3A_104 = tpu.memref_slice %arg15[%add3A_28, %dma_wait3A_103] : memref<5064x128xf32, #tpu.memory_space<vmem_shared>> -> memref<24x128xf32, #tpu.memory_space<vmem_shared>>
      tpu.wait_dma2 semaphore(%run_scoped3A : memref<!tpu.dma_semaphore, #tpu.memory_space<semaphore_mem>>) src(%arg14 : memref<24x128xf32, #tpu.memory_space<vmem>>) dst(%dma_wait3A_104 : memref<24x128xf32, #tpu.memory_space<vmem_shared>>)
      tpu.yield
    }) : () -> ()
    %mul3A_29 = arith.constant 312 : i32
    %mul3A_30 = arith.muli %arg1, %mul3A_29 : i32
    %add3A_31 = arith.constant 120 : i32
    %add3A_32 = arith.addi %mul3A_30, %add3A_31 : i32
    "tpu.region"() ({
      %run_scoped3A = tpu.sem_alloc : memref<!tpu.dma_semaphore, #tpu.memory_space<semaphore_mem>>
      %dma_start3A_97 = arith.constant 0 : i32
      %dma_start3A_98 = tpu.memref_slice %arg15[%add3A_32, %dma_start3A_97] : memref<5064x128xf32, #tpu.memory_space<vmem_shared>> -> memref<24x128xf32, #tpu.memory_space<vmem_shared>>
      %dma_start3A_99 = arith.constant 0 : i32
      %dma_start3A_100 = tpu.memref_slice %arg15[%add3A_32, %dma_start3A_99] : memref<5064x128xf32, #tpu.memory_space<vmem_shared>> -> memref<24x128xf32, #tpu.memory_space<vmem_shared>>
      tpu.enqueue_dma source(%arg14 : memref<24x128xf32, #tpu.memory_space<vmem>>) target(%dma_start3A_100 : memref<24x128xf32, #tpu.memory_space<vmem_shared>>) target_semaphore(%run_scoped3A : memref<!tpu.dma_semaphore, #tpu.memory_space<semaphore_mem>>)
      %dma_wait3A_101 = arith.constant 0 : i32
      %dma_wait3A_102 = tpu.memref_slice %arg15[%add3A_32, %dma_wait3A_101] : memref<5064x128xf32, #tpu.memory_space<vmem_shared>> -> memref<24x128xf32, #tpu.memory_space<vmem_shared>>
      %dma_wait3A_103 = arith.constant 0 : i32
      %dma_wait3A_104 = tpu.memref_slice %arg15[%add3A_32, %dma_wait3A_103] : memref<5064x128xf32, #tpu.memory_space<vmem_shared>> -> memref<24x128xf32, #tpu.memory_space<vmem_shared>>
      tpu.wait_dma2 semaphore(%run_scoped3A : memref<!tpu.dma_semaphore, #tpu.memory_space<semaphore_mem>>) src(%arg14 : memref<24x128xf32, #tpu.memory_space<vmem>>) dst(%dma_wait3A_104 : memref<24x128xf32, #tpu.memory_space<vmem_shared>>)
      tpu.yield
    }) : () -> ()
    %mul3A_33 = arith.constant 312 : i32
    %mul3A_34 = arith.muli %arg1, %mul3A_33 : i32
    %add3A_35 = arith.constant 144 : i32
    %add3A_36 = arith.addi %mul3A_34, %add3A_35 : i32
    "tpu.region"() ({
      %run_scoped3A = tpu.sem_alloc : memref<!tpu.dma_semaphore, #tpu.memory_space<semaphore_mem>>
      %dma_start3A_97 = arith.constant 0 : i32
      %dma_start3A_98 = tpu.memref_slice %arg15[%add3A_36, %dma_start3A_97] : memref<5064x128xf32, #tpu.memory_space<vmem_shared>> -> memref<24x128xf32, #tpu.memory_space<vmem_shared>>
      %dma_start3A_99 = arith.constant 0 : i32
      %dma_start3A_100 = tpu.memref_slice %arg15[%add3A_36, %dma_start3A_99] : memref<5064x128xf32, #tpu.memory_space<vmem_shared>> -> memref<24x128xf32, #tpu.memory_space<vmem_shared>>
      tpu.enqueue_dma source(%arg14 : memref<24x128xf32, #tpu.memory_space<vmem>>) target(%dma_start3A_100 : memref<24x128xf32, #tpu.memory_space<vmem_shared>>) target_semaphore(%run_scoped3A : memref<!tpu.dma_semaphore, #tpu.memory_space<semaphore_mem>>)
      %dma_wait3A_101 = arith.constant 0 : i32
      %dma_wait3A_102 = tpu.memref_slice %arg15[%add3A_36, %dma_wait3A_101] : memref<5064x128xf32, #tpu.memory_space<vmem_shared>> -> memref<24x128xf32, #tpu.memory_space<vmem_shared>>
      %dma_wait3A_103 = arith.constant 0 : i32
      %dma_wait3A_104 = tpu.memref_slice %arg15[%add3A_36, %dma_wait3A_103] : memref<5064x128xf32, #tpu.memory_space<vmem_shared>> -> memref<24x128xf32, #tpu.memory_space<vmem_shared>>
      tpu.wait_dma2 semaphore(%run_scoped3A : memref<!tpu.dma_semaphore, #tpu.memory_space<semaphore_mem>>) src(%arg14 : memref<24x128xf32, #tpu.memory_space<vmem>>) dst(%dma_wait3A_104 : memref<24x128xf32, #tpu.memory_space<vmem_shared>>)
      tpu.yield
    }) : () -> ()
    %mul3A_37 = arith.constant 312 : i32
    %mul3A_38 = arith.muli %arg1, %mul3A_37 : i32
    %add3A_39 = arith.constant 168 : i32
    %add3A_40 = arith.addi %mul3A_38, %add3A_39 : i32
    "tpu.region"() ({
      %run_scoped3A = tpu.sem_alloc : memref<!tpu.dma_semaphore, #tpu.memory_space<semaphore_mem>>
      %dma_start3A_97 = arith.constant 0 : i32
      %dma_start3A_98 = tpu.memref_slice %arg15[%add3A_40, %dma_start3A_97] : memref<5064x128xf32, #tpu.memory_space<vmem_shared>> -> memref<24x128xf32, #tpu.memory_space<vmem_shared>>
      %dma_start3A_99 = arith.constant 0 : i32
      %dma_start3A_100 = tpu.memref_slice %arg15[%add3A_40, %dma_start3A_99] : memref<5064x128xf32, #tpu.memory_space<vmem_shared>> -> memref<24x128xf32, #tpu.memory_space<vmem_shared>>
      tpu.enqueue_dma source(%arg14 : memref<24x128xf32, #tpu.memory_space<vmem>>) target(%dma_start3A_100 : memref<24x128xf32, #tpu.memory_space<vmem_shared>>) target_semaphore(%run_scoped3A : memref<!tpu.dma_semaphore, #tpu.memory_space<semaphore_mem>>)
      %dma_wait3A_101 = arith.constant 0 : i32
      %dma_wait3A_102 = tpu.memref_slice %arg15[%add3A_40, %dma_wait3A_101] : memref<5064x128xf32, #tpu.memory_space<vmem_shared>> -> memref<24x128xf32, #tpu.memory_space<vmem_shared>>
      %dma_wait3A_103 = arith.constant 0 : i32
      %dma_wait3A_104 = tpu.memref_slice %arg15[%add3A_40, %dma_wait3A_103] : memref<5064x128xf32, #tpu.memory_space<vmem_shared>> -> memref<24x128xf32, #tpu.memory_space<vmem_shared>>
      tpu.wait_dma2 semaphore(%run_scoped3A : memref<!tpu.dma_semaphore, #tpu.memory_space<semaphore_mem>>) src(%arg14 : memref<24x128xf32, #tpu.memory_space<vmem>>) dst(%dma_wait3A_104 : memref<24x128xf32, #tpu.memory_space<vmem_shared>>)
      tpu.yield
    }) : () -> ()
    %mul3A_41 = arith.constant 312 : i32
    %mul3A_42 = arith.muli %arg1, %mul3A_41 : i32
    %add3A_43 = arith.constant 192 : i32
    %add3A_44 = arith.addi %mul3A_42, %add3A_43 : i32
    "tpu.region"() ({
      %run_scoped3A = tpu.sem_alloc : memref<!tpu.dma_semaphore, #tpu.memory_space<semaphore_mem>>
      %dma_start3A_97 = arith.constant 0 : i32
      %dma_start3A_98 = tpu.memref_slice %arg15[%add3A_44, %dma_start3A_97] : memref<5064x128xf32, #tpu.memory_space<vmem_shared>> -> memref<24x128xf32, #tpu.memory_space<vmem_shared>>
      %dma_start3A_99 = arith.constant 0 : i32
      %dma_start3A_100 = tpu.memref_slice %arg15[%add3A_44, %dma_start3A_99] : memref<5064x128xf32, #tpu.memory_space<vmem_shared>> -> memref<24x128xf32, #tpu.memory_space<vmem_shared>>
      tpu.enqueue_dma source(%arg14 : memref<24x128xf32, #tpu.memory_space<vmem>>) target(%dma_start3A_100 : memref<24x128xf32, #tpu.memory_space<vmem_shared>>) target_semaphore(%run_scoped3A : memref<!tpu.dma_semaphore, #tpu.memory_space<semaphore_mem>>)
      %dma_wait3A_101 = arith.constant 0 : i32
      %dma_wait3A_102 = tpu.memref_slice %arg15[%add3A_44, %dma_wait3A_101] : memref<5064x128xf32, #tpu.memory_space<vmem_shared>> -> memref<24x128xf32, #tpu.memory_space<vmem_shared>>
      %dma_wait3A_103 = arith.constant 0 : i32
      %dma_wait3A_104 = tpu.memref_slice %arg15[%add3A_44, %dma_wait3A_103] : memref<5064x128xf32, #tpu.memory_space<vmem_shared>> -> memref<24x128xf32, #tpu.memory_space<vmem_shared>>
      tpu.wait_dma2 semaphore(%run_scoped3A : memref<!tpu.dma_semaphore, #tpu.memory_space<semaphore_mem>>) src(%arg14 : memref<24x128xf32, #tpu.memory_space<vmem>>) dst(%dma_wait3A_104 : memref<24x128xf32, #tpu.memory_space<vmem_shared>>)
      tpu.yield
    }) : () -> ()
    %mul3A_45 = arith.constant 312 : i32
    %mul3A_46 = arith.muli %arg1, %mul3A_45 : i32
    %add3A_47 = arith.constant 216 : i32
    %add3A_48 = arith.addi %mul3A_46, %add3A_47 : i32
    "tpu.region"() ({
      %run_scoped3A = tpu.sem_alloc : memref<!tpu.dma_semaphore, #tpu.memory_space<semaphore_mem>>
      %dma_start3A_97 = arith.constant 0 : i32
      %dma_start3A_98 = tpu.memref_slice %arg15[%add3A_48, %dma_start3A_97] : memref<5064x128xf32, #tpu.memory_space<vmem_shared>> -> memref<24x128xf32, #tpu.memory_space<vmem_shared>>
      %dma_start3A_99 = arith.constant 0 : i32
      %dma_start3A_100 = tpu.memref_slice %arg15[%add3A_48, %dma_start3A_99] : memref<5064x128xf32, #tpu.memory_space<vmem_shared>> -> memref<24x128xf32, #tpu.memory_space<vmem_shared>>
      tpu.enqueue_dma source(%arg14 : memref<24x128xf32, #tpu.memory_space<vmem>>) target(%dma_start3A_100 : memref<24x128xf32, #tpu.memory_space<vmem_shared>>) target_semaphore(%run_scoped3A : memref<!tpu.dma_semaphore, #tpu.memory_space<semaphore_mem>>)
      %dma_wait3A_101 = arith.constant 0 : i32
      %dma_wait3A_102 = tpu.memref_slice %arg15[%add3A_48, %dma_wait3A_101] : memref<5064x128xf32, #tpu.memory_space<vmem_shared>> -> memref<24x128xf32, #tpu.memory_space<vmem_shared>>
      %dma_wait3A_103 = arith.constant 0 : i32
      %dma_wait3A_104 = tpu.memref_slice %arg15[%add3A_48, %dma_wait3A_103] : memref<5064x128xf32, #tpu.memory_space<vmem_shared>> -> memref<24x128xf32, #tpu.memory_space<vmem_shared>>
      tpu.wait_dma2 semaphore(%run_scoped3A : memref<!tpu.dma_semaphore, #tpu.memory_space<semaphore_mem>>) src(%arg14 : memref<24x128xf32, #tpu.memory_space<vmem>>) dst(%dma_wait3A_104 : memref<24x128xf32, #tpu.memory_space<vmem_shared>>)
      tpu.yield
    }) : () -> ()
    %mul3A_49 = arith.constant 312 : i32
    %mul3A_50 = arith.muli %arg1, %mul3A_49 : i32
    %add3A_51 = arith.constant 240 : i32
    %add3A_52 = arith.addi %mul3A_50, %add3A_51 : i32
    "tpu.region"() ({
      %run_scoped3A = tpu.sem_alloc : memref<!tpu.dma_semaphore, #tpu.memory_space<semaphore_mem>>
      %dma_start3A_97 = arith.constant 0 : i32
      %dma_start3A_98 = tpu.memref_slice %arg15[%add3A_52, %dma_start3A_97] : memref<5064x128xf32, #tpu.memory_space<vmem_shared>> -> memref<24x128xf32, #tpu.memory_space<vmem_shared>>
      %dma_start3A_99 = arith.constant 0 : i32
      %dma_start3A_100 = tpu.memref_slice %arg15[%add3A_52, %dma_start3A_99] : memref<5064x128xf32, #tpu.memory_space<vmem_shared>> -> memref<24x128xf32, #tpu.memory_space<vmem_shared>>
      tpu.enqueue_dma source(%arg14 : memref<24x128xf32, #tpu.memory_space<vmem>>) target(%dma_start3A_100 : memref<24x128xf32, #tpu.memory_space<vmem_shared>>) target_semaphore(%run_scoped3A : memref<!tpu.dma_semaphore, #tpu.memory_space<semaphore_mem>>)
      %dma_wait3A_101 = arith.constant 0 : i32
      %dma_wait3A_102 = tpu.memref_slice %arg15[%add3A_52, %dma_wait3A_101] : memref<5064x128xf32, #tpu.memory_space<vmem_shared>> -> memref<24x128xf32, #tpu.memory_space<vmem_shared>>
      %dma_wait3A_103 = arith.constant 0 : i32
      %dma_wait3A_104 = tpu.memref_slice %arg15[%add3A_52, %dma_wait3A_103] : memref<5064x128xf32, #tpu.memory_space<vmem_shared>> -> memref<24x128xf32, #tpu.memory_space<vmem_shared>>
      tpu.wait_dma2 semaphore(%run_scoped3A : memref<!tpu.dma_semaphore, #tpu.memory_space<semaphore_mem>>) src(%arg14 : memref<24x128xf32, #tpu.memory_space<vmem>>) dst(%dma_wait3A_104 : memref<24x128xf32, #tpu.memory_space<vmem_shared>>)
      tpu.yield
    }) : () -> ()
    %mul3A_53 = arith.constant 312 : i32
    %mul3A_54 = arith.muli %arg1, %mul3A_53 : i32
    %add3A_55 = arith.constant 264 : i32
    %add3A_56 = arith.addi %mul3A_54, %add3A_55 : i32
    "tpu.region"() ({
      %run_scoped3A = tpu.sem_alloc : memref<!tpu.dma_semaphore, #tpu.memory_space<semaphore_mem>>
      %dma_start3A_97 = arith.constant 0 : i32
      %dma_start3A_98 = tpu.memref_slice %arg15[%add3A_56, %dma_start3A_97] : memref<5064x128xf32, #tpu.memory_space<vmem_shared>> -> memref<24x128xf32, #tpu.memory_space<vmem_shared>>
      %dma_start3A_99 = arith.constant 0 : i32
      %dma_start3A_100 = tpu.memref_slice %arg15[%add3A_56, %dma_start3A_99] : memref<5064x128xf32, #tpu.memory_space<vmem_shared>> -> memref<24x128xf32, #tpu.memory_space<vmem_shared>>
      tpu.enqueue_dma source(%arg14 : memref<24x128xf32, #tpu.memory_space<vmem>>) target(%dma_start3A_100 : memref<24x128xf32, #tpu.memory_space<vmem_shared>>) target_semaphore(%run_scoped3A : memref<!tpu.dma_semaphore, #tpu.memory_space<semaphore_mem>>)
      %dma_wait3A_101 = arith.constant 0 : i32
      %dma_wait3A_102 = tpu.memref_slice %arg15[%add3A_56, %dma_wait3A_101] : memref<5064x128xf32, #tpu.memory_space<vmem_shared>> -> memref<24x128xf32, #tpu.memory_space<vmem_shared>>
      %dma_wait3A_103 = arith.constant 0 : i32
      %dma_wait3A_104 = tpu.memref_slice %arg15[%add3A_56, %dma_wait3A_103] : memref<5064x128xf32, #tpu.memory_space<vmem_shared>> -> memref<24x128xf32, #tpu.memory_space<vmem_shared>>
      tpu.wait_dma2 semaphore(%run_scoped3A : memref<!tpu.dma_semaphore, #tpu.memory_space<semaphore_mem>>) src(%arg14 : memref<24x128xf32, #tpu.memory_space<vmem>>) dst(%dma_wait3A_104 : memref<24x128xf32, #tpu.memory_space<vmem_shared>>)
      tpu.yield
    }) : () -> ()
    %mul3A_57 = arith.constant 312 : i32
    %mul3A_58 = arith.muli %arg1, %mul3A_57 : i32
    %add3A_59 = arith.constant 288 : i32
    %add3A_60 = arith.addi %mul3A_58, %add3A_59 : i32
    "tpu.region"() ({
      %run_scoped3A = tpu.sem_alloc : memref<!tpu.dma_semaphore, #tpu.memory_space<semaphore_mem>>
      %dma_start3A_97 = arith.constant 0 : i32
      %dma_start3A_98 = tpu.memref_slice %arg15[%add3A_60, %dma_start3A_97] : memref<5064x128xf32, #tpu.memory_space<vmem_shared>> -> memref<24x128xf32, #tpu.memory_space<vmem_shared>>
      %dma_start3A_99 = arith.constant 0 : i32
      %dma_start3A_100 = tpu.memref_slice %arg15[%add3A_60, %dma_start3A_99] : memref<5064x128xf32, #tpu.memory_space<vmem_shared>> -> memref<24x128xf32, #tpu.memory_space<vmem_shared>>
      tpu.enqueue_dma source(%arg14 : memref<24x128xf32, #tpu.memory_space<vmem>>) target(%dma_start3A_100 : memref<24x128xf32, #tpu.memory_space<vmem_shared>>) target_semaphore(%run_scoped3A : memref<!tpu.dma_semaphore, #tpu.memory_space<semaphore_mem>>)
      %dma_wait3A_101 = arith.constant 0 : i32
      %dma_wait3A_102 = tpu.memref_slice %arg15[%add3A_60, %dma_wait3A_101] : memref<5064x128xf32, #tpu.memory_space<vmem_shared>> -> memref<24x128xf32, #tpu.memory_space<vmem_shared>>
      %dma_wait3A_103 = arith.constant 0 : i32
      %dma_wait3A_104 = tpu.memref_slice %arg15[%add3A_60, %dma_wait3A_103] : memref<5064x128xf32, #tpu.memory_space<vmem_shared>> -> memref<24x128xf32, #tpu.memory_space<vmem_shared>>
      tpu.wait_dma2 semaphore(%run_scoped3A : memref<!tpu.dma_semaphore, #tpu.memory_space<semaphore_mem>>) src(%arg14 : memref<24x128xf32, #tpu.memory_space<vmem>>) dst(%dma_wait3A_104 : memref<24x128xf32, #tpu.memory_space<vmem_shared>>)
      tpu.yield
    }) : () -> ()
    %eq3A = arith.constant 15 : i32
    %eq3A_61 = arith.cmpi eq, %arg1, %eq3A : i32
    %convert_element_type3A = arith.extui %eq3A_61 : i1 to i32
    %cond3A = arith.constant 0 : i32
    %cond3A_62 = arith.cmpi ne, %convert_element_type3A, %cond3A : i32
    scf.if %cond3A_62 {
      "tpu.region"() ({
        %run_scoped3A = tpu.sem_alloc : memref<!tpu.dma_semaphore, #tpu.memory_space<semaphore_mem>>
        %dma_start3A_97 = arith.constant 0 : i32
        %dma_start3A_98 = arith.constant 0 : i32
        %dma_start3A_99 = tpu.memref_slice %arg14[%dma_start3A_97, %dma_start3A_98] : memref<24x128xf32, #tpu.memory_space<vmem>> -> memref<24x128xf32, #tpu.memory_space<vmem>>
        %dma_start3A_100 = arith.constant 4992 : i32
        %dma_start3A_101 = arith.constant 0 : i32
        %dma_start3A_102 = tpu.memref_slice %arg15[%dma_start3A_100, %dma_start3A_101] : memref<5064x128xf32, #tpu.memory_space<vmem_shared>> -> memref<24x128xf32, #tpu.memory_space<vmem_shared>>
        %dma_start3A_103 = arith.constant 4992 : i32
        %dma_start3A_104 = arith.constant 0 : i32
        %dma_start3A_105 = tpu.memref_slice %arg15[%dma_start3A_103, %dma_start3A_104] : memref<5064x128xf32, #tpu.memory_space<vmem_shared>> -> memref<24x128xf32, #tpu.memory_space<vmem_shared>>
        %dma_start3A_106 = arith.constant 0 : i32
        %dma_start3A_107 = arith.constant 0 : i32
        %dma_start3A_108 = tpu.memref_slice %arg14[%dma_start3A_106, %dma_start3A_107] : memref<24x128xf32, #tpu.memory_space<vmem>> -> memref<24x128xf32, #tpu.memory_space<vmem>>
        tpu.enqueue_dma source(%dma_start3A_108 : memref<24x128xf32, #tpu.memory_space<vmem>>) target(%dma_start3A_105 : memref<24x128xf32, #tpu.memory_space<vmem_shared>>) target_semaphore(%run_scoped3A : memref<!tpu.dma_semaphore, #tpu.memory_space<semaphore_mem>>)
        %dma_wait3A_109 = arith.constant 0 : i32
        %dma_wait3A_110 = arith.constant 0 : i32
        %dma_wait3A_111 = tpu.memref_slice %arg14[%dma_wait3A_109, %dma_wait3A_110] : memref<24x128xf32, #tpu.memory_space<vmem>> -> memref<24x128xf32, #tpu.memory_space<vmem>>
        %dma_wait3A_112 = arith.constant 4992 : i32
        %dma_wait3A_113 = arith.constant 0 : i32
        %dma_wait3A_114 = tpu.memref_slice %arg15[%dma_wait3A_112, %dma_wait3A_113] : memref<5064x128xf32, #tpu.memory_space<vmem_shared>> -> memref<24x128xf32, #tpu.memory_space<vmem_shared>>
        %dma_wait3A_115 = arith.constant 4992 : i32
        %dma_wait3A_116 = arith.constant 0 : i32
        %dma_wait3A_117 = tpu.memref_slice %arg15[%dma_wait3A_115, %dma_wait3A_116] : memref<5064x128xf32, #tpu.memory_space<vmem_shared>> -> memref<24x128xf32, #tpu.memory_space<vmem_shared>>
        %dma_wait3A_118 = arith.constant 0 : i32
        %dma_wait3A_119 = arith.constant 0 : i32
        %dma_wait3A_120 = tpu.memref_slice %arg14[%dma_wait3A_118, %dma_wait3A_119] : memref<24x128xf32, #tpu.memory_space<vmem>> -> memref<24x128xf32, #tpu.memory_space<vmem>>
        tpu.wait_dma2 semaphore(%run_scoped3A : memref<!tpu.dma_semaphore, #tpu.memory_space<semaphore_mem>>) src(%dma_wait3A_120 : memref<24x128xf32, #tpu.memory_space<vmem>>) dst(%dma_wait3A_117 : memref<24x128xf32, #tpu.memory_space<vmem_shared>>)
        tpu.yield
      }) : () -> ()
      "tpu.region"() ({
        %run_scoped3A = tpu.sem_alloc : memref<!tpu.dma_semaphore, #tpu.memory_space<semaphore_mem>>
        %dma_start3A_97 = arith.constant 0 : i32
        %dma_start3A_98 = arith.constant 0 : i32
        %dma_start3A_99 = tpu.memref_slice %arg14[%dma_start3A_97, %dma_start3A_98] : memref<24x128xf32, #tpu.memory_space<vmem>> -> memref<24x128xf32, #tpu.memory_space<vmem>>
        %dma_start3A_100 = arith.constant 5016 : i32
        %dma_start3A_101 = arith.constant 0 : i32
        %dma_start3A_102 = tpu.memref_slice %arg15[%dma_start3A_100, %dma_start3A_101] : memref<5064x128xf32, #tpu.memory_space<vmem_shared>> -> memref<24x128xf32, #tpu.memory_space<vmem_shared>>
        %dma_start3A_103 = arith.constant 5016 : i32
        %dma_start3A_104 = arith.constant 0 : i32
        %dma_start3A_105 = tpu.memref_slice %arg15[%dma_start3A_103, %dma_start3A_104] : memref<5064x128xf32, #tpu.memory_space<vmem_shared>> -> memref<24x128xf32, #tpu.memory_space<vmem_shared>>
        %dma_start3A_106 = arith.constant 0 : i32
        %dma_start3A_107 = arith.constant 0 : i32
        %dma_start3A_108 = tpu.memref_slice %arg14[%dma_start3A_106, %dma_start3A_107] : memref<24x128xf32, #tpu.memory_space<vmem>> -> memref<24x128xf32, #tpu.memory_space<vmem>>
        tpu.enqueue_dma source(%dma_start3A_108 : memref<24x128xf32, #tpu.memory_space<vmem>>) target(%dma_start3A_105 : memref<24x128xf32, #tpu.memory_space<vmem_shared>>) target_semaphore(%run_scoped3A : memref<!tpu.dma_semaphore, #tpu.memory_space<semaphore_mem>>)
        %dma_wait3A_109 = arith.constant 0 : i32
        %dma_wait3A_110 = arith.constant 0 : i32
        %dma_wait3A_111 = tpu.memref_slice %arg14[%dma_wait3A_109, %dma_wait3A_110] : memref<24x128xf32, #tpu.memory_space<vmem>> -> memref<24x128xf32, #tpu.memory_space<vmem>>
        %dma_wait3A_112 = arith.constant 5016 : i32
        %dma_wait3A_113 = arith.constant 0 : i32
        %dma_wait3A_114 = tpu.memref_slice %arg15[%dma_wait3A_112, %dma_wait3A_113] : memref<5064x128xf32, #tpu.memory_space<vmem_shared>> -> memref<24x128xf32, #tpu.memory_space<vmem_shared>>
        %dma_wait3A_115 = arith.constant 5016 : i32
        %dma_wait3A_116 = arith.constant 0 : i32
        %dma_wait3A_117 = tpu.memref_slice %arg15[%dma_wait3A_115, %dma_wait3A_116] : memref<5064x128xf32, #tpu.memory_space<vmem_shared>> -> memref<24x128xf32, #tpu.memory_space<vmem_shared>>
        %dma_wait3A_118 = arith.constant 0 : i32
        %dma_wait3A_119 = arith.constant 0 : i32
        %dma_wait3A_120 = tpu.memref_slice %arg14[%dma_wait3A_118, %dma_wait3A_119] : memref<24x128xf32, #tpu.memory_space<vmem>> -> memref<24x128xf32, #tpu.memory_space<vmem>>
        tpu.wait_dma2 semaphore(%run_scoped3A : memref<!tpu.dma_semaphore, #tpu.memory_space<semaphore_mem>>) src(%dma_wait3A_120 : memref<24x128xf32, #tpu.memory_space<vmem>>) dst(%dma_wait3A_117 : memref<24x128xf32, #tpu.memory_space<vmem_shared>>)
        tpu.yield
      }) : () -> ()
      "tpu.region"() ({
        %run_scoped3A = tpu.sem_alloc : memref<!tpu.dma_semaphore, #tpu.memory_space<semaphore_mem>>
        %dma_start3A_97 = arith.constant 0 : i32
        %dma_start3A_98 = arith.constant 0 : i32
        %dma_start3A_99 = tpu.memref_slice %arg14[%dma_start3A_97, %dma_start3A_98] : memref<24x128xf32, #tpu.memory_space<vmem>> -> memref<24x128xf32, #tpu.memory_space<vmem>>
        %dma_start3A_100 = arith.constant 5040 : i32
        %dma_start3A_101 = arith.constant 0 : i32
        %dma_start3A_102 = tpu.memref_slice %arg15[%dma_start3A_100, %dma_start3A_101] : memref<5064x128xf32, #tpu.memory_space<vmem_shared>> -> memref<24x128xf32, #tpu.memory_space<vmem_shared>>
        %dma_start3A_103 = arith.constant 5040 : i32
        %dma_start3A_104 = arith.constant 0 : i32
        %dma_start3A_105 = tpu.memref_slice %arg15[%dma_start3A_103, %dma_start3A_104] : memref<5064x128xf32, #tpu.memory_space<vmem_shared>> -> memref<24x128xf32, #tpu.memory_space<vmem_shared>>
        %dma_start3A_106 = arith.constant 0 : i32
        %dma_start3A_107 = arith.constant 0 : i32
        %dma_start3A_108 = tpu.memref_slice %arg14[%dma_start3A_106, %dma_start3A_107] : memref<24x128xf32, #tpu.memory_space<vmem>> -> memref<24x128xf32, #tpu.memory_space<vmem>>
        tpu.enqueue_dma source(%dma_start3A_108 : memref<24x128xf32, #tpu.memory_space<vmem>>) target(%dma_start3A_105 : memref<24x128xf32, #tpu.memory_space<vmem_shared>>) target_semaphore(%run_scoped3A : memref<!tpu.dma_semaphore, #tpu.memory_space<semaphore_mem>>)
        %dma_wait3A_109 = arith.constant 0 : i32
        %dma_wait3A_110 = arith.constant 0 : i32
        %dma_wait3A_111 = tpu.memref_slice %arg14[%dma_wait3A_109, %dma_wait3A_110] : memref<24x128xf32, #tpu.memory_space<vmem>> -> memref<24x128xf32, #tpu.memory_space<vmem>>
        %dma_wait3A_112 = arith.constant 5040 : i32
        %dma_wait3A_113 = arith.constant 0 : i32
        %dma_wait3A_114 = tpu.memref_slice %arg15[%dma_wait3A_112, %dma_wait3A_113] : memref<5064x128xf32, #tpu.memory_space<vmem_shared>> -> memref<24x128xf32, #tpu.memory_space<vmem_shared>>
        %dma_wait3A_115 = arith.constant 5040 : i32
        %dma_wait3A_116 = arith.constant 0 : i32
        %dma_wait3A_117 = tpu.memref_slice %arg15[%dma_wait3A_115, %dma_wait3A_116] : memref<5064x128xf32, #tpu.memory_space<vmem_shared>> -> memref<24x128xf32, #tpu.memory_space<vmem_shared>>
        %dma_wait3A_118 = arith.constant 0 : i32
        %dma_wait3A_119 = arith.constant 0 : i32
        %dma_wait3A_120 = tpu.memref_slice %arg14[%dma_wait3A_118, %dma_wait3A_119] : memref<24x128xf32, #tpu.memory_space<vmem>> -> memref<24x128xf32, #tpu.memory_space<vmem>>
        tpu.wait_dma2 semaphore(%run_scoped3A : memref<!tpu.dma_semaphore, #tpu.memory_space<semaphore_mem>>) src(%dma_wait3A_120 : memref<24x128xf32, #tpu.memory_space<vmem>>) dst(%dma_wait3A_117 : memref<24x128xf32, #tpu.memory_space<vmem_shared>>)
        tpu.yield
      }) : () -> ()
    } else {
    }
    %barrier3A = arith.constant 0 : index
    tpu.barrier barrier_id(%barrier3A)
    "tpu.region"() ({
      %run_scoped3A = tpu.sem_alloc : memref<!tpu.dma_semaphore, #tpu.memory_space<semaphore_mem>>
      %dma_start3A_97 = tpu.memref_slice %arg3[%mul3A_2] : memref<320000xi32, #tpu.memory_space<hbm>> -> memref<80xi32, #tpu.memory_space<hbm>>
      %dma_start3A_98 = tpu.memref_slice %arg3[%mul3A_2] : memref<320000xi32, #tpu.memory_space<hbm>> -> memref<80xi32, #tpu.memory_space<hbm>>
      tpu.enqueue_dma source(%dma_start3A_98 : memref<80xi32, #tpu.memory_space<hbm>>) target(%arg6 : memref<80xi32, #tpu.memory_space<vmem>>) target_semaphore(%run_scoped3A : memref<!tpu.dma_semaphore, #tpu.memory_space<semaphore_mem>>)
      %dma_wait3A_99 = tpu.memref_slice %arg3[%mul3A_2] : memref<320000xi32, #tpu.memory_space<hbm>> -> memref<80xi32, #tpu.memory_space<hbm>>
      %dma_wait3A_100 = tpu.memref_slice %arg3[%mul3A_2] : memref<320000xi32, #tpu.memory_space<hbm>> -> memref<80xi32, #tpu.memory_space<hbm>>
      tpu.wait_dma2 semaphore(%run_scoped3A : memref<!tpu.dma_semaphore, #tpu.memory_space<semaphore_mem>>) src(%dma_wait3A_100 : memref<80xi32, #tpu.memory_space<hbm>>) dst(%arg6 : memref<80xi32, #tpu.memory_space<vmem>>)
      tpu.yield
    }) : () -> ()
    "tpu.region"() ({
      %run_scoped3A = tpu.sem_alloc : memref<!tpu.dma_semaphore, #tpu.memory_space<semaphore_mem>>
      %dma_start3A_97 = tpu.memref_slice %arg4[%mul3A_2] : memref<320000xi32, #tpu.memory_space<hbm>> -> memref<80xi32, #tpu.memory_space<hbm>>
      %dma_start3A_98 = tpu.memref_slice %arg4[%mul3A_2] : memref<320000xi32, #tpu.memory_space<hbm>> -> memref<80xi32, #tpu.memory_space<hbm>>
      tpu.enqueue_dma source(%dma_start3A_98 : memref<80xi32, #tpu.memory_space<hbm>>) target(%arg8 : memref<80xi32, #tpu.memory_space<vmem>>) target_semaphore(%run_scoped3A : memref<!tpu.dma_semaphore, #tpu.memory_space<semaphore_mem>>)
      %dma_wait3A_99 = tpu.memref_slice %arg4[%mul3A_2] : memref<320000xi32, #tpu.memory_space<hbm>> -> memref<80xi32, #tpu.memory_space<hbm>>
      %dma_wait3A_100 = tpu.memref_slice %arg4[%mul3A_2] : memref<320000xi32, #tpu.memory_space<hbm>> -> memref<80xi32, #tpu.memory_space<hbm>>
      tpu.wait_dma2 semaphore(%run_scoped3A : memref<!tpu.dma_semaphore, #tpu.memory_space<semaphore_mem>>) src(%dma_wait3A_100 : memref<80xi32, #tpu.memory_space<hbm>>) dst(%arg8 : memref<80xi32, #tpu.memory_space<vmem>>)
      tpu.yield
    }) : () -> ()
    %dma_start3A = arith.constant 0 : i32
    %dma_start3A_63 = arith.constant 0 : i32
    %dma_start3A_64 = tpu.memref_slice %arg2[%dma_start3A, %dma_start3A_63] : memref<10000x128xf32, #tpu.memory_space<hbm>> -> memref<10000x128xf32, #tpu.memory_space<hbm>>
    tpu.enqueue_indirect_dma source(%dma_start3A_64 : memref<10000x128xf32, #tpu.memory_space<hbm>>) target(%arg12 : memref<80x128xf32, #tpu.memory_space<vmem>>) offsets(%arg6 : memref<80xi32, #tpu.memory_space<vmem>>) semaphore(%arg16 : memref<!tpu.dma_semaphore, #tpu.memory_space<semaphore_mem>>)
    %add3A_65 = arith.constant 80 : i32
    %add3A_66 = arith.addi %mul3A_2, %add3A_65 : i32
    %dma_start3A_67 = tpu.memref_slice %arg3[%add3A_66] : memref<320000xi32, #tpu.memory_space<hbm>> -> memref<80xi32, #tpu.memory_space<hbm>>
    %dma_start3A_68 = tpu.memref_slice %arg3[%add3A_66] : memref<320000xi32, #tpu.memory_space<hbm>> -> memref<80xi32, #tpu.memory_space<hbm>>
    tpu.enqueue_dma source(%dma_start3A_68 : memref<80xi32, #tpu.memory_space<hbm>>) target(%arg7 : memref<80xi32, #tpu.memory_space<vmem>>) target_semaphore(%arg19 : memref<!tpu.dma_semaphore, #tpu.memory_space<semaphore_mem>>)
    %add3A_69 = arith.constant 80 : i32
    %add3A_70 = arith.addi %mul3A_2, %add3A_69 : i32
    %dma_start3A_71 = tpu.memref_slice %arg4[%add3A_70] : memref<320000xi32, #tpu.memory_space<hbm>> -> memref<80xi32, #tpu.memory_space<hbm>>
    %dma_start3A_72 = tpu.memref_slice %arg4[%add3A_70] : memref<320000xi32, #tpu.memory_space<hbm>> -> memref<80xi32, #tpu.memory_space<hbm>>
    tpu.enqueue_dma source(%dma_start3A_72 : memref<80xi32, #tpu.memory_space<hbm>>) target(%arg9 : memref<80xi32, #tpu.memory_space<vmem>>) target_semaphore(%arg21 : memref<!tpu.dma_semaphore, #tpu.memory_space<semaphore_mem>>)
    %scan3A_73 = arith.constant 0 : i32
    %scan3A_74 = arith.constant 0 : i32
    %scan3A_75 = arith.constant 125 : i32
    %scan3A_76 = arith.addi %scan3A_74, %scan3A_75 : i32
    %scan3A_77 = arith.constant 1 : i32
    %scan3A_78 = scf.for %scan3A_97 = %scan3A_74 to %scan3A_76 step %scan3A_77 iter_args(%scan3A_98 = %scan3A_73) -> (i32)  : i32 {
      %mul3A_99 = arith.constant 2 : i32
      %mul3A_100 = arith.muli %mul3A_99, %scan3A_97 : i32
      %add3A_101 = arith.constant 0 : i32
      %add3A_102 = arith.addi %mul3A_100, %add3A_101 : i32
      %add3A_103 = arith.constant 1 : i32
      %add3A_104 = arith.addi %add3A_102, %add3A_103 : i32
      %min3A = arith.constant 249 : i32
      %min3A_105 = arith.minsi %add3A_104, %min3A : i32
      %add3A_106 = arith.constant 2 : i32
      %add3A_107 = arith.addi %add3A_102, %add3A_106 : i32
      %min3A_108 = arith.constant 249 : i32
      %min3A_109 = arith.minsi %add3A_107, %min3A_108 : i32
      %mul3A_110 = arith.constant 80 : i32
      %mul3A_111 = arith.muli %min3A_105, %mul3A_110 : i32
      %add3A_112 = arith.addi %mul3A_2, %mul3A_111 : i32
      %dma_wait3A_113 = tpu.memref_slice %arg3[%add3A_112] : memref<320000xi32, #tpu.memory_space<hbm>> -> memref<80xi32, #tpu.memory_space<hbm>>
      %dma_wait3A_114 = tpu.memref_slice %arg3[%add3A_112] : memref<320000xi32, #tpu.memory_space<hbm>> -> memref<80xi32, #tpu.memory_space<hbm>>
      tpu.wait_dma2 semaphore(%arg19 : memref<!tpu.dma_semaphore, #tpu.memory_space<semaphore_mem>>) src(%dma_wait3A_114 : memref<80xi32, #tpu.memory_space<hbm>>) dst(%arg7 : memref<80xi32, #tpu.memory_space<vmem>>)
      %mul3A_115 = arith.constant 80 : i32
      %mul3A_116 = arith.muli %min3A_105, %mul3A_115 : i32
      %add3A_117 = arith.addi %mul3A_2, %mul3A_116 : i32
      %dma_wait3A_118 = tpu.memref_slice %arg4[%add3A_117] : memref<320000xi32, #tpu.memory_space<hbm>> -> memref<80xi32, #tpu.memory_space<hbm>>
      %dma_wait3A_119 = tpu.memref_slice %arg4[%add3A_117] : memref<320000xi32, #tpu.memory_space<hbm>> -> memref<80xi32, #tpu.memory_space<hbm>>
      tpu.wait_dma2 semaphore(%arg21 : memref<!tpu.dma_semaphore, #tpu.memory_space<semaphore_mem>>) src(%dma_wait3A_119 : memref<80xi32, #tpu.memory_space<hbm>>) dst(%arg9 : memref<80xi32, #tpu.memory_space<vmem>>)
      %dma_start3A_120 = arith.constant 0 : i32
      %dma_start3A_121 = arith.constant 0 : i32
      %dma_start3A_122 = tpu.memref_slice %arg2[%dma_start3A_120, %dma_start3A_121] : memref<10000x128xf32, #tpu.memory_space<hbm>> -> memref<10000x128xf32, #tpu.memory_space<hbm>>
      tpu.enqueue_indirect_dma source(%dma_start3A_122 : memref<10000x128xf32, #tpu.memory_space<hbm>>) target(%arg13 : memref<80x128xf32, #tpu.memory_space<vmem>>) offsets(%arg7 : memref<80xi32, #tpu.memory_space<vmem>>) semaphore(%arg17 : memref<!tpu.dma_semaphore, #tpu.memory_space<semaphore_mem>>)
      %dma_wait3A_123 = arith.constant 0 : i32
      %dma_wait3A_124 = arith.constant 0 : i32
      %dma_wait3A_125 = tpu.memref_slice %arg2[%dma_wait3A_123, %dma_wait3A_124] : memref<10000x128xf32, #tpu.memory_space<hbm>> -> memref<10000x128xf32, #tpu.memory_space<hbm>>
      tpu.wait_indirect_dma semaphore(%arg16 : memref<!tpu.dma_semaphore, #tpu.memory_space<semaphore_mem>>) src(%dma_wait3A_125 : memref<10000x128xf32, #tpu.memory_space<hbm>>) dst(%arg12 : memref<80x128xf32, #tpu.memory_space<vmem>>)
      %scan3A_126 = arith.constant 0 : i32
      %scan3A_127 = arith.constant 0 : i32
      %scan3A_128 = arith.constant 5 : i32
      %scan3A_129 = arith.addi %scan3A_127, %scan3A_128 : i32
      %scan3A_130 = arith.constant 1 : i32
      %scan3A_131 = scf.for %scan3A_189 = %scan3A_127 to %scan3A_129 step %scan3A_130 iter_args(%scan3A_190 = %scan3A_126) -> (i32)  : i32 {
        %mul3A_191 = arith.constant 16 : i32
        %mul3A_192 = arith.muli %scan3A_189, %mul3A_191 : i32
        %get3A = arith.index_cast %mul3A_192 : i32 to index
        %get3A_193 = tpu.vector_load %arg8[%get3A] {strides = array<i32>} : memref<80xi32, #tpu.memory_space<vmem>>, vector<16xi32>,
        %get3A_194 = vector.shape_cast %get3A_193 : vector<16xi32> to vector<16xi32>
        %sub3A = vector.broadcast %mul3A_0 : i32 to vector<16xi32>
        %sub3A_195 = arith.subi %get3A_194, %sub3A : vector<16xi32>
        %ge3A = arith.constant 0 : i32
        %ge3A_196 = vector.broadcast %ge3A : i32 to vector<16xi32>
        %ge3A_197 = arith.cmpi sge, %sub3A_195, %ge3A_196 : vector<16xi32>
        %lt3A = arith.constant 5000 : i32
        %lt3A_198 = vector.broadcast %lt3A : i32 to vector<16xi32>
        %lt3A_199 = arith.cmpi slt, %sub3A_195, %lt3A_198 : vector<16xi32>
        %and3A = arith.andi %ge3A_197, %lt3A_199 : vector<16xi1>
        %and3A_200 = arith.constant 63 : i32
        %and3A_201 = vector.broadcast %and3A_200 : i32 to vector<16xi32>
        %and3A_202 = arith.andi %sub3A_195, %and3A_201 : vector<16xi32>
        %add3A_203 = arith.constant 5000 : i32
        %add3A_204 = vector.broadcast %add3A_203 : i32 to vector<16xi32>
        %add3A_205 = arith.addi %add3A_204, %and3A_202 : vector<16xi32>
        %select_n3A = arith.select %and3A, %sub3A_195, %add3A_205 : vector<16xi1>, vector<16xi32>
        %mul3A_206 = arith.constant 16 : i32
        %mul3A_207 = arith.muli %scan3A_189, %mul3A_206 : i32
        %swap3A = arith.index_cast %mul3A_207 : i32 to index
        %swap3A_208 = tpu.vector_load %arg10[%swap3A] {strides = array<i32>} : memref<80xi32, #tpu.memory_space<vmem>>, vector<16xi32>,
        %swap3A_209 = vector.shape_cast %swap3A_208 : vector<16xi32> to vector<16xi32>
        %swap3A_210 = vector.shape_cast %select_n3A : vector<16xi32> to vector<16xi32>
        tpu.vector_store %arg10[%swap3A], %swap3A_210 {strides = array<i32>} : memref<80xi32, #tpu.memory_space<vmem>>, vector<16xi32>,
        %scan3A_211 = arith.constant 0 : i32
        scf.yield %scan3A_211 : i32
      }
      %scan3A_132 = arith.constant 5 : i32
      %mul3A_133 = arith.constant 80 : i32
      %mul3A_134 = arith.muli %min3A_109, %mul3A_133 : i32
      %add3A_135 = arith.addi %mul3A_2, %mul3A_134 : i32
      %dma_start3A_136 = tpu.memref_slice %arg3[%add3A_135] : memref<320000xi32, #tpu.memory_space<hbm>> -> memref<80xi32, #tpu.memory_space<hbm>>
      %dma_start3A_137 = tpu.memref_slice %arg3[%add3A_135] : memref<320000xi32, #tpu.memory_space<hbm>> -> memref<80xi32, #tpu.memory_space<hbm>>
      tpu.enqueue_dma source(%dma_start3A_137 : memref<80xi32, #tpu.memory_space<hbm>>) target(%arg6 : memref<80xi32, #tpu.memory_space<vmem>>) target_semaphore(%arg18 : memref<!tpu.dma_semaphore, #tpu.memory_space<semaphore_mem>>)
      %mul3A_138 = arith.constant 80 : i32
      %mul3A_139 = arith.muli %min3A_109, %mul3A_138 : i32
      %add3A_140 = arith.addi %mul3A_2, %mul3A_139 : i32
      %dma_start3A_141 = tpu.memref_slice %arg4[%add3A_140] : memref<320000xi32, #tpu.memory_space<hbm>> -> memref<80xi32, #tpu.memory_space<hbm>>
      %dma_start3A_142 = tpu.memref_slice %arg4[%add3A_140] : memref<320000xi32, #tpu.memory_space<hbm>> -> memref<80xi32, #tpu.memory_space<hbm>>
      tpu.enqueue_dma source(%dma_start3A_142 : memref<80xi32, #tpu.memory_space<hbm>>) target(%arg8 : memref<80xi32, #tpu.memory_space<vmem>>) target_semaphore(%arg20 : memref<!tpu.dma_semaphore, #tpu.memory_space<semaphore_mem>>)
      "tpu.region"() ({
        %run_scoped3A = tpu.sem_alloc : memref<!tpu.dma_semaphore, #tpu.memory_space<semaphore_mem>>
        %dma_start3A_189 = arith.constant 0 : i32
        %dma_start3A_190 = arith.constant 0 : i32
        %dma_start3A_191 = tpu.memref_slice %arg15[%dma_start3A_189, %dma_start3A_190] : memref<5064x128xf32, #tpu.memory_space<vmem_shared>> -> memref<5064x128xf32, #tpu.memory_space<vmem_shared>>
        tpu.enqueue_indirect_dma source(%arg12 : memref<80x128xf32, #tpu.memory_space<vmem>>) target(%dma_start3A_191 : memref<5064x128xf32, #tpu.memory_space<vmem_shared>>) offsets(%arg10 : memref<80xi32, #tpu.memory_space<vmem>>) semaphore(%run_scoped3A : memref<!tpu.dma_semaphore, #tpu.memory_space<semaphore_mem>>) {add = true}
        %dma_wait3A_192 = arith.constant 0 : i32
        %dma_wait3A_193 = arith.constant 0 : i32
        %dma_wait3A_194 = tpu.memref_slice %arg15[%dma_wait3A_192, %dma_wait3A_193] : memref<5064x128xf32, #tpu.memory_space<vmem_shared>> -> memref<5064x128xf32, #tpu.memory_space<vmem_shared>>
        tpu.wait_indirect_dma semaphore(%run_scoped3A : memref<!tpu.dma_semaphore, #tpu.memory_space<semaphore_mem>>) src(%arg12 : memref<80x128xf32, #tpu.memory_space<vmem>>) dst(%dma_wait3A_194 : memref<5064x128xf32, #tpu.memory_space<vmem_shared>>)
        tpu.yield
      }) : () -> ()
      %mul3A_143 = arith.constant 2 : i32
      %mul3A_144 = arith.muli %mul3A_143, %scan3A_97 : i32
      %add3A_145 = arith.constant 1 : i32
      %add3A_146 = arith.addi %mul3A_144, %add3A_145 : i32
      %add3A_147 = arith.constant 1 : i32
      %add3A_148 = arith.addi %add3A_146, %add3A_147 : i32
      %min3A_149 = arith.constant 249 : i32
      %min3A_150 = arith.minsi %add3A_148, %min3A_149 : i32
      %add3A_151 = arith.constant 2 : i32
      %add3A_152 = arith.addi %add3A_146, %add3A_151 : i32
      %min3A_153 = arith.constant 249 : i32
      %min3A_154 = arith.minsi %add3A_152, %min3A_153 : i32
      %mul3A_155 = arith.constant 80 : i32
      %mul3A_156 = arith.muli %min3A_150, %mul3A_155 : i32
      %add3A_157 = arith.addi %mul3A_2, %mul3A_156 : i32
      %dma_wait3A_158 = tpu.memref_slice %arg3[%add3A_157] : memref<320000xi32, #tpu.memory_space<hbm>> -> memref<80xi32, #tpu.memory_space<hbm>>
      %dma_wait3A_159 = tpu.memref_slice %arg3[%add3A_157] : memref<320000xi32, #tpu.memory_space<hbm>> -> memref<80xi32, #tpu.memory_space<hbm>>
      tpu.wait_dma2 semaphore(%arg18 : memref<!tpu.dma_semaphore, #tpu.memory_space<semaphore_mem>>) src(%dma_wait3A_159 : memref<80xi32, #tpu.memory_space<hbm>>) dst(%arg6 : memref<80xi32, #tpu.memory_space<vmem>>)
      %mul3A_160 = arith.constant 80 : i32
      %mul3A_161 = arith.muli %min3A_150, %mul3A_160 : i32
      %add3A_162 = arith.addi %mul3A_2, %mul3A_161 : i32
      %dma_wait3A_163 = tpu.memref_slice %arg4[%add3A_162] : memref<320000xi32, #tpu.memory_space<hbm>> -> memref<80xi32, #tpu.memory_space<hbm>>
      %dma_wait3A_164 = tpu.memref_slice %arg4[%add3A_162] : memref<320000xi32, #tpu.memory_space<hbm>> -> memref<80xi32, #tpu.memory_space<hbm>>
      tpu.wait_dma2 semaphore(%arg20 : memref<!tpu.dma_semaphore, #tpu.memory_space<semaphore_mem>>) src(%dma_wait3A_164 : memref<80xi32, #tpu.memory_space<hbm>>) dst(%arg8 : memref<80xi32, #tpu.memory_space<vmem>>)
      %dma_start3A_165 = arith.constant 0 : i32
      %dma_start3A_166 = arith.constant 0 : i32
      %dma_start3A_167 = tpu.memref_slice %arg2[%dma_start3A_165, %dma_start3A_166] : memref<10000x128xf32, #tpu.memory_space<hbm>> -> memref<10000x128xf32, #tpu.memory_space<hbm>>
      tpu.enqueue_indirect_dma source(%dma_start3A_167 : memref<10000x128xf32, #tpu.memory_space<hbm>>) target(%arg12 : memref<80x128xf32, #tpu.memory_space<vmem>>) offsets(%arg6 : memref<80xi32, #tpu.memory_space<vmem>>) semaphore(%arg16 : memref<!tpu.dma_semaphore, #tpu.memory_space<semaphore_mem>>)
      %dma_wait3A_168 = arith.constant 0 : i32
      %dma_wait3A_169 = arith.constant 0 : i32
      %dma_wait3A_170 = tpu.memref_slice %arg2[%dma_wait3A_168, %dma_wait3A_169] : memref<10000x128xf32, #tpu.memory_space<hbm>> -> memref<10000x128xf32, #tpu.memory_space<hbm>>
      tpu.wait_indirect_dma semaphore(%arg17 : memref<!tpu.dma_semaphore, #tpu.memory_space<semaphore_mem>>) src(%dma_wait3A_170 : memref<10000x128xf32, #tpu.memory_space<hbm>>) dst(%arg13 : memref<80x128xf32, #tpu.memory_space<vmem>>)
      %scan3A_171 = arith.constant 0 : i32
      %scan3A_172 = arith.constant 0 : i32
      %scan3A_173 = arith.constant 5 : i32
      %scan3A_174 = arith.addi %scan3A_172, %scan3A_173 : i32
      %scan3A_175 = arith.constant 1 : i32
      %scan3A_176 = scf.for %scan3A_189 = %scan3A_172 to %scan3A_174 step %scan3A_175 iter_args(%scan3A_190 = %scan3A_171) -> (i32)  : i32 {
        %mul3A_191 = arith.constant 16 : i32
        %mul3A_192 = arith.muli %scan3A_189, %mul3A_191 : i32
        %get3A = arith.index_cast %mul3A_192 : i32 to index
        %get3A_193 = tpu.vector_load %arg9[%get3A] {strides = array<i32>} : memref<80xi32, #tpu.memory_space<vmem>>, vector<16xi32>,
        %get3A_194 = vector.shape_cast %get3A_193 : vector<16xi32> to vector<16xi32>
        %sub3A = vector.broadcast %mul3A_0 : i32 to vector<16xi32>
        %sub3A_195 = arith.subi %get3A_194, %sub3A : vector<16xi32>
        %ge3A = arith.constant 0 : i32
        %ge3A_196 = vector.broadcast %ge3A : i32 to vector<16xi32>
        %ge3A_197 = arith.cmpi sge, %sub3A_195, %ge3A_196 : vector<16xi32>
        %lt3A = arith.constant 5000 : i32
        %lt3A_198 = vector.broadcast %lt3A : i32 to vector<16xi32>
        %lt3A_199 = arith.cmpi slt, %sub3A_195, %lt3A_198 : vector<16xi32>
        %and3A = arith.andi %ge3A_197, %lt3A_199 : vector<16xi1>
        %and3A_200 = arith.constant 63 : i32
        %and3A_201 = vector.broadcast %and3A_200 : i32 to vector<16xi32>
        %and3A_202 = arith.andi %sub3A_195, %and3A_201 : vector<16xi32>
        %add3A_203 = arith.constant 5000 : i32
        %add3A_204 = vector.broadcast %add3A_203 : i32 to vector<16xi32>
        %add3A_205 = arith.addi %add3A_204, %and3A_202 : vector<16xi32>
        %select_n3A = arith.select %and3A, %sub3A_195, %add3A_205 : vector<16xi1>, vector<16xi32>
        %mul3A_206 = arith.constant 16 : i32
        %mul3A_207 = arith.muli %scan3A_189, %mul3A_206 : i32
        %swap3A = arith.index_cast %mul3A_207 : i32 to index
        %swap3A_208 = tpu.vector_load %arg11[%swap3A] {strides = array<i32>} : memref<80xi32, #tpu.memory_space<vmem>>, vector<16xi32>,
        %swap3A_209 = vector.shape_cast %swap3A_208 : vector<16xi32> to vector<16xi32>
        %swap3A_210 = vector.shape_cast %select_n3A : vector<16xi32> to vector<16xi32>
        tpu.vector_store %arg11[%swap3A], %swap3A_210 {strides = array<i32>} : memref<80xi32, #tpu.memory_space<vmem>>, vector<16xi32>,
        %scan3A_211 = arith.constant 0 : i32
        scf.yield %scan3A_211 : i32
      }
      %scan3A_177 = arith.constant 5 : i32
      %mul3A_178 = arith.constant 80 : i32
      %mul3A_179 = arith.muli %min3A_154, %mul3A_178 : i32
      %add3A_180 = arith.addi %mul3A_2, %mul3A_179 : i32
      %dma_start3A_181 = tpu.memref_slice %arg3[%add3A_180] : memref<320000xi32, #tpu.memory_space<hbm>> -> memref<80xi32, #tpu.memory_space<hbm>>
      %dma_start3A_182 = tpu.memref_slice %arg3[%add3A_180] : memref<320000xi32, #tpu.memory_space<hbm>> -> memref<80xi32, #tpu.memory_space<hbm>>
      tpu.enqueue_dma source(%dma_start3A_182 : memref<80xi32, #tpu.memory_space<hbm>>) target(%arg7 : memref<80xi32, #tpu.memory_space<vmem>>) target_semaphore(%arg19 : memref<!tpu.dma_semaphore, #tpu.memory_space<semaphore_mem>>)
      %mul3A_183 = arith.constant 80 : i32
      %mul3A_184 = arith.muli %min3A_154, %mul3A_183 : i32
      %add3A_185 = arith.addi %mul3A_2, %mul3A_184 : i32
      %dma_start3A_186 = tpu.memref_slice %arg4[%add3A_185] : memref<320000xi32, #tpu.memory_space<hbm>> -> memref<80xi32, #tpu.memory_space<hbm>>
      %dma_start3A_187 = tpu.memref_slice %arg4[%add3A_185] : memref<320000xi32, #tpu.memory_space<hbm>> -> memref<80xi32, #tpu.memory_space<hbm>>
      tpu.enqueue_dma source(%dma_start3A_187 : memref<80xi32, #tpu.memory_space<hbm>>) target(%arg9 : memref<80xi32, #tpu.memory_space<vmem>>) target_semaphore(%arg21 : memref<!tpu.dma_semaphore, #tpu.memory_space<semaphore_mem>>)
      "tpu.region"() ({
        %run_scoped3A = tpu.sem_alloc : memref<!tpu.dma_semaphore, #tpu.memory_space<semaphore_mem>>
        %dma_start3A_189 = arith.constant 0 : i32
        %dma_start3A_190 = arith.constant 0 : i32
        %dma_start3A_191 = tpu.memref_slice %arg15[%dma_start3A_189, %dma_start3A_190] : memref<5064x128xf32, #tpu.memory_space<vmem_shared>> -> memref<5064x128xf32, #tpu.memory_space<vmem_shared>>
        tpu.enqueue_indirect_dma source(%arg13 : memref<80x128xf32, #tpu.memory_space<vmem>>) target(%dma_start3A_191 : memref<5064x128xf32, #tpu.memory_space<vmem_shared>>) offsets(%arg11 : memref<80xi32, #tpu.memory_space<vmem>>) semaphore(%run_scoped3A : memref<!tpu.dma_semaphore, #tpu.memory_space<semaphore_mem>>) {add = true}
        %dma_wait3A_192 = arith.constant 0 : i32
        %dma_wait3A_193 = arith.constant 0 : i32
        %dma_wait3A_194 = tpu.memref_slice %arg15[%dma_wait3A_192, %dma_wait3A_193] : memref<5064x128xf32, #tpu.memory_space<vmem_shared>> -> memref<5064x128xf32, #tpu.memory_space<vmem_shared>>
        tpu.wait_indirect_dma semaphore(%run_scoped3A : memref<!tpu.dma_semaphore, #tpu.memory_space<semaphore_mem>>) src(%arg13 : memref<80x128xf32, #tpu.memory_space<vmem>>) dst(%dma_wait3A_194 : memref<5064x128xf32, #tpu.memory_space<vmem_shared>>)
        tpu.yield
      }) : () -> ()
      %scan3A_188 = arith.constant 0 : i32
      scf.yield %scan3A_188 : i32
    }
    %scan3A_79 = arith.constant 125 : i32
    %dma_wait3A = tpu.memref_slice %arg3[%mul3A_2] : memref<320000xi32, #tpu.memory_space<hbm>> -> memref<80xi32, #tpu.memory_space<hbm>>
    %dma_wait3A_80 = tpu.memref_slice %arg3[%mul3A_2] : memref<320000xi32, #tpu.memory_space<hbm>> -> memref<80xi32, #tpu.memory_space<hbm>>
    tpu.wait_dma2 semaphore(%arg19 : memref<!tpu.dma_semaphore, #tpu.memory_space<semaphore_mem>>) src(%dma_wait3A_80 : memref<80xi32, #tpu.memory_space<hbm>>) dst(%arg7 : memref<80xi32, #tpu.memory_space<vmem>>)
    %dma_wait3A_81 = tpu.memref_slice %arg4[%mul3A_2] : memref<320000xi32, #tpu.memory_space<hbm>> -> memref<80xi32, #tpu.memory_space<hbm>>
    %dma_wait3A_82 = tpu.memref_slice %arg4[%mul3A_2] : memref<320000xi32, #tpu.memory_space<hbm>> -> memref<80xi32, #tpu.memory_space<hbm>>
    tpu.wait_dma2 semaphore(%arg21 : memref<!tpu.dma_semaphore, #tpu.memory_space<semaphore_mem>>) src(%dma_wait3A_82 : memref<80xi32, #tpu.memory_space<hbm>>) dst(%arg9 : memref<80xi32, #tpu.memory_space<vmem>>)
    %dma_wait3A_83 = arith.constant 0 : i32
    %dma_wait3A_84 = arith.constant 0 : i32
    %dma_wait3A_85 = tpu.memref_slice %arg2[%dma_wait3A_83, %dma_wait3A_84] : memref<10000x128xf32, #tpu.memory_space<hbm>> -> memref<10000x128xf32, #tpu.memory_space<hbm>>
    tpu.wait_indirect_dma semaphore(%arg16 : memref<!tpu.dma_semaphore, #tpu.memory_space<semaphore_mem>>) src(%dma_wait3A_85 : memref<10000x128xf32, #tpu.memory_space<hbm>>) dst(%arg12 : memref<80x128xf32, #tpu.memory_space<vmem>>)
    %barrier3A_86 = arith.constant 0 : index
    tpu.barrier barrier_id(%barrier3A_86)
    %mul3A_87 = arith.constant 312 : i32
    %mul3A_88 = arith.muli %arg1, %mul3A_87 : i32
    %mul3A_89 = arith.constant 312 : i32
    %mul3A_90 = arith.muli %arg1, %mul3A_89 : i32
    %add3A_91 = arith.addi %mul3A_0, %mul3A_90 : i32
    "tpu.region"() ({
      %run_scoped3A = tpu.sem_alloc : memref<!tpu.dma_semaphore, #tpu.memory_space<semaphore_mem>>
      %dma_start3A_97 = arith.constant 0 : i32
      %dma_start3A_98 = tpu.memref_slice %arg5[%add3A_91, %dma_start3A_97] : memref<10000x128xf32, #tpu.memory_space<hbm>> -> memref<312x128xf32, #tpu.memory_space<hbm>>
      %dma_start3A_99 = arith.constant 0 : i32
      %dma_start3A_100 = tpu.memref_slice %arg15[%mul3A_88, %dma_start3A_99] : memref<5064x128xf32, #tpu.memory_space<vmem_shared>> -> memref<312x128xf32, #tpu.memory_space<vmem_shared>>
      tpu.enqueue_dma source(%dma_start3A_100 : memref<312x128xf32, #tpu.memory_space<vmem_shared>>) target(%dma_start3A_98 : memref<312x128xf32, #tpu.memory_space<hbm>>) target_semaphore(%run_scoped3A : memref<!tpu.dma_semaphore, #tpu.memory_space<semaphore_mem>>)
      %dma_wait3A_101 = arith.constant 0 : i32
      %dma_wait3A_102 = tpu.memref_slice %arg5[%add3A_91, %dma_wait3A_101] : memref<10000x128xf32, #tpu.memory_space<hbm>> -> memref<312x128xf32, #tpu.memory_space<hbm>>
      %dma_wait3A_103 = arith.constant 0 : i32
      %dma_wait3A_104 = tpu.memref_slice %arg15[%mul3A_88, %dma_wait3A_103] : memref<5064x128xf32, #tpu.memory_space<vmem_shared>> -> memref<312x128xf32, #tpu.memory_space<vmem_shared>>
      tpu.wait_dma2 semaphore(%run_scoped3A : memref<!tpu.dma_semaphore, #tpu.memory_space<semaphore_mem>>) src(%dma_wait3A_104 : memref<312x128xf32, #tpu.memory_space<vmem_shared>>) dst(%dma_wait3A_102 : memref<312x128xf32, #tpu.memory_space<hbm>>)
      tpu.yield
    }) : () -> ()
    %eq3A_92 = arith.constant 15 : i32
    %eq3A_93 = arith.cmpi eq, %arg1, %eq3A_92 : i32
    %convert_element_type3A_94 = arith.extui %eq3A_93 : i1 to i32
    %cond3A_95 = arith.constant 0 : i32
    %cond3A_96 = arith.cmpi ne, %convert_element_type3A_94, %cond3A_95 : i32
    scf.if %cond3A_96 {
      %add3A_97 = arith.constant 4992 : i32
      %add3A_98 = arith.addi %mul3A_0, %add3A_97 : i32
      "tpu.region"() ({
        %run_scoped3A = tpu.sem_alloc : memref<!tpu.dma_semaphore, #tpu.memory_space<semaphore_mem>>
        %dma_start3A_99 = arith.constant 0 : i32
        %dma_start3A_100 = tpu.memref_slice %arg5[%add3A_98, %dma_start3A_99] : memref<10000x128xf32, #tpu.memory_space<hbm>> -> memref<8x128xf32, #tpu.memory_space<hbm>>
        %dma_start3A_101 = arith.constant 4992 : i32
        %dma_start3A_102 = arith.constant 0 : i32
        %dma_start3A_103 = tpu.memref_slice %arg15[%dma_start3A_101, %dma_start3A_102] : memref<5064x128xf32, #tpu.memory_space<vmem_shared>> -> memref<8x128xf32, #tpu.memory_space<vmem_shared>>
        tpu.enqueue_dma source(%dma_start3A_103 : memref<8x128xf32, #tpu.memory_space<vmem_shared>>) target(%dma_start3A_100 : memref<8x128xf32, #tpu.memory_space<hbm>>) target_semaphore(%run_scoped3A : memref<!tpu.dma_semaphore, #tpu.memory_space<semaphore_mem>>)
        %dma_wait3A_104 = arith.constant 0 : i32
        %dma_wait3A_105 = tpu.memref_slice %arg5[%add3A_98, %dma_wait3A_104] : memref<10000x128xf32, #tpu.memory_space<hbm>> -> memref<8x128xf32, #tpu.memory_space<hbm>>
        %dma_wait3A_106 = arith.constant 4992 : i32
        %dma_wait3A_107 = arith.constant 0 : i32
        %dma_wait3A_108 = tpu.memref_slice %arg15[%dma_wait3A_106, %dma_wait3A_107] : memref<5064x128xf32, #tpu.memory_space<vmem_shared>> -> memref<8x128xf32, #tpu.memory_space<vmem_shared>>
        tpu.wait_dma2 semaphore(%run_scoped3A : memref<!tpu.dma_semaphore, #tpu.memory_space<semaphore_mem>>) src(%dma_wait3A_108 : memref<8x128xf32, #tpu.memory_space<vmem_shared>>) dst(%dma_wait3A_105 : memref<8x128xf32, #tpu.memory_space<hbm>>)
        tpu.yield
      }) : () -> ()
    } else {
    }
    return
  }
}

#map = affine_map<(d0, d1) -> (0, 0)>
#map1 = affine_map<(d0, d1) -> (0)>
module attributes {stable_mosaic.version = 14 : i64} {
  func.func @_sc_agg(%arg0: i32, %arg1: i32, %arg2: memref<10000x128xf32, #tpu.memory_space<hbm>>, %arg3: memref<320000xi32, #tpu.memory_space<hbm>>, %arg4: memref<320000xi32, #tpu.memory_space<hbm>>, %arg5: memref<10000x128xf32, #tpu.memory_space<hbm>>, %arg6: memref<80xi32, #tpu.memory_space<vmem>>, %arg7: memref<80xi32, #tpu.memory_space<vmem>>, %arg8: memref<80xi32, #tpu.memory_space<vmem>>, %arg9: memref<80xi32, #tpu.memory_space<vmem>>, %arg10: memref<80xi32, #tpu.memory_space<vmem>>, %arg11: memref<80xi32, #tpu.memory_space<vmem>>, %arg12: memref<80x128xf32, #tpu.memory_space<vmem>>, %arg13: memref<80x128xf32, #tpu.memory_space<vmem>>, %arg14: memref<24x128xf32, #tpu.memory_space<vmem>>, %arg15: memref<5064x128xf32, #tpu.memory_space<vmem_shared>>, %arg16: memref<!tpu.dma_semaphore, #tpu.memory_space<semaphore_mem>>, %arg17: memref<!tpu.dma_semaphore, #tpu.memory_space<semaphore_mem>>, %arg18: memref<!tpu.dma_semaphore, #tpu.memory_space<semaphore_mem>>, %arg19: memref<!tpu.dma_semaphore, #tpu.memory_space<semaphore_mem>>, %arg20: memref<!tpu.dma_semaphore, #tpu.memory_space<semaphore_mem>>, %arg21: memref<!tpu.dma_semaphore, #tpu.memory_space<semaphore_mem>>) attributes {dimension_semantics = [#tpu.dimension_semantics<core_parallel>, #tpu.dimension_semantics<subcore_parallel>], iteration_bounds = array<i64: 2, 16>, scalar_prefetch = 0 : i64, scratch_operands = 16 : i64, tpu.core_type = #tpu.core_type<sc_vector_subcore>, window_params = [{transform_indices = #map}, {transform_indices = #map1}, {transform_indices = #map1}, {transform_indices = #map}]} {
    %mul3A = arith.constant 5000 : i32
    %mul3A_0 = arith.muli %arg0, %mul3A : i32
    %mul3A_1 = arith.constant 20000 : i32
    %mul3A_2 = arith.muli %arg1, %mul3A_1 : i32
    %broadcast_in_dim3A = arith.constant 0.000000e+00 : f32
    %broadcast_in_dim3A_3 = vector.broadcast %broadcast_in_dim3A : f32 to vector<16xf32>
    %scan3A = arith.constant 0 : i32
    %scan3A_4 = arith.constant 0 : i32
    %scan3A_5 = arith.constant 192 : i32
    %scan3A_6 = arith.addi %scan3A_4, %scan3A_5 : i32
    %scan3A_7 = arith.constant 1 : i32
    %scan3A_8 = scf.for %scan3A_97 = %scan3A_4 to %scan3A_6 step %scan3A_7 iter_args(%scan3A_98 = %scan3A) -> (i32)  : i32 {
      %jit3A = arith.constant 8 : i32
      %div3A = arith.divsi %scan3A_97, %jit3A : i32
      %sign3A = arith.constant 0 : i32
      %sign3A_99 = arith.cmpi sgt, %scan3A_97, %sign3A : i32
      %sign3A_100 = arith.extui %sign3A_99 : i1 to i32
      %sign3A_101 = arith.constant 0 : i32
      %sign3A_102 = arith.cmpi slt, %scan3A_97, %sign3A_101 : i32
      %sign3A_103 = arith.extui %sign3A_102 : i1 to i32
      %sign3A_104 = arith.subi %sign3A_100, %sign3A_103 : i32
      %sign3A_105 = arith.constant 0 : i32
      %sign3A_106 = arith.cmpi sgt, %jit3A, %sign3A_105 : i32
      %sign3A_107 = arith.extui %sign3A_106 : i1 to i32
      %sign3A_108 = arith.constant 0 : i32
      %sign3A_109 = arith.cmpi slt, %jit3A, %sign3A_108 : i32
      %sign3A_110 = arith.extui %sign3A_109 : i1 to i32
      %sign3A_111 = arith.subi %sign3A_107, %sign3A_110 : i32
      %ne3A = arith.cmpi ne, %sign3A_104, %sign3A_111 : i32
      %rem3A = arith.remsi %scan3A_97, %jit3A : i32
      %ne3A_112 = arith.constant 0 : i32
      %ne3A_113 = arith.cmpi ne, %rem3A, %ne3A_112 : i32
      %and3A = arith.andi %ne3A, %ne3A_113 : i1
      %sub3A = arith.constant 1 : i32
      %sub3A_114 = arith.subi %div3A, %sub3A : i32
      %select_n3A = arith.select %and3A, %sub3A_114, %div3A : i32
      %jit3A_115 = arith.constant 8 : i32
      %eq3A_116 = arith.constant 0 : i32
      %eq3A_117 = arith.cmpi eq, %jit3A_115, %eq3A_116 : i32
      %jit3A_118 = arith.constant 1 : i32
      %select_n3A_119 = arith.select %eq3A_117, %jit3A_118, %jit3A_115 : i32
      %rem3A_120 = arith.remsi %scan3A_97, %select_n3A_119 : i32
      %ne3A_121 = arith.constant 0 : i32
      %ne3A_122 = arith.cmpi ne, %rem3A_120, %ne3A_121 : i32
      %lt3A = arith.constant 0 : i32
      %lt3A_123 = arith.cmpi slt, %rem3A_120, %lt3A : i32
      %lt3A_124 = arith.constant 0 : i32
      %lt3A_125 = arith.cmpi slt, %select_n3A_119, %lt3A_124 : i32
      %ne3A_126 = arith.xori %lt3A_123, %lt3A_125 : i1
      %and3A_127 = arith.andi %ne3A_126, %ne3A_122 : i1
      %add3A_128 = arith.addi %rem3A_120, %select_n3A_119 : i32
      %select_n3A_129 = arith.select %and3A_127, %add3A_128, %rem3A_120 : i32
      %mul3A_130 = arith.constant 16 : i32
      %mul3A_131 = arith.muli %select_n3A_129, %mul3A_130 : i32
      %swap3A = arith.index_cast %select_n3A : i32 to index
      %swap3A_132 = arith.index_cast %mul3A_131 : i32 to index
      %swap3A_133 = tpu.vector_load %arg14[%swap3A, %swap3A_132] {strides = array<i32>} : memref<24x128xf32, #tpu.memory_space<vmem>>, vector<1x16xf32>,
      %swap3A_134 = vector.shape_cast %swap3A_133 : vector<1x16xf32> to vector<16xf32>
      %swap3A_135 = vector.shape_cast %broadcast_in_dim3A_3 : vector<16xf32> to vector<1x16xf32>
      tpu.vector_store %arg14[%swap3A, %swap3A_132], %swap3A_135 {strides = array<i32>} : memref<24x128xf32, #tpu.memory_space<vmem>>, vector<1x16xf32>,
      %scan3A_136 = arith.constant 0 : i32
      scf.yield %scan3A_136 : i32
    }
    %scan3A_9 = arith.constant 192 : i32
    %mul3A_10 = arith.constant 312 : i32
    %mul3A_11 = arith.muli %arg1, %mul3A_10 : i32
    %add3A = arith.constant 0 : i32
    %add3A_12 = arith.addi %mul3A_11, %add3A : i32
    "tpu.region"() ({
      %run_scoped3A = tpu.sem_alloc : memref<!tpu.dma_semaphore, #tpu.memory_space<semaphore_mem>>
      %dma_start3A_97 = arith.constant 0 : i32
      %dma_start3A_98 = tpu.memref_slice %arg15[%add3A_12, %dma_start3A_97] : memref<5064x128xf32, #tpu.memory_space<vmem_shared>> -> memref<24x128xf32, #tpu.memory_space<vmem_shared>>
      %dma_start3A_99 = arith.constant 0 : i32
      %dma_start3A_100 = tpu.memref_slice %arg15[%add3A_12, %dma_start3A_99] : memref<5064x128xf32, #tpu.memory_space<vmem_shared>> -> memref<24x128xf32, #tpu.memory_space<vmem_shared>>
      tpu.enqueue_dma source(%arg14 : memref<24x128xf32, #tpu.memory_space<vmem>>) target(%dma_start3A_100 : memref<24x128xf32, #tpu.memory_space<vmem_shared>>) target_semaphore(%run_scoped3A : memref<!tpu.dma_semaphore, #tpu.memory_space<semaphore_mem>>)
      %dma_wait3A_101 = arith.constant 0 : i32
      %dma_wait3A_102 = tpu.memref_slice %arg15[%add3A_12, %dma_wait3A_101] : memref<5064x128xf32, #tpu.memory_space<vmem_shared>> -> memref<24x128xf32, #tpu.memory_space<vmem_shared>>
      %dma_wait3A_103 = arith.constant 0 : i32
      %dma_wait3A_104 = tpu.memref_slice %arg15[%add3A_12, %dma_wait3A_103] : memref<5064x128xf32, #tpu.memory_space<vmem_shared>> -> memref<24x128xf32, #tpu.memory_space<vmem_shared>>
      tpu.wait_dma2 semaphore(%run_scoped3A : memref<!tpu.dma_semaphore, #tpu.memory_space<semaphore_mem>>) src(%arg14 : memref<24x128xf32, #tpu.memory_space<vmem>>) dst(%dma_wait3A_104 : memref<24x128xf32, #tpu.memory_space<vmem_shared>>)
      tpu.yield
    }) : () -> ()
    %mul3A_13 = arith.constant 312 : i32
    %mul3A_14 = arith.muli %arg1, %mul3A_13 : i32
    %add3A_15 = arith.constant 24 : i32
    %add3A_16 = arith.addi %mul3A_14, %add3A_15 : i32
    "tpu.region"() ({
      %run_scoped3A = tpu.sem_alloc : memref<!tpu.dma_semaphore, #tpu.memory_space<semaphore_mem>>
      %dma_start3A_97 = arith.constant 0 : i32
      %dma_start3A_98 = tpu.memref_slice %arg15[%add3A_16, %dma_start3A_97] : memref<5064x128xf32, #tpu.memory_space<vmem_shared>> -> memref<24x128xf32, #tpu.memory_space<vmem_shared>>
      %dma_start3A_99 = arith.constant 0 : i32
      %dma_start3A_100 = tpu.memref_slice %arg15[%add3A_16, %dma_start3A_99] : memref<5064x128xf32, #tpu.memory_space<vmem_shared>> -> memref<24x128xf32, #tpu.memory_space<vmem_shared>>
      tpu.enqueue_dma source(%arg14 : memref<24x128xf32, #tpu.memory_space<vmem>>) target(%dma_start3A_100 : memref<24x128xf32, #tpu.memory_space<vmem_shared>>) target_semaphore(%run_scoped3A : memref<!tpu.dma_semaphore, #tpu.memory_space<semaphore_mem>>)
      %dma_wait3A_101 = arith.constant 0 : i32
      %dma_wait3A_102 = tpu.memref_slice %arg15[%add3A_16, %dma_wait3A_101] : memref<5064x128xf32, #tpu.memory_space<vmem_shared>> -> memref<24x128xf32, #tpu.memory_space<vmem_shared>>
      %dma_wait3A_103 = arith.constant 0 : i32
      %dma_wait3A_104 = tpu.memref_slice %arg15[%add3A_16, %dma_wait3A_103] : memref<5064x128xf32, #tpu.memory_space<vmem_shared>> -> memref<24x128xf32, #tpu.memory_space<vmem_shared>>
      tpu.wait_dma2 semaphore(%run_scoped3A : memref<!tpu.dma_semaphore, #tpu.memory_space<semaphore_mem>>) src(%arg14 : memref<24x128xf32, #tpu.memory_space<vmem>>) dst(%dma_wait3A_104 : memref<24x128xf32, #tpu.memory_space<vmem_shared>>)
      tpu.yield
    }) : () -> ()
    %mul3A_17 = arith.constant 312 : i32
    %mul3A_18 = arith.muli %arg1, %mul3A_17 : i32
    %add3A_19 = arith.constant 48 : i32
    %add3A_20 = arith.addi %mul3A_18, %add3A_19 : i32
    "tpu.region"() ({
      %run_scoped3A = tpu.sem_alloc : memref<!tpu.dma_semaphore, #tpu.memory_space<semaphore_mem>>
      %dma_start3A_97 = arith.constant 0 : i32
      %dma_start3A_98 = tpu.memref_slice %arg15[%add3A_20, %dma_start3A_97] : memref<5064x128xf32, #tpu.memory_space<vmem_shared>> -> memref<24x128xf32, #tpu.memory_space<vmem_shared>>
      %dma_start3A_99 = arith.constant 0 : i32
      %dma_start3A_100 = tpu.memref_slice %arg15[%add3A_20, %dma_start3A_99] : memref<5064x128xf32, #tpu.memory_space<vmem_shared>> -> memref<24x128xf32, #tpu.memory_space<vmem_shared>>
      tpu.enqueue_dma source(%arg14 : memref<24x128xf32, #tpu.memory_space<vmem>>) target(%dma_start3A_100 : memref<24x128xf32, #tpu.memory_space<vmem_shared>>) target_semaphore(%run_scoped3A : memref<!tpu.dma_semaphore, #tpu.memory_space<semaphore_mem>>)
      %dma_wait3A_101 = arith.constant 0 : i32
      %dma_wait3A_102 = tpu.memref_slice %arg15[%add3A_20, %dma_wait3A_101] : memref<5064x128xf32, #tpu.memory_space<vmem_shared>> -> memref<24x128xf32, #tpu.memory_space<vmem_shared>>
      %dma_wait3A_103 = arith.constant 0 : i32
      %dma_wait3A_104 = tpu.memref_slice %arg15[%add3A_20, %dma_wait3A_103] : memref<5064x128xf32, #tpu.memory_space<vmem_shared>> -> memref<24x128xf32, #tpu.memory_space<vmem_shared>>
      tpu.wait_dma2 semaphore(%run_scoped3A : memref<!tpu.dma_semaphore, #tpu.memory_space<semaphore_mem>>) src(%arg14 : memref<24x128xf32, #tpu.memory_space<vmem>>) dst(%dma_wait3A_104 : memref<24x128xf32, #tpu.memory_space<vmem_shared>>)
      tpu.yield
    }) : () -> ()
    %mul3A_21 = arith.constant 312 : i32
    %mul3A_22 = arith.muli %arg1, %mul3A_21 : i32
    %add3A_23 = arith.constant 72 : i32
    %add3A_24 = arith.addi %mul3A_22, %add3A_23 : i32
    "tpu.region"() ({
      %run_scoped3A = tpu.sem_alloc : memref<!tpu.dma_semaphore, #tpu.memory_space<semaphore_mem>>
      %dma_start3A_97 = arith.constant 0 : i32
      %dma_start3A_98 = tpu.memref_slice %arg15[%add3A_24, %dma_start3A_97] : memref<5064x128xf32, #tpu.memory_space<vmem_shared>> -> memref<24x128xf32, #tpu.memory_space<vmem_shared>>
      %dma_start3A_99 = arith.constant 0 : i32
      %dma_start3A_100 = tpu.memref_slice %arg15[%add3A_24, %dma_start3A_99] : memref<5064x128xf32, #tpu.memory_space<vmem_shared>> -> memref<24x128xf32, #tpu.memory_space<vmem_shared>>
      tpu.enqueue_dma source(%arg14 : memref<24x128xf32, #tpu.memory_space<vmem>>) target(%dma_start3A_100 : memref<24x128xf32, #tpu.memory_space<vmem_shared>>) target_semaphore(%run_scoped3A : memref<!tpu.dma_semaphore, #tpu.memory_space<semaphore_mem>>)
      %dma_wait3A_101 = arith.constant 0 : i32
      %dma_wait3A_102 = tpu.memref_slice %arg15[%add3A_24, %dma_wait3A_101] : memref<5064x128xf32, #tpu.memory_space<vmem_shared>> -> memref<24x128xf32, #tpu.memory_space<vmem_shared>>
      %dma_wait3A_103 = arith.constant 0 : i32
      %dma_wait3A_104 = tpu.memref_slice %arg15[%add3A_24, %dma_wait3A_103] : memref<5064x128xf32, #tpu.memory_space<vmem_shared>> -> memref<24x128xf32, #tpu.memory_space<vmem_shared>>
      tpu.wait_dma2 semaphore(%run_scoped3A : memref<!tpu.dma_semaphore, #tpu.memory_space<semaphore_mem>>) src(%arg14 : memref<24x128xf32, #tpu.memory_space<vmem>>) dst(%dma_wait3A_104 : memref<24x128xf32, #tpu.memory_space<vmem_shared>>)
      tpu.yield
    }) : () -> ()
    %mul3A_25 = arith.constant 312 : i32
    %mul3A_26 = arith.muli %arg1, %mul3A_25 : i32
    %add3A_27 = arith.constant 96 : i32
    %add3A_28 = arith.addi %mul3A_26, %add3A_27 : i32
    "tpu.region"() ({
      %run_scoped3A = tpu.sem_alloc : memref<!tpu.dma_semaphore, #tpu.memory_space<semaphore_mem>>
      %dma_start3A_97 = arith.constant 0 : i32
      %dma_start3A_98 = tpu.memref_slice %arg15[%add3A_28, %dma_start3A_97] : memref<5064x128xf32, #tpu.memory_space<vmem_shared>> -> memref<24x128xf32, #tpu.memory_space<vmem_shared>>
      %dma_start3A_99 = arith.constant 0 : i32
      %dma_start3A_100 = tpu.memref_slice %arg15[%add3A_28, %dma_start3A_99] : memref<5064x128xf32, #tpu.memory_space<vmem_shared>> -> memref<24x128xf32, #tpu.memory_space<vmem_shared>>
      tpu.enqueue_dma source(%arg14 : memref<24x128xf32, #tpu.memory_space<vmem>>) target(%dma_start3A_100 : memref<24x128xf32, #tpu.memory_space<vmem_shared>>) target_semaphore(%run_scoped3A : memref<!tpu.dma_semaphore, #tpu.memory_space<semaphore_mem>>)
      %dma_wait3A_101 = arith.constant 0 : i32
      %dma_wait3A_102 = tpu.memref_slice %arg15[%add3A_28, %dma_wait3A_101] : memref<5064x128xf32, #tpu.memory_space<vmem_shared>> -> memref<24x128xf32, #tpu.memory_space<vmem_shared>>
      %dma_wait3A_103 = arith.constant 0 : i32
      %dma_wait3A_104 = tpu.memref_slice %arg15[%add3A_28, %dma_wait3A_103] : memref<5064x128xf32, #tpu.memory_space<vmem_shared>> -> memref<24x128xf32, #tpu.memory_space<vmem_shared>>
      tpu.wait_dma2 semaphore(%run_scoped3A : memref<!tpu.dma_semaphore, #tpu.memory_space<semaphore_mem>>) src(%arg14 : memref<24x128xf32, #tpu.memory_space<vmem>>) dst(%dma_wait3A_104 : memref<24x128xf32, #tpu.memory_space<vmem_shared>>)
      tpu.yield
    }) : () -> ()
    %mul3A_29 = arith.constant 312 : i32
    %mul3A_30 = arith.muli %arg1, %mul3A_29 : i32
    %add3A_31 = arith.constant 120 : i32
    %add3A_32 = arith.addi %mul3A_30, %add3A_31 : i32
    "tpu.region"() ({
      %run_scoped3A = tpu.sem_alloc : memref<!tpu.dma_semaphore, #tpu.memory_space<semaphore_mem>>
      %dma_start3A_97 = arith.constant 0 : i32
      %dma_start3A_98 = tpu.memref_slice %arg15[%add3A_32, %dma_start3A_97] : memref<5064x128xf32, #tpu.memory_space<vmem_shared>> -> memref<24x128xf32, #tpu.memory_space<vmem_shared>>
      %dma_start3A_99 = arith.constant 0 : i32
      %dma_start3A_100 = tpu.memref_slice %arg15[%add3A_32, %dma_start3A_99] : memref<5064x128xf32, #tpu.memory_space<vmem_shared>> -> memref<24x128xf32, #tpu.memory_space<vmem_shared>>
      tpu.enqueue_dma source(%arg14 : memref<24x128xf32, #tpu.memory_space<vmem>>) target(%dma_start3A_100 : memref<24x128xf32, #tpu.memory_space<vmem_shared>>) target_semaphore(%run_scoped3A : memref<!tpu.dma_semaphore, #tpu.memory_space<semaphore_mem>>)
      %dma_wait3A_101 = arith.constant 0 : i32
      %dma_wait3A_102 = tpu.memref_slice %arg15[%add3A_32, %dma_wait3A_101] : memref<5064x128xf32, #tpu.memory_space<vmem_shared>> -> memref<24x128xf32, #tpu.memory_space<vmem_shared>>
      %dma_wait3A_103 = arith.constant 0 : i32
      %dma_wait3A_104 = tpu.memref_slice %arg15[%add3A_32, %dma_wait3A_103] : memref<5064x128xf32, #tpu.memory_space<vmem_shared>> -> memref<24x128xf32, #tpu.memory_space<vmem_shared>>
      tpu.wait_dma2 semaphore(%run_scoped3A : memref<!tpu.dma_semaphore, #tpu.memory_space<semaphore_mem>>) src(%arg14 : memref<24x128xf32, #tpu.memory_space<vmem>>) dst(%dma_wait3A_104 : memref<24x128xf32, #tpu.memory_space<vmem_shared>>)
      tpu.yield
    }) : () -> ()
    %mul3A_33 = arith.constant 312 : i32
    %mul3A_34 = arith.muli %arg1, %mul3A_33 : i32
    %add3A_35 = arith.constant 144 : i32
    %add3A_36 = arith.addi %mul3A_34, %add3A_35 : i32
    "tpu.region"() ({
      %run_scoped3A = tpu.sem_alloc : memref<!tpu.dma_semaphore, #tpu.memory_space<semaphore_mem>>
      %dma_start3A_97 = arith.constant 0 : i32
      %dma_start3A_98 = tpu.memref_slice %arg15[%add3A_36, %dma_start3A_97] : memref<5064x128xf32, #tpu.memory_space<vmem_shared>> -> memref<24x128xf32, #tpu.memory_space<vmem_shared>>
      %dma_start3A_99 = arith.constant 0 : i32
      %dma_start3A_100 = tpu.memref_slice %arg15[%add3A_36, %dma_start3A_99] : memref<5064x128xf32, #tpu.memory_space<vmem_shared>> -> memref<24x128xf32, #tpu.memory_space<vmem_shared>>
      tpu.enqueue_dma source(%arg14 : memref<24x128xf32, #tpu.memory_space<vmem>>) target(%dma_start3A_100 : memref<24x128xf32, #tpu.memory_space<vmem_shared>>) target_semaphore(%run_scoped3A : memref<!tpu.dma_semaphore, #tpu.memory_space<semaphore_mem>>)
      %dma_wait3A_101 = arith.constant 0 : i32
      %dma_wait3A_102 = tpu.memref_slice %arg15[%add3A_36, %dma_wait3A_101] : memref<5064x128xf32, #tpu.memory_space<vmem_shared>> -> memref<24x128xf32, #tpu.memory_space<vmem_shared>>
      %dma_wait3A_103 = arith.constant 0 : i32
      %dma_wait3A_104 = tpu.memref_slice %arg15[%add3A_36, %dma_wait3A_103] : memref<5064x128xf32, #tpu.memory_space<vmem_shared>> -> memref<24x128xf32, #tpu.memory_space<vmem_shared>>
      tpu.wait_dma2 semaphore(%run_scoped3A : memref<!tpu.dma_semaphore, #tpu.memory_space<semaphore_mem>>) src(%arg14 : memref<24x128xf32, #tpu.memory_space<vmem>>) dst(%dma_wait3A_104 : memref<24x128xf32, #tpu.memory_space<vmem_shared>>)
      tpu.yield
    }) : () -> ()
    %mul3A_37 = arith.constant 312 : i32
    %mul3A_38 = arith.muli %arg1, %mul3A_37 : i32
    %add3A_39 = arith.constant 168 : i32
    %add3A_40 = arith.addi %mul3A_38, %add3A_39 : i32
    "tpu.region"() ({
      %run_scoped3A = tpu.sem_alloc : memref<!tpu.dma_semaphore, #tpu.memory_space<semaphore_mem>>
      %dma_start3A_97 = arith.constant 0 : i32
      %dma_start3A_98 = tpu.memref_slice %arg15[%add3A_40, %dma_start3A_97] : memref<5064x128xf32, #tpu.memory_space<vmem_shared>> -> memref<24x128xf32, #tpu.memory_space<vmem_shared>>
      %dma_start3A_99 = arith.constant 0 : i32
      %dma_start3A_100 = tpu.memref_slice %arg15[%add3A_40, %dma_start3A_99] : memref<5064x128xf32, #tpu.memory_space<vmem_shared>> -> memref<24x128xf32, #tpu.memory_space<vmem_shared>>
      tpu.enqueue_dma source(%arg14 : memref<24x128xf32, #tpu.memory_space<vmem>>) target(%dma_start3A_100 : memref<24x128xf32, #tpu.memory_space<vmem_shared>>) target_semaphore(%run_scoped3A : memref<!tpu.dma_semaphore, #tpu.memory_space<semaphore_mem>>)
      %dma_wait3A_101 = arith.constant 0 : i32
      %dma_wait3A_102 = tpu.memref_slice %arg15[%add3A_40, %dma_wait3A_101] : memref<5064x128xf32, #tpu.memory_space<vmem_shared>> -> memref<24x128xf32, #tpu.memory_space<vmem_shared>>
      %dma_wait3A_103 = arith.constant 0 : i32
      %dma_wait3A_104 = tpu.memref_slice %arg15[%add3A_40, %dma_wait3A_103] : memref<5064x128xf32, #tpu.memory_space<vmem_shared>> -> memref<24x128xf32, #tpu.memory_space<vmem_shared>>
      tpu.wait_dma2 semaphore(%run_scoped3A : memref<!tpu.dma_semaphore, #tpu.memory_space<semaphore_mem>>) src(%arg14 : memref<24x128xf32, #tpu.memory_space<vmem>>) dst(%dma_wait3A_104 : memref<24x128xf32, #tpu.memory_space<vmem_shared>>)
      tpu.yield
    }) : () -> ()
    %mul3A_41 = arith.constant 312 : i32
    %mul3A_42 = arith.muli %arg1, %mul3A_41 : i32
    %add3A_43 = arith.constant 192 : i32
    %add3A_44 = arith.addi %mul3A_42, %add3A_43 : i32
    "tpu.region"() ({
      %run_scoped3A = tpu.sem_alloc : memref<!tpu.dma_semaphore, #tpu.memory_space<semaphore_mem>>
      %dma_start3A_97 = arith.constant 0 : i32
      %dma_start3A_98 = tpu.memref_slice %arg15[%add3A_44, %dma_start3A_97] : memref<5064x128xf32, #tpu.memory_space<vmem_shared>> -> memref<24x128xf32, #tpu.memory_space<vmem_shared>>
      %dma_start3A_99 = arith.constant 0 : i32
      %dma_start3A_100 = tpu.memref_slice %arg15[%add3A_44, %dma_start3A_99] : memref<5064x128xf32, #tpu.memory_space<vmem_shared>> -> memref<24x128xf32, #tpu.memory_space<vmem_shared>>
      tpu.enqueue_dma source(%arg14 : memref<24x128xf32, #tpu.memory_space<vmem>>) target(%dma_start3A_100 : memref<24x128xf32, #tpu.memory_space<vmem_shared>>) target_semaphore(%run_scoped3A : memref<!tpu.dma_semaphore, #tpu.memory_space<semaphore_mem>>)
      %dma_wait3A_101 = arith.constant 0 : i32
      %dma_wait3A_102 = tpu.memref_slice %arg15[%add3A_44, %dma_wait3A_101] : memref<5064x128xf32, #tpu.memory_space<vmem_shared>> -> memref<24x128xf32, #tpu.memory_space<vmem_shared>>
      %dma_wait3A_103 = arith.constant 0 : i32
      %dma_wait3A_104 = tpu.memref_slice %arg15[%add3A_44, %dma_wait3A_103] : memref<5064x128xf32, #tpu.memory_space<vmem_shared>> -> memref<24x128xf32, #tpu.memory_space<vmem_shared>>
      tpu.wait_dma2 semaphore(%run_scoped3A : memref<!tpu.dma_semaphore, #tpu.memory_space<semaphore_mem>>) src(%arg14 : memref<24x128xf32, #tpu.memory_space<vmem>>) dst(%dma_wait3A_104 : memref<24x128xf32, #tpu.memory_space<vmem_shared>>)
      tpu.yield
    }) : () -> ()
    %mul3A_45 = arith.constant 312 : i32
    %mul3A_46 = arith.muli %arg1, %mul3A_45 : i32
    %add3A_47 = arith.constant 216 : i32
    %add3A_48 = arith.addi %mul3A_46, %add3A_47 : i32
    "tpu.region"() ({
      %run_scoped3A = tpu.sem_alloc : memref<!tpu.dma_semaphore, #tpu.memory_space<semaphore_mem>>
      %dma_start3A_97 = arith.constant 0 : i32
      %dma_start3A_98 = tpu.memref_slice %arg15[%add3A_48, %dma_start3A_97] : memref<5064x128xf32, #tpu.memory_space<vmem_shared>> -> memref<24x128xf32, #tpu.memory_space<vmem_shared>>
      %dma_start3A_99 = arith.constant 0 : i32
      %dma_start3A_100 = tpu.memref_slice %arg15[%add3A_48, %dma_start3A_99] : memref<5064x128xf32, #tpu.memory_space<vmem_shared>> -> memref<24x128xf32, #tpu.memory_space<vmem_shared>>
      tpu.enqueue_dma source(%arg14 : memref<24x128xf32, #tpu.memory_space<vmem>>) target(%dma_start3A_100 : memref<24x128xf32, #tpu.memory_space<vmem_shared>>) target_semaphore(%run_scoped3A : memref<!tpu.dma_semaphore, #tpu.memory_space<semaphore_mem>>)
      %dma_wait3A_101 = arith.constant 0 : i32
      %dma_wait3A_102 = tpu.memref_slice %arg15[%add3A_48, %dma_wait3A_101] : memref<5064x128xf32, #tpu.memory_space<vmem_shared>> -> memref<24x128xf32, #tpu.memory_space<vmem_shared>>
      %dma_wait3A_103 = arith.constant 0 : i32
      %dma_wait3A_104 = tpu.memref_slice %arg15[%add3A_48, %dma_wait3A_103] : memref<5064x128xf32, #tpu.memory_space<vmem_shared>> -> memref<24x128xf32, #tpu.memory_space<vmem_shared>>
      tpu.wait_dma2 semaphore(%run_scoped3A : memref<!tpu.dma_semaphore, #tpu.memory_space<semaphore_mem>>) src(%arg14 : memref<24x128xf32, #tpu.memory_space<vmem>>) dst(%dma_wait3A_104 : memref<24x128xf32, #tpu.memory_space<vmem_shared>>)
      tpu.yield
    }) : () -> ()
    %mul3A_49 = arith.constant 312 : i32
    %mul3A_50 = arith.muli %arg1, %mul3A_49 : i32
    %add3A_51 = arith.constant 240 : i32
    %add3A_52 = arith.addi %mul3A_50, %add3A_51 : i32
    "tpu.region"() ({
      %run_scoped3A = tpu.sem_alloc : memref<!tpu.dma_semaphore, #tpu.memory_space<semaphore_mem>>
      %dma_start3A_97 = arith.constant 0 : i32
      %dma_start3A_98 = tpu.memref_slice %arg15[%add3A_52, %dma_start3A_97] : memref<5064x128xf32, #tpu.memory_space<vmem_shared>> -> memref<24x128xf32, #tpu.memory_space<vmem_shared>>
      %dma_start3A_99 = arith.constant 0 : i32
      %dma_start3A_100 = tpu.memref_slice %arg15[%add3A_52, %dma_start3A_99] : memref<5064x128xf32, #tpu.memory_space<vmem_shared>> -> memref<24x128xf32, #tpu.memory_space<vmem_shared>>
      tpu.enqueue_dma source(%arg14 : memref<24x128xf32, #tpu.memory_space<vmem>>) target(%dma_start3A_100 : memref<24x128xf32, #tpu.memory_space<vmem_shared>>) target_semaphore(%run_scoped3A : memref<!tpu.dma_semaphore, #tpu.memory_space<semaphore_mem>>)
      %dma_wait3A_101 = arith.constant 0 : i32
      %dma_wait3A_102 = tpu.memref_slice %arg15[%add3A_52, %dma_wait3A_101] : memref<5064x128xf32, #tpu.memory_space<vmem_shared>> -> memref<24x128xf32, #tpu.memory_space<vmem_shared>>
      %dma_wait3A_103 = arith.constant 0 : i32
      %dma_wait3A_104 = tpu.memref_slice %arg15[%add3A_52, %dma_wait3A_103] : memref<5064x128xf32, #tpu.memory_space<vmem_shared>> -> memref<24x128xf32, #tpu.memory_space<vmem_shared>>
      tpu.wait_dma2 semaphore(%run_scoped3A : memref<!tpu.dma_semaphore, #tpu.memory_space<semaphore_mem>>) src(%arg14 : memref<24x128xf32, #tpu.memory_space<vmem>>) dst(%dma_wait3A_104 : memref<24x128xf32, #tpu.memory_space<vmem_shared>>)
      tpu.yield
    }) : () -> ()
    %mul3A_53 = arith.constant 312 : i32
    %mul3A_54 = arith.muli %arg1, %mul3A_53 : i32
    %add3A_55 = arith.constant 264 : i32
    %add3A_56 = arith.addi %mul3A_54, %add3A_55 : i32
    "tpu.region"() ({
      %run_scoped3A = tpu.sem_alloc : memref<!tpu.dma_semaphore, #tpu.memory_space<semaphore_mem>>
      %dma_start3A_97 = arith.constant 0 : i32
      %dma_start3A_98 = tpu.memref_slice %arg15[%add3A_56, %dma_start3A_97] : memref<5064x128xf32, #tpu.memory_space<vmem_shared>> -> memref<24x128xf32, #tpu.memory_space<vmem_shared>>
      %dma_start3A_99 = arith.constant 0 : i32
      %dma_start3A_100 = tpu.memref_slice %arg15[%add3A_56, %dma_start3A_99] : memref<5064x128xf32, #tpu.memory_space<vmem_shared>> -> memref<24x128xf32, #tpu.memory_space<vmem_shared>>
      tpu.enqueue_dma source(%arg14 : memref<24x128xf32, #tpu.memory_space<vmem>>) target(%dma_start3A_100 : memref<24x128xf32, #tpu.memory_space<vmem_shared>>) target_semaphore(%run_scoped3A : memref<!tpu.dma_semaphore, #tpu.memory_space<semaphore_mem>>)
      %dma_wait3A_101 = arith.constant 0 : i32
      %dma_wait3A_102 = tpu.memref_slice %arg15[%add3A_56, %dma_wait3A_101] : memref<5064x128xf32, #tpu.memory_space<vmem_shared>> -> memref<24x128xf32, #tpu.memory_space<vmem_shared>>
      %dma_wait3A_103 = arith.constant 0 : i32
      %dma_wait3A_104 = tpu.memref_slice %arg15[%add3A_56, %dma_wait3A_103] : memref<5064x128xf32, #tpu.memory_space<vmem_shared>> -> memref<24x128xf32, #tpu.memory_space<vmem_shared>>
      tpu.wait_dma2 semaphore(%run_scoped3A : memref<!tpu.dma_semaphore, #tpu.memory_space<semaphore_mem>>) src(%arg14 : memref<24x128xf32, #tpu.memory_space<vmem>>) dst(%dma_wait3A_104 : memref<24x128xf32, #tpu.memory_space<vmem_shared>>)
      tpu.yield
    }) : () -> ()
    %mul3A_57 = arith.constant 312 : i32
    %mul3A_58 = arith.muli %arg1, %mul3A_57 : i32
    %add3A_59 = arith.constant 288 : i32
    %add3A_60 = arith.addi %mul3A_58, %add3A_59 : i32
    "tpu.region"() ({
      %run_scoped3A = tpu.sem_alloc : memref<!tpu.dma_semaphore, #tpu.memory_space<semaphore_mem>>
      %dma_start3A_97 = arith.constant 0 : i32
      %dma_start3A_98 = tpu.memref_slice %arg15[%add3A_60, %dma_start3A_97] : memref<5064x128xf32, #tpu.memory_space<vmem_shared>> -> memref<24x128xf32, #tpu.memory_space<vmem_shared>>
      %dma_start3A_99 = arith.constant 0 : i32
      %dma_start3A_100 = tpu.memref_slice %arg15[%add3A_60, %dma_start3A_99] : memref<5064x128xf32, #tpu.memory_space<vmem_shared>> -> memref<24x128xf32, #tpu.memory_space<vmem_shared>>
      tpu.enqueue_dma source(%arg14 : memref<24x128xf32, #tpu.memory_space<vmem>>) target(%dma_start3A_100 : memref<24x128xf32, #tpu.memory_space<vmem_shared>>) target_semaphore(%run_scoped3A : memref<!tpu.dma_semaphore, #tpu.memory_space<semaphore_mem>>)
      %dma_wait3A_101 = arith.constant 0 : i32
      %dma_wait3A_102 = tpu.memref_slice %arg15[%add3A_60, %dma_wait3A_101] : memref<5064x128xf32, #tpu.memory_space<vmem_shared>> -> memref<24x128xf32, #tpu.memory_space<vmem_shared>>
      %dma_wait3A_103 = arith.constant 0 : i32
      %dma_wait3A_104 = tpu.memref_slice %arg15[%add3A_60, %dma_wait3A_103] : memref<5064x128xf32, #tpu.memory_space<vmem_shared>> -> memref<24x128xf32, #tpu.memory_space<vmem_shared>>
      tpu.wait_dma2 semaphore(%run_scoped3A : memref<!tpu.dma_semaphore, #tpu.memory_space<semaphore_mem>>) src(%arg14 : memref<24x128xf32, #tpu.memory_space<vmem>>) dst(%dma_wait3A_104 : memref<24x128xf32, #tpu.memory_space<vmem_shared>>)
      tpu.yield
    }) : () -> ()
    %eq3A = arith.constant 15 : i32
    %eq3A_61 = arith.cmpi eq, %arg1, %eq3A : i32
    %convert_element_type3A = arith.extui %eq3A_61 : i1 to i32
    %cond3A = arith.constant 0 : i32
    %cond3A_62 = arith.cmpi ne, %convert_element_type3A, %cond3A : i32
    scf.if %cond3A_62 {
      "tpu.region"() ({
        %run_scoped3A = tpu.sem_alloc : memref<!tpu.dma_semaphore, #tpu.memory_space<semaphore_mem>>
        %dma_start3A_97 = arith.constant 0 : i32
        %dma_start3A_98 = arith.constant 0 : i32
        %dma_start3A_99 = tpu.memref_slice %arg14[%dma_start3A_97, %dma_start3A_98] : memref<24x128xf32, #tpu.memory_space<vmem>> -> memref<24x128xf32, #tpu.memory_space<vmem>>
        %dma_start3A_100 = arith.constant 4992 : i32
        %dma_start3A_101 = arith.constant 0 : i32
        %dma_start3A_102 = tpu.memref_slice %arg15[%dma_start3A_100, %dma_start3A_101] : memref<5064x128xf32, #tpu.memory_space<vmem_shared>> -> memref<24x128xf32, #tpu.memory_space<vmem_shared>>
        %dma_start3A_103 = arith.constant 4992 : i32
        %dma_start3A_104 = arith.constant 0 : i32
        %dma_start3A_105 = tpu.memref_slice %arg15[%dma_start3A_103, %dma_start3A_104] : memref<5064x128xf32, #tpu.memory_space<vmem_shared>> -> memref<24x128xf32, #tpu.memory_space<vmem_shared>>
        %dma_start3A_106 = arith.constant 0 : i32
        %dma_start3A_107 = arith.constant 0 : i32
        %dma_start3A_108 = tpu.memref_slice %arg14[%dma_start3A_106, %dma_start3A_107] : memref<24x128xf32, #tpu.memory_space<vmem>> -> memref<24x128xf32, #tpu.memory_space<vmem>>
        tpu.enqueue_dma source(%dma_start3A_108 : memref<24x128xf32, #tpu.memory_space<vmem>>) target(%dma_start3A_105 : memref<24x128xf32, #tpu.memory_space<vmem_shared>>) target_semaphore(%run_scoped3A : memref<!tpu.dma_semaphore, #tpu.memory_space<semaphore_mem>>)
        %dma_wait3A_109 = arith.constant 0 : i32
        %dma_wait3A_110 = arith.constant 0 : i32
        %dma_wait3A_111 = tpu.memref_slice %arg14[%dma_wait3A_109, %dma_wait3A_110] : memref<24x128xf32, #tpu.memory_space<vmem>> -> memref<24x128xf32, #tpu.memory_space<vmem>>
        %dma_wait3A_112 = arith.constant 4992 : i32
        %dma_wait3A_113 = arith.constant 0 : i32
        %dma_wait3A_114 = tpu.memref_slice %arg15[%dma_wait3A_112, %dma_wait3A_113] : memref<5064x128xf32, #tpu.memory_space<vmem_shared>> -> memref<24x128xf32, #tpu.memory_space<vmem_shared>>
        %dma_wait3A_115 = arith.constant 4992 : i32
        %dma_wait3A_116 = arith.constant 0 : i32
        %dma_wait3A_117 = tpu.memref_slice %arg15[%dma_wait3A_115, %dma_wait3A_116] : memref<5064x128xf32, #tpu.memory_space<vmem_shared>> -> memref<24x128xf32, #tpu.memory_space<vmem_shared>>
        %dma_wait3A_118 = arith.constant 0 : i32
        %dma_wait3A_119 = arith.constant 0 : i32
        %dma_wait3A_120 = tpu.memref_slice %arg14[%dma_wait3A_118, %dma_wait3A_119] : memref<24x128xf32, #tpu.memory_space<vmem>> -> memref<24x128xf32, #tpu.memory_space<vmem>>
        tpu.wait_dma2 semaphore(%run_scoped3A : memref<!tpu.dma_semaphore, #tpu.memory_space<semaphore_mem>>) src(%dma_wait3A_120 : memref<24x128xf32, #tpu.memory_space<vmem>>) dst(%dma_wait3A_117 : memref<24x128xf32, #tpu.memory_space<vmem_shared>>)
        tpu.yield
      }) : () -> ()
      "tpu.region"() ({
        %run_scoped3A = tpu.sem_alloc : memref<!tpu.dma_semaphore, #tpu.memory_space<semaphore_mem>>
        %dma_start3A_97 = arith.constant 0 : i32
        %dma_start3A_98 = arith.constant 0 : i32
        %dma_start3A_99 = tpu.memref_slice %arg14[%dma_start3A_97, %dma_start3A_98] : memref<24x128xf32, #tpu.memory_space<vmem>> -> memref<24x128xf32, #tpu.memory_space<vmem>>
        %dma_start3A_100 = arith.constant 5016 : i32
        %dma_start3A_101 = arith.constant 0 : i32
        %dma_start3A_102 = tpu.memref_slice %arg15[%dma_start3A_100, %dma_start3A_101] : memref<5064x128xf32, #tpu.memory_space<vmem_shared>> -> memref<24x128xf32, #tpu.memory_space<vmem_shared>>
        %dma_start3A_103 = arith.constant 5016 : i32
        %dma_start3A_104 = arith.constant 0 : i32
        %dma_start3A_105 = tpu.memref_slice %arg15[%dma_start3A_103, %dma_start3A_104] : memref<5064x128xf32, #tpu.memory_space<vmem_shared>> -> memref<24x128xf32, #tpu.memory_space<vmem_shared>>
        %dma_start3A_106 = arith.constant 0 : i32
        %dma_start3A_107 = arith.constant 0 : i32
        %dma_start3A_108 = tpu.memref_slice %arg14[%dma_start3A_106, %dma_start3A_107] : memref<24x128xf32, #tpu.memory_space<vmem>> -> memref<24x128xf32, #tpu.memory_space<vmem>>
        tpu.enqueue_dma source(%dma_start3A_108 : memref<24x128xf32, #tpu.memory_space<vmem>>) target(%dma_start3A_105 : memref<24x128xf32, #tpu.memory_space<vmem_shared>>) target_semaphore(%run_scoped3A : memref<!tpu.dma_semaphore, #tpu.memory_space<semaphore_mem>>)
        %dma_wait3A_109 = arith.constant 0 : i32
        %dma_wait3A_110 = arith.constant 0 : i32
        %dma_wait3A_111 = tpu.memref_slice %arg14[%dma_wait3A_109, %dma_wait3A_110] : memref<24x128xf32, #tpu.memory_space<vmem>> -> memref<24x128xf32, #tpu.memory_space<vmem>>
        %dma_wait3A_112 = arith.constant 5016 : i32
        %dma_wait3A_113 = arith.constant 0 : i32
        %dma_wait3A_114 = tpu.memref_slice %arg15[%dma_wait3A_112, %dma_wait3A_113] : memref<5064x128xf32, #tpu.memory_space<vmem_shared>> -> memref<24x128xf32, #tpu.memory_space<vmem_shared>>
        %dma_wait3A_115 = arith.constant 5016 : i32
        %dma_wait3A_116 = arith.constant 0 : i32
        %dma_wait3A_117 = tpu.memref_slice %arg15[%dma_wait3A_115, %dma_wait3A_116] : memref<5064x128xf32, #tpu.memory_space<vmem_shared>> -> memref<24x128xf32, #tpu.memory_space<vmem_shared>>
        %dma_wait3A_118 = arith.constant 0 : i32
        %dma_wait3A_119 = arith.constant 0 : i32
        %dma_wait3A_120 = tpu.memref_slice %arg14[%dma_wait3A_118, %dma_wait3A_119] : memref<24x128xf32, #tpu.memory_space<vmem>> -> memref<24x128xf32, #tpu.memory_space<vmem>>
        tpu.wait_dma2 semaphore(%run_scoped3A : memref<!tpu.dma_semaphore, #tpu.memory_space<semaphore_mem>>) src(%dma_wait3A_120 : memref<24x128xf32, #tpu.memory_space<vmem>>) dst(%dma_wait3A_117 : memref<24x128xf32, #tpu.memory_space<vmem_shared>>)
        tpu.yield
      }) : () -> ()
      "tpu.region"() ({
        %run_scoped3A = tpu.sem_alloc : memref<!tpu.dma_semaphore, #tpu.memory_space<semaphore_mem>>
        %dma_start3A_97 = arith.constant 0 : i32
        %dma_start3A_98 = arith.constant 0 : i32
        %dma_start3A_99 = tpu.memref_slice %arg14[%dma_start3A_97, %dma_start3A_98] : memref<24x128xf32, #tpu.memory_space<vmem>> -> memref<24x128xf32, #tpu.memory_space<vmem>>
        %dma_start3A_100 = arith.constant 5040 : i32
        %dma_start3A_101 = arith.constant 0 : i32
        %dma_start3A_102 = tpu.memref_slice %arg15[%dma_start3A_100, %dma_start3A_101] : memref<5064x128xf32, #tpu.memory_space<vmem_shared>> -> memref<24x128xf32, #tpu.memory_space<vmem_shared>>
        %dma_start3A_103 = arith.constant 5040 : i32
        %dma_start3A_104 = arith.constant 0 : i32
        %dma_start3A_105 = tpu.memref_slice %arg15[%dma_start3A_103, %dma_start3A_104] : memref<5064x128xf32, #tpu.memory_space<vmem_shared>> -> memref<24x128xf32, #tpu.memory_space<vmem_shared>>
        %dma_start3A_106 = arith.constant 0 : i32
        %dma_start3A_107 = arith.constant 0 : i32
        %dma_start3A_108 = tpu.memref_slice %arg14[%dma_start3A_106, %dma_start3A_107] : memref<24x128xf32, #tpu.memory_space<vmem>> -> memref<24x128xf32, #tpu.memory_space<vmem>>
        tpu.enqueue_dma source(%dma_start3A_108 : memref<24x128xf32, #tpu.memory_space<vmem>>) target(%dma_start3A_105 : memref<24x128xf32, #tpu.memory_space<vmem_shared>>) target_semaphore(%run_scoped3A : memref<!tpu.dma_semaphore, #tpu.memory_space<semaphore_mem>>)
        %dma_wait3A_109 = arith.constant 0 : i32
        %dma_wait3A_110 = arith.constant 0 : i32
        %dma_wait3A_111 = tpu.memref_slice %arg14[%dma_wait3A_109, %dma_wait3A_110] : memref<24x128xf32, #tpu.memory_space<vmem>> -> memref<24x128xf32, #tpu.memory_space<vmem>>
        %dma_wait3A_112 = arith.constant 5040 : i32
        %dma_wait3A_113 = arith.constant 0 : i32
        %dma_wait3A_114 = tpu.memref_slice %arg15[%dma_wait3A_112, %dma_wait3A_113] : memref<5064x128xf32, #tpu.memory_space<vmem_shared>> -> memref<24x128xf32, #tpu.memory_space<vmem_shared>>
        %dma_wait3A_115 = arith.constant 5040 : i32
        %dma_wait3A_116 = arith.constant 0 : i32
        %dma_wait3A_117 = tpu.memref_slice %arg15[%dma_wait3A_115, %dma_wait3A_116] : memref<5064x128xf32, #tpu.memory_space<vmem_shared>> -> memref<24x128xf32, #tpu.memory_space<vmem_shared>>
        %dma_wait3A_118 = arith.constant 0 : i32
        %dma_wait3A_119 = arith.constant 0 : i32
        %dma_wait3A_120 = tpu.memref_slice %arg14[%dma_wait3A_118, %dma_wait3A_119] : memref<24x128xf32, #tpu.memory_space<vmem>> -> memref<24x128xf32, #tpu.memory_space<vmem>>
        tpu.wait_dma2 semaphore(%run_scoped3A : memref<!tpu.dma_semaphore, #tpu.memory_space<semaphore_mem>>) src(%dma_wait3A_120 : memref<24x128xf32, #tpu.memory_space<vmem>>) dst(%dma_wait3A_117 : memref<24x128xf32, #tpu.memory_space<vmem_shared>>)
        tpu.yield
      }) : () -> ()
    } else {
    }
    %barrier3A = arith.constant 0 : index
    tpu.barrier barrier_id(%barrier3A)
    "tpu.region"() ({
      %run_scoped3A = tpu.sem_alloc : memref<!tpu.dma_semaphore, #tpu.memory_space<semaphore_mem>>
      %dma_start3A_97 = tpu.memref_slice %arg3[%mul3A_2] : memref<320000xi32, #tpu.memory_space<hbm>> -> memref<80xi32, #tpu.memory_space<hbm>>
      %dma_start3A_98 = tpu.memref_slice %arg3[%mul3A_2] : memref<320000xi32, #tpu.memory_space<hbm>> -> memref<80xi32, #tpu.memory_space<hbm>>
      tpu.enqueue_dma source(%dma_start3A_98 : memref<80xi32, #tpu.memory_space<hbm>>) target(%arg6 : memref<80xi32, #tpu.memory_space<vmem>>) target_semaphore(%run_scoped3A : memref<!tpu.dma_semaphore, #tpu.memory_space<semaphore_mem>>)
      %dma_wait3A_99 = tpu.memref_slice %arg3[%mul3A_2] : memref<320000xi32, #tpu.memory_space<hbm>> -> memref<80xi32, #tpu.memory_space<hbm>>
      %dma_wait3A_100 = tpu.memref_slice %arg3[%mul3A_2] : memref<320000xi32, #tpu.memory_space<hbm>> -> memref<80xi32, #tpu.memory_space<hbm>>
      tpu.wait_dma2 semaphore(%run_scoped3A : memref<!tpu.dma_semaphore, #tpu.memory_space<semaphore_mem>>) src(%dma_wait3A_100 : memref<80xi32, #tpu.memory_space<hbm>>) dst(%arg6 : memref<80xi32, #tpu.memory_space<vmem>>)
      tpu.yield
    }) : () -> ()
    "tpu.region"() ({
      %run_scoped3A = tpu.sem_alloc : memref<!tpu.dma_semaphore, #tpu.memory_space<semaphore_mem>>
      %dma_start3A_97 = tpu.memref_slice %arg4[%mul3A_2] : memref<320000xi32, #tpu.memory_space<hbm>> -> memref<80xi32, #tpu.memory_space<hbm>>
      %dma_start3A_98 = tpu.memref_slice %arg4[%mul3A_2] : memref<320000xi32, #tpu.memory_space<hbm>> -> memref<80xi32, #tpu.memory_space<hbm>>
      tpu.enqueue_dma source(%dma_start3A_98 : memref<80xi32, #tpu.memory_space<hbm>>) target(%arg8 : memref<80xi32, #tpu.memory_space<vmem>>) target_semaphore(%run_scoped3A : memref<!tpu.dma_semaphore, #tpu.memory_space<semaphore_mem>>)
      %dma_wait3A_99 = tpu.memref_slice %arg4[%mul3A_2] : memref<320000xi32, #tpu.memory_space<hbm>> -> memref<80xi32, #tpu.memory_space<hbm>>
      %dma_wait3A_100 = tpu.memref_slice %arg4[%mul3A_2] : memref<320000xi32, #tpu.memory_space<hbm>> -> memref<80xi32, #tpu.memory_space<hbm>>
      tpu.wait_dma2 semaphore(%run_scoped3A : memref<!tpu.dma_semaphore, #tpu.memory_space<semaphore_mem>>) src(%dma_wait3A_100 : memref<80xi32, #tpu.memory_space<hbm>>) dst(%arg8 : memref<80xi32, #tpu.memory_space<vmem>>)
      tpu.yield
    }) : () -> ()
    %dma_start3A = arith.constant 0 : i32
    %dma_start3A_63 = arith.constant 0 : i32
    %dma_start3A_64 = tpu.memref_slice %arg2[%dma_start3A, %dma_start3A_63] : memref<10000x128xf32, #tpu.memory_space<hbm>> -> memref<10000x128xf32, #tpu.memory_space<hbm>>
    tpu.enqueue_indirect_dma source(%dma_start3A_64 : memref<10000x128xf32, #tpu.memory_space<hbm>>) target(%arg12 : memref<80x128xf32, #tpu.memory_space<vmem>>) offsets(%arg6 : memref<80xi32, #tpu.memory_space<vmem>>) semaphore(%arg16 : memref<!tpu.dma_semaphore, #tpu.memory_space<semaphore_mem>>)
    %add3A_65 = arith.constant 80 : i32
    %add3A_66 = arith.addi %mul3A_2, %add3A_65 : i32
    %dma_start3A_67 = tpu.memref_slice %arg3[%add3A_66] : memref<320000xi32, #tpu.memory_space<hbm>> -> memref<80xi32, #tpu.memory_space<hbm>>
    %dma_start3A_68 = tpu.memref_slice %arg3[%add3A_66] : memref<320000xi32, #tpu.memory_space<hbm>> -> memref<80xi32, #tpu.memory_space<hbm>>
    tpu.enqueue_dma source(%dma_start3A_68 : memref<80xi32, #tpu.memory_space<hbm>>) target(%arg7 : memref<80xi32, #tpu.memory_space<vmem>>) target_semaphore(%arg19 : memref<!tpu.dma_semaphore, #tpu.memory_space<semaphore_mem>>)
    %add3A_69 = arith.constant 80 : i32
    %add3A_70 = arith.addi %mul3A_2, %add3A_69 : i32
    %dma_start3A_71 = tpu.memref_slice %arg4[%add3A_70] : memref<320000xi32, #tpu.memory_space<hbm>> -> memref<80xi32, #tpu.memory_space<hbm>>
    %dma_start3A_72 = tpu.memref_slice %arg4[%add3A_70] : memref<320000xi32, #tpu.memory_space<hbm>> -> memref<80xi32, #tpu.memory_space<hbm>>
    tpu.enqueue_dma source(%dma_start3A_72 : memref<80xi32, #tpu.memory_space<hbm>>) target(%arg9 : memref<80xi32, #tpu.memory_space<vmem>>) target_semaphore(%arg21 : memref<!tpu.dma_semaphore, #tpu.memory_space<semaphore_mem>>)
    %scan3A_73 = arith.constant 0 : i32
    %scan3A_74 = arith.constant 0 : i32
    %scan3A_75 = arith.constant 125 : i32
    %scan3A_76 = arith.addi %scan3A_74, %scan3A_75 : i32
    %scan3A_77 = arith.constant 1 : i32
    %scan3A_78 = scf.for %scan3A_97 = %scan3A_74 to %scan3A_76 step %scan3A_77 iter_args(%scan3A_98 = %scan3A_73) -> (i32)  : i32 {
      %mul3A_99 = arith.constant 2 : i32
      %mul3A_100 = arith.muli %mul3A_99, %scan3A_97 : i32
      %add3A_101 = arith.constant 0 : i32
      %add3A_102 = arith.addi %mul3A_100, %add3A_101 : i32
      %add3A_103 = arith.constant 1 : i32
      %add3A_104 = arith.addi %add3A_102, %add3A_103 : i32
      %min3A = arith.constant 249 : i32
      %min3A_105 = arith.minsi %add3A_104, %min3A : i32
      %add3A_106 = arith.constant 2 : i32
      %add3A_107 = arith.addi %add3A_102, %add3A_106 : i32
      %min3A_108 = arith.constant 249 : i32
      %min3A_109 = arith.minsi %add3A_107, %min3A_108 : i32
      %mul3A_110 = arith.constant 80 : i32
      %mul3A_111 = arith.muli %min3A_105, %mul3A_110 : i32
      %add3A_112 = arith.addi %mul3A_2, %mul3A_111 : i32
      %dma_wait3A_113 = tpu.memref_slice %arg3[%add3A_112] : memref<320000xi32, #tpu.memory_space<hbm>> -> memref<80xi32, #tpu.memory_space<hbm>>
      %dma_wait3A_114 = tpu.memref_slice %arg3[%add3A_112] : memref<320000xi32, #tpu.memory_space<hbm>> -> memref<80xi32, #tpu.memory_space<hbm>>
      tpu.wait_dma2 semaphore(%arg19 : memref<!tpu.dma_semaphore, #tpu.memory_space<semaphore_mem>>) src(%dma_wait3A_114 : memref<80xi32, #tpu.memory_space<hbm>>) dst(%arg7 : memref<80xi32, #tpu.memory_space<vmem>>)
      %mul3A_115 = arith.constant 80 : i32
      %mul3A_116 = arith.muli %min3A_105, %mul3A_115 : i32
      %add3A_117 = arith.addi %mul3A_2, %mul3A_116 : i32
      %dma_wait3A_118 = tpu.memref_slice %arg4[%add3A_117] : memref<320000xi32, #tpu.memory_space<hbm>> -> memref<80xi32, #tpu.memory_space<hbm>>
      %dma_wait3A_119 = tpu.memref_slice %arg4[%add3A_117] : memref<320000xi32, #tpu.memory_space<hbm>> -> memref<80xi32, #tpu.memory_space<hbm>>
      tpu.wait_dma2 semaphore(%arg21 : memref<!tpu.dma_semaphore, #tpu.memory_space<semaphore_mem>>) src(%dma_wait3A_119 : memref<80xi32, #tpu.memory_space<hbm>>) dst(%arg9 : memref<80xi32, #tpu.memory_space<vmem>>)
      %dma_start3A_120 = arith.constant 0 : i32
      %dma_start3A_121 = arith.constant 0 : i32
      %dma_start3A_122 = tpu.memref_slice %arg2[%dma_start3A_120, %dma_start3A_121] : memref<10000x128xf32, #tpu.memory_space<hbm>> -> memref<10000x128xf32, #tpu.memory_space<hbm>>
      tpu.enqueue_indirect_dma source(%dma_start3A_122 : memref<10000x128xf32, #tpu.memory_space<hbm>>) target(%arg13 : memref<80x128xf32, #tpu.memory_space<vmem>>) offsets(%arg7 : memref<80xi32, #tpu.memory_space<vmem>>) semaphore(%arg17 : memref<!tpu.dma_semaphore, #tpu.memory_space<semaphore_mem>>)
      %dma_wait3A_123 = arith.constant 0 : i32
      %dma_wait3A_124 = arith.constant 0 : i32
      %dma_wait3A_125 = tpu.memref_slice %arg2[%dma_wait3A_123, %dma_wait3A_124] : memref<10000x128xf32, #tpu.memory_space<hbm>> -> memref<10000x128xf32, #tpu.memory_space<hbm>>
      tpu.wait_indirect_dma semaphore(%arg16 : memref<!tpu.dma_semaphore, #tpu.memory_space<semaphore_mem>>) src(%dma_wait3A_125 : memref<10000x128xf32, #tpu.memory_space<hbm>>) dst(%arg12 : memref<80x128xf32, #tpu.memory_space<vmem>>)
      %scan3A_126 = arith.constant 0 : i32
      %scan3A_127 = arith.constant 0 : i32
      %scan3A_128 = arith.constant 5 : i32
      %scan3A_129 = arith.addi %scan3A_127, %scan3A_128 : i32
      %scan3A_130 = arith.constant 1 : i32
      %scan3A_131 = scf.for %scan3A_189 = %scan3A_127 to %scan3A_129 step %scan3A_130 iter_args(%scan3A_190 = %scan3A_126) -> (i32)  : i32 {
        %mul3A_191 = arith.constant 16 : i32
        %mul3A_192 = arith.muli %scan3A_189, %mul3A_191 : i32
        %get3A = arith.index_cast %mul3A_192 : i32 to index
        %get3A_193 = tpu.vector_load %arg8[%get3A] {strides = array<i32>} : memref<80xi32, #tpu.memory_space<vmem>>, vector<16xi32>,
        %get3A_194 = vector.shape_cast %get3A_193 : vector<16xi32> to vector<16xi32>
        %sub3A = vector.broadcast %mul3A_0 : i32 to vector<16xi32>
        %sub3A_195 = arith.subi %get3A_194, %sub3A : vector<16xi32>
        %ge3A = arith.constant 0 : i32
        %ge3A_196 = vector.broadcast %ge3A : i32 to vector<16xi32>
        %ge3A_197 = arith.cmpi sge, %sub3A_195, %ge3A_196 : vector<16xi32>
        %lt3A = arith.constant 5000 : i32
        %lt3A_198 = vector.broadcast %lt3A : i32 to vector<16xi32>
        %lt3A_199 = arith.cmpi slt, %sub3A_195, %lt3A_198 : vector<16xi32>
        %and3A = arith.andi %ge3A_197, %lt3A_199 : vector<16xi1>
        %and3A_200 = arith.constant 63 : i32
        %and3A_201 = vector.broadcast %and3A_200 : i32 to vector<16xi32>
        %and3A_202 = arith.andi %sub3A_195, %and3A_201 : vector<16xi32>
        %add3A_203 = arith.constant 5000 : i32
        %add3A_204 = vector.broadcast %add3A_203 : i32 to vector<16xi32>
        %add3A_205 = arith.addi %add3A_204, %and3A_202 : vector<16xi32>
        %select_n3A = arith.select %and3A, %sub3A_195, %add3A_205 : vector<16xi1>, vector<16xi32>
        %mul3A_206 = arith.constant 16 : i32
        %mul3A_207 = arith.muli %scan3A_189, %mul3A_206 : i32
        %swap3A = arith.index_cast %mul3A_207 : i32 to index
        %swap3A_208 = tpu.vector_load %arg10[%swap3A] {strides = array<i32>} : memref<80xi32, #tpu.memory_space<vmem>>, vector<16xi32>,
        %swap3A_209 = vector.shape_cast %swap3A_208 : vector<16xi32> to vector<16xi32>
        %swap3A_210 = vector.shape_cast %select_n3A : vector<16xi32> to vector<16xi32>
        tpu.vector_store %arg10[%swap3A], %swap3A_210 {strides = array<i32>} : memref<80xi32, #tpu.memory_space<vmem>>, vector<16xi32>,
        %scan3A_211 = arith.constant 0 : i32
        scf.yield %scan3A_211 : i32
      }
      %scan3A_132 = arith.constant 5 : i32
      %mul3A_133 = arith.constant 80 : i32
      %mul3A_134 = arith.muli %min3A_109, %mul3A_133 : i32
      %add3A_135 = arith.addi %mul3A_2, %mul3A_134 : i32
      %dma_start3A_136 = tpu.memref_slice %arg3[%add3A_135] : memref<320000xi32, #tpu.memory_space<hbm>> -> memref<80xi32, #tpu.memory_space<hbm>>
      %dma_start3A_137 = tpu.memref_slice %arg3[%add3A_135] : memref<320000xi32, #tpu.memory_space<hbm>> -> memref<80xi32, #tpu.memory_space<hbm>>
      tpu.enqueue_dma source(%dma_start3A_137 : memref<80xi32, #tpu.memory_space<hbm>>) target(%arg6 : memref<80xi32, #tpu.memory_space<vmem>>) target_semaphore(%arg18 : memref<!tpu.dma_semaphore, #tpu.memory_space<semaphore_mem>>)
      %mul3A_138 = arith.constant 80 : i32
      %mul3A_139 = arith.muli %min3A_109, %mul3A_138 : i32
      %add3A_140 = arith.addi %mul3A_2, %mul3A_139 : i32
      %dma_start3A_141 = tpu.memref_slice %arg4[%add3A_140] : memref<320000xi32, #tpu.memory_space<hbm>> -> memref<80xi32, #tpu.memory_space<hbm>>
      %dma_start3A_142 = tpu.memref_slice %arg4[%add3A_140] : memref<320000xi32, #tpu.memory_space<hbm>> -> memref<80xi32, #tpu.memory_space<hbm>>
      tpu.enqueue_dma source(%dma_start3A_142 : memref<80xi32, #tpu.memory_space<hbm>>) target(%arg8 : memref<80xi32, #tpu.memory_space<vmem>>) target_semaphore(%arg20 : memref<!tpu.dma_semaphore, #tpu.memory_space<semaphore_mem>>)
      "tpu.region"() ({
        %run_scoped3A = tpu.sem_alloc : memref<!tpu.dma_semaphore, #tpu.memory_space<semaphore_mem>>
        %dma_start3A_189 = arith.constant 0 : i32
        %dma_start3A_190 = arith.constant 0 : i32
        %dma_start3A_191 = tpu.memref_slice %arg15[%dma_start3A_189, %dma_start3A_190] : memref<5064x128xf32, #tpu.memory_space<vmem_shared>> -> memref<5064x128xf32, #tpu.memory_space<vmem_shared>>
        tpu.enqueue_indirect_dma source(%arg12 : memref<80x128xf32, #tpu.memory_space<vmem>>) target(%dma_start3A_191 : memref<5064x128xf32, #tpu.memory_space<vmem_shared>>) offsets(%arg10 : memref<80xi32, #tpu.memory_space<vmem>>) semaphore(%run_scoped3A : memref<!tpu.dma_semaphore, #tpu.memory_space<semaphore_mem>>) {add = true}
        %dma_wait3A_192 = arith.constant 0 : i32
        %dma_wait3A_193 = arith.constant 0 : i32
        %dma_wait3A_194 = tpu.memref_slice %arg15[%dma_wait3A_192, %dma_wait3A_193] : memref<5064x128xf32, #tpu.memory_space<vmem_shared>> -> memref<5064x128xf32, #tpu.memory_space<vmem_shared>>
        tpu.wait_indirect_dma semaphore(%run_scoped3A : memref<!tpu.dma_semaphore, #tpu.memory_space<semaphore_mem>>) src(%arg12 : memref<80x128xf32, #tpu.memory_space<vmem>>) dst(%dma_wait3A_194 : memref<5064x128xf32, #tpu.memory_space<vmem_shared>>)
        tpu.yield
      }) : () -> ()
      %mul3A_143 = arith.constant 2 : i32
      %mul3A_144 = arith.muli %mul3A_143, %scan3A_97 : i32
      %add3A_145 = arith.constant 1 : i32
      %add3A_146 = arith.addi %mul3A_144, %add3A_145 : i32
      %add3A_147 = arith.constant 1 : i32
      %add3A_148 = arith.addi %add3A_146, %add3A_147 : i32
      %min3A_149 = arith.constant 249 : i32
      %min3A_150 = arith.minsi %add3A_148, %min3A_149 : i32
      %add3A_151 = arith.constant 2 : i32
      %add3A_152 = arith.addi %add3A_146, %add3A_151 : i32
      %min3A_153 = arith.constant 249 : i32
      %min3A_154 = arith.minsi %add3A_152, %min3A_153 : i32
      %mul3A_155 = arith.constant 80 : i32
      %mul3A_156 = arith.muli %min3A_150, %mul3A_155 : i32
      %add3A_157 = arith.addi %mul3A_2, %mul3A_156 : i32
      %dma_wait3A_158 = tpu.memref_slice %arg3[%add3A_157] : memref<320000xi32, #tpu.memory_space<hbm>> -> memref<80xi32, #tpu.memory_space<hbm>>
      %dma_wait3A_159 = tpu.memref_slice %arg3[%add3A_157] : memref<320000xi32, #tpu.memory_space<hbm>> -> memref<80xi32, #tpu.memory_space<hbm>>
      tpu.wait_dma2 semaphore(%arg18 : memref<!tpu.dma_semaphore, #tpu.memory_space<semaphore_mem>>) src(%dma_wait3A_159 : memref<80xi32, #tpu.memory_space<hbm>>) dst(%arg6 : memref<80xi32, #tpu.memory_space<vmem>>)
      %mul3A_160 = arith.constant 80 : i32
      %mul3A_161 = arith.muli %min3A_150, %mul3A_160 : i32
      %add3A_162 = arith.addi %mul3A_2, %mul3A_161 : i32
      %dma_wait3A_163 = tpu.memref_slice %arg4[%add3A_162] : memref<320000xi32, #tpu.memory_space<hbm>> -> memref<80xi32, #tpu.memory_space<hbm>>
      %dma_wait3A_164 = tpu.memref_slice %arg4[%add3A_162] : memref<320000xi32, #tpu.memory_space<hbm>> -> memref<80xi32, #tpu.memory_space<hbm>>
      tpu.wait_dma2 semaphore(%arg20 : memref<!tpu.dma_semaphore, #tpu.memory_space<semaphore_mem>>) src(%dma_wait3A_164 : memref<80xi32, #tpu.memory_space<hbm>>) dst(%arg8 : memref<80xi32, #tpu.memory_space<vmem>>)
      %dma_start3A_165 = arith.constant 0 : i32
      %dma_start3A_166 = arith.constant 0 : i32
      %dma_start3A_167 = tpu.memref_slice %arg2[%dma_start3A_165, %dma_start3A_166] : memref<10000x128xf32, #tpu.memory_space<hbm>> -> memref<10000x128xf32, #tpu.memory_space<hbm>>
      tpu.enqueue_indirect_dma source(%dma_start3A_167 : memref<10000x128xf32, #tpu.memory_space<hbm>>) target(%arg12 : memref<80x128xf32, #tpu.memory_space<vmem>>) offsets(%arg6 : memref<80xi32, #tpu.memory_space<vmem>>) semaphore(%arg16 : memref<!tpu.dma_semaphore, #tpu.memory_space<semaphore_mem>>)
      %dma_wait3A_168 = arith.constant 0 : i32
      %dma_wait3A_169 = arith.constant 0 : i32
      %dma_wait3A_170 = tpu.memref_slice %arg2[%dma_wait3A_168, %dma_wait3A_169] : memref<10000x128xf32, #tpu.memory_space<hbm>> -> memref<10000x128xf32, #tpu.memory_space<hbm>>
      tpu.wait_indirect_dma semaphore(%arg17 : memref<!tpu.dma_semaphore, #tpu.memory_space<semaphore_mem>>) src(%dma_wait3A_170 : memref<10000x128xf32, #tpu.memory_space<hbm>>) dst(%arg13 : memref<80x128xf32, #tpu.memory_space<vmem>>)
      %scan3A_171 = arith.constant 0 : i32
      %scan3A_172 = arith.constant 0 : i32
      %scan3A_173 = arith.constant 5 : i32
      %scan3A_174 = arith.addi %scan3A_172, %scan3A_173 : i32
      %scan3A_175 = arith.constant 1 : i32
      %scan3A_176 = scf.for %scan3A_189 = %scan3A_172 to %scan3A_174 step %scan3A_175 iter_args(%scan3A_190 = %scan3A_171) -> (i32)  : i32 {
        %mul3A_191 = arith.constant 16 : i32
        %mul3A_192 = arith.muli %scan3A_189, %mul3A_191 : i32
        %get3A = arith.index_cast %mul3A_192 : i32 to index
        %get3A_193 = tpu.vector_load %arg9[%get3A] {strides = array<i32>} : memref<80xi32, #tpu.memory_space<vmem>>, vector<16xi32>,
        %get3A_194 = vector.shape_cast %get3A_193 : vector<16xi32> to vector<16xi32>
        %sub3A = vector.broadcast %mul3A_0 : i32 to vector<16xi32>
        %sub3A_195 = arith.subi %get3A_194, %sub3A : vector<16xi32>
        %ge3A = arith.constant 0 : i32
        %ge3A_196 = vector.broadcast %ge3A : i32 to vector<16xi32>
        %ge3A_197 = arith.cmpi sge, %sub3A_195, %ge3A_196 : vector<16xi32>
        %lt3A = arith.constant 5000 : i32
        %lt3A_198 = vector.broadcast %lt3A : i32 to vector<16xi32>
        %lt3A_199 = arith.cmpi slt, %sub3A_195, %lt3A_198 : vector<16xi32>
        %and3A = arith.andi %ge3A_197, %lt3A_199 : vector<16xi1>
        %and3A_200 = arith.constant 63 : i32
        %and3A_201 = vector.broadcast %and3A_200 : i32 to vector<16xi32>
        %and3A_202 = arith.andi %sub3A_195, %and3A_201 : vector<16xi32>
        %add3A_203 = arith.constant 5000 : i32
        %add3A_204 = vector.broadcast %add3A_203 : i32 to vector<16xi32>
        %add3A_205 = arith.addi %add3A_204, %and3A_202 : vector<16xi32>
        %select_n3A = arith.select %and3A, %sub3A_195, %add3A_205 : vector<16xi1>, vector<16xi32>
        %mul3A_206 = arith.constant 16 : i32
        %mul3A_207 = arith.muli %scan3A_189, %mul3A_206 : i32
        %swap3A = arith.index_cast %mul3A_207 : i32 to index
        %swap3A_208 = tpu.vector_load %arg11[%swap3A] {strides = array<i32>} : memref<80xi32, #tpu.memory_space<vmem>>, vector<16xi32>,
        %swap3A_209 = vector.shape_cast %swap3A_208 : vector<16xi32> to vector<16xi32>
        %swap3A_210 = vector.shape_cast %select_n3A : vector<16xi32> to vector<16xi32>
        tpu.vector_store %arg11[%swap3A], %swap3A_210 {strides = array<i32>} : memref<80xi32, #tpu.memory_space<vmem>>, vector<16xi32>,
        %scan3A_211 = arith.constant 0 : i32
        scf.yield %scan3A_211 : i32
      }
      %scan3A_177 = arith.constant 5 : i32
      %mul3A_178 = arith.constant 80 : i32
      %mul3A_179 = arith.muli %min3A_154, %mul3A_178 : i32
      %add3A_180 = arith.addi %mul3A_2, %mul3A_179 : i32
      %dma_start3A_181 = tpu.memref_slice %arg3[%add3A_180] : memref<320000xi32, #tpu.memory_space<hbm>> -> memref<80xi32, #tpu.memory_space<hbm>>
      %dma_start3A_182 = tpu.memref_slice %arg3[%add3A_180] : memref<320000xi32, #tpu.memory_space<hbm>> -> memref<80xi32, #tpu.memory_space<hbm>>
      tpu.enqueue_dma source(%dma_start3A_182 : memref<80xi32, #tpu.memory_space<hbm>>) target(%arg7 : memref<80xi32, #tpu.memory_space<vmem>>) target_semaphore(%arg19 : memref<!tpu.dma_semaphore, #tpu.memory_space<semaphore_mem>>)
      %mul3A_183 = arith.constant 80 : i32
      %mul3A_184 = arith.muli %min3A_154, %mul3A_183 : i32
      %add3A_185 = arith.addi %mul3A_2, %mul3A_184 : i32
      %dma_start3A_186 = tpu.memref_slice %arg4[%add3A_185] : memref<320000xi32, #tpu.memory_space<hbm>> -> memref<80xi32, #tpu.memory_space<hbm>>
      %dma_start3A_187 = tpu.memref_slice %arg4[%add3A_185] : memref<320000xi32, #tpu.memory_space<hbm>> -> memref<80xi32, #tpu.memory_space<hbm>>
      tpu.enqueue_dma source(%dma_start3A_187 : memref<80xi32, #tpu.memory_space<hbm>>) target(%arg9 : memref<80xi32, #tpu.memory_space<vmem>>) target_semaphore(%arg21 : memref<!tpu.dma_semaphore, #tpu.memory_space<semaphore_mem>>)
      "tpu.region"() ({
        %run_scoped3A = tpu.sem_alloc : memref<!tpu.dma_semaphore, #tpu.memory_space<semaphore_mem>>
        %dma_start3A_189 = arith.constant 0 : i32
        %dma_start3A_190 = arith.constant 0 : i32
        %dma_start3A_191 = tpu.memref_slice %arg15[%dma_start3A_189, %dma_start3A_190] : memref<5064x128xf32, #tpu.memory_space<vmem_shared>> -> memref<5064x128xf32, #tpu.memory_space<vmem_shared>>
        tpu.enqueue_indirect_dma source(%arg13 : memref<80x128xf32, #tpu.memory_space<vmem>>) target(%dma_start3A_191 : memref<5064x128xf32, #tpu.memory_space<vmem_shared>>) offsets(%arg11 : memref<80xi32, #tpu.memory_space<vmem>>) semaphore(%run_scoped3A : memref<!tpu.dma_semaphore, #tpu.memory_space<semaphore_mem>>) {add = true}
        %dma_wait3A_192 = arith.constant 0 : i32
        %dma_wait3A_193 = arith.constant 0 : i32
        %dma_wait3A_194 = tpu.memref_slice %arg15[%dma_wait3A_192, %dma_wait3A_193] : memref<5064x128xf32, #tpu.memory_space<vmem_shared>> -> memref<5064x128xf32, #tpu.memory_space<vmem_shared>>
        tpu.wait_indirect_dma semaphore(%run_scoped3A : memref<!tpu.dma_semaphore, #tpu.memory_space<semaphore_mem>>) src(%arg13 : memref<80x128xf32, #tpu.memory_space<vmem>>) dst(%dma_wait3A_194 : memref<5064x128xf32, #tpu.memory_space<vmem_shared>>)
        tpu.yield
      }) : () -> ()
      %scan3A_188 = arith.constant 0 : i32
      scf.yield %scan3A_188 : i32
    }
    %scan3A_79 = arith.constant 125 : i32
    %dma_wait3A = tpu.memref_slice %arg3[%mul3A_2] : memref<320000xi32, #tpu.memory_space<hbm>> -> memref<80xi32, #tpu.memory_space<hbm>>
    %dma_wait3A_80 = tpu.memref_slice %arg3[%mul3A_2] : memref<320000xi32, #tpu.memory_space<hbm>> -> memref<80xi32, #tpu.memory_space<hbm>>
    tpu.wait_dma2 semaphore(%arg19 : memref<!tpu.dma_semaphore, #tpu.memory_space<semaphore_mem>>) src(%dma_wait3A_80 : memref<80xi32, #tpu.memory_space<hbm>>) dst(%arg7 : memref<80xi32, #tpu.memory_space<vmem>>)
    %dma_wait3A_81 = tpu.memref_slice %arg4[%mul3A_2] : memref<320000xi32, #tpu.memory_space<hbm>> -> memref<80xi32, #tpu.memory_space<hbm>>
    %dma_wait3A_82 = tpu.memref_slice %arg4[%mul3A_2] : memref<320000xi32, #tpu.memory_space<hbm>> -> memref<80xi32, #tpu.memory_space<hbm>>
    tpu.wait_dma2 semaphore(%arg21 : memref<!tpu.dma_semaphore, #tpu.memory_space<semaphore_mem>>) src(%dma_wait3A_82 : memref<80xi32, #tpu.memory_space<hbm>>) dst(%arg9 : memref<80xi32, #tpu.memory_space<vmem>>)
    %dma_wait3A_83 = arith.constant 0 : i32
    %dma_wait3A_84 = arith.constant 0 : i32
    %dma_wait3A_85 = tpu.memref_slice %arg2[%dma_wait3A_83, %dma_wait3A_84] : memref<10000x128xf32, #tpu.memory_space<hbm>> -> memref<10000x128xf32, #tpu.memory_space<hbm>>
    tpu.wait_indirect_dma semaphore(%arg16 : memref<!tpu.dma_semaphore, #tpu.memory_space<semaphore_mem>>) src(%dma_wait3A_85 : memref<10000x128xf32, #tpu.memory_space<hbm>>) dst(%arg12 : memref<80x128xf32, #tpu.memory_space<vmem>>)
    %barrier3A_86 = arith.constant 0 : index
    tpu.barrier barrier_id(%barrier3A_86)
    %mul3A_87 = arith.constant 312 : i32
    %mul3A_88 = arith.muli %arg1, %mul3A_87 : i32
    %mul3A_89 = arith.constant 312 : i32
    %mul3A_90 = arith.muli %arg1, %mul3A_89 : i32
    %add3A_91 = arith.addi %mul3A_0, %mul3A_90 : i32
    "tpu.region"() ({
      %run_scoped3A = tpu.sem_alloc : memref<!tpu.dma_semaphore, #tpu.memory_space<semaphore_mem>>
      %dma_start3A_97 = arith.constant 0 : i32
      %dma_start3A_98 = tpu.memref_slice %arg5[%add3A_91, %dma_start3A_97] : memref<10000x128xf32, #tpu.memory_space<hbm>> -> memref<312x128xf32, #tpu.memory_space<hbm>>
      %dma_start3A_99 = arith.constant 0 : i32
      %dma_start3A_100 = tpu.memref_slice %arg15[%mul3A_88, %dma_start3A_99] : memref<5064x128xf32, #tpu.memory_space<vmem_shared>> -> memref<312x128xf32, #tpu.memory_space<vmem_shared>>
      tpu.enqueue_dma source(%dma_start3A_100 : memref<312x128xf32, #tpu.memory_space<vmem_shared>>) target(%dma_start3A_98 : memref<312x128xf32, #tpu.memory_space<hbm>>) target_semaphore(%run_scoped3A : memref<!tpu.dma_semaphore, #tpu.memory_space<semaphore_mem>>)
      %dma_wait3A_101 = arith.constant 0 : i32
      %dma_wait3A_102 = tpu.memref_slice %arg5[%add3A_91, %dma_wait3A_101] : memref<10000x128xf32, #tpu.memory_space<hbm>> -> memref<312x128xf32, #tpu.memory_space<hbm>>
      %dma_wait3A_103 = arith.constant 0 : i32
      %dma_wait3A_104 = tpu.memref_slice %arg15[%mul3A_88, %dma_wait3A_103] : memref<5064x128xf32, #tpu.memory_space<vmem_shared>> -> memref<312x128xf32, #tpu.memory_space<vmem_shared>>
      tpu.wait_dma2 semaphore(%run_scoped3A : memref<!tpu.dma_semaphore, #tpu.memory_space<semaphore_mem>>) src(%dma_wait3A_104 : memref<312x128xf32, #tpu.memory_space<vmem_shared>>) dst(%dma_wait3A_102 : memref<312x128xf32, #tpu.memory_space<hbm>>)
      tpu.yield
    }) : () -> ()
    %eq3A_92 = arith.constant 15 : i32
    %eq3A_93 = arith.cmpi eq, %arg1, %eq3A_92 : i32
    %convert_element_type3A_94 = arith.extui %eq3A_93 : i1 to i32
    %cond3A_95 = arith.constant 0 : i32
    %cond3A_96 = arith.cmpi ne, %convert_element_type3A_94, %cond3A_95 : i32
    scf.if %cond3A_96 {
      %add3A_97 = arith.constant 4992 : i32
      %add3A_98 = arith.addi %mul3A_0, %add3A_97 : i32
      "tpu.region"() ({
        %run_scoped3A = tpu.sem_alloc : memref<!tpu.dma_semaphore, #tpu.memory_space<semaphore_mem>>
        %dma_start3A_99 = arith.constant 0 : i32
        %dma_start3A_100 = tpu.memref_slice %arg5[%add3A_98, %dma_start3A_99] : memref<10000x128xf32, #tpu.memory_space<hbm>> -> memref<8x128xf32, #tpu.memory_space<hbm>>
        %dma_start3A_101 = arith.constant 4992 : i32
        %dma_start3A_102 = arith.constant 0 : i32
        %dma_start3A_103 = tpu.memref_slice %arg15[%dma_start3A_101, %dma_start3A_102] : memref<5064x128xf32, #tpu.memory_space<vmem_shared>> -> memref<8x128xf32, #tpu.memory_space<vmem_shared>>
        tpu.enqueue_dma source(%dma_start3A_103 : memref<8x128xf32, #tpu.memory_space<vmem_shared>>) target(%dma_start3A_100 : memref<8x128xf32, #tpu.memory_space<hbm>>) target_semaphore(%run_scoped3A : memref<!tpu.dma_semaphore, #tpu.memory_space<semaphore_mem>>)
        %dma_wait3A_104 = arith.constant 0 : i32
        %dma_wait3A_105 = tpu.memref_slice %arg5[%add3A_98, %dma_wait3A_104] : memref<10000x128xf32, #tpu.memory_space<hbm>> -> memref<8x128xf32, #tpu.memory_space<hbm>>
        %dma_wait3A_106 = arith.constant 4992 : i32
        %dma_wait3A_107 = arith.constant 0 : i32
        %dma_wait3A_108 = tpu.memref_slice %arg15[%dma_wait3A_106, %dma_wait3A_107] : memref<5064x128xf32, #tpu.memory_space<vmem_shared>> -> memref<8x128xf32, #tpu.memory_space<vmem_shared>>
        tpu.wait_dma2 semaphore(%run_scoped3A : memref<!tpu.dma_semaphore, #tpu.memory_space<semaphore_mem>>) src(%dma_wait3A_108 : memref<8x128xf32, #tpu.memory_space<vmem_shared>>) dst(%dma_wait3A_105 : memref<8x128xf32, #tpu.memory_space<hbm>>)
        tpu.yield
      }) : () -> ()
    } else {
    }
    return
  }
}

#map = affine_map<(d0, d1) -> (0, 0)>
#map1 = affine_map<(d0, d1) -> (0)>
module attributes {stable_mosaic.version = 14 : i64} {
  func.func @_sc_agg(%arg0: i32, %arg1: i32, %arg2: memref<10000x128xf32, #tpu.memory_space<hbm>>, %arg3: memref<320000xi32, #tpu.memory_space<hbm>>, %arg4: memref<320000xi32, #tpu.memory_space<hbm>>, %arg5: memref<10000x128xf32, #tpu.memory_space<hbm>>, %arg6: memref<80xi32, #tpu.memory_space<vmem>>, %arg7: memref<80xi32, #tpu.memory_space<vmem>>, %arg8: memref<80xi32, #tpu.memory_space<vmem>>, %arg9: memref<80xi32, #tpu.memory_space<vmem>>, %arg10: memref<80xi32, #tpu.memory_space<vmem>>, %arg11: memref<80xi32, #tpu.memory_space<vmem>>, %arg12: memref<80x128xf32, #tpu.memory_space<vmem>>, %arg13: memref<80x128xf32, #tpu.memory_space<vmem>>, %arg14: memref<24x128xf32, #tpu.memory_space<vmem>>, %arg15: memref<5064x128xf32, #tpu.memory_space<vmem_shared>>, %arg16: memref<!tpu.dma_semaphore, #tpu.memory_space<semaphore_mem>>, %arg17: memref<!tpu.dma_semaphore, #tpu.memory_space<semaphore_mem>>, %arg18: memref<!tpu.dma_semaphore, #tpu.memory_space<semaphore_mem>>, %arg19: memref<!tpu.dma_semaphore, #tpu.memory_space<semaphore_mem>>, %arg20: memref<!tpu.dma_semaphore, #tpu.memory_space<semaphore_mem>>, %arg21: memref<!tpu.dma_semaphore, #tpu.memory_space<semaphore_mem>>) attributes {dimension_semantics = [#tpu.dimension_semantics<core_parallel>, #tpu.dimension_semantics<subcore_parallel>], iteration_bounds = array<i64: 2, 16>, scalar_prefetch = 0 : i64, scratch_operands = 16 : i64, tpu.core_type = #tpu.core_type<sc_vector_subcore>, window_params = [{transform_indices = #map}, {transform_indices = #map1}, {transform_indices = #map1}, {transform_indices = #map}]} {
    %mul3A = arith.constant 5000 : i32
    %mul3A_0 = arith.muli %arg0, %mul3A : i32
    %mul3A_1 = arith.constant 20000 : i32
    %mul3A_2 = arith.muli %arg1, %mul3A_1 : i32
    %broadcast_in_dim3A = arith.constant 0.000000e+00 : f32
    %broadcast_in_dim3A_3 = vector.broadcast %broadcast_in_dim3A : f32 to vector<16xf32>
    %scan3A = arith.constant 0 : i32
    %scan3A_4 = arith.constant 0 : i32
    %scan3A_5 = arith.constant 192 : i32
    %scan3A_6 = arith.addi %scan3A_4, %scan3A_5 : i32
    %scan3A_7 = arith.constant 1 : i32
    %scan3A_8 = scf.for %scan3A_97 = %scan3A_4 to %scan3A_6 step %scan3A_7 iter_args(%scan3A_98 = %scan3A) -> (i32)  : i32 {
      %jit3A = arith.constant 8 : i32
      %div3A = arith.divsi %scan3A_97, %jit3A : i32
      %sign3A = arith.constant 0 : i32
      %sign3A_99 = arith.cmpi sgt, %scan3A_97, %sign3A : i32
      %sign3A_100 = arith.extui %sign3A_99 : i1 to i32
      %sign3A_101 = arith.constant 0 : i32
      %sign3A_102 = arith.cmpi slt, %scan3A_97, %sign3A_101 : i32
      %sign3A_103 = arith.extui %sign3A_102 : i1 to i32
      %sign3A_104 = arith.subi %sign3A_100, %sign3A_103 : i32
      %sign3A_105 = arith.constant 0 : i32
      %sign3A_106 = arith.cmpi sgt, %jit3A, %sign3A_105 : i32
      %sign3A_107 = arith.extui %sign3A_106 : i1 to i32
      %sign3A_108 = arith.constant 0 : i32
      %sign3A_109 = arith.cmpi slt, %jit3A, %sign3A_108 : i32
      %sign3A_110 = arith.extui %sign3A_109 : i1 to i32
      %sign3A_111 = arith.subi %sign3A_107, %sign3A_110 : i32
      %ne3A = arith.cmpi ne, %sign3A_104, %sign3A_111 : i32
      %rem3A = arith.remsi %scan3A_97, %jit3A : i32
      %ne3A_112 = arith.constant 0 : i32
      %ne3A_113 = arith.cmpi ne, %rem3A, %ne3A_112 : i32
      %and3A = arith.andi %ne3A, %ne3A_113 : i1
      %sub3A = arith.constant 1 : i32
      %sub3A_114 = arith.subi %div3A, %sub3A : i32
      %select_n3A = arith.select %and3A, %sub3A_114, %div3A : i32
      %jit3A_115 = arith.constant 8 : i32
      %eq3A_116 = arith.constant 0 : i32
      %eq3A_117 = arith.cmpi eq, %jit3A_115, %eq3A_116 : i32
      %jit3A_118 = arith.constant 1 : i32
      %select_n3A_119 = arith.select %eq3A_117, %jit3A_118, %jit3A_115 : i32
      %rem3A_120 = arith.remsi %scan3A_97, %select_n3A_119 : i32
      %ne3A_121 = arith.constant 0 : i32
      %ne3A_122 = arith.cmpi ne, %rem3A_120, %ne3A_121 : i32
      %lt3A = arith.constant 0 : i32
      %lt3A_123 = arith.cmpi slt, %rem3A_120, %lt3A : i32
      %lt3A_124 = arith.constant 0 : i32
      %lt3A_125 = arith.cmpi slt, %select_n3A_119, %lt3A_124 : i32
      %ne3A_126 = arith.xori %lt3A_123, %lt3A_125 : i1
      %and3A_127 = arith.andi %ne3A_126, %ne3A_122 : i1
      %add3A_128 = arith.addi %rem3A_120, %select_n3A_119 : i32
      %select_n3A_129 = arith.select %and3A_127, %add3A_128, %rem3A_120 : i32
      %mul3A_130 = arith.constant 16 : i32
      %mul3A_131 = arith.muli %select_n3A_129, %mul3A_130 : i32
      %swap3A = arith.index_cast %select_n3A : i32 to index
      %swap3A_132 = arith.index_cast %mul3A_131 : i32 to index
      %swap3A_133 = tpu.vector_load %arg14[%swap3A, %swap3A_132] {strides = array<i32>} : memref<24x128xf32, #tpu.memory_space<vmem>>, vector<1x16xf32>,
      %swap3A_134 = vector.shape_cast %swap3A_133 : vector<1x16xf32> to vector<16xf32>
      %swap3A_135 = vector.shape_cast %broadcast_in_dim3A_3 : vector<16xf32> to vector<1x16xf32>
      tpu.vector_store %arg14[%swap3A, %swap3A_132], %swap3A_135 {strides = array<i32>} : memref<24x128xf32, #tpu.memory_space<vmem>>, vector<1x16xf32>,
      %scan3A_136 = arith.constant 0 : i32
      scf.yield %scan3A_136 : i32
    }
    %scan3A_9 = arith.constant 192 : i32
    %mul3A_10 = arith.constant 312 : i32
    %mul3A_11 = arith.muli %arg1, %mul3A_10 : i32
    %add3A = arith.constant 0 : i32
    %add3A_12 = arith.addi %mul3A_11, %add3A : i32
    "tpu.region"() ({
      %run_scoped3A = tpu.sem_alloc : memref<!tpu.dma_semaphore, #tpu.memory_space<semaphore_mem>>
      %dma_start3A_97 = arith.constant 0 : i32
      %dma_start3A_98 = tpu.memref_slice %arg15[%add3A_12, %dma_start3A_97] : memref<5064x128xf32, #tpu.memory_space<vmem_shared>> -> memref<24x128xf32, #tpu.memory_space<vmem_shared>>
      %dma_start3A_99 = arith.constant 0 : i32
      %dma_start3A_100 = tpu.memref_slice %arg15[%add3A_12, %dma_start3A_99] : memref<5064x128xf32, #tpu.memory_space<vmem_shared>> -> memref<24x128xf32, #tpu.memory_space<vmem_shared>>
      tpu.enqueue_dma source(%arg14 : memref<24x128xf32, #tpu.memory_space<vmem>>) target(%dma_start3A_100 : memref<24x128xf32, #tpu.memory_space<vmem_shared>>) target_semaphore(%run_scoped3A : memref<!tpu.dma_semaphore, #tpu.memory_space<semaphore_mem>>)
      %dma_wait3A_101 = arith.constant 0 : i32
      %dma_wait3A_102 = tpu.memref_slice %arg15[%add3A_12, %dma_wait3A_101] : memref<5064x128xf32, #tpu.memory_space<vmem_shared>> -> memref<24x128xf32, #tpu.memory_space<vmem_shared>>
      %dma_wait3A_103 = arith.constant 0 : i32
      %dma_wait3A_104 = tpu.memref_slice %arg15[%add3A_12, %dma_wait3A_103] : memref<5064x128xf32, #tpu.memory_space<vmem_shared>> -> memref<24x128xf32, #tpu.memory_space<vmem_shared>>
      tpu.wait_dma2 semaphore(%run_scoped3A : memref<!tpu.dma_semaphore, #tpu.memory_space<semaphore_mem>>) src(%arg14 : memref<24x128xf32, #tpu.memory_space<vmem>>) dst(%dma_wait3A_104 : memref<24x128xf32, #tpu.memory_space<vmem_shared>>)
      tpu.yield
    }) : () -> ()
    %mul3A_13 = arith.constant 312 : i32
    %mul3A_14 = arith.muli %arg1, %mul3A_13 : i32
    %add3A_15 = arith.constant 24 : i32
    %add3A_16 = arith.addi %mul3A_14, %add3A_15 : i32
    "tpu.region"() ({
      %run_scoped3A = tpu.sem_alloc : memref<!tpu.dma_semaphore, #tpu.memory_space<semaphore_mem>>
      %dma_start3A_97 = arith.constant 0 : i32
      %dma_start3A_98 = tpu.memref_slice %arg15[%add3A_16, %dma_start3A_97] : memref<5064x128xf32, #tpu.memory_space<vmem_shared>> -> memref<24x128xf32, #tpu.memory_space<vmem_shared>>
      %dma_start3A_99 = arith.constant 0 : i32
      %dma_start3A_100 = tpu.memref_slice %arg15[%add3A_16, %dma_start3A_99] : memref<5064x128xf32, #tpu.memory_space<vmem_shared>> -> memref<24x128xf32, #tpu.memory_space<vmem_shared>>
      tpu.enqueue_dma source(%arg14 : memref<24x128xf32, #tpu.memory_space<vmem>>) target(%dma_start3A_100 : memref<24x128xf32, #tpu.memory_space<vmem_shared>>) target_semaphore(%run_scoped3A : memref<!tpu.dma_semaphore, #tpu.memory_space<semaphore_mem>>)
      %dma_wait3A_101 = arith.constant 0 : i32
      %dma_wait3A_102 = tpu.memref_slice %arg15[%add3A_16, %dma_wait3A_101] : memref<5064x128xf32, #tpu.memory_space<vmem_shared>> -> memref<24x128xf32, #tpu.memory_space<vmem_shared>>
      %dma_wait3A_103 = arith.constant 0 : i32
      %dma_wait3A_104 = tpu.memref_slice %arg15[%add3A_16, %dma_wait3A_103] : memref<5064x128xf32, #tpu.memory_space<vmem_shared>> -> memref<24x128xf32, #tpu.memory_space<vmem_shared>>
      tpu.wait_dma2 semaphore(%run_scoped3A : memref<!tpu.dma_semaphore, #tpu.memory_space<semaphore_mem>>) src(%arg14 : memref<24x128xf32, #tpu.memory_space<vmem>>) dst(%dma_wait3A_104 : memref<24x128xf32, #tpu.memory_space<vmem_shared>>)
      tpu.yield
    }) : () -> ()
    %mul3A_17 = arith.constant 312 : i32
    %mul3A_18 = arith.muli %arg1, %mul3A_17 : i32
    %add3A_19 = arith.constant 48 : i32
    %add3A_20 = arith.addi %mul3A_18, %add3A_19 : i32
    "tpu.region"() ({
      %run_scoped3A = tpu.sem_alloc : memref<!tpu.dma_semaphore, #tpu.memory_space<semaphore_mem>>
      %dma_start3A_97 = arith.constant 0 : i32
      %dma_start3A_98 = tpu.memref_slice %arg15[%add3A_20, %dma_start3A_97] : memref<5064x128xf32, #tpu.memory_space<vmem_shared>> -> memref<24x128xf32, #tpu.memory_space<vmem_shared>>
      %dma_start3A_99 = arith.constant 0 : i32
      %dma_start3A_100 = tpu.memref_slice %arg15[%add3A_20, %dma_start3A_99] : memref<5064x128xf32, #tpu.memory_space<vmem_shared>> -> memref<24x128xf32, #tpu.memory_space<vmem_shared>>
      tpu.enqueue_dma source(%arg14 : memref<24x128xf32, #tpu.memory_space<vmem>>) target(%dma_start3A_100 : memref<24x128xf32, #tpu.memory_space<vmem_shared>>) target_semaphore(%run_scoped3A : memref<!tpu.dma_semaphore, #tpu.memory_space<semaphore_mem>>)
      %dma_wait3A_101 = arith.constant 0 : i32
      %dma_wait3A_102 = tpu.memref_slice %arg15[%add3A_20, %dma_wait3A_101] : memref<5064x128xf32, #tpu.memory_space<vmem_shared>> -> memref<24x128xf32, #tpu.memory_space<vmem_shared>>
      %dma_wait3A_103 = arith.constant 0 : i32
      %dma_wait3A_104 = tpu.memref_slice %arg15[%add3A_20, %dma_wait3A_103] : memref<5064x128xf32, #tpu.memory_space<vmem_shared>> -> memref<24x128xf32, #tpu.memory_space<vmem_shared>>
      tpu.wait_dma2 semaphore(%run_scoped3A : memref<!tpu.dma_semaphore, #tpu.memory_space<semaphore_mem>>) src(%arg14 : memref<24x128xf32, #tpu.memory_space<vmem>>) dst(%dma_wait3A_104 : memref<24x128xf32, #tpu.memory_space<vmem_shared>>)
      tpu.yield
    }) : () -> ()
    %mul3A_21 = arith.constant 312 : i32
    %mul3A_22 = arith.muli %arg1, %mul3A_21 : i32
    %add3A_23 = arith.constant 72 : i32
    %add3A_24 = arith.addi %mul3A_22, %add3A_23 : i32
    "tpu.region"() ({
      %run_scoped3A = tpu.sem_alloc : memref<!tpu.dma_semaphore, #tpu.memory_space<semaphore_mem>>
      %dma_start3A_97 = arith.constant 0 : i32
      %dma_start3A_98 = tpu.memref_slice %arg15[%add3A_24, %dma_start3A_97] : memref<5064x128xf32, #tpu.memory_space<vmem_shared>> -> memref<24x128xf32, #tpu.memory_space<vmem_shared>>
      %dma_start3A_99 = arith.constant 0 : i32
      %dma_start3A_100 = tpu.memref_slice %arg15[%add3A_24, %dma_start3A_99] : memref<5064x128xf32, #tpu.memory_space<vmem_shared>> -> memref<24x128xf32, #tpu.memory_space<vmem_shared>>
      tpu.enqueue_dma source(%arg14 : memref<24x128xf32, #tpu.memory_space<vmem>>) target(%dma_start3A_100 : memref<24x128xf32, #tpu.memory_space<vmem_shared>>) target_semaphore(%run_scoped3A : memref<!tpu.dma_semaphore, #tpu.memory_space<semaphore_mem>>)
      %dma_wait3A_101 = arith.constant 0 : i32
      %dma_wait3A_102 = tpu.memref_slice %arg15[%add3A_24, %dma_wait3A_101] : memref<5064x128xf32, #tpu.memory_space<vmem_shared>> -> memref<24x128xf32, #tpu.memory_space<vmem_shared>>
      %dma_wait3A_103 = arith.constant 0 : i32
      %dma_wait3A_104 = tpu.memref_slice %arg15[%add3A_24, %dma_wait3A_103] : memref<5064x128xf32, #tpu.memory_space<vmem_shared>> -> memref<24x128xf32, #tpu.memory_space<vmem_shared>>
      tpu.wait_dma2 semaphore(%run_scoped3A : memref<!tpu.dma_semaphore, #tpu.memory_space<semaphore_mem>>) src(%arg14 : memref<24x128xf32, #tpu.memory_space<vmem>>) dst(%dma_wait3A_104 : memref<24x128xf32, #tpu.memory_space<vmem_shared>>)
      tpu.yield
    }) : () -> ()
    %mul3A_25 = arith.constant 312 : i32
    %mul3A_26 = arith.muli %arg1, %mul3A_25 : i32
    %add3A_27 = arith.constant 96 : i32
    %add3A_28 = arith.addi %mul3A_26, %add3A_27 : i32
    "tpu.region"() ({
      %run_scoped3A = tpu.sem_alloc : memref<!tpu.dma_semaphore, #tpu.memory_space<semaphore_mem>>
      %dma_start3A_97 = arith.constant 0 : i32
      %dma_start3A_98 = tpu.memref_slice %arg15[%add3A_28, %dma_start3A_97] : memref<5064x128xf32, #tpu.memory_space<vmem_shared>> -> memref<24x128xf32, #tpu.memory_space<vmem_shared>>
      %dma_start3A_99 = arith.constant 0 : i32
      %dma_start3A_100 = tpu.memref_slice %arg15[%add3A_28, %dma_start3A_99] : memref<5064x128xf32, #tpu.memory_space<vmem_shared>> -> memref<24x128xf32, #tpu.memory_space<vmem_shared>>
      tpu.enqueue_dma source(%arg14 : memref<24x128xf32, #tpu.memory_space<vmem>>) target(%dma_start3A_100 : memref<24x128xf32, #tpu.memory_space<vmem_shared>>) target_semaphore(%run_scoped3A : memref<!tpu.dma_semaphore, #tpu.memory_space<semaphore_mem>>)
      %dma_wait3A_101 = arith.constant 0 : i32
      %dma_wait3A_102 = tpu.memref_slice %arg15[%add3A_28, %dma_wait3A_101] : memref<5064x128xf32, #tpu.memory_space<vmem_shared>> -> memref<24x128xf32, #tpu.memory_space<vmem_shared>>
      %dma_wait3A_103 = arith.constant 0 : i32
      %dma_wait3A_104 = tpu.memref_slice %arg15[%add3A_28, %dma_wait3A_103] : memref<5064x128xf32, #tpu.memory_space<vmem_shared>> -> memref<24x128xf32, #tpu.memory_space<vmem_shared>>
      tpu.wait_dma2 semaphore(%run_scoped3A : memref<!tpu.dma_semaphore, #tpu.memory_space<semaphore_mem>>) src(%arg14 : memref<24x128xf32, #tpu.memory_space<vmem>>) dst(%dma_wait3A_104 : memref<24x128xf32, #tpu.memory_space<vmem_shared>>)
      tpu.yield
    }) : () -> ()
    %mul3A_29 = arith.constant 312 : i32
    %mul3A_30 = arith.muli %arg1, %mul3A_29 : i32
    %add3A_31 = arith.constant 120 : i32
    %add3A_32 = arith.addi %mul3A_30, %add3A_31 : i32
    "tpu.region"() ({
      %run_scoped3A = tpu.sem_alloc : memref<!tpu.dma_semaphore, #tpu.memory_space<semaphore_mem>>
      %dma_start3A_97 = arith.constant 0 : i32
      %dma_start3A_98 = tpu.memref_slice %arg15[%add3A_32, %dma_start3A_97] : memref<5064x128xf32, #tpu.memory_space<vmem_shared>> -> memref<24x128xf32, #tpu.memory_space<vmem_shared>>
      %dma_start3A_99 = arith.constant 0 : i32
      %dma_start3A_100 = tpu.memref_slice %arg15[%add3A_32, %dma_start3A_99] : memref<5064x128xf32, #tpu.memory_space<vmem_shared>> -> memref<24x128xf32, #tpu.memory_space<vmem_shared>>
      tpu.enqueue_dma source(%arg14 : memref<24x128xf32, #tpu.memory_space<vmem>>) target(%dma_start3A_100 : memref<24x128xf32, #tpu.memory_space<vmem_shared>>) target_semaphore(%run_scoped3A : memref<!tpu.dma_semaphore, #tpu.memory_space<semaphore_mem>>)
      %dma_wait3A_101 = arith.constant 0 : i32
      %dma_wait3A_102 = tpu.memref_slice %arg15[%add3A_32, %dma_wait3A_101] : memref<5064x128xf32, #tpu.memory_space<vmem_shared>> -> memref<24x128xf32, #tpu.memory_space<vmem_shared>>
      %dma_wait3A_103 = arith.constant 0 : i32
      %dma_wait3A_104 = tpu.memref_slice %arg15[%add3A_32, %dma_wait3A_103] : memref<5064x128xf32, #tpu.memory_space<vmem_shared>> -> memref<24x128xf32, #tpu.memory_space<vmem_shared>>
      tpu.wait_dma2 semaphore(%run_scoped3A : memref<!tpu.dma_semaphore, #tpu.memory_space<semaphore_mem>>) src(%arg14 : memref<24x128xf32, #tpu.memory_space<vmem>>) dst(%dma_wait3A_104 : memref<24x128xf32, #tpu.memory_space<vmem_shared>>)
      tpu.yield
    }) : () -> ()
    %mul3A_33 = arith.constant 312 : i32
    %mul3A_34 = arith.muli %arg1, %mul3A_33 : i32
    %add3A_35 = arith.constant 144 : i32
    %add3A_36 = arith.addi %mul3A_34, %add3A_35 : i32
    "tpu.region"() ({
      %run_scoped3A = tpu.sem_alloc : memref<!tpu.dma_semaphore, #tpu.memory_space<semaphore_mem>>
      %dma_start3A_97 = arith.constant 0 : i32
      %dma_start3A_98 = tpu.memref_slice %arg15[%add3A_36, %dma_start3A_97] : memref<5064x128xf32, #tpu.memory_space<vmem_shared>> -> memref<24x128xf32, #tpu.memory_space<vmem_shared>>
      %dma_start3A_99 = arith.constant 0 : i32
      %dma_start3A_100 = tpu.memref_slice %arg15[%add3A_36, %dma_start3A_99] : memref<5064x128xf32, #tpu.memory_space<vmem_shared>> -> memref<24x128xf32, #tpu.memory_space<vmem_shared>>
      tpu.enqueue_dma source(%arg14 : memref<24x128xf32, #tpu.memory_space<vmem>>) target(%dma_start3A_100 : memref<24x128xf32, #tpu.memory_space<vmem_shared>>) target_semaphore(%run_scoped3A : memref<!tpu.dma_semaphore, #tpu.memory_space<semaphore_mem>>)
      %dma_wait3A_101 = arith.constant 0 : i32
      %dma_wait3A_102 = tpu.memref_slice %arg15[%add3A_36, %dma_wait3A_101] : memref<5064x128xf32, #tpu.memory_space<vmem_shared>> -> memref<24x128xf32, #tpu.memory_space<vmem_shared>>
      %dma_wait3A_103 = arith.constant 0 : i32
      %dma_wait3A_104 = tpu.memref_slice %arg15[%add3A_36, %dma_wait3A_103] : memref<5064x128xf32, #tpu.memory_space<vmem_shared>> -> memref<24x128xf32, #tpu.memory_space<vmem_shared>>
      tpu.wait_dma2 semaphore(%run_scoped3A : memref<!tpu.dma_semaphore, #tpu.memory_space<semaphore_mem>>) src(%arg14 : memref<24x128xf32, #tpu.memory_space<vmem>>) dst(%dma_wait3A_104 : memref<24x128xf32, #tpu.memory_space<vmem_shared>>)
      tpu.yield
    }) : () -> ()
    %mul3A_37 = arith.constant 312 : i32
    %mul3A_38 = arith.muli %arg1, %mul3A_37 : i32
    %add3A_39 = arith.constant 168 : i32
    %add3A_40 = arith.addi %mul3A_38, %add3A_39 : i32
    "tpu.region"() ({
      %run_scoped3A = tpu.sem_alloc : memref<!tpu.dma_semaphore, #tpu.memory_space<semaphore_mem>>
      %dma_start3A_97 = arith.constant 0 : i32
      %dma_start3A_98 = tpu.memref_slice %arg15[%add3A_40, %dma_start3A_97] : memref<5064x128xf32, #tpu.memory_space<vmem_shared>> -> memref<24x128xf32, #tpu.memory_space<vmem_shared>>
      %dma_start3A_99 = arith.constant 0 : i32
      %dma_start3A_100 = tpu.memref_slice %arg15[%add3A_40, %dma_start3A_99] : memref<5064x128xf32, #tpu.memory_space<vmem_shared>> -> memref<24x128xf32, #tpu.memory_space<vmem_shared>>
      tpu.enqueue_dma source(%arg14 : memref<24x128xf32, #tpu.memory_space<vmem>>) target(%dma_start3A_100 : memref<24x128xf32, #tpu.memory_space<vmem_shared>>) target_semaphore(%run_scoped3A : memref<!tpu.dma_semaphore, #tpu.memory_space<semaphore_mem>>)
      %dma_wait3A_101 = arith.constant 0 : i32
      %dma_wait3A_102 = tpu.memref_slice %arg15[%add3A_40, %dma_wait3A_101] : memref<5064x128xf32, #tpu.memory_space<vmem_shared>> -> memref<24x128xf32, #tpu.memory_space<vmem_shared>>
      %dma_wait3A_103 = arith.constant 0 : i32
      %dma_wait3A_104 = tpu.memref_slice %arg15[%add3A_40, %dma_wait3A_103] : memref<5064x128xf32, #tpu.memory_space<vmem_shared>> -> memref<24x128xf32, #tpu.memory_space<vmem_shared>>
      tpu.wait_dma2 semaphore(%run_scoped3A : memref<!tpu.dma_semaphore, #tpu.memory_space<semaphore_mem>>) src(%arg14 : memref<24x128xf32, #tpu.memory_space<vmem>>) dst(%dma_wait3A_104 : memref<24x128xf32, #tpu.memory_space<vmem_shared>>)
      tpu.yield
    }) : () -> ()
    %mul3A_41 = arith.constant 312 : i32
    %mul3A_42 = arith.muli %arg1, %mul3A_41 : i32
    %add3A_43 = arith.constant 192 : i32
    %add3A_44 = arith.addi %mul3A_42, %add3A_43 : i32
    "tpu.region"() ({
      %run_scoped3A = tpu.sem_alloc : memref<!tpu.dma_semaphore, #tpu.memory_space<semaphore_mem>>
      %dma_start3A_97 = arith.constant 0 : i32
      %dma_start3A_98 = tpu.memref_slice %arg15[%add3A_44, %dma_start3A_97] : memref<5064x128xf32, #tpu.memory_space<vmem_shared>> -> memref<24x128xf32, #tpu.memory_space<vmem_shared>>
      %dma_start3A_99 = arith.constant 0 : i32
      %dma_start3A_100 = tpu.memref_slice %arg15[%add3A_44, %dma_start3A_99] : memref<5064x128xf32, #tpu.memory_space<vmem_shared>> -> memref<24x128xf32, #tpu.memory_space<vmem_shared>>
      tpu.enqueue_dma source(%arg14 : memref<24x128xf32, #tpu.memory_space<vmem>>) target(%dma_start3A_100 : memref<24x128xf32, #tpu.memory_space<vmem_shared>>) target_semaphore(%run_scoped3A : memref<!tpu.dma_semaphore, #tpu.memory_space<semaphore_mem>>)
      %dma_wait3A_101 = arith.constant 0 : i32
      %dma_wait3A_102 = tpu.memref_slice %arg15[%add3A_44, %dma_wait3A_101] : memref<5064x128xf32, #tpu.memory_space<vmem_shared>> -> memref<24x128xf32, #tpu.memory_space<vmem_shared>>
      %dma_wait3A_103 = arith.constant 0 : i32
      %dma_wait3A_104 = tpu.memref_slice %arg15[%add3A_44, %dma_wait3A_103] : memref<5064x128xf32, #tpu.memory_space<vmem_shared>> -> memref<24x128xf32, #tpu.memory_space<vmem_shared>>
      tpu.wait_dma2 semaphore(%run_scoped3A : memref<!tpu.dma_semaphore, #tpu.memory_space<semaphore_mem>>) src(%arg14 : memref<24x128xf32, #tpu.memory_space<vmem>>) dst(%dma_wait3A_104 : memref<24x128xf32, #tpu.memory_space<vmem_shared>>)
      tpu.yield
    }) : () -> ()
    %mul3A_45 = arith.constant 312 : i32
    %mul3A_46 = arith.muli %arg1, %mul3A_45 : i32
    %add3A_47 = arith.constant 216 : i32
    %add3A_48 = arith.addi %mul3A_46, %add3A_47 : i32
    "tpu.region"() ({
      %run_scoped3A = tpu.sem_alloc : memref<!tpu.dma_semaphore, #tpu.memory_space<semaphore_mem>>
      %dma_start3A_97 = arith.constant 0 : i32
      %dma_start3A_98 = tpu.memref_slice %arg15[%add3A_48, %dma_start3A_97] : memref<5064x128xf32, #tpu.memory_space<vmem_shared>> -> memref<24x128xf32, #tpu.memory_space<vmem_shared>>
      %dma_start3A_99 = arith.constant 0 : i32
      %dma_start3A_100 = tpu.memref_slice %arg15[%add3A_48, %dma_start3A_99] : memref<5064x128xf32, #tpu.memory_space<vmem_shared>> -> memref<24x128xf32, #tpu.memory_space<vmem_shared>>
      tpu.enqueue_dma source(%arg14 : memref<24x128xf32, #tpu.memory_space<vmem>>) target(%dma_start3A_100 : memref<24x128xf32, #tpu.memory_space<vmem_shared>>) target_semaphore(%run_scoped3A : memref<!tpu.dma_semaphore, #tpu.memory_space<semaphore_mem>>)
      %dma_wait3A_101 = arith.constant 0 : i32
      %dma_wait3A_102 = tpu.memref_slice %arg15[%add3A_48, %dma_wait3A_101] : memref<5064x128xf32, #tpu.memory_space<vmem_shared>> -> memref<24x128xf32, #tpu.memory_space<vmem_shared>>
      %dma_wait3A_103 = arith.constant 0 : i32
      %dma_wait3A_104 = tpu.memref_slice %arg15[%add3A_48, %dma_wait3A_103] : memref<5064x128xf32, #tpu.memory_space<vmem_shared>> -> memref<24x128xf32, #tpu.memory_space<vmem_shared>>
      tpu.wait_dma2 semaphore(%run_scoped3A : memref<!tpu.dma_semaphore, #tpu.memory_space<semaphore_mem>>) src(%arg14 : memref<24x128xf32, #tpu.memory_space<vmem>>) dst(%dma_wait3A_104 : memref<24x128xf32, #tpu.memory_space<vmem_shared>>)
      tpu.yield
    }) : () -> ()
    %mul3A_49 = arith.constant 312 : i32
    %mul3A_50 = arith.muli %arg1, %mul3A_49 : i32
    %add3A_51 = arith.constant 240 : i32
    %add3A_52 = arith.addi %mul3A_50, %add3A_51 : i32
    "tpu.region"() ({
      %run_scoped3A = tpu.sem_alloc : memref<!tpu.dma_semaphore, #tpu.memory_space<semaphore_mem>>
      %dma_start3A_97 = arith.constant 0 : i32
      %dma_start3A_98 = tpu.memref_slice %arg15[%add3A_52, %dma_start3A_97] : memref<5064x128xf32, #tpu.memory_space<vmem_shared>> -> memref<24x128xf32, #tpu.memory_space<vmem_shared>>
      %dma_start3A_99 = arith.constant 0 : i32
      %dma_start3A_100 = tpu.memref_slice %arg15[%add3A_52, %dma_start3A_99] : memref<5064x128xf32, #tpu.memory_space<vmem_shared>> -> memref<24x128xf32, #tpu.memory_space<vmem_shared>>
      tpu.enqueue_dma source(%arg14 : memref<24x128xf32, #tpu.memory_space<vmem>>) target(%dma_start3A_100 : memref<24x128xf32, #tpu.memory_space<vmem_shared>>) target_semaphore(%run_scoped3A : memref<!tpu.dma_semaphore, #tpu.memory_space<semaphore_mem>>)
      %dma_wait3A_101 = arith.constant 0 : i32
      %dma_wait3A_102 = tpu.memref_slice %arg15[%add3A_52, %dma_wait3A_101] : memref<5064x128xf32, #tpu.memory_space<vmem_shared>> -> memref<24x128xf32, #tpu.memory_space<vmem_shared>>
      %dma_wait3A_103 = arith.constant 0 : i32
      %dma_wait3A_104 = tpu.memref_slice %arg15[%add3A_52, %dma_wait3A_103] : memref<5064x128xf32, #tpu.memory_space<vmem_shared>> -> memref<24x128xf32, #tpu.memory_space<vmem_shared>>
      tpu.wait_dma2 semaphore(%run_scoped3A : memref<!tpu.dma_semaphore, #tpu.memory_space<semaphore_mem>>) src(%arg14 : memref<24x128xf32, #tpu.memory_space<vmem>>) dst(%dma_wait3A_104 : memref<24x128xf32, #tpu.memory_space<vmem_shared>>)
      tpu.yield
    }) : () -> ()
    %mul3A_53 = arith.constant 312 : i32
    %mul3A_54 = arith.muli %arg1, %mul3A_53 : i32
    %add3A_55 = arith.constant 264 : i32
    %add3A_56 = arith.addi %mul3A_54, %add3A_55 : i32
    "tpu.region"() ({
      %run_scoped3A = tpu.sem_alloc : memref<!tpu.dma_semaphore, #tpu.memory_space<semaphore_mem>>
      %dma_start3A_97 = arith.constant 0 : i32
      %dma_start3A_98 = tpu.memref_slice %arg15[%add3A_56, %dma_start3A_97] : memref<5064x128xf32, #tpu.memory_space<vmem_shared>> -> memref<24x128xf32, #tpu.memory_space<vmem_shared>>
      %dma_start3A_99 = arith.constant 0 : i32
      %dma_start3A_100 = tpu.memref_slice %arg15[%add3A_56, %dma_start3A_99] : memref<5064x128xf32, #tpu.memory_space<vmem_shared>> -> memref<24x128xf32, #tpu.memory_space<vmem_shared>>
      tpu.enqueue_dma source(%arg14 : memref<24x128xf32, #tpu.memory_space<vmem>>) target(%dma_start3A_100 : memref<24x128xf32, #tpu.memory_space<vmem_shared>>) target_semaphore(%run_scoped3A : memref<!tpu.dma_semaphore, #tpu.memory_space<semaphore_mem>>)
      %dma_wait3A_101 = arith.constant 0 : i32
      %dma_wait3A_102 = tpu.memref_slice %arg15[%add3A_56, %dma_wait3A_101] : memref<5064x128xf32, #tpu.memory_space<vmem_shared>> -> memref<24x128xf32, #tpu.memory_space<vmem_shared>>
      %dma_wait3A_103 = arith.constant 0 : i32
      %dma_wait3A_104 = tpu.memref_slice %arg15[%add3A_56, %dma_wait3A_103] : memref<5064x128xf32, #tpu.memory_space<vmem_shared>> -> memref<24x128xf32, #tpu.memory_space<vmem_shared>>
      tpu.wait_dma2 semaphore(%run_scoped3A : memref<!tpu.dma_semaphore, #tpu.memory_space<semaphore_mem>>) src(%arg14 : memref<24x128xf32, #tpu.memory_space<vmem>>) dst(%dma_wait3A_104 : memref<24x128xf32, #tpu.memory_space<vmem_shared>>)
      tpu.yield
    }) : () -> ()
    %mul3A_57 = arith.constant 312 : i32
    %mul3A_58 = arith.muli %arg1, %mul3A_57 : i32
    %add3A_59 = arith.constant 288 : i32
    %add3A_60 = arith.addi %mul3A_58, %add3A_59 : i32
    "tpu.region"() ({
      %run_scoped3A = tpu.sem_alloc : memref<!tpu.dma_semaphore, #tpu.memory_space<semaphore_mem>>
      %dma_start3A_97 = arith.constant 0 : i32
      %dma_start3A_98 = tpu.memref_slice %arg15[%add3A_60, %dma_start3A_97] : memref<5064x128xf32, #tpu.memory_space<vmem_shared>> -> memref<24x128xf32, #tpu.memory_space<vmem_shared>>
      %dma_start3A_99 = arith.constant 0 : i32
      %dma_start3A_100 = tpu.memref_slice %arg15[%add3A_60, %dma_start3A_99] : memref<5064x128xf32, #tpu.memory_space<vmem_shared>> -> memref<24x128xf32, #tpu.memory_space<vmem_shared>>
      tpu.enqueue_dma source(%arg14 : memref<24x128xf32, #tpu.memory_space<vmem>>) target(%dma_start3A_100 : memref<24x128xf32, #tpu.memory_space<vmem_shared>>) target_semaphore(%run_scoped3A : memref<!tpu.dma_semaphore, #tpu.memory_space<semaphore_mem>>)
      %dma_wait3A_101 = arith.constant 0 : i32
      %dma_wait3A_102 = tpu.memref_slice %arg15[%add3A_60, %dma_wait3A_101] : memref<5064x128xf32, #tpu.memory_space<vmem_shared>> -> memref<24x128xf32, #tpu.memory_space<vmem_shared>>
      %dma_wait3A_103 = arith.constant 0 : i32
      %dma_wait3A_104 = tpu.memref_slice %arg15[%add3A_60, %dma_wait3A_103] : memref<5064x128xf32, #tpu.memory_space<vmem_shared>> -> memref<24x128xf32, #tpu.memory_space<vmem_shared>>
      tpu.wait_dma2 semaphore(%run_scoped3A : memref<!tpu.dma_semaphore, #tpu.memory_space<semaphore_mem>>) src(%arg14 : memref<24x128xf32, #tpu.memory_space<vmem>>) dst(%dma_wait3A_104 : memref<24x128xf32, #tpu.memory_space<vmem_shared>>)
      tpu.yield
    }) : () -> ()
    %eq3A = arith.constant 15 : i32
    %eq3A_61 = arith.cmpi eq, %arg1, %eq3A : i32
    %convert_element_type3A = arith.extui %eq3A_61 : i1 to i32
    %cond3A = arith.constant 0 : i32
    %cond3A_62 = arith.cmpi ne, %convert_element_type3A, %cond3A : i32
    scf.if %cond3A_62 {
      "tpu.region"() ({
        %run_scoped3A = tpu.sem_alloc : memref<!tpu.dma_semaphore, #tpu.memory_space<semaphore_mem>>
        %dma_start3A_97 = arith.constant 0 : i32
        %dma_start3A_98 = arith.constant 0 : i32
        %dma_start3A_99 = tpu.memref_slice %arg14[%dma_start3A_97, %dma_start3A_98] : memref<24x128xf32, #tpu.memory_space<vmem>> -> memref<24x128xf32, #tpu.memory_space<vmem>>
        %dma_start3A_100 = arith.constant 4992 : i32
        %dma_start3A_101 = arith.constant 0 : i32
        %dma_start3A_102 = tpu.memref_slice %arg15[%dma_start3A_100, %dma_start3A_101] : memref<5064x128xf32, #tpu.memory_space<vmem_shared>> -> memref<24x128xf32, #tpu.memory_space<vmem_shared>>
        %dma_start3A_103 = arith.constant 4992 : i32
        %dma_start3A_104 = arith.constant 0 : i32
        %dma_start3A_105 = tpu.memref_slice %arg15[%dma_start3A_103, %dma_start3A_104] : memref<5064x128xf32, #tpu.memory_space<vmem_shared>> -> memref<24x128xf32, #tpu.memory_space<vmem_shared>>
        %dma_start3A_106 = arith.constant 0 : i32
        %dma_start3A_107 = arith.constant 0 : i32
        %dma_start3A_108 = tpu.memref_slice %arg14[%dma_start3A_106, %dma_start3A_107] : memref<24x128xf32, #tpu.memory_space<vmem>> -> memref<24x128xf32, #tpu.memory_space<vmem>>
        tpu.enqueue_dma source(%dma_start3A_108 : memref<24x128xf32, #tpu.memory_space<vmem>>) target(%dma_start3A_105 : memref<24x128xf32, #tpu.memory_space<vmem_shared>>) target_semaphore(%run_scoped3A : memref<!tpu.dma_semaphore, #tpu.memory_space<semaphore_mem>>)
        %dma_wait3A_109 = arith.constant 0 : i32
        %dma_wait3A_110 = arith.constant 0 : i32
        %dma_wait3A_111 = tpu.memref_slice %arg14[%dma_wait3A_109, %dma_wait3A_110] : memref<24x128xf32, #tpu.memory_space<vmem>> -> memref<24x128xf32, #tpu.memory_space<vmem>>
        %dma_wait3A_112 = arith.constant 4992 : i32
        %dma_wait3A_113 = arith.constant 0 : i32
        %dma_wait3A_114 = tpu.memref_slice %arg15[%dma_wait3A_112, %dma_wait3A_113] : memref<5064x128xf32, #tpu.memory_space<vmem_shared>> -> memref<24x128xf32, #tpu.memory_space<vmem_shared>>
        %dma_wait3A_115 = arith.constant 4992 : i32
        %dma_wait3A_116 = arith.constant 0 : i32
        %dma_wait3A_117 = tpu.memref_slice %arg15[%dma_wait3A_115, %dma_wait3A_116] : memref<5064x128xf32, #tpu.memory_space<vmem_shared>> -> memref<24x128xf32, #tpu.memory_space<vmem_shared>>
        %dma_wait3A_118 = arith.constant 0 : i32
        %dma_wait3A_119 = arith.constant 0 : i32
        %dma_wait3A_120 = tpu.memref_slice %arg14[%dma_wait3A_118, %dma_wait3A_119] : memref<24x128xf32, #tpu.memory_space<vmem>> -> memref<24x128xf32, #tpu.memory_space<vmem>>
        tpu.wait_dma2 semaphore(%run_scoped3A : memref<!tpu.dma_semaphore, #tpu.memory_space<semaphore_mem>>) src(%dma_wait3A_120 : memref<24x128xf32, #tpu.memory_space<vmem>>) dst(%dma_wait3A_117 : memref<24x128xf32, #tpu.memory_space<vmem_shared>>)
        tpu.yield
      }) : () -> ()
      "tpu.region"() ({
        %run_scoped3A = tpu.sem_alloc : memref<!tpu.dma_semaphore, #tpu.memory_space<semaphore_mem>>
        %dma_start3A_97 = arith.constant 0 : i32
        %dma_start3A_98 = arith.constant 0 : i32
        %dma_start3A_99 = tpu.memref_slice %arg14[%dma_start3A_97, %dma_start3A_98] : memref<24x128xf32, #tpu.memory_space<vmem>> -> memref<24x128xf32, #tpu.memory_space<vmem>>
        %dma_start3A_100 = arith.constant 5016 : i32
        %dma_start3A_101 = arith.constant 0 : i32
        %dma_start3A_102 = tpu.memref_slice %arg15[%dma_start3A_100, %dma_start3A_101] : memref<5064x128xf32, #tpu.memory_space<vmem_shared>> -> memref<24x128xf32, #tpu.memory_space<vmem_shared>>
        %dma_start3A_103 = arith.constant 5016 : i32
        %dma_start3A_104 = arith.constant 0 : i32
        %dma_start3A_105 = tpu.memref_slice %arg15[%dma_start3A_103, %dma_start3A_104] : memref<5064x128xf32, #tpu.memory_space<vmem_shared>> -> memref<24x128xf32, #tpu.memory_space<vmem_shared>>
        %dma_start3A_106 = arith.constant 0 : i32
        %dma_start3A_107 = arith.constant 0 : i32
        %dma_start3A_108 = tpu.memref_slice %arg14[%dma_start3A_106, %dma_start3A_107] : memref<24x128xf32, #tpu.memory_space<vmem>> -> memref<24x128xf32, #tpu.memory_space<vmem>>
        tpu.enqueue_dma source(%dma_start3A_108 : memref<24x128xf32, #tpu.memory_space<vmem>>) target(%dma_start3A_105 : memref<24x128xf32, #tpu.memory_space<vmem_shared>>) target_semaphore(%run_scoped3A : memref<!tpu.dma_semaphore, #tpu.memory_space<semaphore_mem>>)
        %dma_wait3A_109 = arith.constant 0 : i32
        %dma_wait3A_110 = arith.constant 0 : i32
        %dma_wait3A_111 = tpu.memref_slice %arg14[%dma_wait3A_109, %dma_wait3A_110] : memref<24x128xf32, #tpu.memory_space<vmem>> -> memref<24x128xf32, #tpu.memory_space<vmem>>
        %dma_wait3A_112 = arith.constant 5016 : i32
        %dma_wait3A_113 = arith.constant 0 : i32
        %dma_wait3A_114 = tpu.memref_slice %arg15[%dma_wait3A_112, %dma_wait3A_113] : memref<5064x128xf32, #tpu.memory_space<vmem_shared>> -> memref<24x128xf32, #tpu.memory_space<vmem_shared>>
        %dma_wait3A_115 = arith.constant 5016 : i32
        %dma_wait3A_116 = arith.constant 0 : i32
        %dma_wait3A_117 = tpu.memref_slice %arg15[%dma_wait3A_115, %dma_wait3A_116] : memref<5064x128xf32, #tpu.memory_space<vmem_shared>> -> memref<24x128xf32, #tpu.memory_space<vmem_shared>>
        %dma_wait3A_118 = arith.constant 0 : i32
        %dma_wait3A_119 = arith.constant 0 : i32
        %dma_wait3A_120 = tpu.memref_slice %arg14[%dma_wait3A_118, %dma_wait3A_119] : memref<24x128xf32, #tpu.memory_space<vmem>> -> memref<24x128xf32, #tpu.memory_space<vmem>>
        tpu.wait_dma2 semaphore(%run_scoped3A : memref<!tpu.dma_semaphore, #tpu.memory_space<semaphore_mem>>) src(%dma_wait3A_120 : memref<24x128xf32, #tpu.memory_space<vmem>>) dst(%dma_wait3A_117 : memref<24x128xf32, #tpu.memory_space<vmem_shared>>)
        tpu.yield
      }) : () -> ()
      "tpu.region"() ({
        %run_scoped3A = tpu.sem_alloc : memref<!tpu.dma_semaphore, #tpu.memory_space<semaphore_mem>>
        %dma_start3A_97 = arith.constant 0 : i32
        %dma_start3A_98 = arith.constant 0 : i32
        %dma_start3A_99 = tpu.memref_slice %arg14[%dma_start3A_97, %dma_start3A_98] : memref<24x128xf32, #tpu.memory_space<vmem>> -> memref<24x128xf32, #tpu.memory_space<vmem>>
        %dma_start3A_100 = arith.constant 5040 : i32
        %dma_start3A_101 = arith.constant 0 : i32
        %dma_start3A_102 = tpu.memref_slice %arg15[%dma_start3A_100, %dma_start3A_101] : memref<5064x128xf32, #tpu.memory_space<vmem_shared>> -> memref<24x128xf32, #tpu.memory_space<vmem_shared>>
        %dma_start3A_103 = arith.constant 5040 : i32
        %dma_start3A_104 = arith.constant 0 : i32
        %dma_start3A_105 = tpu.memref_slice %arg15[%dma_start3A_103, %dma_start3A_104] : memref<5064x128xf32, #tpu.memory_space<vmem_shared>> -> memref<24x128xf32, #tpu.memory_space<vmem_shared>>
        %dma_start3A_106 = arith.constant 0 : i32
        %dma_start3A_107 = arith.constant 0 : i32
        %dma_start3A_108 = tpu.memref_slice %arg14[%dma_start3A_106, %dma_start3A_107] : memref<24x128xf32, #tpu.memory_space<vmem>> -> memref<24x128xf32, #tpu.memory_space<vmem>>
        tpu.enqueue_dma source(%dma_start3A_108 : memref<24x128xf32, #tpu.memory_space<vmem>>) target(%dma_start3A_105 : memref<24x128xf32, #tpu.memory_space<vmem_shared>>) target_semaphore(%run_scoped3A : memref<!tpu.dma_semaphore, #tpu.memory_space<semaphore_mem>>)
        %dma_wait3A_109 = arith.constant 0 : i32
        %dma_wait3A_110 = arith.constant 0 : i32
        %dma_wait3A_111 = tpu.memref_slice %arg14[%dma_wait3A_109, %dma_wait3A_110] : memref<24x128xf32, #tpu.memory_space<vmem>> -> memref<24x128xf32, #tpu.memory_space<vmem>>
        %dma_wait3A_112 = arith.constant 5040 : i32
        %dma_wait3A_113 = arith.constant 0 : i32
        %dma_wait3A_114 = tpu.memref_slice %arg15[%dma_wait3A_112, %dma_wait3A_113] : memref<5064x128xf32, #tpu.memory_space<vmem_shared>> -> memref<24x128xf32, #tpu.memory_space<vmem_shared>>
        %dma_wait3A_115 = arith.constant 5040 : i32
        %dma_wait3A_116 = arith.constant 0 : i32
        %dma_wait3A_117 = tpu.memref_slice %arg15[%dma_wait3A_115, %dma_wait3A_116] : memref<5064x128xf32, #tpu.memory_space<vmem_shared>> -> memref<24x128xf32, #tpu.memory_space<vmem_shared>>
        %dma_wait3A_118 = arith.constant 0 : i32
        %dma_wait3A_119 = arith.constant 0 : i32
        %dma_wait3A_120 = tpu.memref_slice %arg14[%dma_wait3A_118, %dma_wait3A_119] : memref<24x128xf32, #tpu.memory_space<vmem>> -> memref<24x128xf32, #tpu.memory_space<vmem>>
        tpu.wait_dma2 semaphore(%run_scoped3A : memref<!tpu.dma_semaphore, #tpu.memory_space<semaphore_mem>>) src(%dma_wait3A_120 : memref<24x128xf32, #tpu.memory_space<vmem>>) dst(%dma_wait3A_117 : memref<24x128xf32, #tpu.memory_space<vmem_shared>>)
        tpu.yield
      }) : () -> ()
    } else {
    }
    %barrier3A = arith.constant 0 : index
    tpu.barrier barrier_id(%barrier3A)
    "tpu.region"() ({
      %run_scoped3A = tpu.sem_alloc : memref<!tpu.dma_semaphore, #tpu.memory_space<semaphore_mem>>
      %dma_start3A_97 = tpu.memref_slice %arg3[%mul3A_2] : memref<320000xi32, #tpu.memory_space<hbm>> -> memref<80xi32, #tpu.memory_space<hbm>>
      %dma_start3A_98 = tpu.memref_slice %arg3[%mul3A_2] : memref<320000xi32, #tpu.memory_space<hbm>> -> memref<80xi32, #tpu.memory_space<hbm>>
      tpu.enqueue_dma source(%dma_start3A_98 : memref<80xi32, #tpu.memory_space<hbm>>) target(%arg6 : memref<80xi32, #tpu.memory_space<vmem>>) target_semaphore(%run_scoped3A : memref<!tpu.dma_semaphore, #tpu.memory_space<semaphore_mem>>)
      %dma_wait3A_99 = tpu.memref_slice %arg3[%mul3A_2] : memref<320000xi32, #tpu.memory_space<hbm>> -> memref<80xi32, #tpu.memory_space<hbm>>
      %dma_wait3A_100 = tpu.memref_slice %arg3[%mul3A_2] : memref<320000xi32, #tpu.memory_space<hbm>> -> memref<80xi32, #tpu.memory_space<hbm>>
      tpu.wait_dma2 semaphore(%run_scoped3A : memref<!tpu.dma_semaphore, #tpu.memory_space<semaphore_mem>>) src(%dma_wait3A_100 : memref<80xi32, #tpu.memory_space<hbm>>) dst(%arg6 : memref<80xi32, #tpu.memory_space<vmem>>)
      tpu.yield
    }) : () -> ()
    "tpu.region"() ({
      %run_scoped3A = tpu.sem_alloc : memref<!tpu.dma_semaphore, #tpu.memory_space<semaphore_mem>>
      %dma_start3A_97 = tpu.memref_slice %arg4[%mul3A_2] : memref<320000xi32, #tpu.memory_space<hbm>> -> memref<80xi32, #tpu.memory_space<hbm>>
      %dma_start3A_98 = tpu.memref_slice %arg4[%mul3A_2] : memref<320000xi32, #tpu.memory_space<hbm>> -> memref<80xi32, #tpu.memory_space<hbm>>
      tpu.enqueue_dma source(%dma_start3A_98 : memref<80xi32, #tpu.memory_space<hbm>>) target(%arg8 : memref<80xi32, #tpu.memory_space<vmem>>) target_semaphore(%run_scoped3A : memref<!tpu.dma_semaphore, #tpu.memory_space<semaphore_mem>>)
      %dma_wait3A_99 = tpu.memref_slice %arg4[%mul3A_2] : memref<320000xi32, #tpu.memory_space<hbm>> -> memref<80xi32, #tpu.memory_space<hbm>>
      %dma_wait3A_100 = tpu.memref_slice %arg4[%mul3A_2] : memref<320000xi32, #tpu.memory_space<hbm>> -> memref<80xi32, #tpu.memory_space<hbm>>
      tpu.wait_dma2 semaphore(%run_scoped3A : memref<!tpu.dma_semaphore, #tpu.memory_space<semaphore_mem>>) src(%dma_wait3A_100 : memref<80xi32, #tpu.memory_space<hbm>>) dst(%arg8 : memref<80xi32, #tpu.memory_space<vmem>>)
      tpu.yield
    }) : () -> ()
    %dma_start3A = arith.constant 0 : i32
    %dma_start3A_63 = arith.constant 0 : i32
    %dma_start3A_64 = tpu.memref_slice %arg2[%dma_start3A, %dma_start3A_63] : memref<10000x128xf32, #tpu.memory_space<hbm>> -> memref<10000x128xf32, #tpu.memory_space<hbm>>
    tpu.enqueue_indirect_dma source(%dma_start3A_64 : memref<10000x128xf32, #tpu.memory_space<hbm>>) target(%arg12 : memref<80x128xf32, #tpu.memory_space<vmem>>) offsets(%arg6 : memref<80xi32, #tpu.memory_space<vmem>>) semaphore(%arg16 : memref<!tpu.dma_semaphore, #tpu.memory_space<semaphore_mem>>)
    %add3A_65 = arith.constant 80 : i32
    %add3A_66 = arith.addi %mul3A_2, %add3A_65 : i32
    %dma_start3A_67 = tpu.memref_slice %arg3[%add3A_66] : memref<320000xi32, #tpu.memory_space<hbm>> -> memref<80xi32, #tpu.memory_space<hbm>>
    %dma_start3A_68 = tpu.memref_slice %arg3[%add3A_66] : memref<320000xi32, #tpu.memory_space<hbm>> -> memref<80xi32, #tpu.memory_space<hbm>>
    tpu.enqueue_dma source(%dma_start3A_68 : memref<80xi32, #tpu.memory_space<hbm>>) target(%arg7 : memref<80xi32, #tpu.memory_space<vmem>>) target_semaphore(%arg19 : memref<!tpu.dma_semaphore, #tpu.memory_space<semaphore_mem>>)
    %add3A_69 = arith.constant 80 : i32
    %add3A_70 = arith.addi %mul3A_2, %add3A_69 : i32
    %dma_start3A_71 = tpu.memref_slice %arg4[%add3A_70] : memref<320000xi32, #tpu.memory_space<hbm>> -> memref<80xi32, #tpu.memory_space<hbm>>
    %dma_start3A_72 = tpu.memref_slice %arg4[%add3A_70] : memref<320000xi32, #tpu.memory_space<hbm>> -> memref<80xi32, #tpu.memory_space<hbm>>
    tpu.enqueue_dma source(%dma_start3A_72 : memref<80xi32, #tpu.memory_space<hbm>>) target(%arg9 : memref<80xi32, #tpu.memory_space<vmem>>) target_semaphore(%arg21 : memref<!tpu.dma_semaphore, #tpu.memory_space<semaphore_mem>>)
    %scan3A_73 = arith.constant 0 : i32
    %scan3A_74 = arith.constant 0 : i32
    %scan3A_75 = arith.constant 125 : i32
    %scan3A_76 = arith.addi %scan3A_74, %scan3A_75 : i32
    %scan3A_77 = arith.constant 1 : i32
    %scan3A_78 = scf.for %scan3A_97 = %scan3A_74 to %scan3A_76 step %scan3A_77 iter_args(%scan3A_98 = %scan3A_73) -> (i32)  : i32 {
      %mul3A_99 = arith.constant 2 : i32
      %mul3A_100 = arith.muli %mul3A_99, %scan3A_97 : i32
      %add3A_101 = arith.constant 0 : i32
      %add3A_102 = arith.addi %mul3A_100, %add3A_101 : i32
      %add3A_103 = arith.constant 1 : i32
      %add3A_104 = arith.addi %add3A_102, %add3A_103 : i32
      %min3A = arith.constant 249 : i32
      %min3A_105 = arith.minsi %add3A_104, %min3A : i32
      %add3A_106 = arith.constant 2 : i32
      %add3A_107 = arith.addi %add3A_102, %add3A_106 : i32
      %min3A_108 = arith.constant 249 : i32
      %min3A_109 = arith.minsi %add3A_107, %min3A_108 : i32
      %mul3A_110 = arith.constant 80 : i32
      %mul3A_111 = arith.muli %min3A_105, %mul3A_110 : i32
      %add3A_112 = arith.addi %mul3A_2, %mul3A_111 : i32
      %dma_wait3A_113 = tpu.memref_slice %arg3[%add3A_112] : memref<320000xi32, #tpu.memory_space<hbm>> -> memref<80xi32, #tpu.memory_space<hbm>>
      %dma_wait3A_114 = tpu.memref_slice %arg3[%add3A_112] : memref<320000xi32, #tpu.memory_space<hbm>> -> memref<80xi32, #tpu.memory_space<hbm>>
      tpu.wait_dma2 semaphore(%arg19 : memref<!tpu.dma_semaphore, #tpu.memory_space<semaphore_mem>>) src(%dma_wait3A_114 : memref<80xi32, #tpu.memory_space<hbm>>) dst(%arg7 : memref<80xi32, #tpu.memory_space<vmem>>)
      %mul3A_115 = arith.constant 80 : i32
      %mul3A_116 = arith.muli %min3A_105, %mul3A_115 : i32
      %add3A_117 = arith.addi %mul3A_2, %mul3A_116 : i32
      %dma_wait3A_118 = tpu.memref_slice %arg4[%add3A_117] : memref<320000xi32, #tpu.memory_space<hbm>> -> memref<80xi32, #tpu.memory_space<hbm>>
      %dma_wait3A_119 = tpu.memref_slice %arg4[%add3A_117] : memref<320000xi32, #tpu.memory_space<hbm>> -> memref<80xi32, #tpu.memory_space<hbm>>
      tpu.wait_dma2 semaphore(%arg21 : memref<!tpu.dma_semaphore, #tpu.memory_space<semaphore_mem>>) src(%dma_wait3A_119 : memref<80xi32, #tpu.memory_space<hbm>>) dst(%arg9 : memref<80xi32, #tpu.memory_space<vmem>>)
      %dma_start3A_120 = arith.constant 0 : i32
      %dma_start3A_121 = arith.constant 0 : i32
      %dma_start3A_122 = tpu.memref_slice %arg2[%dma_start3A_120, %dma_start3A_121] : memref<10000x128xf32, #tpu.memory_space<hbm>> -> memref<10000x128xf32, #tpu.memory_space<hbm>>
      tpu.enqueue_indirect_dma source(%dma_start3A_122 : memref<10000x128xf32, #tpu.memory_space<hbm>>) target(%arg13 : memref<80x128xf32, #tpu.memory_space<vmem>>) offsets(%arg7 : memref<80xi32, #tpu.memory_space<vmem>>) semaphore(%arg17 : memref<!tpu.dma_semaphore, #tpu.memory_space<semaphore_mem>>)
      %dma_wait3A_123 = arith.constant 0 : i32
      %dma_wait3A_124 = arith.constant 0 : i32
      %dma_wait3A_125 = tpu.memref_slice %arg2[%dma_wait3A_123, %dma_wait3A_124] : memref<10000x128xf32, #tpu.memory_space<hbm>> -> memref<10000x128xf32, #tpu.memory_space<hbm>>
      tpu.wait_indirect_dma semaphore(%arg16 : memref<!tpu.dma_semaphore, #tpu.memory_space<semaphore_mem>>) src(%dma_wait3A_125 : memref<10000x128xf32, #tpu.memory_space<hbm>>) dst(%arg12 : memref<80x128xf32, #tpu.memory_space<vmem>>)
      %scan3A_126 = arith.constant 0 : i32
      %scan3A_127 = arith.constant 0 : i32
      %scan3A_128 = arith.constant 5 : i32
      %scan3A_129 = arith.addi %scan3A_127, %scan3A_128 : i32
      %scan3A_130 = arith.constant 1 : i32
      %scan3A_131 = scf.for %scan3A_189 = %scan3A_127 to %scan3A_129 step %scan3A_130 iter_args(%scan3A_190 = %scan3A_126) -> (i32)  : i32 {
        %mul3A_191 = arith.constant 16 : i32
        %mul3A_192 = arith.muli %scan3A_189, %mul3A_191 : i32
        %get3A = arith.index_cast %mul3A_192 : i32 to index
        %get3A_193 = tpu.vector_load %arg8[%get3A] {strides = array<i32>} : memref<80xi32, #tpu.memory_space<vmem>>, vector<16xi32>,
        %get3A_194 = vector.shape_cast %get3A_193 : vector<16xi32> to vector<16xi32>
        %sub3A = vector.broadcast %mul3A_0 : i32 to vector<16xi32>
        %sub3A_195 = arith.subi %get3A_194, %sub3A : vector<16xi32>
        %ge3A = arith.constant 0 : i32
        %ge3A_196 = vector.broadcast %ge3A : i32 to vector<16xi32>
        %ge3A_197 = arith.cmpi sge, %sub3A_195, %ge3A_196 : vector<16xi32>
        %lt3A = arith.constant 5000 : i32
        %lt3A_198 = vector.broadcast %lt3A : i32 to vector<16xi32>
        %lt3A_199 = arith.cmpi slt, %sub3A_195, %lt3A_198 : vector<16xi32>
        %and3A = arith.andi %ge3A_197, %lt3A_199 : vector<16xi1>
        %and3A_200 = arith.constant 63 : i32
        %and3A_201 = vector.broadcast %and3A_200 : i32 to vector<16xi32>
        %and3A_202 = arith.andi %sub3A_195, %and3A_201 : vector<16xi32>
        %add3A_203 = arith.constant 5000 : i32
        %add3A_204 = vector.broadcast %add3A_203 : i32 to vector<16xi32>
        %add3A_205 = arith.addi %add3A_204, %and3A_202 : vector<16xi32>
        %select_n3A = arith.select %and3A, %sub3A_195, %add3A_205 : vector<16xi1>, vector<16xi32>
        %mul3A_206 = arith.constant 16 : i32
        %mul3A_207 = arith.muli %scan3A_189, %mul3A_206 : i32
        %swap3A = arith.index_cast %mul3A_207 : i32 to index
        %swap3A_208 = tpu.vector_load %arg10[%swap3A] {strides = array<i32>} : memref<80xi32, #tpu.memory_space<vmem>>, vector<16xi32>,
        %swap3A_209 = vector.shape_cast %swap3A_208 : vector<16xi32> to vector<16xi32>
        %swap3A_210 = vector.shape_cast %select_n3A : vector<16xi32> to vector<16xi32>
        tpu.vector_store %arg10[%swap3A], %swap3A_210 {strides = array<i32>} : memref<80xi32, #tpu.memory_space<vmem>>, vector<16xi32>,
        %scan3A_211 = arith.constant 0 : i32
        scf.yield %scan3A_211 : i32
      }
      %scan3A_132 = arith.constant 5 : i32
      %mul3A_133 = arith.constant 80 : i32
      %mul3A_134 = arith.muli %min3A_109, %mul3A_133 : i32
      %add3A_135 = arith.addi %mul3A_2, %mul3A_134 : i32
      %dma_start3A_136 = tpu.memref_slice %arg3[%add3A_135] : memref<320000xi32, #tpu.memory_space<hbm>> -> memref<80xi32, #tpu.memory_space<hbm>>
      %dma_start3A_137 = tpu.memref_slice %arg3[%add3A_135] : memref<320000xi32, #tpu.memory_space<hbm>> -> memref<80xi32, #tpu.memory_space<hbm>>
      tpu.enqueue_dma source(%dma_start3A_137 : memref<80xi32, #tpu.memory_space<hbm>>) target(%arg6 : memref<80xi32, #tpu.memory_space<vmem>>) target_semaphore(%arg18 : memref<!tpu.dma_semaphore, #tpu.memory_space<semaphore_mem>>)
      %mul3A_138 = arith.constant 80 : i32
      %mul3A_139 = arith.muli %min3A_109, %mul3A_138 : i32
      %add3A_140 = arith.addi %mul3A_2, %mul3A_139 : i32
      %dma_start3A_141 = tpu.memref_slice %arg4[%add3A_140] : memref<320000xi32, #tpu.memory_space<hbm>> -> memref<80xi32, #tpu.memory_space<hbm>>
      %dma_start3A_142 = tpu.memref_slice %arg4[%add3A_140] : memref<320000xi32, #tpu.memory_space<hbm>> -> memref<80xi32, #tpu.memory_space<hbm>>
      tpu.enqueue_dma source(%dma_start3A_142 : memref<80xi32, #tpu.memory_space<hbm>>) target(%arg8 : memref<80xi32, #tpu.memory_space<vmem>>) target_semaphore(%arg20 : memref<!tpu.dma_semaphore, #tpu.memory_space<semaphore_mem>>)
      "tpu.region"() ({
        %run_scoped3A = tpu.sem_alloc : memref<!tpu.dma_semaphore, #tpu.memory_space<semaphore_mem>>
        %dma_start3A_189 = arith.constant 0 : i32
        %dma_start3A_190 = arith.constant 0 : i32
        %dma_start3A_191 = tpu.memref_slice %arg15[%dma_start3A_189, %dma_start3A_190] : memref<5064x128xf32, #tpu.memory_space<vmem_shared>> -> memref<5064x128xf32, #tpu.memory_space<vmem_shared>>
        tpu.enqueue_indirect_dma source(%arg12 : memref<80x128xf32, #tpu.memory_space<vmem>>) target(%dma_start3A_191 : memref<5064x128xf32, #tpu.memory_space<vmem_shared>>) offsets(%arg10 : memref<80xi32, #tpu.memory_space<vmem>>) semaphore(%run_scoped3A : memref<!tpu.dma_semaphore, #tpu.memory_space<semaphore_mem>>) {add = true}
        %dma_wait3A_192 = arith.constant 0 : i32
        %dma_wait3A_193 = arith.constant 0 : i32
        %dma_wait3A_194 = tpu.memref_slice %arg15[%dma_wait3A_192, %dma_wait3A_193] : memref<5064x128xf32, #tpu.memory_space<vmem_shared>> -> memref<5064x128xf32, #tpu.memory_space<vmem_shared>>
        tpu.wait_indirect_dma semaphore(%run_scoped3A : memref<!tpu.dma_semaphore, #tpu.memory_space<semaphore_mem>>) src(%arg12 : memref<80x128xf32, #tpu.memory_space<vmem>>) dst(%dma_wait3A_194 : memref<5064x128xf32, #tpu.memory_space<vmem_shared>>)
        tpu.yield
      }) : () -> ()
      %mul3A_143 = arith.constant 2 : i32
      %mul3A_144 = arith.muli %mul3A_143, %scan3A_97 : i32
      %add3A_145 = arith.constant 1 : i32
      %add3A_146 = arith.addi %mul3A_144, %add3A_145 : i32
      %add3A_147 = arith.constant 1 : i32
      %add3A_148 = arith.addi %add3A_146, %add3A_147 : i32
      %min3A_149 = arith.constant 249 : i32
      %min3A_150 = arith.minsi %add3A_148, %min3A_149 : i32
      %add3A_151 = arith.constant 2 : i32
      %add3A_152 = arith.addi %add3A_146, %add3A_151 : i32
      %min3A_153 = arith.constant 249 : i32
      %min3A_154 = arith.minsi %add3A_152, %min3A_153 : i32
      %mul3A_155 = arith.constant 80 : i32
      %mul3A_156 = arith.muli %min3A_150, %mul3A_155 : i32
      %add3A_157 = arith.addi %mul3A_2, %mul3A_156 : i32
      %dma_wait3A_158 = tpu.memref_slice %arg3[%add3A_157] : memref<320000xi32, #tpu.memory_space<hbm>> -> memref<80xi32, #tpu.memory_space<hbm>>
      %dma_wait3A_159 = tpu.memref_slice %arg3[%add3A_157] : memref<320000xi32, #tpu.memory_space<hbm>> -> memref<80xi32, #tpu.memory_space<hbm>>
      tpu.wait_dma2 semaphore(%arg18 : memref<!tpu.dma_semaphore, #tpu.memory_space<semaphore_mem>>) src(%dma_wait3A_159 : memref<80xi32, #tpu.memory_space<hbm>>) dst(%arg6 : memref<80xi32, #tpu.memory_space<vmem>>)
      %mul3A_160 = arith.constant 80 : i32
      %mul3A_161 = arith.muli %min3A_150, %mul3A_160 : i32
      %add3A_162 = arith.addi %mul3A_2, %mul3A_161 : i32
      %dma_wait3A_163 = tpu.memref_slice %arg4[%add3A_162] : memref<320000xi32, #tpu.memory_space<hbm>> -> memref<80xi32, #tpu.memory_space<hbm>>
      %dma_wait3A_164 = tpu.memref_slice %arg4[%add3A_162] : memref<320000xi32, #tpu.memory_space<hbm>> -> memref<80xi32, #tpu.memory_space<hbm>>
      tpu.wait_dma2 semaphore(%arg20 : memref<!tpu.dma_semaphore, #tpu.memory_space<semaphore_mem>>) src(%dma_wait3A_164 : memref<80xi32, #tpu.memory_space<hbm>>) dst(%arg8 : memref<80xi32, #tpu.memory_space<vmem>>)
      %dma_start3A_165 = arith.constant 0 : i32
      %dma_start3A_166 = arith.constant 0 : i32
      %dma_start3A_167 = tpu.memref_slice %arg2[%dma_start3A_165, %dma_start3A_166] : memref<10000x128xf32, #tpu.memory_space<hbm>> -> memref<10000x128xf32, #tpu.memory_space<hbm>>
      tpu.enqueue_indirect_dma source(%dma_start3A_167 : memref<10000x128xf32, #tpu.memory_space<hbm>>) target(%arg12 : memref<80x128xf32, #tpu.memory_space<vmem>>) offsets(%arg6 : memref<80xi32, #tpu.memory_space<vmem>>) semaphore(%arg16 : memref<!tpu.dma_semaphore, #tpu.memory_space<semaphore_mem>>)
      %dma_wait3A_168 = arith.constant 0 : i32
      %dma_wait3A_169 = arith.constant 0 : i32
      %dma_wait3A_170 = tpu.memref_slice %arg2[%dma_wait3A_168, %dma_wait3A_169] : memref<10000x128xf32, #tpu.memory_space<hbm>> -> memref<10000x128xf32, #tpu.memory_space<hbm>>
      tpu.wait_indirect_dma semaphore(%arg17 : memref<!tpu.dma_semaphore, #tpu.memory_space<semaphore_mem>>) src(%dma_wait3A_170 : memref<10000x128xf32, #tpu.memory_space<hbm>>) dst(%arg13 : memref<80x128xf32, #tpu.memory_space<vmem>>)
      %scan3A_171 = arith.constant 0 : i32
      %scan3A_172 = arith.constant 0 : i32
      %scan3A_173 = arith.constant 5 : i32
      %scan3A_174 = arith.addi %scan3A_172, %scan3A_173 : i32
      %scan3A_175 = arith.constant 1 : i32
      %scan3A_176 = scf.for %scan3A_189 = %scan3A_172 to %scan3A_174 step %scan3A_175 iter_args(%scan3A_190 = %scan3A_171) -> (i32)  : i32 {
        %mul3A_191 = arith.constant 16 : i32
        %mul3A_192 = arith.muli %scan3A_189, %mul3A_191 : i32
        %get3A = arith.index_cast %mul3A_192 : i32 to index
        %get3A_193 = tpu.vector_load %arg9[%get3A] {strides = array<i32>} : memref<80xi32, #tpu.memory_space<vmem>>, vector<16xi32>,
        %get3A_194 = vector.shape_cast %get3A_193 : vector<16xi32> to vector<16xi32>
        %sub3A = vector.broadcast %mul3A_0 : i32 to vector<16xi32>
        %sub3A_195 = arith.subi %get3A_194, %sub3A : vector<16xi32>
        %ge3A = arith.constant 0 : i32
        %ge3A_196 = vector.broadcast %ge3A : i32 to vector<16xi32>
        %ge3A_197 = arith.cmpi sge, %sub3A_195, %ge3A_196 : vector<16xi32>
        %lt3A = arith.constant 5000 : i32
        %lt3A_198 = vector.broadcast %lt3A : i32 to vector<16xi32>
        %lt3A_199 = arith.cmpi slt, %sub3A_195, %lt3A_198 : vector<16xi32>
        %and3A = arith.andi %ge3A_197, %lt3A_199 : vector<16xi1>
        %and3A_200 = arith.constant 63 : i32
        %and3A_201 = vector.broadcast %and3A_200 : i32 to vector<16xi32>
        %and3A_202 = arith.andi %sub3A_195, %and3A_201 : vector<16xi32>
        %add3A_203 = arith.constant 5000 : i32
        %add3A_204 = vector.broadcast %add3A_203 : i32 to vector<16xi32>
        %add3A_205 = arith.addi %add3A_204, %and3A_202 : vector<16xi32>
        %select_n3A = arith.select %and3A, %sub3A_195, %add3A_205 : vector<16xi1>, vector<16xi32>
        %mul3A_206 = arith.constant 16 : i32
        %mul3A_207 = arith.muli %scan3A_189, %mul3A_206 : i32
        %swap3A = arith.index_cast %mul3A_207 : i32 to index
        %swap3A_208 = tpu.vector_load %arg11[%swap3A] {strides = array<i32>} : memref<80xi32, #tpu.memory_space<vmem>>, vector<16xi32>,
        %swap3A_209 = vector.shape_cast %swap3A_208 : vector<16xi32> to vector<16xi32>
        %swap3A_210 = vector.shape_cast %select_n3A : vector<16xi32> to vector<16xi32>
        tpu.vector_store %arg11[%swap3A], %swap3A_210 {strides = array<i32>} : memref<80xi32, #tpu.memory_space<vmem>>, vector<16xi32>,
        %scan3A_211 = arith.constant 0 : i32
        scf.yield %scan3A_211 : i32
      }
      %scan3A_177 = arith.constant 5 : i32
      %mul3A_178 = arith.constant 80 : i32
      %mul3A_179 = arith.muli %min3A_154, %mul3A_178 : i32
      %add3A_180 = arith.addi %mul3A_2, %mul3A_179 : i32
      %dma_start3A_181 = tpu.memref_slice %arg3[%add3A_180] : memref<320000xi32, #tpu.memory_space<hbm>> -> memref<80xi32, #tpu.memory_space<hbm>>
      %dma_start3A_182 = tpu.memref_slice %arg3[%add3A_180] : memref<320000xi32, #tpu.memory_space<hbm>> -> memref<80xi32, #tpu.memory_space<hbm>>
      tpu.enqueue_dma source(%dma_start3A_182 : memref<80xi32, #tpu.memory_space<hbm>>) target(%arg7 : memref<80xi32, #tpu.memory_space<vmem>>) target_semaphore(%arg19 : memref<!tpu.dma_semaphore, #tpu.memory_space<semaphore_mem>>)
      %mul3A_183 = arith.constant 80 : i32
      %mul3A_184 = arith.muli %min3A_154, %mul3A_183 : i32
      %add3A_185 = arith.addi %mul3A_2, %mul3A_184 : i32
      %dma_start3A_186 = tpu.memref_slice %arg4[%add3A_185] : memref<320000xi32, #tpu.memory_space<hbm>> -> memref<80xi32, #tpu.memory_space<hbm>>
      %dma_start3A_187 = tpu.memref_slice %arg4[%add3A_185] : memref<320000xi32, #tpu.memory_space<hbm>> -> memref<80xi32, #tpu.memory_space<hbm>>
      tpu.enqueue_dma source(%dma_start3A_187 : memref<80xi32, #tpu.memory_space<hbm>>) target(%arg9 : memref<80xi32, #tpu.memory_space<vmem>>) target_semaphore(%arg21 : memref<!tpu.dma_semaphore, #tpu.memory_space<semaphore_mem>>)
      "tpu.region"() ({
        %run_scoped3A = tpu.sem_alloc : memref<!tpu.dma_semaphore, #tpu.memory_space<semaphore_mem>>
        %dma_start3A_189 = arith.constant 0 : i32
        %dma_start3A_190 = arith.constant 0 : i32
        %dma_start3A_191 = tpu.memref_slice %arg15[%dma_start3A_189, %dma_start3A_190] : memref<5064x128xf32, #tpu.memory_space<vmem_shared>> -> memref<5064x128xf32, #tpu.memory_space<vmem_shared>>
        tpu.enqueue_indirect_dma source(%arg13 : memref<80x128xf32, #tpu.memory_space<vmem>>) target(%dma_start3A_191 : memref<5064x128xf32, #tpu.memory_space<vmem_shared>>) offsets(%arg11 : memref<80xi32, #tpu.memory_space<vmem>>) semaphore(%run_scoped3A : memref<!tpu.dma_semaphore, #tpu.memory_space<semaphore_mem>>) {add = true}
        %dma_wait3A_192 = arith.constant 0 : i32
        %dma_wait3A_193 = arith.constant 0 : i32
        %dma_wait3A_194 = tpu.memref_slice %arg15[%dma_wait3A_192, %dma_wait3A_193] : memref<5064x128xf32, #tpu.memory_space<vmem_shared>> -> memref<5064x128xf32, #tpu.memory_space<vmem_shared>>
        tpu.wait_indirect_dma semaphore(%run_scoped3A : memref<!tpu.dma_semaphore, #tpu.memory_space<semaphore_mem>>) src(%arg13 : memref<80x128xf32, #tpu.memory_space<vmem>>) dst(%dma_wait3A_194 : memref<5064x128xf32, #tpu.memory_space<vmem_shared>>)
        tpu.yield
      }) : () -> ()
      %scan3A_188 = arith.constant 0 : i32
      scf.yield %scan3A_188 : i32
    }
    %scan3A_79 = arith.constant 125 : i32
    %dma_wait3A = tpu.memref_slice %arg3[%mul3A_2] : memref<320000xi32, #tpu.memory_space<hbm>> -> memref<80xi32, #tpu.memory_space<hbm>>
    %dma_wait3A_80 = tpu.memref_slice %arg3[%mul3A_2] : memref<320000xi32, #tpu.memory_space<hbm>> -> memref<80xi32, #tpu.memory_space<hbm>>
    tpu.wait_dma2 semaphore(%arg19 : memref<!tpu.dma_semaphore, #tpu.memory_space<semaphore_mem>>) src(%dma_wait3A_80 : memref<80xi32, #tpu.memory_space<hbm>>) dst(%arg7 : memref<80xi32, #tpu.memory_space<vmem>>)
    %dma_wait3A_81 = tpu.memref_slice %arg4[%mul3A_2] : memref<320000xi32, #tpu.memory_space<hbm>> -> memref<80xi32, #tpu.memory_space<hbm>>
    %dma_wait3A_82 = tpu.memref_slice %arg4[%mul3A_2] : memref<320000xi32, #tpu.memory_space<hbm>> -> memref<80xi32, #tpu.memory_space<hbm>>
    tpu.wait_dma2 semaphore(%arg21 : memref<!tpu.dma_semaphore, #tpu.memory_space<semaphore_mem>>) src(%dma_wait3A_82 : memref<80xi32, #tpu.memory_space<hbm>>) dst(%arg9 : memref<80xi32, #tpu.memory_space<vmem>>)
    %dma_wait3A_83 = arith.constant 0 : i32
    %dma_wait3A_84 = arith.constant 0 : i32
    %dma_wait3A_85 = tpu.memref_slice %arg2[%dma_wait3A_83, %dma_wait3A_84] : memref<10000x128xf32, #tpu.memory_space<hbm>> -> memref<10000x128xf32, #tpu.memory_space<hbm>>
    tpu.wait_indirect_dma semaphore(%arg16 : memref<!tpu.dma_semaphore, #tpu.memory_space<semaphore_mem>>) src(%dma_wait3A_85 : memref<10000x128xf32, #tpu.memory_space<hbm>>) dst(%arg12 : memref<80x128xf32, #tpu.memory_space<vmem>>)
    %barrier3A_86 = arith.constant 0 : index
    tpu.barrier barrier_id(%barrier3A_86)
    %mul3A_87 = arith.constant 312 : i32
    %mul3A_88 = arith.muli %arg1, %mul3A_87 : i32
    %mul3A_89 = arith.constant 312 : i32
    %mul3A_90 = arith.muli %arg1, %mul3A_89 : i32
    %add3A_91 = arith.addi %mul3A_0, %mul3A_90 : i32
    "tpu.region"() ({
      %run_scoped3A = tpu.sem_alloc : memref<!tpu.dma_semaphore, #tpu.memory_space<semaphore_mem>>
      %dma_start3A_97 = arith.constant 0 : i32
      %dma_start3A_98 = tpu.memref_slice %arg5[%add3A_91, %dma_start3A_97] : memref<10000x128xf32, #tpu.memory_space<hbm>> -> memref<312x128xf32, #tpu.memory_space<hbm>>
      %dma_start3A_99 = arith.constant 0 : i32
      %dma_start3A_100 = tpu.memref_slice %arg15[%mul3A_88, %dma_start3A_99] : memref<5064x128xf32, #tpu.memory_space<vmem_shared>> -> memref<312x128xf32, #tpu.memory_space<vmem_shared>>
      tpu.enqueue_dma source(%dma_start3A_100 : memref<312x128xf32, #tpu.memory_space<vmem_shared>>) target(%dma_start3A_98 : memref<312x128xf32, #tpu.memory_space<hbm>>) target_semaphore(%run_scoped3A : memref<!tpu.dma_semaphore, #tpu.memory_space<semaphore_mem>>)
      %dma_wait3A_101 = arith.constant 0 : i32
      %dma_wait3A_102 = tpu.memref_slice %arg5[%add3A_91, %dma_wait3A_101] : memref<10000x128xf32, #tpu.memory_space<hbm>> -> memref<312x128xf32, #tpu.memory_space<hbm>>
      %dma_wait3A_103 = arith.constant 0 : i32
      %dma_wait3A_104 = tpu.memref_slice %arg15[%mul3A_88, %dma_wait3A_103] : memref<5064x128xf32, #tpu.memory_space<vmem_shared>> -> memref<312x128xf32, #tpu.memory_space<vmem_shared>>
      tpu.wait_dma2 semaphore(%run_scoped3A : memref<!tpu.dma_semaphore, #tpu.memory_space<semaphore_mem>>) src(%dma_wait3A_104 : memref<312x128xf32, #tpu.memory_space<vmem_shared>>) dst(%dma_wait3A_102 : memref<312x128xf32, #tpu.memory_space<hbm>>)
      tpu.yield
    }) : () -> ()
    %eq3A_92 = arith.constant 15 : i32
    %eq3A_93 = arith.cmpi eq, %arg1, %eq3A_92 : i32
    %convert_element_type3A_94 = arith.extui %eq3A_93 : i1 to i32
    %cond3A_95 = arith.constant 0 : i32
    %cond3A_96 = arith.cmpi ne, %convert_element_type3A_94, %cond3A_95 : i32
    scf.if %cond3A_96 {
      %add3A_97 = arith.constant 4992 : i32
      %add3A_98 = arith.addi %mul3A_0, %add3A_97 : i32
      "tpu.region"() ({
        %run_scoped3A = tpu.sem_alloc : memref<!tpu.dma_semaphore, #tpu.memory_space<semaphore_mem>>
        %dma_start3A_99 = arith.constant 0 : i32
        %dma_start3A_100 = tpu.memref_slice %arg5[%add3A_98, %dma_start3A_99] : memref<10000x128xf32, #tpu.memory_space<hbm>> -> memref<8x128xf32, #tpu.memory_space<hbm>>
        %dma_start3A_101 = arith.constant 4992 : i32
        %dma_start3A_102 = arith.constant 0 : i32
        %dma_start3A_103 = tpu.memref_slice %arg15[%dma_start3A_101, %dma_start3A_102] : memref<5064x128xf32, #tpu.memory_space<vmem_shared>> -> memref<8x128xf32, #tpu.memory_space<vmem_shared>>
        tpu.enqueue_dma source(%dma_start3A_103 : memref<8x128xf32, #tpu.memory_space<vmem_shared>>) target(%dma_start3A_100 : memref<8x128xf32, #tpu.memory_space<hbm>>) target_semaphore(%run_scoped3A : memref<!tpu.dma_semaphore, #tpu.memory_space<semaphore_mem>>)
        %dma_wait3A_104 = arith.constant 0 : i32
        %dma_wait3A_105 = tpu.memref_slice %arg5[%add3A_98, %dma_wait3A_104] : memref<10000x128xf32, #tpu.memory_space<hbm>> -> memref<8x128xf32, #tpu.memory_space<hbm>>
        %dma_wait3A_106 = arith.constant 4992 : i32
        %dma_wait3A_107 = arith.constant 0 : i32
        %dma_wait3A_108 = tpu.memref_slice %arg15[%dma_wait3A_106, %dma_wait3A_107] : memref<5064x128xf32, #tpu.memory_space<vmem_shared>> -> memref<8x128xf32, #tpu.memory_space<vmem_shared>>
        tpu.wait_dma2 semaphore(%run_scoped3A : memref<!tpu.dma_semaphore, #tpu.memory_space<semaphore_mem>>) src(%dma_wait3A_108 : memref<8x128xf32, #tpu.memory_space<vmem_shared>>) dst(%dma_wait3A_105 : memref<8x128xf32, #tpu.memory_space<hbm>>)
        tpu.yield
      }) : () -> ()
    } else {
    }
    return
  }
}

module attributes {stable_mosaic.version = 14 : i64} {
  func.func @_tc_layer_body(%arg0: i32, %arg1: memref<1000x128xf32, #tpu.memory_space<vmem>>, %arg2: memref<1000x128xf32, #tpu.memory_space<vmem>>, %arg3: memref<1000x128xf32, #tpu.memory_space<vmem>>, %arg4: memref<128x128xf32, #tpu.memory_space<vmem>>, %arg5: memref<128x128xf32, #tpu.memory_space<vmem>>, %arg6: memref<1x128xf32, #tpu.memory_space<vmem>>, %arg7: memref<1x128xf32, #tpu.memory_space<vmem>>, %arg8: memref<1x128xf32, #tpu.memory_space<vmem>>, %arg9: memref<1x128xf32, #tpu.memory_space<vmem>>, %arg10: memref<1x128xf32, #tpu.memory_space<vmem>>, %arg11: memref<1000x128xf32, #tpu.memory_space<vmem>>) attributes {dimension_semantics = [#tpu.dimension_semantics<arbitrary>], iteration_bounds = array<i64: 10>, scalar_prefetch = 0 : i64, scratch_operands = 0 : i64, tpu.core_type = #tpu.core_type<tc>, window_params = [{transform_indices = @transform_0, window_bounds = array<i64: 1000, 128>}, {transform_indices = @transform_1, window_bounds = array<i64: 1000, 128>}, {transform_indices = @transform_2, window_bounds = array<i64: 1000, 128>}, {pipeline_mode = #tpu.pipeline_mode<synchronous>, transform_indices = @transform_3, window_bounds = array<i64: 128, 128>}, {pipeline_mode = #tpu.pipeline_mode<synchronous>, transform_indices = @transform_4, window_bounds = array<i64: 128, 128>}, {pipeline_mode = #tpu.pipeline_mode<synchronous>, transform_indices = @transform_5, window_bounds = array<i64: 1, 128>}, {pipeline_mode = #tpu.pipeline_mode<synchronous>, transform_indices = @transform_6, window_bounds = array<i64: 1, 128>}, {pipeline_mode = #tpu.pipeline_mode<synchronous>, transform_indices = @transform_7, window_bounds = array<i64: 1, 128>}, {pipeline_mode = #tpu.pipeline_mode<synchronous>, transform_indices = @transform_8, window_bounds = array<i64: 1, 128>}, {pipeline_mode = #tpu.pipeline_mode<synchronous>, transform_indices = @transform_9, window_bounds = array<i64: 1, 128>}, {transform_indices = @transform_10, window_bounds = array<i64: 1000, 128>}]} {
    %get3A = arith.constant 0 : index
    %get3A_0 = arith.constant 0 : index
    %get3A_1 = vector.load %arg3[%get3A, %get3A_0] : memref<1000x128xf32, #tpu.memory_space<vmem>>, vector<1000x128xf32>
    %slice3A = vector.extract_strided_slice %get3A_1 {offsets = [0, 0], sizes = [1000, 1], strides = [1, 1]} : vector<1000x128xf32> to vector<1000x1xf32>
    %squeeze3A = vector.shape_cast %slice3A : vector<1000x1xf32> to vector<1000xf32>
    %max3A = arith.constant 1.000000e+00 : f32
    %max3A_2 = vector.broadcast %max3A : f32 to vector<1000xf32>
    %max3A_3 = arith.maximumf %squeeze3A, %max3A_2 : vector<1000xf32>
    %div3A = arith.constant 1.000000e+00 : f32
    %div3A_4 = vector.broadcast %div3A : f32 to vector<1000xf32>
    %div3A_5 = arith.divf %div3A_4, %max3A_3 : vector<1000xf32>
    %get3A_6 = arith.constant 0 : index
    %get3A_7 = arith.constant 0 : index
    %get3A_8 = vector.load %arg2[%get3A_6, %get3A_7] : memref<1000x128xf32, #tpu.memory_space<vmem>>, vector<1000x128xf32>
    %broadcast_in_dim3A = vector.shape_cast %div3A_5 : vector<1000xf32> to vector<1000x1xf32>
    %mul3A = vector.broadcast %broadcast_in_dim3A : vector<1000x1xf32> to vector<1000x128xf32>
    %mul3A_9 = arith.mulf %get3A_8, %mul3A : vector<1000x128xf32>
    %get3A_10 = arith.constant 0 : index
    %get3A_11 = arith.constant 0 : index
    %get3A_12 = vector.load %arg1[%get3A_10, %get3A_11] : memref<1000x128xf32, #tpu.memory_space<vmem>>, vector<1000x128xf32>
    %get3A_13 = arith.constant 0 : index
    %get3A_14 = arith.constant 0 : index
    %get3A_15 = vector.load %arg4[%get3A_13, %get3A_14] : memref<128x128xf32, #tpu.memory_space<vmem>>, vector<128x128xf32>
    %dot_general3A = arith.constant dense<0.000000e+00> : vector<1000x128xf32>
    %dot_general3A_16 = tpu.matmul %get3A_12, %get3A_15, %dot_general3A {dimension_numbers = #tpu.dot_dimension_numbers<[1], [1], [0], [0], [0, 0, 1, 0], [], []>, transpose_lhs_hint = false} : vector<1000x128xf32>, vector<128x128xf32>, vector<1000x128xf32> -> vector<1000x128xf32>
    %get3A_17 = arith.constant 0 : index
    %get3A_18 = arith.constant 0 : index
    %get3A_19 = vector.load %arg5[%get3A_17, %get3A_18] : memref<128x128xf32, #tpu.memory_space<vmem>>, vector<128x128xf32>
    %dot_general3A_20 = arith.constant dense<0.000000e+00> : vector<1000x128xf32>
    %dot_general3A_21 = tpu.matmul %mul3A_9, %get3A_19, %dot_general3A_20 {dimension_numbers = #tpu.dot_dimension_numbers<[1], [1], [0], [0], [0, 0, 1, 0], [], []>, transpose_lhs_hint = false} : vector<1000x128xf32>, vector<128x128xf32>, vector<1000x128xf32> -> vector<1000x128xf32>
    %add3A = arith.addf %dot_general3A_16, %dot_general3A_21 : vector<1000x128xf32>
    %get3A_22 = arith.constant 0 : index
    %get3A_23 = arith.constant 0 : index
    %get3A_24 = vector.load %arg6[%get3A_22, %get3A_23] : memref<1x128xf32, #tpu.memory_space<vmem>>, vector<1x128xf32>
    %add3A_25 = vector.broadcast %get3A_24 : vector<1x128xf32> to vector<1000x128xf32>
    %add3A_26 = arith.addf %add3A, %add3A_25 : vector<1000x128xf32>
    %get3A_27 = arith.constant 0 : index
    %get3A_28 = arith.constant 0 : index
    %get3A_29 = vector.load %arg9[%get3A_27, %get3A_28] : memref<1x128xf32, #tpu.memory_space<vmem>>, vector<1x128xf32>
    %sub3A = vector.broadcast %get3A_29 : vector<1x128xf32> to vector<1000x128xf32>
    %sub3A_30 = arith.subf %add3A_26, %sub3A : vector<1000x128xf32>
    %get3A_31 = arith.constant 0 : index
    %get3A_32 = arith.constant 0 : index
    %get3A_33 = vector.load %arg10[%get3A_31, %get3A_32] : memref<1x128xf32, #tpu.memory_space<vmem>>, vector<1x128xf32>
    %add3A_34 = arith.constant 9.99999974E-6 : f32
    %add3A_35 = vector.broadcast %add3A_34 : f32 to vector<1x128xf32>
    %add3A_36 = arith.addf %get3A_33, %add3A_35 : vector<1x128xf32>
    %rsqrt3A = math.rsqrt %add3A_36 : vector<1x128xf32>
    %mul3A_37 = vector.broadcast %rsqrt3A : vector<1x128xf32> to vector<1000x128xf32>
    %mul3A_38 = arith.mulf %sub3A_30, %mul3A_37 : vector<1000x128xf32>
    %get3A_39 = arith.constant 0 : index
    %get3A_40 = arith.constant 0 : index
    %get3A_41 = vector.load %arg7[%get3A_39, %get3A_40] : memref<1x128xf32, #tpu.memory_space<vmem>>, vector<1x128xf32>
    %mul3A_42 = vector.broadcast %get3A_41 : vector<1x128xf32> to vector<1000x128xf32>
    %mul3A_43 = arith.mulf %mul3A_38, %mul3A_42 : vector<1000x128xf32>
    %get3A_44 = arith.constant 0 : index
    %get3A_45 = arith.constant 0 : index
    %get3A_46 = vector.load %arg8[%get3A_44, %get3A_45] : memref<1x128xf32, #tpu.memory_space<vmem>>, vector<1x128xf32>
    %add3A_47 = vector.broadcast %get3A_46 : vector<1x128xf32> to vector<1000x128xf32>
    %add3A_48 = arith.addf %mul3A_43, %add3A_47 : vector<1000x128xf32>
    %gt3A = arith.constant 0.000000e+00 : f32
    %gt3A_49 = vector.broadcast %gt3A : f32 to vector<1000x128xf32>
    %gt3A_50 = arith.cmpf ogt, %add3A_48, %gt3A_49 : vector<1000x128xf32>
    %mul3A_51 = arith.constant 0.00999999977 : f32
    %mul3A_52 = vector.broadcast %mul3A_51 : f32 to vector<1000x128xf32>
    %mul3A_53 = arith.mulf %mul3A_52, %add3A_48 : vector<1000x128xf32>
    %select_n3A = arith.select %gt3A_50, %add3A_48, %mul3A_53 : vector<1000x128xi1>, vector<1000x128xf32>
    %swap3A = arith.constant 0 : index
    %swap3A_54 = arith.constant 0 : index
    %swap3A_55 = vector.load %arg11[%swap3A, %swap3A_54] : memref<1000x128xf32, #tpu.memory_space<vmem>>, vector<1000x128xf32>
    tpu.vector_store %arg11[%swap3A, %swap3A_54], %select_n3A {strides = array<i32>} : memref<1000x128xf32, #tpu.memory_space<vmem>>, vector<1000x128xf32>,
    return
  }
  func.func @transform_0(%arg0: i32) -> (i32, i32) {
    %c0_i32 = arith.constant 0 : i32
    %c0_i32_0 = arith.constant 0 : i32
    return %arg0, %c0_i32 : i32, i32
  }
  func.func @transform_1(%arg0: i32) -> (i32, i32) {
    %c0_i32 = arith.constant 0 : i32
    %c0_i32_0 = arith.constant 0 : i32
    return %arg0, %c0_i32 : i32, i32
  }
  func.func @transform_2(%arg0: i32) -> (i32, i32) {
    %c0_i32 = arith.constant 0 : i32
    %c0_i32_0 = arith.constant 0 : i32
    return %arg0, %c0_i32 : i32, i32
  }
  func.func @transform_3(%arg0: i32) -> (i32, i32) {
    %c0_i32 = arith.constant 0 : i32
    %c0_i32_0 = arith.constant 0 : i32
    %c0_i32_1 = arith.constant 0 : i32
    return %c0_i32, %c0_i32_0 : i32, i32
  }
  func.func @transform_4(%arg0: i32) -> (i32, i32) {
    %c0_i32 = arith.constant 0 : i32
    %c0_i32_0 = arith.constant 0 : i32
    %c0_i32_1 = arith.constant 0 : i32
    return %c0_i32, %c0_i32_0 : i32, i32
  }
  func.func @transform_5(%arg0: i32) -> (i32, i32) {
    %c0_i32 = arith.constant 0 : i32
    %c0_i32_0 = arith.constant 0 : i32
    %c0_i32_1 = arith.constant 0 : i32
    return %c0_i32, %c0_i32_0 : i32, i32
  }
  func.func @transform_6(%arg0: i32) -> (i32, i32) {
    %c0_i32 = arith.constant 0 : i32
    %c0_i32_0 = arith.constant 0 : i32
    %c0_i32_1 = arith.constant 0 : i32
    return %c0_i32, %c0_i32_0 : i32, i32
  }
  func.func @transform_7(%arg0: i32) -> (i32, i32) {
    %c0_i32 = arith.constant 0 : i32
    %c0_i32_0 = arith.constant 0 : i32
    %c0_i32_1 = arith.constant 0 : i32
    return %c0_i32, %c0_i32_0 : i32, i32
  }
  func.func @transform_8(%arg0: i32) -> (i32, i32) {
    %c0_i32 = arith.constant 0 : i32
    %c0_i32_0 = arith.constant 0 : i32
    %c0_i32_1 = arith.constant 0 : i32
    return %c0_i32, %c0_i32_0 : i32, i32
  }
  func.func @transform_9(%arg0: i32) -> (i32, i32) {
    %c0_i32 = arith.constant 0 : i32
    %c0_i32_0 = arith.constant 0 : i32
    %c0_i32_1 = arith.constant 0 : i32
    return %c0_i32, %c0_i32_0 : i32, i32
  }
  func.func @transform_10(%arg0: i32) -> (i32, i32) {
    %c0_i32 = arith.constant 0 : i32
    %c0_i32_0 = arith.constant 0 : i32
    return %arg0, %c0_i32 : i32, i32
  }
}

module attributes {stable_mosaic.version = 14 : i64} {
  func.func @_tc_layer_body(%arg0: i32, %arg1: memref<1000x128xf32, #tpu.memory_space<vmem>>, %arg2: memref<1000x128xf32, #tpu.memory_space<vmem>>, %arg3: memref<1000x128xf32, #tpu.memory_space<vmem>>, %arg4: memref<40x128xf32, #tpu.memory_space<vmem>>, %arg5: memref<40x128xf32, #tpu.memory_space<vmem>>, %arg6: memref<1x40xf32, #tpu.memory_space<vmem>>, %arg7: memref<1x128xf32, #tpu.memory_space<vmem>>, %arg8: memref<1x128xf32, #tpu.memory_space<vmem>>, %arg9: memref<1x128xf32, #tpu.memory_space<vmem>>, %arg10: memref<1x128xf32, #tpu.memory_space<vmem>>, %arg11: memref<1000x40xf32, #tpu.memory_space<vmem>>) attributes {dimension_semantics = [#tpu.dimension_semantics<arbitrary>], iteration_bounds = array<i64: 10>, scalar_prefetch = 0 : i64, scratch_operands = 0 : i64, tpu.core_type = #tpu.core_type<tc>, window_params = [{transform_indices = @transform_0, window_bounds = array<i64: 1000, 128>}, {transform_indices = @transform_1, window_bounds = array<i64: 1000, 128>}, {transform_indices = @transform_2, window_bounds = array<i64: 1000, 128>}, {pipeline_mode = #tpu.pipeline_mode<synchronous>, transform_indices = @transform_3, window_bounds = array<i64: 40, 128>}, {pipeline_mode = #tpu.pipeline_mode<synchronous>, transform_indices = @transform_4, window_bounds = array<i64: 40, 128>}, {pipeline_mode = #tpu.pipeline_mode<synchronous>, transform_indices = @transform_5, window_bounds = array<i64: 1, 40>}, {pipeline_mode = #tpu.pipeline_mode<synchronous>, transform_indices = @transform_6, window_bounds = array<i64: 1, 128>}, {pipeline_mode = #tpu.pipeline_mode<synchronous>, transform_indices = @transform_7, window_bounds = array<i64: 1, 128>}, {pipeline_mode = #tpu.pipeline_mode<synchronous>, transform_indices = @transform_8, window_bounds = array<i64: 1, 128>}, {pipeline_mode = #tpu.pipeline_mode<synchronous>, transform_indices = @transform_9, window_bounds = array<i64: 1, 128>}, {transform_indices = @transform_10, window_bounds = array<i64: 1000, 40>}]} {
    %get3A = arith.constant 0 : index
    %get3A_0 = arith.constant 0 : index
    %get3A_1 = vector.load %arg3[%get3A, %get3A_0] : memref<1000x128xf32, #tpu.memory_space<vmem>>, vector<1000x128xf32>
    %slice3A = vector.extract_strided_slice %get3A_1 {offsets = [0, 0], sizes = [1000, 1], strides = [1, 1]} : vector<1000x128xf32> to vector<1000x1xf32>
    %squeeze3A = vector.shape_cast %slice3A : vector<1000x1xf32> to vector<1000xf32>
    %max3A = arith.constant 1.000000e+00 : f32
    %max3A_2 = vector.broadcast %max3A : f32 to vector<1000xf32>
    %max3A_3 = arith.maximumf %squeeze3A, %max3A_2 : vector<1000xf32>
    %div3A = arith.constant 1.000000e+00 : f32
    %div3A_4 = vector.broadcast %div3A : f32 to vector<1000xf32>
    %div3A_5 = arith.divf %div3A_4, %max3A_3 : vector<1000xf32>
    %get3A_6 = arith.constant 0 : index
    %get3A_7 = arith.constant 0 : index
    %get3A_8 = vector.load %arg2[%get3A_6, %get3A_7] : memref<1000x128xf32, #tpu.memory_space<vmem>>, vector<1000x128xf32>
    %broadcast_in_dim3A = vector.shape_cast %div3A_5 : vector<1000xf32> to vector<1000x1xf32>
    %mul3A = vector.broadcast %broadcast_in_dim3A : vector<1000x1xf32> to vector<1000x128xf32>
    %mul3A_9 = arith.mulf %get3A_8, %mul3A : vector<1000x128xf32>
    %get3A_10 = arith.constant 0 : index
    %get3A_11 = arith.constant 0 : index
    %get3A_12 = vector.load %arg1[%get3A_10, %get3A_11] : memref<1000x128xf32, #tpu.memory_space<vmem>>, vector<1000x128xf32>
    %get3A_13 = arith.constant 0 : index
    %get3A_14 = arith.constant 0 : index
    %get3A_15 = vector.load %arg4[%get3A_13, %get3A_14] : memref<40x128xf32, #tpu.memory_space<vmem>>, vector<40x128xf32>
    %dot_general3A = arith.constant dense<0.000000e+00> : vector<1000x40xf32>
    %dot_general3A_16 = tpu.matmul %get3A_12, %get3A_15, %dot_general3A {dimension_numbers = #tpu.dot_dimension_numbers<[1], [1], [0], [0], [0, 0, 1, 0], [], []>, transpose_lhs_hint = false} : vector<1000x128xf32>, vector<40x128xf32>, vector<1000x40xf32> -> vector<1000x40xf32>
    %get3A_17 = arith.constant 0 : index
    %get3A_18 = arith.constant 0 : index
    %get3A_19 = vector.load %arg5[%get3A_17, %get3A_18] : memref<40x128xf32, #tpu.memory_space<vmem>>, vector<40x128xf32>
    %dot_general3A_20 = arith.constant dense<0.000000e+00> : vector<1000x40xf32>
    %dot_general3A_21 = tpu.matmul %mul3A_9, %get3A_19, %dot_general3A_20 {dimension_numbers = #tpu.dot_dimension_numbers<[1], [1], [0], [0], [0, 0, 1, 0], [], []>, transpose_lhs_hint = false} : vector<1000x128xf32>, vector<40x128xf32>, vector<1000x40xf32> -> vector<1000x40xf32>
    %add3A = arith.addf %dot_general3A_16, %dot_general3A_21 : vector<1000x40xf32>
    %get3A_22 = arith.constant 0 : index
    %get3A_23 = arith.constant 0 : index
    %get3A_24 = vector.load %arg6[%get3A_22, %get3A_23] : memref<1x40xf32, #tpu.memory_space<vmem>>, vector<1x40xf32>
    %add3A_25 = vector.broadcast %get3A_24 : vector<1x40xf32> to vector<1000x40xf32>
    %add3A_26 = arith.addf %add3A, %add3A_25 : vector<1000x40xf32>
    %swap3A = arith.constant 0 : index
    %swap3A_27 = arith.constant 0 : index
    %swap3A_28 = vector.load %arg11[%swap3A, %swap3A_27] : memref<1000x40xf32, #tpu.memory_space<vmem>>, vector<1000x40xf32>
    tpu.vector_store %arg11[%swap3A, %swap3A_27], %add3A_26 {strides = array<i32>} : memref<1000x40xf32, #tpu.memory_space<vmem>>, vector<1000x40xf32>,
    return
  }
  func.func @transform_0(%arg0: i32) -> (i32, i32) {
    %c0_i32 = arith.constant 0 : i32
    %c0_i32_0 = arith.constant 0 : i32
    return %arg0, %c0_i32 : i32, i32
  }
  func.func @transform_1(%arg0: i32) -> (i32, i32) {
    %c0_i32 = arith.constant 0 : i32
    %c0_i32_0 = arith.constant 0 : i32
    return %arg0, %c0_i32 : i32, i32
  }
  func.func @transform_2(%arg0: i32) -> (i32, i32) {
    %c0_i32 = arith.constant 0 : i32
    %c0_i32_0 = arith.constant 0 : i32
    return %arg0, %c0_i32 : i32, i32
  }
  func.func @transform_3(%arg0: i32) -> (i32, i32) {
    %c0_i32 = arith.constant 0 : i32
    %c0_i32_0 = arith.constant 0 : i32
    %c0_i32_1 = arith.constant 0 : i32
    return %c0_i32, %c0_i32_0 : i32, i32
  }
  func.func @transform_4(%arg0: i32) -> (i32, i32) {
    %c0_i32 = arith.constant 0 : i32
    %c0_i32_0 = arith.constant 0 : i32
    %c0_i32_1 = arith.constant 0 : i32
    return %c0_i32, %c0_i32_0 : i32, i32
  }
  func.func @transform_5(%arg0: i32) -> (i32, i32) {
    %c0_i32 = arith.constant 0 : i32
    %c0_i32_0 = arith.constant 0 : i32
    %c0_i32_1 = arith.constant 0 : i32
    return %c0_i32, %c0_i32_0 : i32, i32
  }
  func.func @transform_6(%arg0: i32) -> (i32, i32) {
    %c0_i32 = arith.constant 0 : i32
    %c0_i32_0 = arith.constant 0 : i32
    %c0_i32_1 = arith.constant 0 : i32
    return %c0_i32, %c0_i32_0 : i32, i32
  }
  func.func @transform_7(%arg0: i32) -> (i32, i32) {
    %c0_i32 = arith.constant 0 : i32
    %c0_i32_0 = arith.constant 0 : i32
    %c0_i32_1 = arith.constant 0 : i32
    return %c0_i32, %c0_i32_0 : i32, i32
  }
  func.func @transform_8(%arg0: i32) -> (i32, i32) {
    %c0_i32 = arith.constant 0 : i32
    %c0_i32_0 = arith.constant 0 : i32
    %c0_i32_1 = arith.constant 0 : i32
    return %c0_i32, %c0_i32_0 : i32, i32
  }
  func.func @transform_9(%arg0: i32) -> (i32, i32) {
    %c0_i32 = arith.constant 0 : i32
    %c0_i32_0 = arith.constant 0 : i32
    %c0_i32_1 = arith.constant 0 : i32
    return %c0_i32, %c0_i32_0 : i32, i32
  }
  func.func @transform_10(%arg0: i32) -> (i32, i32) {
    %c0_i32 = arith.constant 0 : i32
    %c0_i32_0 = arith.constant 0 : i32
    return %arg0, %c0_i32 : i32, i32
  }
}

</mosaic_0001>

<sc_bundles>
// kernel: kernel.12.cloned.1.call-start
scs
__scs_entry_jumppad:
0x0: {  	(pc) =	sbr.rel $0x88, $3  }
0x1: {  	(tag) =	ssettag $0x0;
	lr =	simm.s32 $0x1  }
0x2: {  	[smem:$0x3F92] =	sst lr;
	_ =	strace $0xD0000000  }
0x3: {  	_ = 	snop  }
0x4: {  	_ = 	snop  }
0x5: {  	_ = 	snop  }
0x6: {  	_ = 	snop  }
0x7: {  	_ = 	snop  }
__scs_overlays_trampoline_lowered:
0x8: {  	[smem:$0x3FA1] =	sst s0  }
0x9: {  	[smem:$0x3FA2] =	sst s1  }
0xa: {  	[smem:$0x3FA3] =	sst s2  }
0xb: {  	[smem:$0x3FA4] =	sst s3  }
0xc: {  	[smem:$0x3FA5] =	sst s4  }
0xd: {  	[smem:$0x3FA6] =	sst s5  }
0xe: {  	[smem:$0x3FA7] =	sst s6  }
0xf: {  	[smem:$0x3FA8] =	sst s7  }
0x10: {  	[smem:$0x3FA9] =	sst s8  }
0x11: {  	[smem:$0x3FAA] =	sst s9;
	s0 =	simm.s32 @!p0 $0x0  }
0x12: {  	s1 =	sld [smem:$0x3F90];
	s0 =	simm.s32 @p0 $0x1  }
0x13: {  	[smem:$0x3FAB] =	sst s0;
	s0 =	simm.s32 @!p1 $0x0  }
0x14: {  	s2 =	sld [smem:$0x3F8F];
	s0 =	simm.s32 @p1 $0x1  }
0x15: {  	[smem:$0x3FAC] =	sst s0;
	s0 =	simm.s32 @!p2 $0x0  }
0x16: {  	s3 =	sld [smem:$0x3FDB];
	s0 =	simm.s32 @p2 $0x1  }
0x17: {  	s4 =	simm.s32 $0x1BF5;
	[smem:$0x3FAE] =	sst s0  }
0x18: {  	s0 =	sld [smem:$0x3F91];
	_ =	swait.ge [sflag:s4], $0x0  }
0x19: {  	s7 =	sld [smem:$0x3F92]  }
0x1a: {  	s8 =	sadd.s32 $0xFFFFE003, lr  }
0x1b: {  	s9 =	sadd.s32 $0xFFFFFEF7, lr;
	s5 =	simm.s32 $0xFFFFFFFF;
	p2 =	slt.u32 s8, $0xFFFFF086  }
0x1c: {  	p1 =	slt.u32 s9, $0xF7A;
	s5 =	simm.s32 @!p2 $0x0  }
0x1d: {  	s5 =	simm.s32 @p1 $0x1;
	p0 =	seq.s32 s7, s2  }
0x1e: {  	s7 =	smul.u32 @!p0 $0xF7A, s2;
	p2 =	seq.s32 @!p0 s5, $0x0  }
0x1f: {  	s9 =	smul.u32 $0xF7A, s1;
	s8 =	simm.s32 @!p0 $0x1BF5;
	p2 =	por !p2, p0  }
0x20: {  	[sflag:s8] =	ssyncset.s32 @!p0 $0xFFFFF086;
	s6 =	sadd.s32 @!p0 s3, s7;
	s7 =	simm.s32 @!p0 $0x108  }
0x21: {  	s3 =	sadd.s32 s3, s9;
	s6 =	sadd.s32 @!p0 $0x88, s6;
	s7 =	simm.s32 @p2 $0x1082  }
0x22: {  	[simem:s7], [sflag:s8] =	dma.local @!p0 [hbm:s6], $0xF7A  }
0x23: {  	s9 =	sor.u32 $0xD0000000, s2;
	s6 =	simm.s32 $0x108;
	_ =	swait.ge @!p0 [sflag:s8], $0x0  }
0x24: {  	s3 =	sadd.s32 $0x88, s3;
	s6 =	simm.s32 @!p1 $0x1082;
	[sflag:s4] =	ssyncset.s32 $0xFFFFF086  }
0x25: {  	[simem:s6], [sflag:s4] =	dma.local [hbm:s3], $0xF7A  }
0x26: {  	[smem:$0x3F92] =	sst s1;
	(tag) =	ssettag s2;
	_ =	strace s9  }
0x27: {  	s1 =	sld [smem:$0x3FA2]  }
0x28: {  	s2 =	sld [smem:$0x3FA3]  }
0x29: {  	s4 =	sld [smem:$0x3FA5]  }
0x2a: {  	p0 =	seq.s32 s5, $0x0;
	s5 =	sld [smem:$0x3FA6]  }
0x2b: {  	s6 =	sld [smem:$0x3FA7]  }
0x2c: {  	s7 =	sld [smem:$0x3FA8]  }
0x2d: {  	s3 =	simm.s32 $0x108;
	s8 =	sld [smem:$0x3FA9]  }
0x2e: {  	s3 =	simm.s32 @!p0 $0x1082;
	s9 =	sld [smem:$0x3FAA]  }
0x2f: {  	lr =	sadd.s32 s0, s3;
	s0 =	sld [smem:$0x3FA1]  }
0x30: {  	s3 =	sld [smem:$0x3FA4]  }
0x31: {  	[smem:$0x3FAD] =	sst s10  }
0x32: {  	s10 =	sld [smem:$0x3FAB];
	_ =	sdelay $0x3  }
0x33: {  	p0 =	seq.s32 s10, $0x1;
	s10 =	sld [smem:$0x3FAD];
	_ =	sdelay $0x3  }
0x34: {  	[smem:$0x3FAD] =	sst s10  }
0x35: {  	s10 =	sld [smem:$0x3FAC];
	_ =	sdelay $0x3  }
0x36: {  	p1 =	seq.s32 s10, $0x1;
	s10 =	sld [smem:$0x3FAD];
	_ =	sdelay $0x3  }
0x37: {  	[smem:$0x3FAD] =	sst s10  }
0x38: {  	s10 =	sld [smem:$0x3FAE]  }
0x39: {  	_ = 	snop;
	(pc) =	sbr.ind lr, $3  }
0x3a: {  	_ = 	snop  }
0x3b: {  	_ = 	snop  }
0x3c: {  	p2 =	seq.s32 s10, $0x1;
	s10 =	sld [smem:$0x3FAD]  }
0x3d: {  	_ =	shalt  }
0x3e: {  	_ =	shalt  }
0x3f: {  	_ =	shalt  }
0x40: {  	_ =	shalt  }
0x41: {  	_ =	shalt  }
0x42: {  	_ =	shalt  }
0x43: {  	_ =	shalt  }
0x44: {  	_ =	shalt  }
0x45: {  	_ =	shalt  }
0x46: {  	_ =	shalt  }
0x47: {  	_ =	shalt  }
0x48: {  	_ =	shalt  }
0x49: {  	_ =	shalt  }
0x4a: {  	_ =	shalt  }
0x4b: {  	_ =	shalt  }
0x4c: {  	_ =	shalt  }
0x4d: {  	_ =	shalt  }
0x4e: {  	_ =	shalt  }
0x4f: {  	_ =	shalt  }
0x50: {  	_ =	shalt  }
0x51: {  	_ =	shalt  }
0x52: {  	_ =	shalt  }
0x53: {  	_ =	shalt  }
0x54: {  	_ =	shalt  }
0x55: {  	_ =	shalt  }
0x56: {  	_ =	shalt  }
0x57: {  	_ =	shalt  }
0x58: {  	_ =	shalt  }
0x59: {  	_ =	shalt  }
0x5a: {  	_ =	shalt  }
0x5b: {  	_ =	shalt  }
0x5c: {  	_ =	shalt  }
0x5d: {  	_ =	shalt  }
0x5e: {  	_ =	shalt  }
0x5f: {  	_ =	shalt  }
0x60: {  	_ =	shalt  }
0x61: {  	_ =	shalt  }
0x62: {  	_ =	shalt  }
0x63: {  	_ =	shalt  }
0x64: {  	_ =	shalt  }
0x65: {  	_ =	shalt  }
0x66: {  	_ =	shalt  }
0x67: {  	_ =	shalt  }
0x68: {  	_ =	shalt  }
0x69: {  	_ =	shalt  }
0x6a: {  	_ =	shalt  }
0x6b: {  	_ =	shalt  }
0x6c: {  	_ =	shalt  }
0x6d: {  	_ =	shalt  }
0x6e: {  	_ =	shalt  }
0x6f: {  	_ =	shalt  }
0x70: {  	_ =	shalt  }
0x71: {  	_ =	shalt  }
0x72: {  	_ =	shalt  }
0x73: {  	_ =	shalt  }
0x74: {  	_ =	shalt  }
0x75: {  	_ =	shalt  }
0x76: {  	_ =	shalt  }
0x77: {  	_ =	shalt  }
0x78: {  	_ =	shalt  }
0x79: {  	_ =	shalt  }
0x7a: {  	_ =	shalt  }
0x7b: {  	_ =	shalt  }
0x7c: {  	_ =	shalt  }
0x7d: {  	_ =	shalt  }
0x7e: {  	_ =	shalt  }
0x7f: {  	_ =	shalt  }
0x80: {  	_ =	shalt  }
0x81: {  	_ =	shalt  }
0x82: {  	_ =	shalt  }
0x83: {  	_ =	shalt  }
0x84: {  	_ =	shalt  }
0x85: {  	_ =	shalt  }
0x86: {  	_ =	shalt  }
0x87: {  	_ =	shalt  }
.Lfunc_end0:
.L_simem_size_0:
called_computation.1_lowered:
.L_overlay_start_0:
0x88: {  	s2 =	sld [smem:$0x3FD9]  }
0x89: {  	s3 =	sld [smem:$0x3FFE];
	_ =	sdelay $0x1  }
0x8a: {  	s1 =	srdreg.scid  }
0x8b: {  	s0 =	sand.u32 $0x1, s1  }
0x8c: {  	s17 =	sshll.u32 s0, $0xA;
	s2 =	sadd.s32 s3, s2  }
0x8d: {  	s2 =	sadd.s32 s2, s17  }
0x8e: {  	[smem:$0x3FB9] =	sst s2  }
0x8f: {  	_ = 	snop  }
0x90: {  	s2 =	sld [smem:$0x3FC9]  }
0x91: {  	s18 =	sld [smem:$0x3FD0];
	(tm) =	ssettm $0x1  }
0x92: {  	s4 =	sld [smem:$0x3FFB];
	_ =	sdelay $0x3  }
0x93: {  	_ =	strace s4  }
0x94: {  	s4 =	sld [smem:$0x3FFC];
	_ =	sdelay $0x3  }
0x95: {  	_ =	strace s4  }
0x96: {  	s4 =	sld [smem:$0x3FFD];
	_ =	sdelay $0x3  }
0x97: {  	_ =	strace s4  }
0x98: {  	_ =	strace $0x8FFFFFFF  }
0x99: {  	s19 =	sld [smem:$0x3FDB];
	_ =	sdelay $0x1  }
0x9a: {  	s5 =	simm.s32 $_scs_section_size  }
0x9b: {  	s6 =	simm.s32 $_size__tile_overlayer_lowered;
	s7 =	simm.s32 $_tile_overlayer_lowered  }
0x9c: {  	s22 =	simm.s32 $0x1BFF;
	s21 =	sshll.u32 s7, $0x1;
	s4 =	sadd.s32 s5, s19  }
0x9d: {  	s8 =	simm.s32 $0x0;
	s20 =	sshll.u32 s6, $0x1;
	s6 =	sadd.s32 s21, s4  }
0x9e: {  	[timem:s8], [sflag:s22] =	dma.local [hbm:s6], s20  }
0x9f: {  	_ =	swait.ge [sflag:s22], s20  }
0xa0: {  	s5 =	ssub.s32 $0x0, s20;
	[sflag:s22] =	ssyncset.done $0x0  }
0xa1: {  	[sflag:s22] =	ssyncadd.s32 s5;
	_ =	sdelay $0x1  }
0xa2: {  	s23 =	simm.s32 $0x1B8B  }
0xa3: {  	_ =	swait.ge [sflag:s23], $0x1  }
0xa4: {  	[sflag:s23] =	ssyncset.done $0x0  }
0xa5: {  	s25 =	simm.s32 $0x1B8E;
	s24 =	sld [smem:$0x3FFE];
	[sflag:s23] =	ssyncadd.s32 $0xFFFFFFFF  }
0xa6: {  	s26 =	simm.s32 $execute0_lowered;
	[smem:$0x3FD2] =	sst s25  }
0xa7: {  	s6 =	sshll.u32 s26, $0x1;
	_ =	strace $0x80000046;
	[dreg:$0x1] =	wrdreg $0xFFFFFFFF  }
0xa8: {  	s28 =	simm.s32 $_size_execute0_lowered;
	s4 =	sadd.s32 s4, s6;
	[dreg:$0x0] =	wrdreg $0x0  }
0xa9: {  	s6 =	sshll.u32 s28, $0x1;
	[dreg:$0x2] =	wrdreg s4  }
0xaa: {  	[dreg:$0x3] =	wrdreg s6  }
0xab: {  	[dreg:$0x4] =	wrdreg $0xC0  }
0xac: {  	_ =	task [dreg:s8], $0x5FFFF  }
0xad: {  	[dreg:$0x1] =	wrdreg $0xFFFFFFFF  }
0xae: {  	[dreg:$0x0] =	wrdreg $0x60  }
0xaf: {  	[dreg:$0x2] =	wrdreg s2  }
0xb0: {  	[dreg:$0x3] =	wrdreg s24  }
0xb1: {  	[dreg:$0x4] =	wrdreg s18  }
0xb2: {  	[dreg:$0x5] =	wrdreg $0x5F000  }
0xb3: {  	[dreg:$0x6] =	wrdreg $0xA  }
0xb4: {  	_ =	task.clear_ibuf [dreg:s8], $0x7FFFF;
	_ =	strace $0x90000046  }
0xb5: {  	s29 =	simm.s32 $0xA;
	_ =	strace $0x80000048  }
0xb6: {  	_ =	swait.ge [sflag:s29], $0x1  }
0xb7: {  	[sflag:s29] =	ssyncadd.s32 $0xFFFFFFFF  }
0xb8: {  	_ =	strace $0x90000048  }
0xb9: {  	_ =	sfence  }
0xba: {  	s30 =	sld [smem:$0x0];
	_ =	sdelay $0x2  }
0xbb: {  	s31 =	sshll.u32 s1, $0xD;
	s1 =	sshrl.u32 s1, $0x2  }
0xbc: {  	s3 =	sand.u32 $0x4000, s31;
	s1 =	sadd.s32 s1, s30  }
0xbd: {  	s0 =	sor.u32 s3, s0;
	s1 =	sshll.u32 s1, $0x11  }
0xbe: {  	s0 =	sor.u32 s1, s0  }
0xbf: {  	s0 =	sadd.s32 $0x8F2B, s0  }
0xc0: {  	[sflag:s0] =	ssyncadd.remote.s32 $0x1  }
0xc1: {  	_ =	sfence.sel $0xFFFF  }
0xc2: {  	[dreg:$0x0] =	wrdreg $0xFFFFFFFF;
	(pc) =	sbr.abs _section_cstart, $3  }
0xc3: {  	[dreg:$0x1] =	wrdreg $0xFFFFFFFF  }
0xc4: {  	_ =	task.clear_ibuf [dreg:s8], $0x2FFFF;
	_ =	strace $0x9FFFFFFF  }
0xc5: {  	(tm) =	ssettm $0x7FFFFFFF  }
tec
execute0_lowered:
.L_overlay_start_1:
0x0: {  	(tag) =	ssettag $0x1  }
0x1: {  	s1 =	rddreg [dreg:$0x0]  }
0x2: {  	s0 =	rddreg [dreg:$0x1]  }
0x3: {  	s2 =	rddreg [dreg:$0x2]  }
0x4: {  	s4 =	rddreg [dreg:$0x3];
	s5 =	simm.s32 $0x0;
	s13 =	stileid.u32  }
0x5: {  	s3 =	srdreg.scid;
	s31 =	simm.s32 $0x5300;
	s7 =	smul.u32 $0x27000, s13  }
0x6: {  	[smem:$0x7FF] =	sst s5;
	s6 =	sadd.s32 $0x3A00, s0;
	s10 =	smul.u32 $0x4E20, s13  }
0x7: {  	s0 =	sadd.s32 $0xD800, s0;
	s3 =	sand.u32 $0x1, s3;
	s22 =	smul.u32 $0x138, s13  }
0x8: {  	p0 =	sne.s32 s13, $0xF;
	s28 =	sadd.s32 $0x9C000, s4;
	s29 =	sadd.s32 $0x9CC00, s4  }
0x9: {  	s30 =	sadd.s32 $0x9D800, s4;
	s13 =	simm.s32 $0x6;
	s18 =	smul.u32 $0x1388, s3  }
0xa: {  	_ =	strace $0x80000047;
	s8 =	ssub.s32 $0x2, s3;
	s3 =	smul.u32 $0x9C400, s3  }
0xb: {  	s7 =	sshrl.u32 s7, $0x2;
	s9 =	sshrl.u32 s8, $0x1;
	s17 =	sadd.s32 $0xA0, s10  }
0xc: {  	s19 =	sshrl.u32 s10, $0x3;
	s10 =	sadd.s32 $0xF0, s10;
	[dreg:$0x5] =	wrdreg s17  }
0xd: {  	s7 =	sadd.s32 s7, s4;
	s20 =	sadd.s32 s6, s19;
	[dreg:$0x6] =	wrdreg s10  }
0xe: {  	s8 =	ssub.s32 s8, s9;
	s21 =	sadd.s32 s2, s19;
	[dreg:$0x12] =	wrdreg s20  }
0xf: {  	s9 =	sadd.s32 s22, s18;
	s11 =	sadd.s32 $0xC00, s7;
	[dreg:$0x13] =	wrdreg s21  }
0x10: {  	s22 =	sadd.s32 $0xA, s19;
	s23 =	sadd.s32 $0x1800, s7;
	[dreg:$0x8] =	wrdreg s11  }
0x11: {  	s3 =	sshrl.u32 s3, $0x3;
	s24 =	sadd.s32 $0x2400, s7;
	[dreg:$0x9] =	wrdreg s23  }
0x12: {  	s10 =	simm.s32 $0x80;
	s25 =	sadd.s32 $0x3000, s7;
	[dreg:$0xa] =	wrdreg s24  }
0x13: {  	s17 =	simm.s32 $0x5;
	s26 =	sadd.s32 $0x3C00, s7;
	[dreg:$0xb] =	wrdreg s25  }
0x14: {  	v0 =	vmov s18;
	s18 =	simm.s32 $0x2;
	s12 =	sadd.s32 $0x4800, s7;
	[dreg:$0xc] =	wrdreg s26  }
0x15: {  	s19 =	simm.s32 $0x280;
	s14 =	sadd.s32 $0x5400, s7;
	[dreg:$0xd] =	wrdreg s12  }
0x16: {  	s15 =	sadd.s32 $0x6000, s7;
	s16 =	sadd.s32 $0x6C00, s7;
	[dreg:$0xe] =	wrdreg s14  }
0x17: {  	s9 =	sshll.u32 s9, $0x4;
	s20 =	simm.s32 $0x0;
	[dreg:$0xf] =	wrdreg s15  }
0x18: {  	[dreg:$0x10] =	wrdreg s16;
	s12 =	sadd.s32 $0x7800, s7;
	s9 =	sadd.s32 s0, s9  }
0x19: {  	s0 =	sadd.s32 s0, s3;
	s23 =	simm.s32 $0x200;
	[dreg:$0x11] =	wrdreg s12  }
0x1a: {  	s24 =	sadd.s32 s6, s22;
	s25 =	sadd.s32 s2, s22;
	[dreg:$0x14] =	wrdreg s9  }
0x1b: {  	s26 =	smax.u32 s8, $0x1;
	s3 =	simm.s32 $0x100;
	[dreg:$0x7] =	wrdreg s23  }
0x1c: {  	s8 =	simm.s32 $0x50;
	s11 =	simm.s32 $0x180;
	[dreg:$0x15] =	wrdreg s24  }
0x1d: {  	s14 =	simm.s32 $0x2B00;
	s15 =	simm.s32 $0x1;
	[dreg:$0x16] =	wrdreg s25  }
0x1e: {  	s16 =	simm.s32 $0x3;
	s0 =	sadd.s32 $0x13800, s0;
	[dreg:$0x18] =	wrdreg s26  }
0x1f: {  	s25 =	sadd.s32 $0x8400, s7;
	s26 =	sadd.s32 $0x9000, s7;
	s9 =	simm.s32 $0x300  }
0x20: {  	v1 =	vimm.f32 $0.0e+00;
	s12 =	simm.s32 $0x4;
	[dreg:$0x17] =	wrdreg s0;
	s0 =	simm.s32 $0x7  }
.LBB2_1:
0x21: {  	s21 =	sand.u32 $0x3E00, s5  }
0x22: {  	s22 =	sand.u32 $0x70, s5;
	s23 =	sshrl.u32 s21, $0x2  }
0x23: {  	s21 =	simm.s32 $0x40;
	s23 =	sor.u32 s22, s23;
	s22 =	simm.s32 $0x0  }
.LBB2_2:
0x24: {  	p1 =	sne.s32 s21, $0x2FC0  }
0x25: {  	[tilespmem:s23+$0x5300] =	vst v1;
	s22 =	sadd.s32 $0x10, s22;
	s23 =	smov.u32 s21;
	s21 =	sadd.s32 $0x40, s21  }
.Ltmp0:
0x26: {  	(pc) =	sbr.rel @p1 .LBB2_2-.Ltmp0, $4  }
0x27: {  	_ = 	snop  }
0x28: {  	s23 =	sand.u32 $0x3E00, s23  }
0x29: {  	s24 =	sand.u32 $0x70, s22;
	s23 =	sshrl.u32 s23, $0x2  }
0x2a: {  	s23 =	sor.u32 s24, s23  }
0x2b: {  	[tilespmem:s23+$0x5300] =	vst v1  }
0x2c: {  	[spmem:s7] =	stream.linear.scatter [tilespmem:s31], [sflag:$0x7], $0xC00, $0x38;
	[tilespmem:$0xFD40] =	vst v63  }
0x2d: {  	_ =	swait.ge [sflag:s0], $0xC00  }
0x2e: {  	[sflag:s0] =	ssyncset.done $0x0  }
0x2f: {  	s21 =	rddreg [dreg:$0x8];
	[sflag:s0] =	ssyncadd.s32 $0xFFFFF400  }
0x30: {  	[spmem:s21] =	stream.linear.scatter [tilespmem:s31], [sflag:$0x7], $0xC00, $0x38;
	[tilespmem:$0xFD40] =	vst v63  }
0x31: {  	_ =	swait.ge [sflag:s0], $0xC00  }
0x32: {  	[sflag:s0] =	ssyncset.done $0x0  }
0x33: {  	s23 =	rddreg [dreg:$0x9];
	[sflag:s0] =	ssyncadd.s32 $0xFFFFF400  }
0x34: {  	[spmem:s23] =	stream.linear.scatter [tilespmem:s31], [sflag:$0x7], $0xC00, $0x38;
	[tilespmem:$0xFD40] =	vst v63  }
0x35: {  	_ =	swait.ge [sflag:s0], $0xC00  }
0x36: {  	[sflag:s0] =	ssyncset.done $0x0  }
0x37: {  	s24 =	rddreg [dreg:$0xa];
	[sflag:s0] =	ssyncadd.s32 $0xFFFFF400  }
0x38: {  	[spmem:s24] =	stream.linear.scatter [tilespmem:s31], [sflag:$0x7], $0xC00, $0x38;
	[tilespmem:$0xFD40] =	vst v63  }
0x39: {  	_ =	swait.ge [sflag:s0], $0xC00  }
0x3a: {  	[sflag:s0] =	ssyncset.done $0x0  }
0x3b: {  	s22 =	rddreg [dreg:$0xb];
	[sflag:s0] =	ssyncadd.s32 $0xFFFFF400  }
0x3c: {  	[spmem:s22] =	stream.linear.scatter [tilespmem:s31], [sflag:$0x7], $0xC00, $0x38;
	[tilespmem:$0xFD40] =	vst v63  }
0x3d: {  	_ =	swait.ge [sflag:s0], $0xC00  }
0x3e: {  	[sflag:s0] =	ssyncset.done $0x0  }
0x3f: {  	s23 =	rddreg [dreg:$0xc];
	[sflag:s0] =	ssyncadd.s32 $0xFFFFF400  }
0x40: {  	[spmem:s23] =	stream.linear.scatter [tilespmem:s31], [sflag:$0x7], $0xC00, $0x38;
	[tilespmem:$0xFD40] =	vst v63  }
0x41: {  	_ =	swait.ge [sflag:s0], $0xC00  }
0x42: {  	[sflag:s0] =	ssyncset.done $0x0  }
0x43: {  	s24 =	rddreg [dreg:$0xd];
	[sflag:s0] =	ssyncadd.s32 $0xFFFFF400  }
0x44: {  	[spmem:s24] =	stream.linear.scatter [tilespmem:s31], [sflag:$0x7], $0xC00, $0x38;
	[tilespmem:$0xFD40] =	vst v63  }
0x45: {  	_ =	swait.ge [sflag:s0], $0xC00  }
0x46: {  	[sflag:s0] =	ssyncset.done $0x0  }
0x47: {  	s22 =	rddreg [dreg:$0xe];
	[sflag:s0] =	ssyncadd.s32 $0xFFFFF400  }
0x48: {  	[spmem:s22] =	stream.linear.scatter [tilespmem:s31], [sflag:$0x7], $0xC00, $0x38;
	[tilespmem:$0xFD40] =	vst v63  }
0x49: {  	_ =	swait.ge [sflag:s0], $0xC00  }
0x4a: {  	[sflag:s0] =	ssyncset.done $0x0  }
0x4b: {  	s23 =	rddreg [dreg:$0xf];
	[sflag:s0] =	ssyncadd.s32 $0xFFFFF400  }
0x4c: {  	[spmem:s23] =	stream.linear.scatter [tilespmem:s31], [sflag:$0x7], $0xC00, $0x38;
	[tilespmem:$0xFD40] =	vst v63  }
0x4d: {  	_ =	swait.ge [sflag:s0], $0xC00  }
0x4e: {  	[sflag:s0] =	ssyncset.done $0x0  }
0x4f: {  	s24 =	rddreg [dreg:$0x10];
	[sflag:s0] =	ssyncadd.s32 $0xFFFFF400  }
0x50: {  	[spmem:s24] =	stream.linear.scatter [tilespmem:s31], [sflag:$0x7], $0xC00, $0x38;
	[tilespmem:$0xFD40] =	vst v63  }
0x51: {  	_ =	swait.ge [sflag:s0], $0xC00  }
0x52: {  	[sflag:s0] =	ssyncset.done $0x0  }
0x53: {  	s22 =	rddreg [dreg:$0x11];
	[sflag:s0] =	ssyncadd.s32 $0xFFFFF400  }
0x54: {  	[spmem:s22] =	stream.linear.scatter [tilespmem:s31], [sflag:$0x7], $0xC00, $0x38;
	[tilespmem:$0xFD40] =	vst v63  }
0x55: {  	_ =	swait.ge [sflag:s0], $0xC00  }
0x56: {  	[sflag:s0] =	ssyncset.done $0x0  }
0x57: {  	[sflag:s0] =	ssyncadd.s32 $0xFFFFF400  }
0x58: {  	[spmem:s25] =	stream.linear.scatter [tilespmem:s31], [sflag:$0x7], $0xC00, $0x38;
	[tilespmem:$0xFD40] =	vst v63  }
0x59: {  	_ =	swait.ge [sflag:s0], $0xC00  }
0x5a: {  	[sflag:s0] =	ssyncset.done $0x0  }
0x5b: {  	[sflag:s0] =	ssyncadd.s32 $0xFFFFF400  }
0x5c: {  	[spmem:s26] =	stream.linear.scatter [tilespmem:s31], [sflag:$0x7], $0xC00, $0x38;
	[tilespmem:$0xFD40] =	vst v63  }
0x5d: {  	_ =	swait.ge [sflag:s0], $0xC00  }
0x5e: {  	[sflag:s0] =	ssyncset.done $0x0  }
0x5f: {  	s21 =	simm.s32 @!p0 $0x5300;
	s22 =	simm.s32 @!p0 $0x7;
	[sflag:s0] =	ssyncadd.s32 $0xFFFFF400  }
0x60: {  	[spmem:s28] =	stream.linear.scatter @!p0 [tilespmem:s21], [sflag:$0x7], $0xC00, $0x38;
	[tilespmem:$0xFD40] =	vst v63  }
0x61: {  	_ =	swait.ge @!p0 [sflag:s22], $0xC00  }
0x62: {  	[sflag:s22] =	ssyncset.done @!p0 $0x0  }
0x63: {  	[sflag:s22] =	ssyncadd.s32 @!p0 $0xFFFFF400  }
0x64: {  	[spmem:s29] =	stream.linear.scatter @!p0 [tilespmem:s21], [sflag:$0x7], $0xC00, $0x38;
	[tilespmem:$0xFD40] =	vst v63  }
0x65: {  	_ =	swait.ge @!p0 [sflag:s22], $0xC00  }
0x66: {  	[sflag:s22] =	ssyncset.done @!p0 $0x0  }
0x67: {  	[sflag:s22] =	ssyncadd.s32 @!p0 $0xFFFFF400  }
0x68: {  	[spmem:s30] =	stream.linear.scatter @!p0 [tilespmem:s21], [sflag:$0x7], $0xC00, $0x38;
	[tilespmem:$0xFD40] =	vst v63  }
0x69: {  	_ =	swait.ge @!p0 [sflag:s22], $0xC00  }
0x6a: {  	[sflag:s22] =	ssyncset.done @!p0 $0x0  }
0x6b: {  	[sflag:s22] =	ssyncadd.s32 @!p0 $0xFFFFF400  }
0x6c: {  	[bflag:$0x0] =	sbarrier.arrive $0xFFFF  }
0x6d: {  	s22 =	simm.s32 $0x0;
	s23 =	rddreg [dreg:$0x12]  }
0x6e: {  	[tilespmem:s22], [sflag:$0x7] =	stream.linear.gather [hbm4b:s23+s22], $0x50, $0x38;
	[tilespmem:$0xFD40] =	vst v63  }
0x6f: {  	_ =	swait.ge [sflag:s0], $0x50  }
0x70: {  	[sflag:s0] =	ssyncset.done $0x0  }
0x71: {  	s24 =	rddreg [dreg:$0x13];
	[sflag:s0] =	ssyncadd.s32 $0xFFFFFFB0  }
0x72: {  	[tilespmem:s3], [sflag:$0x7] =	stream.linear.gather [hbm4b:s24+s22], $0x50, $0x38;
	[tilespmem:$0xFD40] =	vst v63  }
0x73: {  	_ =	swait.ge [sflag:s0], $0x50  }
0x74: {  	[sflag:s0] =	ssyncset.done $0x0  }
0x75: {  	[sflag:s0] =	ssyncadd.s32 $0xFFFFFFB0  }
0x76: {  	[tilespmem:s9], [sflag:$0x1] =	stream.indirect.gather [hbm4b:s1+s8], $0x80, s22, s8, $0xb8;
	[tilespmem:$0xFD40] =	vst v63  }
0x77: {  	s23 =	rddreg [dreg:$0x15]  }
0x78: {  	[tilespmem:s10], [sflag:$0x4] =	stream.linear.gather [hbm4b:s23+s22], $0x50, $0x38;
	[tilespmem:$0xFD40] =	vst v63  }
0x79: {  	s24 =	rddreg [dreg:$0x16]  }
0x7a: {  	[tilespmem:s11], [sflag:$0x6] =	stream.linear.gather [hbm4b:s24+s22], $0x50, $0x38;
	[tilespmem:$0xFD40] =	vst v63  }
0x7b: {  	_ =	swait.ge [sflag:s12], $0x50  }
0x7c: {  	[sflag:s12] =	ssyncset.done $0x0  }
0x7d: {  	[sflag:s12] =	ssyncadd.s32 $0xFFFFFFB0  }
0x7e: {  	_ =	swait.ge [sflag:s13], $0x50  }
0x7f: {  	[sflag:s13] =	ssyncset.done $0x0  }
0x80: {  	[sflag:s13] =	ssyncadd.s32 $0xFFFFFFB0  }
0x81: {  	[tilespmem:s14], [sflag:$0x2] =	stream.indirect.gather [hbm4b:s1+s8], $0x80, s10, s8, $0xb8;
	[tilespmem:$0xFD40] =	vst v63  }
0x82: {  	_ =	swait.ge [sflag:s15], $0x2800  }
0x83: {  	[sflag:s15] =	ssyncset.done $0x0  }
0x84: {  	[sflag:s15] =	ssyncadd.s32 $0xFFFFD800  }
0x85: {  	v2 =	vld [tilespmem:$0x140]  }
0x86: {  	v3 =	vld [tilespmem:$0x130]  }
0x87: {  	v4 =	vld [tilespmem:$0x110]  }
0x88: {  	v5 =	vld [tilespmem:$0x120];
	_ =	sdelay $0x3  }
0x89: {  	v6 =	vld [tilespmem:$0x100];
	v2 =	vsub.s32 v2, v0;
	v3 =	vsub.s32 v3, v0;
	v4 =	vsub.s32 v4, v0  }
0x8a: {  	v5 =	vsub.s32 v5, v0;
	v7 =	vand.u32 $0x3F, v2;
	v8 =	vand.u32 $0x3F, v3  }
0x8b: {  	vm0 =	vlt.u32 v2, $0x1388;
	vm1 =	vlt.u32 v5, $0x1388;
	v7 =	vadd.s32 $0x1388, v7  }
0x8c: {  	vm2 =	vlt.u32 v3, $0x1388;
	v8 =	vadd.s32 $0x1388, v8;
	v2 =	vsel vm0, v2, v7  }
0x8d: {  	s23 =	smin.u32 s22, $0xF7;
	vm0 =	vlt.u32 v4, $0x1388;
	v7 =	vand.u32 $0x3F, v5;
	v3 =	vsel vm2, v3, v8  }
0x8e: {  	s21 =	smul.u32 $0x50, s23;
	[tilespmem:$0x240] =	vst v2;
	v2 =	vsub.s32 v6, v0;
	v6 =	vand.u32 $0x3F, v4;
	v7 =	vadd.s32 $0x1388, v7  }
0x8f: {  	s24 =	rddreg [dreg:$0x5];
	[tilespmem:$0x230] =	vst v3;
	v3 =	vand.u32 $0x3F, v2;
	v6 =	vadd.s32 $0x1388, v6;
	v5 =	vsel vm1, v5, v7  }
0x90: {  	s21 =	sadd.s32 s21, s24;
	vm1 =	vlt.u32 v2, $0x1388;
	v3 =	vadd.s32 $0x1388, v3;
	v4 =	vsel vm0, v4, v6;
	[tilespmem:$0x220] =	vst v5  }
0x91: {  	s21 =	sshrl.u32 s21, $0x3;
	v2 =	vsel vm1, v2, v3;
	[tilespmem:$0x210] =	vst v4  }
0x92: {  	s24 =	sadd.s32 s6, s21;
	[tilespmem:$0x200] =	vst v2  }
0x93: {  	[tilespmem:s5], [sflag:$0x3] =	stream.linear.gather [hbm4b:s24+s5], $0x50, $0x38;
	[tilespmem:$0xFD40] =	vst v63  }
0x94: {  	s21 =	sadd.s32 s2, s21  }
0x95: {  	[tilespmem:s3], [sflag:$0x5] =	stream.linear.gather [hbm4b:s21+s5], $0x50, $0x38;
	[tilespmem:$0xFD40] =	vst v63  }
0x96: {  	s24 =	rddreg [dreg:$0x7]  }
0x97: {  	[spmem:s4] =	stream.indirect.scatter.add.f32 [tilespmem:s9], [sflag:$0x7], $0x80, s24, s8, $0xb8;
	[tilespmem:$0xFD40] =	vst v63  }
0x98: {  	_ =	swait.ge [sflag:s0], $0x2800  }
0x99: {  	[sflag:s0] =	ssyncset.done $0x0  }
0x9a: {  	[sflag:s0] =	ssyncadd.s32 $0xFFFFD800  }
0x9b: {  	_ =	swait.ge [sflag:s16], $0x50  }
0x9c: {  	[sflag:s16] =	ssyncset.done $0x0  }
0x9d: {  	[sflag:s16] =	ssyncadd.s32 $0xFFFFFFB0  }
0x9e: {  	_ =	swait.ge [sflag:s17], $0x50  }
0x9f: {  	[sflag:s17] =	ssyncset.done $0x0  }
0xa0: {  	[sflag:s17] =	ssyncadd.s32 $0xFFFFFFB0  }
0xa1: {  	[tilespmem:s9], [sflag:$0x1] =	stream.indirect.gather [hbm4b:s1+s8], $0x80, s5, s8, $0xb8;
	[tilespmem:$0xFD40] =	vst v63  }
0xa2: {  	_ =	swait.ge [sflag:s18], $0x2800  }
0xa3: {  	[sflag:s18] =	ssyncset.done $0x0  }
0xa4: {  	[sflag:s18] =	ssyncadd.s32 $0xFFFFD800  }
0xa5: {  	v2 =	vld [tilespmem:$0x1B0]  }
0xa6: {  	v3 =	vld [tilespmem:$0x180]  }
0xa7: {  	v4 =	vld [tilespmem:$0x190]  }
0xa8: {  	v5 =	vld [tilespmem:$0x1A0]  }
0xa9: {  	v10 =	vld [tilespmem:$0x1C0];
	_ =	sdelay $0x2  }
0xaa: {  	v2 =	vsub.s32 v2, v0  }
0xab: {  	v9 =	vsub.s32 v3, v0;
	v6 =	vsub.s32 v4, v0;
	v4 =	vsub.s32 v5, v0  }
0xac: {  	v5 =	vsub.s32 v10, v0;
	vm0 =	vlt.u32 v2, $0x1388;
	v7 =	vand.u32 $0x3F, v9  }
0xad: {  	p1 =	por $0x1, $0x1;
	v3 =	vand.u32 $0x3F, v2;
	v11 =	vadd.s32 $0x1388, v7;
	v7 =	vand.u32 $0x3F, v6  }
0xae: {  	s22 =	simm.s32 @!p1 $0xF6;
	vm1 =	vlt.u32 v9, $0x1388;
	v3 =	vadd.s32 $0x1388, v3;
	v8 =	vadd.s32 $0x1388, v7  }
0xaf: {  	s21 =	simm.s32 $0x2;
	s24 =	smul.u32 $0x50, s22;
	s23 =	rddreg [dreg:$0x6];
	v7 =	vand.u32 $0x3F, v4;
	v9 =	vsel vm1, v9, v11;
	vm1 =	vlt.u32 v6, $0x1388  }
.LBB2_4:
0xb0: {  	[tilespmem:$0x280] =	vst v9;
	v6 =	vsel vm1, v6, v8;
	vm1 =	vlt.u32 v4, $0x1388  }
0xb1: {  	v7 =	vadd.s32 $0x1388, v7;
	v2 =	vsel vm0, v2, v3;
	[tilespmem:$0x290] =	vst v6;
	v6 =	vand.u32 $0x3F, v5  }
0xb2: {  	v4 =	vsel vm1, v4, v7;
	vm1 =	vlt.u32 v5, $0x1388;
	s23 =	sadd.s32 s24, s23;
	[tilespmem:$0x2B0] =	vst v2;
	v3 =	vadd.s32 $0x1388, v6  }
0xb3: {  	[tilespmem:$0x2A0] =	vst v4;
	s23 =	sshrl.u32 s23, $0x3;
	v2 =	vsel vm1, v5, v3  }
0xb4: {  	s24 =	sadd.s32 s6, s23;
	[tilespmem:$0x2C0] =	vst v2  }
0xb5: {  	[tilespmem:s10], [sflag:$0x4] =	stream.linear.gather [hbm4b:s24+s5], $0x50, $0x38;
	[tilespmem:$0xFD40] =	vst v63  }
0xb6: {  	s23 =	sadd.s32 s2, s23  }
0xb7: {  	[tilespmem:s11], [sflag:$0x6] =	stream.linear.gather [hbm4b:s23+s5], $0x50, $0x38;
	[tilespmem:$0xFD40] =	vst v63  }
0xb8: {  	_ = 	snop  }
0xb9: {  	[spmem:s4] =	stream.indirect.scatter.add.f32 [tilespmem:s14], [sflag:$0x7], $0x80, s19, s8, $0xb8;
	[tilespmem:$0xFD40] =	vst v63  }
0xba: {  	_ =	swait.ge [sflag:s0], $0x2800  }
0xbb: {  	[sflag:s0] =	ssyncset.done $0x0  }
0xbc: {  	[sflag:s0] =	ssyncadd.s32 $0xFFFFD800  }
0xbd: {  	_ =	swait.ge [sflag:s12], $0x50  }
0xbe: {  	[sflag:s12] =	ssyncset.done $0x0  }
0xbf: {  	[sflag:s12] =	ssyncadd.s32 $0xFFFFFFB0  }
0xc0: {  	_ =	swait.ge [sflag:s13], $0x50  }
0xc1: {  	[sflag:s13] =	ssyncset.done $0x0  }
0xc2: {  	[sflag:s13] =	ssyncadd.s32 $0xFFFFFFB0  }
0xc3: {  	[tilespmem:s14], [sflag:$0x2] =	stream.indirect.gather [hbm4b:s1+s8], $0x80, s10, s8, $0xb8;
	[tilespmem:$0xFD40] =	vst v63  }
0xc4: {  	_ =	swait.ge [sflag:s15], $0x2800  }
0xc5: {  	[sflag:s15] =	ssyncset.done $0x0  }
0xc6: {  	[sflag:s15] =	ssyncadd.s32 $0xFFFFD800  }
0xc7: {  	v2 =	vld [tilespmem:$0x140]  }
0xc8: {  	v3 =	vld [tilespmem:$0x130]  }
0xc9: {  	v4 =	vld [tilespmem:$0x110]  }
0xca: {  	v5 =	vld [tilespmem:$0x120];
	_ =	sdelay $0x3  }
0xcb: {  	v6 =	vld [tilespmem:$0x100];
	v2 =	vsub.s32 v2, v0;
	v3 =	vsub.s32 v3, v0;
	v4 =	vsub.s32 v4, v0  }
0xcc: {  	v5 =	vsub.s32 v5, v0;
	v7 =	vand.u32 $0x3F, v2;
	v8 =	vand.u32 $0x3F, v3  }
0xcd: {  	vm0 =	vlt.u32 v2, $0x1388;
	vm1 =	vlt.u32 v5, $0x1388;
	v7 =	vadd.s32 $0x1388, v7  }
0xce: {  	s22 =	smov.u32 s21;
	vm2 =	vlt.u32 v3, $0x1388;
	v8 =	vadd.s32 $0x1388, v8;
	v2 =	vsel vm0, v2, v7  }
0xcf: {  	s23 =	smin.u32 s22, $0xF7;
	vm0 =	vlt.u32 v4, $0x1388;
	v7 =	vand.u32 $0x3F, v5;
	v3 =	vsel vm2, v3, v8  }
0xd0: {  	s23 =	smul.u32 $0x50, s23;
	[tilespmem:$0x240] =	vst v2;
	v2 =	vsub.s32 v6, v0;
	v6 =	vand.u32 $0x3F, v4;
	v7 =	vadd.s32 $0x1388, v7  }
0xd1: {  	s24 =	rddreg [dreg:$0x5];
	[tilespmem:$0x230] =	vst v3;
	v3 =	vand.u32 $0x3F, v2;
	v6 =	vadd.s32 $0x1388, v6;
	v5 =	vsel vm1, v5, v7  }
0xd2: {  	s23 =	sadd.s32 s23, s24;
	vm1 =	vlt.u32 v2, $0x1388;
	v3 =	vadd.s32 $0x1388, v3;
	v4 =	vsel vm0, v4, v6;
	[tilespmem:$0x220] =	vst v5  }
0xd3: {  	s23 =	sshrl.u32 s23, $0x3;
	v2 =	vsel vm1, v2, v3;
	[tilespmem:$0x210] =	vst v4  }
0xd4: {  	s24 =	sadd.s32 s6, s23;
	[tilespmem:$0x200] =	vst v2  }
0xd5: {  	[tilespmem:s5], [sflag:$0x3] =	stream.linear.gather [hbm4b:s24+s5], $0x50, $0x38;
	[tilespmem:$0xFD40] =	vst v63  }
0xd6: {  	s23 =	sadd.s32 s2, s23  }
0xd7: {  	[tilespmem:s3], [sflag:$0x5] =	stream.linear.gather [hbm4b:s23+s5], $0x50, $0x38;
	[tilespmem:$0xFD40] =	vst v63  }
0xd8: {  	s24 =	rddreg [dreg:$0x7]  }
0xd9: {  	[spmem:s4] =	stream.indirect.scatter.add.f32 [tilespmem:s9], [sflag:$0x7], $0x80, s24, s8, $0xb8;
	[tilespmem:$0xFD40] =	vst v63  }
0xda: {  	_ =	swait.ge [sflag:s0], $0x2800  }
0xdb: {  	[sflag:s0] =	ssyncset.done $0x0  }
0xdc: {  	[sflag:s0] =	ssyncadd.s32 $0xFFFFD800  }
0xdd: {  	_ =	swait.ge [sflag:s16], $0x50  }
0xde: {  	[sflag:s16] =	ssyncset.done $0x0  }
0xdf: {  	[sflag:s16] =	ssyncadd.s32 $0xFFFFFFB0  }
0xe0: {  	_ =	swait.ge [sflag:s17], $0x50  }
0xe1: {  	[sflag:s17] =	ssyncset.done $0x0  }
0xe2: {  	[sflag:s17] =	ssyncadd.s32 $0xFFFFFFB0  }
0xe3: {  	[tilespmem:s9], [sflag:$0x1] =	stream.indirect.gather [hbm4b:s1+s8], $0x80, s5, s8, $0xb8;
	[tilespmem:$0xFD40] =	vst v63  }
0xe4: {  	_ =	swait.ge [sflag:s18], $0x2800  }
0xe5: {  	[sflag:s18] =	ssyncset.done $0x0  }
0xe6: {  	[sflag:s18] =	ssyncadd.s32 $0xFFFFD800  }
0xe7: {  	v2 =	vld [tilespmem:$0x1B0]  }
0xe8: {  	v3 =	vld [tilespmem:$0x180]  }
0xe9: {  	v4 =	vld [tilespmem:$0x190]  }
0xea: {  	v5 =	vld [tilespmem:$0x1A0]  }
0xeb: {  	v10 =	vld [tilespmem:$0x1C0];
	_ =	sdelay $0x2  }
0xec: {  	p1 =	sne.s32 s21, $0xF8;
	v2 =	vsub.s32 v2, v0  }
.Ltmp1:
0xed: {  	v9 =	vsub.s32 v3, v0;
	v6 =	vsub.s32 v4, v0;
	v4 =	vsub.s32 v5, v0;
	(pc) =	sbr.rel @p1 .LBB2_4-.Ltmp1, $4  }
0xee: {  	v5 =	vsub.s32 v10, v0;
	vm0 =	vlt.u32 v2, $0x1388;
	v7 =	vand.u32 $0x3F, v9  }
0xef: {  	p2 =	slt.s32 s22, $0xF6;
	v3 =	vand.u32 $0x3F, v2;
	v11 =	vadd.s32 $0x1388, v7;
	v7 =	vand.u32 $0x3F, v6  }
0xf0: {  	s22 =	simm.s32 @!p2 $0xF6;
	vm1 =	vlt.u32 v9, $0x1388;
	v3 =	vadd.s32 $0x1388, v3;
	v8 =	vadd.s32 $0x1388, v7  }
0xf1: {  	s21 =	sadd.s32 $0x2, s21;
	s24 =	smul.u32 $0x50, s22;
	s23 =	rddreg [dreg:$0x6];
	v7 =	vand.u32 $0x3F, v4;
	v9 =	vsel vm1, v9, v11;
	vm1 =	vlt.u32 v6, $0x1388  }
0xf2: {  	[tilespmem:$0x280] =	vst v9;
	v6 =	vsel vm1, v6, v8;
	vm14 =	vlt.u32 v4, $0x1388  }
0xf3: {  	v7 =	vadd.s32 $0x1388, v7;
	v63 =	vand.u32 $0x3F, v5;
	v2 =	vsel vm0, v2, v3;
	[tilespmem:$0x290] =	vst v6  }
0xf4: {  	vm15 =	vlt.u32 v5, $0x1388;
	v4 =	vsel vm14, v4, v7;
	s21 =	sadd.s32 s24, s23;
	v3 =	vadd.s32 $0x1388, v63;
	[tilespmem:$0x2B0] =	vst v2  }
0xf5: {  	[tilespmem:$0x2A0] =	vst v4;
	s21 =	sshrl.u32 s21, $0x3;
	v2 =	vsel vm15, v5, v3  }
0xf6: {  	s22 =	sadd.s32 s6, s21;
	[tilespmem:$0x2C0] =	vst v2  }
0xf7: {  	[tilespmem:s10], [sflag:$0x4] =	stream.linear.gather [hbm4b:s22+s5], $0x50, $0x38;
	[tilespmem:$0xFD40] =	vst v63  }
0xf8: {  	s21 =	sadd.s32 s2, s21  }
0xf9: {  	[tilespmem:s11], [sflag:$0x6] =	stream.linear.gather [hbm4b:s21+s5], $0x50, $0x38;
	[tilespmem:$0xFD40] =	vst v63  }
0xfa: {  	_ = 	snop  }
0xfb: {  	[spmem:s4] =	stream.indirect.scatter.add.f32 [tilespmem:s14], [sflag:$0x7], $0x80, s19, s8, $0xb8;
	[tilespmem:$0xFD40] =	vst v63  }
0xfc: {  	_ =	swait.ge [sflag:s0], $0x2800  }
0xfd: {  	[sflag:s0] =	ssyncset.done $0x0  }
0xfe: {  	[sflag:s0] =	ssyncadd.s32 $0xFFFFD800  }
0xff: {  	_ =	swait.ge [sflag:s12], $0x50  }
0x100: {  	[sflag:s12] =	ssyncset.done $0x0  }
0x101: {  	[sflag:s12] =	ssyncadd.s32 $0xFFFFFFB0  }
0x102: {  	_ =	swait.ge [sflag:s13], $0x50  }
0x103: {  	[sflag:s13] =	ssyncset.done $0x0  }
0x104: {  	[sflag:s13] =	ssyncadd.s32 $0xFFFFFFB0  }
0x105: {  	_ =	swait.ge [sflag:s15], $0x2800  }
0x106: {  	[sflag:s15] =	ssyncset.done $0x0  }
0x107: {  	s22 =	stileid.u32;
	[sflag:s15] =	ssyncadd.s32 $0xFFFFD800  }
0x108: {  	s21 =	sshll.u32 s22, $0x6;
	[bflag:$0x0] =	sbarrier.arrive $0xFFFF  }
0x109: {  	s23 =	sshrl.u32 s7, $0x3;
	s21 =	sor.u32 $0x1C07, s21;
	s24 =	rddreg [dreg:$0x14]  }
0x10a: {  	[hbm:s24], [sflag:s21] =	dma.local [spmem:s23], $0x1380  }
0x10b: {  	_ =	swait.ge [sflag:s0], $0x1380  }
0x10c: {  	[sflag:s0] =	ssyncset.done $0x0  }
0x10d: {  	s22 =	sshrl.u32 @!p0 s28, $0x3;
	s23 =	rddreg [dreg:$0x17];
	[sflag:s0] =	ssyncadd.s32 $0xFFFFEC80  }
0x10e: {  	[hbm:s23], [sflag:s21] =	dma.local @!p0 [spmem:s22], $0x80  }
0x10f: {  	s21 =	simm.s32 @!p0 $0x7  }
0x110: {  	_ =	swait.ge @!p0 [sflag:s21], $0x80  }
0x111: {  	s20 =	sadd.s32 $0x1, s20;
	s24 =	rddreg [dreg:$0x18]  }
0x112: {  	p1 =	sne.s32 s20, s24  }
.Ltmp2:
0x113: {  	_ = 	snop;
	(pc) =	sbr.rel @p1 .LBB2_1-.Ltmp2, $3  }
0x114: {  	_ =	sdelay $0x1  }
0x115: {  	[sflag:s21] =	ssyncset.done @!p0 $0x0  }
0x116: {  	[sflag:s21] =	ssyncadd.s32 @!p0 $0xFFFFFF80  }
0x117: {  	_ =	sfence.sel $0x180000  }
0x118: {  	[bflag:$0x0] =	sbarrier.arrive $0xFFFF  }
0x119: {  	_ =	strace $0x90000047  }
0x11a: {  	s0 =	stileid.u32;
	[bflag:$0x2] =	sbarrier.arrive $0xFFFF  }
0x11b: {  	p0 =	sne.s32 s0, $0x0;
	s0 =	rddreg [dreg:$0x4]  }
0x11c: {  	s0 =	sadd.s32 @!p0 $0x100000, s0  }
0x11d: {  	[sflag:s0] =	ssyncadd.tile.s32 @!p0 $0x1;
	_ =	shalt  }
.Lfunc_end2:
_tile_overlayer_lowered:
.L_overlay_start_2:
0x11e: {  	(tag) =	ssettag $0x2  }
0x11f: {  	s0 =	rddreg [dreg:$0x0];
	s2 =	stileid.u32  }
0x120: {  	s1 =	rddreg [dreg:$0x1];
	p0 =	sne.s32 s2, $0x0  }
0x121: {  	s3 =	rddreg [dreg:$0x2];
	[bflag:$0x3] =	sbarrier.arrive $0xFFFF;
	s2 =	simm.s32 @!p0 $0x1C07  }
0x122: {  	[timem:s3], [sflag:s2] =	dma.local @!p0 [hbm:s0], s1  }
0x123: {  	s0 =	simm.s32 @!p0 $0x7  }
0x124: {  	_ =	swait.ge @!p0 [sflag:s0], s1  }
0x125: {  	s1 =	ssub.s32 @!p0 $0x0, s1;
	[sflag:s0] =	ssyncset.done @!p0 $0x0  }
0x126: {  	[sflag:s0] =	ssyncadd.s32 @!p0 s1  }
0x127: {  	[bflag:$0x3] =	sbarrier.arrive $0xFFFF  }
0x128: {  	_ =	shalt  }

// kernel: kernel.15.cloned.1.call-start
scs
__scs_entry_jumppad:
0x0: {  	(pc) =	sbr.rel $0x88, $3  }
0x1: {  	(tag) =	ssettag $0x0;
	lr =	simm.s32 $0x1  }
0x2: {  	[smem:$0x3F92] =	sst lr;
	_ =	strace $0xD0000000  }
0x3: {  	_ = 	snop  }
0x4: {  	_ = 	snop  }
0x5: {  	_ = 	snop  }
0x6: {  	_ = 	snop  }
0x7: {  	_ = 	snop  }
__scs_overlays_trampoline_lowered:
0x8: {  	[smem:$0x3FA1] =	sst s0  }
0x9: {  	[smem:$0x3FA2] =	sst s1  }
0xa: {  	[smem:$0x3FA3] =	sst s2  }
0xb: {  	[smem:$0x3FA4] =	sst s3  }
0xc: {  	[smem:$0x3FA5] =	sst s4  }
0xd: {  	[smem:$0x3FA6] =	sst s5  }
0xe: {  	[smem:$0x3FA7] =	sst s6  }
0xf: {  	[smem:$0x3FA8] =	sst s7  }
0x10: {  	[smem:$0x3FA9] =	sst s8  }
0x11: {  	[smem:$0x3FAA] =	sst s9;
	s0 =	simm.s32 @!p0 $0x0  }
0x12: {  	s1 =	sld [smem:$0x3F90];
	s0 =	simm.s32 @p0 $0x1  }
0x13: {  	[smem:$0x3FAB] =	sst s0;
	s0 =	simm.s32 @!p1 $0x0  }
0x14: {  	s2 =	sld [smem:$0x3F8F];
	s0 =	simm.s32 @p1 $0x1  }
0x15: {  	[smem:$0x3FAC] =	sst s0;
	s0 =	simm.s32 @!p2 $0x0  }
0x16: {  	s3 =	sld [smem:$0x3FDB];
	s0 =	simm.s32 @p2 $0x1  }
0x17: {  	s4 =	simm.s32 $0x1BF5;
	[smem:$0x3FAE] =	sst s0  }
0x18: {  	s0 =	sld [smem:$0x3F91];
	_ =	swait.ge [sflag:s4], $0x0  }
0x19: {  	s7 =	sld [smem:$0x3F92]  }
0x1a: {  	s8 =	sadd.s32 $0xFFFFE003, lr  }
0x1b: {  	s9 =	sadd.s32 $0xFFFFFEF7, lr;
	s5 =	simm.s32 $0xFFFFFFFF;
	p2 =	slt.u32 s8, $0xFFFFF086  }
0x1c: {  	p1 =	slt.u32 s9, $0xF7A;
	s5 =	simm.s32 @!p2 $0x0  }
0x1d: {  	s5 =	simm.s32 @p1 $0x1;
	p0 =	seq.s32 s7, s2  }
0x1e: {  	s7 =	smul.u32 @!p0 $0xF7A, s2;
	p2 =	seq.s32 @!p0 s5, $0x0  }
0x1f: {  	s9 =	smul.u32 $0xF7A, s1;
	s8 =	simm.s32 @!p0 $0x1BF5;
	p2 =	por !p2, p0  }
0x20: {  	[sflag:s8] =	ssyncset.s32 @!p0 $0xFFFFF086;
	s6 =	sadd.s32 @!p0 s3, s7;
	s7 =	simm.s32 @!p0 $0x108  }
0x21: {  	s3 =	sadd.s32 s3, s9;
	s6 =	sadd.s32 @!p0 $0x88, s6;
	s7 =	simm.s32 @p2 $0x1082  }
0x22: {  	[simem:s7], [sflag:s8] =	dma.local @!p0 [hbm:s6], $0xF7A  }
0x23: {  	s9 =	sor.u32 $0xD0000000, s2;
	s6 =	simm.s32 $0x108;
	_ =	swait.ge @!p0 [sflag:s8], $0x0  }
0x24: {  	s3 =	sadd.s32 $0x88, s3;
	s6 =	simm.s32 @!p1 $0x1082;
	[sflag:s4] =	ssyncset.s32 $0xFFFFF086  }
0x25: {  	[simem:s6], [sflag:s4] =	dma.local [hbm:s3], $0xF7A  }
0x26: {  	[smem:$0x3F92] =	sst s1;
	(tag) =	ssettag s2;
	_ =	strace s9  }
0x27: {  	s1 =	sld [smem:$0x3FA2]  }
0x28: {  	s2 =	sld [smem:$0x3FA3]  }
0x29: {  	s4 =	sld [smem:$0x3FA5]  }
0x2a: {  	p0 =	seq.s32 s5, $0x0;
	s5 =	sld [smem:$0x3FA6]  }
0x2b: {  	s6 =	sld [smem:$0x3FA7]  }
0x2c: {  	s7 =	sld [smem:$0x3FA8]  }
0x2d: {  	s3 =	simm.s32 $0x108;
	s8 =	sld [smem:$0x3FA9]  }
0x2e: {  	s3 =	simm.s32 @!p0 $0x1082;
	s9 =	sld [smem:$0x3FAA]  }
0x2f: {  	lr =	sadd.s32 s0, s3;
	s0 =	sld [smem:$0x3FA1]  }
0x30: {  	s3 =	sld [smem:$0x3FA4]  }
0x31: {  	[smem:$0x3FAD] =	sst s10  }
0x32: {  	s10 =	sld [smem:$0x3FAB];
	_ =	sdelay $0x3  }
0x33: {  	p0 =	seq.s32 s10, $0x1;
	s10 =	sld [smem:$0x3FAD];
	_ =	sdelay $0x3  }
0x34: {  	[smem:$0x3FAD] =	sst s10  }
0x35: {  	s10 =	sld [smem:$0x3FAC];
	_ =	sdelay $0x3  }
0x36: {  	p1 =	seq.s32 s10, $0x1;
	s10 =	sld [smem:$0x3FAD];
	_ =	sdelay $0x3  }
0x37: {  	[smem:$0x3FAD] =	sst s10  }
0x38: {  	s10 =	sld [smem:$0x3FAE]  }
0x39: {  	_ = 	snop;
	(pc) =	sbr.ind lr, $3  }
0x3a: {  	_ = 	snop  }
0x3b: {  	_ = 	snop  }
0x3c: {  	p2 =	seq.s32 s10, $0x1;
	s10 =	sld [smem:$0x3FAD]  }
0x3d: {  	_ =	shalt  }
0x3e: {  	_ =	shalt  }
0x3f: {  	_ =	shalt  }
0x40: {  	_ =	shalt  }
0x41: {  	_ =	shalt  }
0x42: {  	_ =	shalt  }
0x43: {  	_ =	shalt  }
0x44: {  	_ =	shalt  }
0x45: {  	_ =	shalt  }
0x46: {  	_ =	shalt  }
0x47: {  	_ =	shalt  }
0x48: {  	_ =	shalt  }
0x49: {  	_ =	shalt  }
0x4a: {  	_ =	shalt  }
0x4b: {  	_ =	shalt  }
0x4c: {  	_ =	shalt  }
0x4d: {  	_ =	shalt  }
0x4e: {  	_ =	shalt  }
0x4f: {  	_ =	shalt  }
0x50: {  	_ =	shalt  }
0x51: {  	_ =	shalt  }
0x52: {  	_ =	shalt  }
0x53: {  	_ =	shalt  }
0x54: {  	_ =	shalt  }
0x55: {  	_ =	shalt  }
0x56: {  	_ =	shalt  }
0x57: {  	_ =	shalt  }
0x58: {  	_ =	shalt  }
0x59: {  	_ =	shalt  }
0x5a: {  	_ =	shalt  }
0x5b: {  	_ =	shalt  }
0x5c: {  	_ =	shalt  }
0x5d: {  	_ =	shalt  }
0x5e: {  	_ =	shalt  }
0x5f: {  	_ =	shalt  }
0x60: {  	_ =	shalt  }
0x61: {  	_ =	shalt  }
0x62: {  	_ =	shalt  }
0x63: {  	_ =	shalt  }
0x64: {  	_ =	shalt  }
0x65: {  	_ =	shalt  }
0x66: {  	_ =	shalt  }
0x67: {  	_ =	shalt  }
0x68: {  	_ =	shalt  }
0x69: {  	_ =	shalt  }
0x6a: {  	_ =	shalt  }
0x6b: {  	_ =	shalt  }
0x6c: {  	_ =	shalt  }
0x6d: {  	_ =	shalt  }
0x6e: {  	_ =	shalt  }
0x6f: {  	_ =	shalt  }
0x70: {  	_ =	shalt  }
0x71: {  	_ =	shalt  }
0x72: {  	_ =	shalt  }
0x73: {  	_ =	shalt  }
0x74: {  	_ =	shalt  }
0x75: {  	_ =	shalt  }
0x76: {  	_ =	shalt  }
0x77: {  	_ =	shalt  }
0x78: {  	_ =	shalt  }
0x79: {  	_ =	shalt  }
0x7a: {  	_ =	shalt  }
0x7b: {  	_ =	shalt  }
0x7c: {  	_ =	shalt  }
0x7d: {  	_ =	shalt  }
0x7e: {  	_ =	shalt  }
0x7f: {  	_ =	shalt  }
0x80: {  	_ =	shalt  }
0x81: {  	_ =	shalt  }
0x82: {  	_ =	shalt  }
0x83: {  	_ =	shalt  }
0x84: {  	_ =	shalt  }
0x85: {  	_ =	shalt  }
0x86: {  	_ =	shalt  }
0x87: {  	_ =	shalt  }
.Lfunc_end0:
.L_simem_size_0:
called_computation.2_lowered:
.L_overlay_start_0:
0x88: {  	s2 =	sld [smem:$0x3FD9]  }
0x89: {  	s3 =	sld [smem:$0x3FFE];
	_ =	sdelay $0x1  }
0x8a: {  	s1 =	srdreg.scid  }
0x8b: {  	s0 =	sand.u32 $0x1, s1  }
0x8c: {  	s17 =	sshll.u32 s0, $0xA;
	s2 =	sadd.s32 s3, s2  }
0x8d: {  	s2 =	sadd.s32 s2, s17  }
0x8e: {  	[smem:$0x3FB9] =	sst s2  }
0x8f: {  	_ = 	snop  }
0x90: {  	s2 =	sld [smem:$0x3FD0];
	(tm) =	ssettm $0x1  }
0x91: {  	s18 =	sld [smem:$0x3FFB];
	_ =	sdelay $0x3  }
0x92: {  	_ =	strace s18  }
0x93: {  	s3 =	sld [smem:$0x3FFC];
	_ =	sdelay $0x3  }
0x94: {  	_ =	strace s3  }
0x95: {  	s3 =	sld [smem:$0x3FFD];
	_ =	sdelay $0x3  }
0x96: {  	_ =	strace s3  }
0x97: {  	_ =	strace $0x8FFFFFFF  }
0x98: {  	s19 =	sld [smem:$0x3FDB];
	_ =	sdelay $0x1  }
0x99: {  	s4 =	simm.s32 $_scs_section_size  }
0x9a: {  	s5 =	simm.s32 $_size__tile_overlayer_lowered;
	s6 =	simm.s32 $_tile_overlayer_lowered  }
0x9b: {  	s22 =	simm.s32 $0x1BFF;
	s21 =	sshll.u32 s6, $0x1;
	s3 =	sadd.s32 s4, s19  }
0x9c: {  	s7 =	simm.s32 $0x0;
	s20 =	sshll.u32 s5, $0x1;
	s5 =	sadd.s32 s21, s3  }
0x9d: {  	[timem:s7], [sflag:s22] =	dma.local [hbm:s5], s20  }
0x9e: {  	_ =	swait.ge [sflag:s22], s20  }
0x9f: {  	s4 =	ssub.s32 $0x0, s20;
	[sflag:s22] =	ssyncset.done $0x0  }
0xa0: {  	[sflag:s22] =	ssyncadd.s32 s4;
	_ =	sdelay $0x1  }
0xa1: {  	s23 =	simm.s32 $0x1B8B  }
0xa2: {  	_ =	swait.ge [sflag:s23], $0x1  }
0xa3: {  	[sflag:s23] =	ssyncset.done $0x0  }
0xa4: {  	s25 =	simm.s32 $0x1B8E;
	s24 =	sld [smem:$0x3FFE];
	[sflag:s23] =	ssyncadd.s32 $0xFFFFFFFF  }
0xa5: {  	s26 =	simm.s32 $execute0_lowered;
	[smem:$0x3FD2] =	sst s25  }
0xa6: {  	s5 =	sshll.u32 s26, $0x1;
	_ =	strace $0x8000004C;
	[dreg:$0x1] =	wrdreg $0xFFFFFFFF  }
0xa7: {  	s28 =	simm.s32 $_size_execute0_lowered;
	s3 =	sadd.s32 s3, s5;
	[dreg:$0x0] =	wrdreg $0x0  }
0xa8: {  	s5 =	sshll.u32 s28, $0x1;
	[dreg:$0x2] =	wrdreg s3  }
0xa9: {  	[dreg:$0x3] =	wrdreg s5  }
0xaa: {  	[dreg:$0x4] =	wrdreg $0xC0  }
0xab: {  	_ =	task [dreg:s7], $0x5FFFF  }
0xac: {  	[dreg:$0x1] =	wrdreg $0xFFFFFFFF  }
0xad: {  	[dreg:$0x0] =	wrdreg $0x60  }
0xae: {  	[dreg:$0x2] =	wrdreg s24  }
0xaf: {  	[dreg:$0x3] =	wrdreg s2  }
0xb0: {  	[dreg:$0x4] =	wrdreg $0x5F000  }
0xb1: {  	[dreg:$0x5] =	wrdreg $0x9  }
0xb2: {  	_ =	task.clear_ibuf [dreg:s7], $0x6FFFF;
	_ =	strace $0x9000004C  }
0xb3: {  	s29 =	simm.s32 $0x9;
	_ =	strace $0x8000004E  }
0xb4: {  	_ =	swait.ge [sflag:s29], $0x1  }
0xb5: {  	[sflag:s29] =	ssyncadd.s32 $0xFFFFFFFF  }
0xb6: {  	_ =	strace $0x9000004E  }
0xb7: {  	_ =	sfence  }
0xb8: {  	s30 =	sld [smem:$0x0];
	_ =	sdelay $0x2  }
0xb9: {  	s31 =	sshll.u32 s1, $0xD;
	s1 =	sshrl.u32 s1, $0x2  }
0xba: {  	s3 =	sand.u32 $0x4000, s31;
	s1 =	sadd.s32 s1, s30  }
0xbb: {  	s0 =	sor.u32 s3, s0;
	s1 =	sshll.u32 s1, $0x11  }
0xbc: {  	s0 =	sor.u32 s1, s0  }
0xbd: {  	s0 =	sadd.s32 $0x8F2B, s0  }
0xbe: {  	[sflag:s0] =	ssyncadd.remote.s32 $0x1  }
0xbf: {  	_ =	sfence.sel $0xFFFF  }
0xc0: {  	[dreg:$0x0] =	wrdreg $0xFFFFFFFF;
	(pc) =	sbr.abs _section_cstart, $3  }
0xc1: {  	[dreg:$0x1] =	wrdreg $0xFFFFFFFF  }
0xc2: {  	_ =	task.clear_ibuf [dreg:s7], $0x2FFFF;
	_ =	strace $0x9FFFFFFF  }
0xc3: {  	(tm) =	ssettm $0x7FFFFFFF  }
tec
execute0_lowered:
.L_overlay_start_1:
0x0: {  	(tag) =	ssettag $0x1  }
0x1: {  	s0 =	rddreg [dreg:$0x0]  }
0x2: {  	s1 =	rddreg [dreg:$0x1]  }
0x3: {  	s2 =	rddreg [dreg:$0x2]  }
0x4: {  	s4 =	simm.s32 $0x0;
	s13 =	stileid.u32;
	s3 =	srdreg.scid  }
0x5: {  	s31 =	simm.s32 $0x5300;
	[smem:$0x7FF] =	sst s4;
	s7 =	smul.u32 $0x27000, s13  }
0x6: {  	s5 =	sadd.s32 $0xD800, s0;
	s6 =	sadd.s32 $0x3A00, s0;
	s10 =	smul.u32 $0x4E20, s13  }
0x7: {  	s0 =	sadd.s32 $0x34A00, s0;
	s3 =	sand.u32 $0x1, s3;
	s22 =	smul.u32 $0x138, s13  }
0x8: {  	p0 =	sne.s32 s13, $0xF;
	s28 =	sadd.s32 $0x9C000, s2;
	s29 =	sadd.s32 $0x9CC00, s2  }
0x9: {  	s30 =	sadd.s32 $0x9D800, s2;
	s13 =	simm.s32 $0x6;
	s18 =	smul.u32 $0x1388, s3  }
0xa: {  	_ =	strace $0x8000004D;
	s8 =	ssub.s32 $0x2, s3;
	s3 =	smul.u32 $0x9C400, s3  }
0xb: {  	s7 =	sshrl.u32 s7, $0x2;
	s9 =	sshrl.u32 s8, $0x1;
	s17 =	sadd.s32 $0xA0, s10  }
0xc: {  	s19 =	sshrl.u32 s10, $0x3;
	s10 =	sadd.s32 $0xF0, s10;
	[dreg:$0x4] =	wrdreg s17  }
0xd: {  	s7 =	sadd.s32 s7, s2;
	s20 =	sadd.s32 s6, s19;
	[dreg:$0x5] =	wrdreg s10  }
0xe: {  	s8 =	ssub.s32 s8, s9;
	s21 =	sadd.s32 s1, s19;
	[dreg:$0x11] =	wrdreg s20  }
0xf: {  	s9 =	sadd.s32 s22, s18;
	s11 =	sadd.s32 $0xC00, s7;
	[dreg:$0x12] =	wrdreg s21  }
0x10: {  	s22 =	sadd.s32 $0xA, s19;
	s23 =	sadd.s32 $0x1800, s7;
	[dreg:$0x7] =	wrdreg s11  }
0x11: {  	s3 =	sshrl.u32 s3, $0x3;
	s24 =	sadd.s32 $0x2400, s7;
	[dreg:$0x8] =	wrdreg s23  }
0x12: {  	s10 =	simm.s32 $0x80;
	s25 =	sadd.s32 $0x3000, s7;
	[dreg:$0x9] =	wrdreg s24  }
0x13: {  	s17 =	simm.s32 $0x5;
	s26 =	sadd.s32 $0x3C00, s7;
	[dreg:$0xa] =	wrdreg s25  }
0x14: {  	v0 =	vmov s18;
	s18 =	simm.s32 $0x2;
	s12 =	sadd.s32 $0x4800, s7;
	[dreg:$0xb] =	wrdreg s26  }
0x15: {  	s19 =	simm.s32 $0x280;
	s14 =	sadd.s32 $0x5400, s7;
	[dreg:$0xc] =	wrdreg s12  }
0x16: {  	s15 =	sadd.s32 $0x6000, s7;
	s16 =	sadd.s32 $0x6C00, s7;
	[dreg:$0xd] =	wrdreg s14  }
0x17: {  	s9 =	sshll.u32 s9, $0x4;
	s20 =	simm.s32 $0x0;
	[dreg:$0xe] =	wrdreg s15  }
0x18: {  	[dreg:$0xf] =	wrdreg s16;
	s12 =	sadd.s32 $0x7800, s7;
	s9 =	sadd.s32 s0, s9  }
0x19: {  	s0 =	sadd.s32 s0, s3;
	s23 =	simm.s32 $0x200;
	[dreg:$0x10] =	wrdreg s12  }
0x1a: {  	s24 =	sadd.s32 s6, s22;
	s25 =	sadd.s32 s1, s22;
	[dreg:$0x13] =	wrdreg s9  }
0x1b: {  	s26 =	smax.u32 s8, $0x1;
	s3 =	simm.s32 $0x100;
	[dreg:$0x6] =	wrdreg s23  }
0x1c: {  	s8 =	simm.s32 $0x50;
	s11 =	simm.s32 $0x180;
	[dreg:$0x14] =	wrdreg s24  }
0x1d: {  	s14 =	simm.s32 $0x2B00;
	s15 =	simm.s32 $0x1;
	[dreg:$0x15] =	wrdreg s25  }
0x1e: {  	s16 =	simm.s32 $0x3;
	s0 =	sadd.s32 $0x13800, s0;
	[dreg:$0x17] =	wrdreg s26  }
0x1f: {  	s25 =	sadd.s32 $0x8400, s7;
	s26 =	sadd.s32 $0x9000, s7;
	s9 =	simm.s32 $0x300  }
0x20: {  	v1 =	vimm.f32 $0.0e+00;
	s12 =	simm.s32 $0x4;
	[dreg:$0x16] =	wrdreg s0;
	s0 =	simm.s32 $0x7  }
.LBB2_1:
0x21: {  	s21 =	sand.u32 $0x3E00, s4  }
0x22: {  	s22 =	sand.u32 $0x70, s4;
	s23 =	sshrl.u32 s21, $0x2  }
0x23: {  	s21 =	simm.s32 $0x40;
	s23 =	sor.u32 s22, s23;
	s22 =	simm.s32 $0x0  }
.LBB2_2:
0x24: {  	p1 =	sne.s32 s21, $0x2FC0  }
0x25: {  	[tilespmem:s23+$0x5300] =	vst v1;
	s22 =	sadd.s32 $0x10, s22;
	s23 =	smov.u32 s21;
	s21 =	sadd.s32 $0x40, s21  }
.Ltmp0:
0x26: {  	(pc) =	sbr.rel @p1 .LBB2_2-.Ltmp0, $4  }
0x27: {  	_ = 	snop  }
0x28: {  	s23 =	sand.u32 $0x3E00, s23  }
0x29: {  	s24 =	sand.u32 $0x70, s22;
	s23 =	sshrl.u32 s23, $0x2  }
0x2a: {  	s23 =	sor.u32 s24, s23  }
0x2b: {  	[tilespmem:s23+$0x5300] =	vst v1  }
0x2c: {  	[spmem:s7] =	stream.linear.scatter [tilespmem:s31], [sflag:$0x7], $0xC00, $0x38;
	[tilespmem:$0xFD40] =	vst v63  }
0x2d: {  	_ =	swait.ge [sflag:s0], $0xC00  }
0x2e: {  	[sflag:s0] =	ssyncset.done $0x0  }
0x2f: {  	s21 =	rddreg [dreg:$0x7];
	[sflag:s0] =	ssyncadd.s32 $0xFFFFF400  }
0x30: {  	[spmem:s21] =	stream.linear.scatter [tilespmem:s31], [sflag:$0x7], $0xC00, $0x38;
	[tilespmem:$0xFD40] =	vst v63  }
0x31: {  	_ =	swait.ge [sflag:s0], $0xC00  }
0x32: {  	[sflag:s0] =	ssyncset.done $0x0  }
0x33: {  	s23 =	rddreg [dreg:$0x8];
	[sflag:s0] =	ssyncadd.s32 $0xFFFFF400  }
0x34: {  	[spmem:s23] =	stream.linear.scatter [tilespmem:s31], [sflag:$0x7], $0xC00, $0x38;
	[tilespmem:$0xFD40] =	vst v63  }
0x35: {  	_ =	swait.ge [sflag:s0], $0xC00  }
0x36: {  	[sflag:s0] =	ssyncset.done $0x0  }
0x37: {  	s24 =	rddreg [dreg:$0x9];
	[sflag:s0] =	ssyncadd.s32 $0xFFFFF400  }
0x38: {  	[spmem:s24] =	stream.linear.scatter [tilespmem:s31], [sflag:$0x7], $0xC00, $0x38;
	[tilespmem:$0xFD40] =	vst v63  }
0x39: {  	_ =	swait.ge [sflag:s0], $0xC00  }
0x3a: {  	[sflag:s0] =	ssyncset.done $0x0  }
0x3b: {  	s22 =	rddreg [dreg:$0xa];
	[sflag:s0] =	ssyncadd.s32 $0xFFFFF400  }
0x3c: {  	[spmem:s22] =	stream.linear.scatter [tilespmem:s31], [sflag:$0x7], $0xC00, $0x38;
	[tilespmem:$0xFD40] =	vst v63  }
0x3d: {  	_ =	swait.ge [sflag:s0], $0xC00  }
0x3e: {  	[sflag:s0] =	ssyncset.done $0x0  }
0x3f: {  	s23 =	rddreg [dreg:$0xb];
	[sflag:s0] =	ssyncadd.s32 $0xFFFFF400  }
0x40: {  	[spmem:s23] =	stream.linear.scatter [tilespmem:s31], [sflag:$0x7], $0xC00, $0x38;
	[tilespmem:$0xFD40] =	vst v63  }
0x41: {  	_ =	swait.ge [sflag:s0], $0xC00  }
0x42: {  	[sflag:s0] =	ssyncset.done $0x0  }
0x43: {  	s24 =	rddreg [dreg:$0xc];
	[sflag:s0] =	ssyncadd.s32 $0xFFFFF400  }
0x44: {  	[spmem:s24] =	stream.linear.scatter [tilespmem:s31], [sflag:$0x7], $0xC00, $0x38;
	[tilespmem:$0xFD40] =	vst v63  }
0x45: {  	_ =	swait.ge [sflag:s0], $0xC00  }
0x46: {  	[sflag:s0] =	ssyncset.done $0x0  }
0x47: {  	s22 =	rddreg [dreg:$0xd];
	[sflag:s0] =	ssyncadd.s32 $0xFFFFF400  }
0x48: {  	[spmem:s22] =	stream.linear.scatter [tilespmem:s31], [sflag:$0x7], $0xC00, $0x38;
	[tilespmem:$0xFD40] =	vst v63  }
0x49: {  	_ =	swait.ge [sflag:s0], $0xC00  }
0x4a: {  	[sflag:s0] =	ssyncset.done $0x0  }
0x4b: {  	s23 =	rddreg [dreg:$0xe];
	[sflag:s0] =	ssyncadd.s32 $0xFFFFF400  }
0x4c: {  	[spmem:s23] =	stream.linear.scatter [tilespmem:s31], [sflag:$0x7], $0xC00, $0x38;
	[tilespmem:$0xFD40] =	vst v63  }
0x4d: {  	_ =	swait.ge [sflag:s0], $0xC00  }
0x4e: {  	[sflag:s0] =	ssyncset.done $0x0  }
0x4f: {  	s24 =	rddreg [dreg:$0xf];
	[sflag:s0] =	ssyncadd.s32 $0xFFFFF400  }
0x50: {  	[spmem:s24] =	stream.linear.scatter [tilespmem:s31], [sflag:$0x7], $0xC00, $0x38;
	[tilespmem:$0xFD40] =	vst v63  }
0x51: {  	_ =	swait.ge [sflag:s0], $0xC00  }
0x52: {  	[sflag:s0] =	ssyncset.done $0x0  }
0x53: {  	s22 =	rddreg [dreg:$0x10];
	[sflag:s0] =	ssyncadd.s32 $0xFFFFF400  }
0x54: {  	[spmem:s22] =	stream.linear.scatter [tilespmem:s31], [sflag:$0x7], $0xC00, $0x38;
	[tilespmem:$0xFD40] =	vst v63  }
0x55: {  	_ =	swait.ge [sflag:s0], $0xC00  }
0x56: {  	[sflag:s0] =	ssyncset.done $0x0  }
0x57: {  	[sflag:s0] =	ssyncadd.s32 $0xFFFFF400  }
0x58: {  	[spmem:s25] =	stream.linear.scatter [tilespmem:s31], [sflag:$0x7], $0xC00, $0x38;
	[tilespmem:$0xFD40] =	vst v63  }
0x59: {  	_ =	swait.ge [sflag:s0], $0xC00  }
0x5a: {  	[sflag:s0] =	ssyncset.done $0x0  }
0x5b: {  	[sflag:s0] =	ssyncadd.s32 $0xFFFFF400  }
0x5c: {  	[spmem:s26] =	stream.linear.scatter [tilespmem:s31], [sflag:$0x7], $0xC00, $0x38;
	[tilespmem:$0xFD40] =	vst v63  }
0x5d: {  	_ =	swait.ge [sflag:s0], $0xC00  }
0x5e: {  	[sflag:s0] =	ssyncset.done $0x0  }
0x5f: {  	s21 =	simm.s32 @!p0 $0x5300;
	s22 =	simm.s32 @!p0 $0x7;
	[sflag:s0] =	ssyncadd.s32 $0xFFFFF400  }
0x60: {  	[spmem:s28] =	stream.linear.scatter @!p0 [tilespmem:s21], [sflag:$0x7], $0xC00, $0x38;
	[tilespmem:$0xFD40] =	vst v63  }
0x61: {  	_ =	swait.ge @!p0 [sflag:s22], $0xC00  }
0x62: {  	[sflag:s22] =	ssyncset.done @!p0 $0x0  }
0x63: {  	[sflag:s22] =	ssyncadd.s32 @!p0 $0xFFFFF400  }
0x64: {  	[spmem:s29] =	stream.linear.scatter @!p0 [tilespmem:s21], [sflag:$0x7], $0xC00, $0x38;
	[tilespmem:$0xFD40] =	vst v63  }
0x65: {  	_ =	swait.ge @!p0 [sflag:s22], $0xC00  }
0x66: {  	[sflag:s22] =	ssyncset.done @!p0 $0x0  }
0x67: {  	[sflag:s22] =	ssyncadd.s32 @!p0 $0xFFFFF400  }
0x68: {  	[spmem:s30] =	stream.linear.scatter @!p0 [tilespmem:s21], [sflag:$0x7], $0xC00, $0x38;
	[tilespmem:$0xFD40] =	vst v63  }
0x69: {  	_ =	swait.ge @!p0 [sflag:s22], $0xC00  }
0x6a: {  	[sflag:s22] =	ssyncset.done @!p0 $0x0  }
0x6b: {  	[sflag:s22] =	ssyncadd.s32 @!p0 $0xFFFFF400  }
0x6c: {  	[bflag:$0x0] =	sbarrier.arrive $0xFFFF  }
0x6d: {  	s22 =	simm.s32 $0x0;
	s23 =	rddreg [dreg:$0x11]  }
0x6e: {  	[tilespmem:s22], [sflag:$0x7] =	stream.linear.gather [hbm4b:s23+s22], $0x50, $0x38;
	[tilespmem:$0xFD40] =	vst v63  }
0x6f: {  	_ =	swait.ge [sflag:s0], $0x50  }
0x70: {  	[sflag:s0] =	ssyncset.done $0x0  }
0x71: {  	s24 =	rddreg [dreg:$0x12];
	[sflag:s0] =	ssyncadd.s32 $0xFFFFFFB0  }
0x72: {  	[tilespmem:s3], [sflag:$0x7] =	stream.linear.gather [hbm4b:s24+s22], $0x50, $0x38;
	[tilespmem:$0xFD40] =	vst v63  }
0x73: {  	_ =	swait.ge [sflag:s0], $0x50  }
0x74: {  	[sflag:s0] =	ssyncset.done $0x0  }
0x75: {  	[sflag:s0] =	ssyncadd.s32 $0xFFFFFFB0  }
0x76: {  	[tilespmem:s9], [sflag:$0x1] =	stream.indirect.gather [hbm4b:s5+s8], $0x80, s22, s8, $0xb8;
	[tilespmem:$0xFD40] =	vst v63  }
0x77: {  	s23 =	rddreg [dreg:$0x14]  }
0x78: {  	[tilespmem:s10], [sflag:$0x4] =	stream.linear.gather [hbm4b:s23+s22], $0x50, $0x38;
	[tilespmem:$0xFD40] =	vst v63  }
0x79: {  	s24 =	rddreg [dreg:$0x15]  }
0x7a: {  	[tilespmem:s11], [sflag:$0x6] =	stream.linear.gather [hbm4b:s24+s22], $0x50, $0x38;
	[tilespmem:$0xFD40] =	vst v63  }
0x7b: {  	_ =	swait.ge [sflag:s12], $0x50  }
0x7c: {  	[sflag:s12] =	ssyncset.done $0x0  }
0x7d: {  	[sflag:s12] =	ssyncadd.s32 $0xFFFFFFB0  }
0x7e: {  	_ =	swait.ge [sflag:s13], $0x50  }
0x7f: {  	[sflag:s13] =	ssyncset.done $0x0  }
0x80: {  	[sflag:s13] =	ssyncadd.s32 $0xFFFFFFB0  }
0x81: {  	[tilespmem:s14], [sflag:$0x2] =	stream.indirect.gather [hbm4b:s5+s8], $0x80, s10, s8, $0xb8;
	[tilespmem:$0xFD40] =	vst v63  }
0x82: {  	_ =	swait.ge [sflag:s15], $0x2800  }
0x83: {  	[sflag:s15] =	ssyncset.done $0x0  }
0x84: {  	[sflag:s15] =	ssyncadd.s32 $0xFFFFD800  }
0x85: {  	v2 =	vld [tilespmem:$0x140]  }
0x86: {  	v3 =	vld [tilespmem:$0x130]  }
0x87: {  	v4 =	vld [tilespmem:$0x110]  }
0x88: {  	v5 =	vld [tilespmem:$0x120];
	_ =	sdelay $0x3  }
0x89: {  	v6 =	vld [tilespmem:$0x100];
	v2 =	vsub.s32 v2, v0;
	v3 =	vsub.s32 v3, v0;
	v4 =	vsub.s32 v4, v0  }
0x8a: {  	v5 =	vsub.s32 v5, v0;
	v7 =	vand.u32 $0x3F, v2;
	v8 =	vand.u32 $0x3F, v3  }
0x8b: {  	vm0 =	vlt.u32 v2, $0x1388;
	vm1 =	vlt.u32 v5, $0x1388;
	v7 =	vadd.s32 $0x1388, v7  }
0x8c: {  	vm2 =	vlt.u32 v3, $0x1388;
	v8 =	vadd.s32 $0x1388, v8;
	v2 =	vsel vm0, v2, v7  }
0x8d: {  	s23 =	smin.u32 s22, $0xF7;
	vm0 =	vlt.u32 v4, $0x1388;
	v7 =	vand.u32 $0x3F, v5;
	v3 =	vsel vm2, v3, v8  }
0x8e: {  	s21 =	smul.u32 $0x50, s23;
	[tilespmem:$0x240] =	vst v2;
	v2 =	vsub.s32 v6, v0;
	v6 =	vand.u32 $0x3F, v4;
	v7 =	vadd.s32 $0x1388, v7  }
0x8f: {  	s24 =	rddreg [dreg:$0x4];
	[tilespmem:$0x230] =	vst v3;
	v3 =	vand.u32 $0x3F, v2;
	v6 =	vadd.s32 $0x1388, v6;
	v5 =	vsel vm1, v5, v7  }
0x90: {  	s21 =	sadd.s32 s21, s24;
	vm1 =	vlt.u32 v2, $0x1388;
	v3 =	vadd.s32 $0x1388, v3;
	v4 =	vsel vm0, v4, v6;
	[tilespmem:$0x220] =	vst v5  }
0x91: {  	s21 =	sshrl.u32 s21, $0x3;
	v2 =	vsel vm1, v2, v3;
	[tilespmem:$0x210] =	vst v4  }
0x92: {  	s24 =	sadd.s32 s6, s21;
	[tilespmem:$0x200] =	vst v2  }
0x93: {  	[tilespmem:s4], [sflag:$0x3] =	stream.linear.gather [hbm4b:s24+s4], $0x50, $0x38;
	[tilespmem:$0xFD40] =	vst v63  }
0x94: {  	s21 =	sadd.s32 s1, s21  }
0x95: {  	[tilespmem:s3], [sflag:$0x5] =	stream.linear.gather [hbm4b:s21+s4], $0x50, $0x38;
	[tilespmem:$0xFD40] =	vst v63  }
0x96: {  	s24 =	rddreg [dreg:$0x6]  }
0x97: {  	[spmem:s2] =	stream.indirect.scatter.add.f32 [tilespmem:s9], [sflag:$0x7], $0x80, s24, s8, $0xb8;
	[tilespmem:$0xFD40] =	vst v63  }
0x98: {  	_ =	swait.ge [sflag:s0], $0x2800  }
0x99: {  	[sflag:s0] =	ssyncset.done $0x0  }
0x9a: {  	[sflag:s0] =	ssyncadd.s32 $0xFFFFD800  }
0x9b: {  	_ =	swait.ge [sflag:s16], $0x50  }
0x9c: {  	[sflag:s16] =	ssyncset.done $0x0  }
0x9d: {  	[sflag:s16] =	ssyncadd.s32 $0xFFFFFFB0  }
0x9e: {  	_ =	swait.ge [sflag:s17], $0x50  }
0x9f: {  	[sflag:s17] =	ssyncset.done $0x0  }
0xa0: {  	[sflag:s17] =	ssyncadd.s32 $0xFFFFFFB0  }
0xa1: {  	[tilespmem:s9], [sflag:$0x1] =	stream.indirect.gather [hbm4b:s5+s8], $0x80, s4, s8, $0xb8;
	[tilespmem:$0xFD40] =	vst v63  }
0xa2: {  	_ =	swait.ge [sflag:s18], $0x2800  }
0xa3: {  	[sflag:s18] =	ssyncset.done $0x0  }
0xa4: {  	[sflag:s18] =	ssyncadd.s32 $0xFFFFD800  }
0xa5: {  	v2 =	vld [tilespmem:$0x1B0]  }
0xa6: {  	v3 =	vld [tilespmem:$0x180]  }
0xa7: {  	v4 =	vld [tilespmem:$0x190]  }
0xa8: {  	v5 =	vld [tilespmem:$0x1A0]  }
0xa9: {  	v10 =	vld [tilespmem:$0x1C0];
	_ =	sdelay $0x2  }
0xaa: {  	v2 =	vsub.s32 v2, v0  }
0xab: {  	v9 =	vsub.s32 v3, v0;
	v6 =	vsub.s32 v4, v0;
	v4 =	vsub.s32 v5, v0  }
0xac: {  	v5 =	vsub.s32 v10, v0;
	vm0 =	vlt.u32 v2, $0x1388;
	v7 =	vand.u32 $0x3F, v9  }
0xad: {  	p1 =	por $0x1, $0x1;
	v3 =	vand.u32 $0x3F, v2;
	v11 =	vadd.s32 $0x1388, v7;
	v7 =	vand.u32 $0x3F, v6  }
0xae: {  	s22 =	simm.s32 @!p1 $0xF6;
	vm1 =	vlt.u32 v9, $0x1388;
	v3 =	vadd.s32 $0x1388, v3;
	v8 =	vadd.s32 $0x1388, v7  }
0xaf: {  	s21 =	simm.s32 $0x2;
	s24 =	smul.u32 $0x50, s22;
	s23 =	rddreg [dreg:$0x5];
	v7 =	vand.u32 $0x3F, v4;
	v9 =	vsel vm1, v9, v11;
	vm1 =	vlt.u32 v6, $0x1388  }
.LBB2_4:
0xb0: {  	[tilespmem:$0x280] =	vst v9;
	v6 =	vsel vm1, v6, v8;
	vm1 =	vlt.u32 v4, $0x1388  }
0xb1: {  	v7 =	vadd.s32 $0x1388, v7;
	v2 =	vsel vm0, v2, v3;
	[tilespmem:$0x290] =	vst v6;
	v6 =	vand.u32 $0x3F, v5  }
0xb2: {  	v4 =	vsel vm1, v4, v7;
	vm1 =	vlt.u32 v5, $0x1388;
	s23 =	sadd.s32 s24, s23;
	[tilespmem:$0x2B0] =	vst v2;
	v3 =	vadd.s32 $0x1388, v6  }
0xb3: {  	[tilespmem:$0x2A0] =	vst v4;
	s23 =	sshrl.u32 s23, $0x3;
	v2 =	vsel vm1, v5, v3  }
0xb4: {  	s24 =	sadd.s32 s6, s23;
	[tilespmem:$0x2C0] =	vst v2  }
0xb5: {  	[tilespmem:s10], [sflag:$0x4] =	stream.linear.gather [hbm4b:s24+s4], $0x50, $0x38;
	[tilespmem:$0xFD40] =	vst v63  }
0xb6: {  	s23 =	sadd.s32 s1, s23  }
0xb7: {  	[tilespmem:s11], [sflag:$0x6] =	stream.linear.gather [hbm4b:s23+s4], $0x50, $0x38;
	[tilespmem:$0xFD40] =	vst v63  }
0xb8: {  	_ = 	snop  }
0xb9: {  	[spmem:s2] =	stream.indirect.scatter.add.f32 [tilespmem:s14], [sflag:$0x7], $0x80, s19, s8, $0xb8;
	[tilespmem:$0xFD40] =	vst v63  }
0xba: {  	_ =	swait.ge [sflag:s0], $0x2800  }
0xbb: {  	[sflag:s0] =	ssyncset.done $0x0  }
0xbc: {  	[sflag:s0] =	ssyncadd.s32 $0xFFFFD800  }
0xbd: {  	_ =	swait.ge [sflag:s12], $0x50  }
0xbe: {  	[sflag:s12] =	ssyncset.done $0x0  }
0xbf: {  	[sflag:s12] =	ssyncadd.s32 $0xFFFFFFB0  }
0xc0: {  	_ =	swait.ge [sflag:s13], $0x50  }
0xc1: {  	[sflag:s13] =	ssyncset.done $0x0  }
0xc2: {  	[sflag:s13] =	ssyncadd.s32 $0xFFFFFFB0  }
0xc3: {  	[tilespmem:s14], [sflag:$0x2] =	stream.indirect.gather [hbm4b:s5+s8], $0x80, s10, s8, $0xb8;
	[tilespmem:$0xFD40] =	vst v63  }
0xc4: {  	_ =	swait.ge [sflag:s15], $0x2800  }
0xc5: {  	[sflag:s15] =	ssyncset.done $0x0  }
0xc6: {  	[sflag:s15] =	ssyncadd.s32 $0xFFFFD800  }
0xc7: {  	v2 =	vld [tilespmem:$0x140]  }
0xc8: {  	v3 =	vld [tilespmem:$0x130]  }
0xc9: {  	v4 =	vld [tilespmem:$0x110]  }
0xca: {  	v5 =	vld [tilespmem:$0x120];
	_ =	sdelay $0x3  }
0xcb: {  	v6 =	vld [tilespmem:$0x100];
	v2 =	vsub.s32 v2, v0;
	v3 =	vsub.s32 v3, v0;
	v4 =	vsub.s32 v4, v0  }
0xcc: {  	v5 =	vsub.s32 v5, v0;
	v7 =	vand.u32 $0x3F, v2;
	v8 =	vand.u32 $0x3F, v3  }
0xcd: {  	vm0 =	vlt.u32 v2, $0x1388;
	vm1 =	vlt.u32 v5, $0x1388;
	v7 =	vadd.s32 $0x1388, v7  }
0xce: {  	s22 =	smov.u32 s21;
	vm2 =	vlt.u32 v3, $0x1388;
	v8 =	vadd.s32 $0x1388, v8;
	v2 =	vsel vm0, v2, v7  }
0xcf: {  	s23 =	smin.u32 s22, $0xF7;
	vm0 =	vlt.u32 v4, $0x1388;
	v7 =	vand.u32 $0x3F, v5;
	v3 =	vsel vm2, v3, v8  }
0xd0: {  	s23 =	smul.u32 $0x50, s23;
	[tilespmem:$0x240] =	vst v2;
	v2 =	vsub.s32 v6, v0;
	v6 =	vand.u32 $0x3F, v4;
	v7 =	vadd.s32 $0x1388, v7  }
0xd1: {  	s24 =	rddreg [dreg:$0x4];
	[tilespmem:$0x230] =	vst v3;
	v3 =	vand.u32 $0x3F, v2;
	v6 =	vadd.s32 $0x1388, v6;
	v5 =	vsel vm1, v5, v7  }
0xd2: {  	s23 =	sadd.s32 s23, s24;
	vm1 =	vlt.u32 v2, $0x1388;
	v3 =	vadd.s32 $0x1388, v3;
	v4 =	vsel vm0, v4, v6;
	[tilespmem:$0x220] =	vst v5  }
0xd3: {  	s23 =	sshrl.u32 s23, $0x3;
	v2 =	vsel vm1, v2, v3;
	[tilespmem:$0x210] =	vst v4  }
0xd4: {  	s24 =	sadd.s32 s6, s23;
	[tilespmem:$0x200] =	vst v2  }
0xd5: {  	[tilespmem:s4], [sflag:$0x3] =	stream.linear.gather [hbm4b:s24+s4], $0x50, $0x38;
	[tilespmem:$0xFD40] =	vst v63  }
0xd6: {  	s23 =	sadd.s32 s1, s23  }
0xd7: {  	[tilespmem:s3], [sflag:$0x5] =	stream.linear.gather [hbm4b:s23+s4], $0x50, $0x38;
	[tilespmem:$0xFD40] =	vst v63  }
0xd8: {  	s24 =	rddreg [dreg:$0x6]  }
0xd9: {  	[spmem:s2] =	stream.indirect.scatter.add.f32 [tilespmem:s9], [sflag:$0x7], $0x80, s24, s8, $0xb8;
	[tilespmem:$0xFD40] =	vst v63  }
0xda: {  	_ =	swait.ge [sflag:s0], $0x2800  }
0xdb: {  	[sflag:s0] =	ssyncset.done $0x0  }
0xdc: {  	[sflag:s0] =	ssyncadd.s32 $0xFFFFD800  }
0xdd: {  	_ =	swait.ge [sflag:s16], $0x50  }
0xde: {  	[sflag:s16] =	ssyncset.done $0x0  }
0xdf: {  	[sflag:s16] =	ssyncadd.s32 $0xFFFFFFB0  }
0xe0: {  	_ =	swait.ge [sflag:s17], $0x50  }
0xe1: {  	[sflag:s17] =	ssyncset.done $0x0  }
0xe2: {  	[sflag:s17] =	ssyncadd.s32 $0xFFFFFFB0  }
0xe3: {  	[tilespmem:s9], [sflag:$0x1] =	stream.indirect.gather [hbm4b:s5+s8], $0x80, s4, s8, $0xb8;
	[tilespmem:$0xFD40] =	vst v63  }
0xe4: {  	_ =	swait.ge [sflag:s18], $0x2800  }
0xe5: {  	[sflag:s18] =	ssyncset.done $0x0  }
0xe6: {  	[sflag:s18] =	ssyncadd.s32 $0xFFFFD800  }
0xe7: {  	v2 =	vld [tilespmem:$0x1B0]  }
0xe8: {  	v3 =	vld [tilespmem:$0x180]  }
0xe9: {  	v4 =	vld [tilespmem:$0x190]  }
0xea: {  	v5 =	vld [tilespmem:$0x1A0]  }
0xeb: {  	v10 =	vld [tilespmem:$0x1C0];
	_ =	sdelay $0x2  }
0xec: {  	p1 =	sne.s32 s21, $0xF8;
	v2 =	vsub.s32 v2, v0  }
.Ltmp1:
0xed: {  	v9 =	vsub.s32 v3, v0;
	v6 =	vsub.s32 v4, v0;
	v4 =	vsub.s32 v5, v0;
	(pc) =	sbr.rel @p1 .LBB2_4-.Ltmp1, $4  }
0xee: {  	v5 =	vsub.s32 v10, v0;
	vm0 =	vlt.u32 v2, $0x1388;
	v7 =	vand.u32 $0x3F, v9  }
0xef: {  	p2 =	slt.s32 s22, $0xF6;
	v3 =	vand.u32 $0x3F, v2;
	v11 =	vadd.s32 $0x1388, v7;
	v7 =	vand.u32 $0x3F, v6  }
0xf0: {  	s22 =	simm.s32 @!p2 $0xF6;
	vm1 =	vlt.u32 v9, $0x1388;
	v3 =	vadd.s32 $0x1388, v3;
	v8 =	vadd.s32 $0x1388, v7  }
0xf1: {  	s21 =	sadd.s32 $0x2, s21;
	s24 =	smul.u32 $0x50, s22;
	s23 =	rddreg [dreg:$0x5];
	v7 =	vand.u32 $0x3F, v4;
	v9 =	vsel vm1, v9, v11;
	vm1 =	vlt.u32 v6, $0x1388  }
0xf2: {  	[tilespmem:$0x280] =	vst v9;
	v6 =	vsel vm1, v6, v8;
	vm14 =	vlt.u32 v4, $0x1388  }
0xf3: {  	v7 =	vadd.s32 $0x1388, v7;
	v63 =	vand.u32 $0x3F, v5;
	v2 =	vsel vm0, v2, v3;
	[tilespmem:$0x290] =	vst v6  }
0xf4: {  	vm15 =	vlt.u32 v5, $0x1388;
	v4 =	vsel vm14, v4, v7;
	s21 =	sadd.s32 s24, s23;
	v3 =	vadd.s32 $0x1388, v63;
	[tilespmem:$0x2B0] =	vst v2  }
0xf5: {  	[tilespmem:$0x2A0] =	vst v4;
	s21 =	sshrl.u32 s21, $0x3;
	v2 =	vsel vm15, v5, v3  }
0xf6: {  	s22 =	sadd.s32 s6, s21;
	[tilespmem:$0x2C0] =	vst v2  }
0xf7: {  	[tilespmem:s10], [sflag:$0x4] =	stream.linear.gather [hbm4b:s22+s4], $0x50, $0x38;
	[tilespmem:$0xFD40] =	vst v63  }
0xf8: {  	s21 =	sadd.s32 s1, s21  }
0xf9: {  	[tilespmem:s11], [sflag:$0x6] =	stream.linear.gather [hbm4b:s21+s4], $0x50, $0x38;
	[tilespmem:$0xFD40] =	vst v63  }
0xfa: {  	_ = 	snop  }
0xfb: {  	[spmem:s2] =	stream.indirect.scatter.add.f32 [tilespmem:s14], [sflag:$0x7], $0x80, s19, s8, $0xb8;
	[tilespmem:$0xFD40] =	vst v63  }
0xfc: {  	_ =	swait.ge [sflag:s0], $0x2800  }
0xfd: {  	[sflag:s0] =	ssyncset.done $0x0  }
0xfe: {  	[sflag:s0] =	ssyncadd.s32 $0xFFFFD800  }
0xff: {  	_ =	swait.ge [sflag:s12], $0x50  }
0x100: {  	[sflag:s12] =	ssyncset.done $0x0  }
0x101: {  	[sflag:s12] =	ssyncadd.s32 $0xFFFFFFB0  }
0x102: {  	_ =	swait.ge [sflag:s13], $0x50  }
0x103: {  	[sflag:s13] =	ssyncset.done $0x0  }
0x104: {  	[sflag:s13] =	ssyncadd.s32 $0xFFFFFFB0  }
0x105: {  	_ =	swait.ge [sflag:s15], $0x2800  }
0x106: {  	[sflag:s15] =	ssyncset.done $0x0  }
0x107: {  	s22 =	stileid.u32;
	[sflag:s15] =	ssyncadd.s32 $0xFFFFD800  }
0x108: {  	s21 =	sshll.u32 s22, $0x6;
	[bflag:$0x0] =	sbarrier.arrive $0xFFFF  }
0x109: {  	s23 =	sshrl.u32 s7, $0x3;
	s21 =	sor.u32 $0x1C07, s21;
	s24 =	rddreg [dreg:$0x13]  }
0x10a: {  	[hbm:s24], [sflag:s21] =	dma.local [spmem:s23], $0x1380  }
0x10b: {  	_ =	swait.ge [sflag:s0], $0x1380  }
0x10c: {  	[sflag:s0] =	ssyncset.done $0x0  }
0x10d: {  	s22 =	sshrl.u32 @!p0 s28, $0x3;
	s23 =	rddreg [dreg:$0x16];
	[sflag:s0] =	ssyncadd.s32 $0xFFFFEC80  }
0x10e: {  	[hbm:s23], [sflag:s21] =	dma.local @!p0 [spmem:s22], $0x80  }
0x10f: {  	s21 =	simm.s32 @!p0 $0x7  }
0x110: {  	_ =	swait.ge @!p0 [sflag:s21], $0x80  }
0x111: {  	s20 =	sadd.s32 $0x1, s20;
	s24 =	rddreg [dreg:$0x17]  }
0x112: {  	p1 =	sne.s32 s20, s24  }
.Ltmp2:
0x113: {  	_ = 	snop;
	(pc) =	sbr.rel @p1 .LBB2_1-.Ltmp2, $3  }
0x114: {  	_ =	sdelay $0x1  }
0x115: {  	[sflag:s21] =	ssyncset.done @!p0 $0x0  }
0x116: {  	[sflag:s21] =	ssyncadd.s32 @!p0 $0xFFFFFF80  }
0x117: {  	_ =	sfence.sel $0x180000  }
0x118: {  	[bflag:$0x0] =	sbarrier.arrive $0xFFFF  }
0x119: {  	_ =	strace $0x9000004D  }
0x11a: {  	s0 =	stileid.u32;
	[bflag:$0x2] =	sbarrier.arrive $0xFFFF  }
0x11b: {  	p0 =	sne.s32 s0, $0x0;
	s0 =	rddreg [dreg:$0x3]  }
0x11c: {  	s0 =	sadd.s32 @!p0 $0x100000, s0  }
0x11d: {  	[sflag:s0] =	ssyncadd.tile.s32 @!p0 $0x1;
	_ =	shalt  }
.Lfunc_end2:
_tile_overlayer_lowered:
.L_overlay_start_2:
0x11e: {  	(tag) =	ssettag $0x2  }
0x11f: {  	s0 =	rddreg [dreg:$0x0];
	s2 =	stileid.u32  }
0x120: {  	s1 =	rddreg [dreg:$0x1];
	p0 =	sne.s32 s2, $0x0  }
0x121: {  	s3 =	rddreg [dreg:$0x2];
	[bflag:$0x3] =	sbarrier.arrive $0xFFFF;
	s2 =	simm.s32 @!p0 $0x1C07  }
0x122: {  	[timem:s3], [sflag:s2] =	dma.local @!p0 [hbm:s0], s1  }
0x123: {  	s0 =	simm.s32 @!p0 $0x7  }
0x124: {  	_ =	swait.ge @!p0 [sflag:s0], s1  }
0x125: {  	s1 =	ssub.s32 @!p0 $0x0, s1;
	[sflag:s0] =	ssyncset.done @!p0 $0x0  }
0x126: {  	[sflag:s0] =	ssyncadd.s32 @!p0 s1  }
0x127: {  	[bflag:$0x3] =	sbarrier.arrive $0xFFFF  }
0x128: {  	_ =	shalt  }

// kernel: kernel.18.cloned.1.call-start
scs
__scs_entry_jumppad:
0x0: {  	(pc) =	sbr.rel $0x88, $3  }
0x1: {  	(tag) =	ssettag $0x0;
	lr =	simm.s32 $0x1  }
0x2: {  	[smem:$0x3F92] =	sst lr;
	_ =	strace $0xD0000000  }
0x3: {  	_ = 	snop  }
0x4: {  	_ = 	snop  }
0x5: {  	_ = 	snop  }
0x6: {  	_ = 	snop  }
0x7: {  	_ = 	snop  }
__scs_overlays_trampoline_lowered:
0x8: {  	[smem:$0x3FA1] =	sst s0  }
0x9: {  	[smem:$0x3FA2] =	sst s1  }
0xa: {  	[smem:$0x3FA3] =	sst s2  }
0xb: {  	[smem:$0x3FA4] =	sst s3  }
0xc: {  	[smem:$0x3FA5] =	sst s4  }
0xd: {  	[smem:$0x3FA6] =	sst s5  }
0xe: {  	[smem:$0x3FA7] =	sst s6  }
0xf: {  	[smem:$0x3FA8] =	sst s7  }
0x10: {  	[smem:$0x3FA9] =	sst s8  }
0x11: {  	[smem:$0x3FAA] =	sst s9;
	s0 =	simm.s32 @!p0 $0x0  }
0x12: {  	s1 =	sld [smem:$0x3F90];
	s0 =	simm.s32 @p0 $0x1  }
0x13: {  	[smem:$0x3FAB] =	sst s0;
	s0 =	simm.s32 @!p1 $0x0  }
0x14: {  	s2 =	sld [smem:$0x3F8F];
	s0 =	simm.s32 @p1 $0x1  }
0x15: {  	[smem:$0x3FAC] =	sst s0;
	s0 =	simm.s32 @!p2 $0x0  }
0x16: {  	s3 =	sld [smem:$0x3FDB];
	s0 =	simm.s32 @p2 $0x1  }
0x17: {  	s4 =	simm.s32 $0x1BF5;
	[smem:$0x3FAE] =	sst s0  }
0x18: {  	s0 =	sld [smem:$0x3F91];
	_ =	swait.ge [sflag:s4], $0x0  }
0x19: {  	s7 =	sld [smem:$0x3F92]  }
0x1a: {  	s8 =	sadd.s32 $0xFFFFE003, lr  }
0x1b: {  	s9 =	sadd.s32 $0xFFFFFEF7, lr;
	s5 =	simm.s32 $0xFFFFFFFF;
	p2 =	slt.u32 s8, $0xFFFFF086  }
0x1c: {  	p1 =	slt.u32 s9, $0xF7A;
	s5 =	simm.s32 @!p2 $0x0  }
0x1d: {  	s5 =	simm.s32 @p1 $0x1;
	p0 =	seq.s32 s7, s2  }
0x1e: {  	s7 =	smul.u32 @!p0 $0xF7A, s2;
	p2 =	seq.s32 @!p0 s5, $0x0  }
0x1f: {  	s9 =	smul.u32 $0xF7A, s1;
	s8 =	simm.s32 @!p0 $0x1BF5;
	p2 =	por !p2, p0  }
0x20: {  	[sflag:s8] =	ssyncset.s32 @!p0 $0xFFFFF086;
	s6 =	sadd.s32 @!p0 s3, s7;
	s7 =	simm.s32 @!p0 $0x108  }
0x21: {  	s3 =	sadd.s32 s3, s9;
	s6 =	sadd.s32 @!p0 $0x88, s6;
	s7 =	simm.s32 @p2 $0x1082  }
0x22: {  	[simem:s7], [sflag:s8] =	dma.local @!p0 [hbm:s6], $0xF7A  }
0x23: {  	s9 =	sor.u32 $0xD0000000, s2;
	s6 =	simm.s32 $0x108;
	_ =	swait.ge @!p0 [sflag:s8], $0x0  }
0x24: {  	s3 =	sadd.s32 $0x88, s3;
	s6 =	simm.s32 @!p1 $0x1082;
	[sflag:s4] =	ssyncset.s32 $0xFFFFF086  }
0x25: {  	[simem:s6], [sflag:s4] =	dma.local [hbm:s3], $0xF7A  }
0x26: {  	[smem:$0x3F92] =	sst s1;
	(tag) =	ssettag s2;
	_ =	strace s9  }
0x27: {  	s1 =	sld [smem:$0x3FA2]  }
0x28: {  	s2 =	sld [smem:$0x3FA3]  }
0x29: {  	s4 =	sld [smem:$0x3FA5]  }
0x2a: {  	p0 =	seq.s32 s5, $0x0;
	s5 =	sld [smem:$0x3FA6]  }
0x2b: {  	s6 =	sld [smem:$0x3FA7]  }
0x2c: {  	s7 =	sld [smem:$0x3FA8]  }
0x2d: {  	s3 =	simm.s32 $0x108;
	s8 =	sld [smem:$0x3FA9]  }
0x2e: {  	s3 =	simm.s32 @!p0 $0x1082;
	s9 =	sld [smem:$0x3FAA]  }
0x2f: {  	lr =	sadd.s32 s0, s3;
	s0 =	sld [smem:$0x3FA1]  }
0x30: {  	s3 =	sld [smem:$0x3FA4]  }
0x31: {  	[smem:$0x3FAD] =	sst s10  }
0x32: {  	s10 =	sld [smem:$0x3FAB];
	_ =	sdelay $0x3  }
0x33: {  	p0 =	seq.s32 s10, $0x1;
	s10 =	sld [smem:$0x3FAD];
	_ =	sdelay $0x3  }
0x34: {  	[smem:$0x3FAD] =	sst s10  }
0x35: {  	s10 =	sld [smem:$0x3FAC];
	_ =	sdelay $0x3  }
0x36: {  	p1 =	seq.s32 s10, $0x1;
	s10 =	sld [smem:$0x3FAD];
	_ =	sdelay $0x3  }
0x37: {  	[smem:$0x3FAD] =	sst s10  }
0x38: {  	s10 =	sld [smem:$0x3FAE]  }
0x39: {  	_ = 	snop;
	(pc) =	sbr.ind lr, $3  }
0x3a: {  	_ = 	snop  }
0x3b: {  	_ = 	snop  }
0x3c: {  	p2 =	seq.s32 s10, $0x1;
	s10 =	sld [smem:$0x3FAD]  }
0x3d: {  	_ =	shalt  }
0x3e: {  	_ =	shalt  }
0x3f: {  	_ =	shalt  }
0x40: {  	_ =	shalt  }
0x41: {  	_ =	shalt  }
0x42: {  	_ =	shalt  }
0x43: {  	_ =	shalt  }
0x44: {  	_ =	shalt  }
0x45: {  	_ =	shalt  }
0x46: {  	_ =	shalt  }
0x47: {  	_ =	shalt  }
0x48: {  	_ =	shalt  }
0x49: {  	_ =	shalt  }
0x4a: {  	_ =	shalt  }
0x4b: {  	_ =	shalt  }
0x4c: {  	_ =	shalt  }
0x4d: {  	_ =	shalt  }
0x4e: {  	_ =	shalt  }
0x4f: {  	_ =	shalt  }
0x50: {  	_ =	shalt  }
0x51: {  	_ =	shalt  }
0x52: {  	_ =	shalt  }
0x53: {  	_ =	shalt  }
0x54: {  	_ =	shalt  }
0x55: {  	_ =	shalt  }
0x56: {  	_ =	shalt  }
0x57: {  	_ =	shalt  }
0x58: {  	_ =	shalt  }
0x59: {  	_ =	shalt  }
0x5a: {  	_ =	shalt  }
0x5b: {  	_ =	shalt  }
0x5c: {  	_ =	shalt  }
0x5d: {  	_ =	shalt  }
0x5e: {  	_ =	shalt  }
0x5f: {  	_ =	shalt  }
0x60: {  	_ =	shalt  }
0x61: {  	_ =	shalt  }
0x62: {  	_ =	shalt  }
0x63: {  	_ =	shalt  }
0x64: {  	_ =	shalt  }
0x65: {  	_ =	shalt  }
0x66: {  	_ =	shalt  }
0x67: {  	_ =	shalt  }
0x68: {  	_ =	shalt  }
0x69: {  	_ =	shalt  }
0x6a: {  	_ =	shalt  }
0x6b: {  	_ =	shalt  }
0x6c: {  	_ =	shalt  }
0x6d: {  	_ =	shalt  }
0x6e: {  	_ =	shalt  }
0x6f: {  	_ =	shalt  }
0x70: {  	_ =	shalt  }
0x71: {  	_ =	shalt  }
0x72: {  	_ =	shalt  }
0x73: {  	_ =	shalt  }
0x74: {  	_ =	shalt  }
0x75: {  	_ =	shalt  }
0x76: {  	_ =	shalt  }
0x77: {  	_ =	shalt  }
0x78: {  	_ =	shalt  }
0x79: {  	_ =	shalt  }
0x7a: {  	_ =	shalt  }
0x7b: {  	_ =	shalt  }
0x7c: {  	_ =	shalt  }
0x7d: {  	_ =	shalt  }
0x7e: {  	_ =	shalt  }
0x7f: {  	_ =	shalt  }
0x80: {  	_ =	shalt  }
0x81: {  	_ =	shalt  }
0x82: {  	_ =	shalt  }
0x83: {  	_ =	shalt  }
0x84: {  	_ =	shalt  }
0x85: {  	_ =	shalt  }
0x86: {  	_ =	shalt  }
0x87: {  	_ =	shalt  }
.Lfunc_end0:
.L_simem_size_0:
called_computation.3_lowered:
.L_overlay_start_0:
0x88: {  	s2 =	sld [smem:$0x3FD9]  }
0x89: {  	s3 =	sld [smem:$0x3FFE];
	_ =	sdelay $0x1  }
0x8a: {  	s1 =	srdreg.scid  }
0x8b: {  	s0 =	sand.u32 $0x1, s1  }
0x8c: {  	s17 =	sshll.u32 s0, $0xA;
	s2 =	sadd.s32 s3, s2  }
0x8d: {  	s2 =	sadd.s32 s2, s17  }
0x8e: {  	[smem:$0x3FB9] =	sst s2  }
0x8f: {  	_ = 	snop  }
0x90: {  	s2 =	sld [smem:$0x3FD0];
	(tm) =	ssettm $0x1  }
0x91: {  	s18 =	sld [smem:$0x3FFB];
	_ =	sdelay $0x3  }
0x92: {  	_ =	strace s18  }
0x93: {  	s3 =	sld [smem:$0x3FFC];
	_ =	sdelay $0x3  }
0x94: {  	_ =	strace s3  }
0x95: {  	s3 =	sld [smem:$0x3FFD];
	_ =	sdelay $0x3  }
0x96: {  	_ =	strace s3  }
0x97: {  	_ =	strace $0x8FFFFFFF  }
0x98: {  	s19 =	sld [smem:$0x3FDB];
	_ =	sdelay $0x1  }
0x99: {  	s4 =	simm.s32 $_scs_section_size  }
0x9a: {  	s5 =	simm.s32 $_size__tile_overlayer_lowered;
	s6 =	simm.s32 $_tile_overlayer_lowered  }
0x9b: {  	s22 =	simm.s32 $0x1BFF;
	s21 =	sshll.u32 s6, $0x1;
	s3 =	sadd.s32 s4, s19  }
0x9c: {  	s7 =	simm.s32 $0x0;
	s20 =	sshll.u32 s5, $0x1;
	s5 =	sadd.s32 s21, s3  }
0x9d: {  	[timem:s7], [sflag:s22] =	dma.local [hbm:s5], s20  }
0x9e: {  	_ =	swait.ge [sflag:s22], s20  }
0x9f: {  	s4 =	ssub.s32 $0x0, s20;
	[sflag:s22] =	ssyncset.done $0x0  }
0xa0: {  	[sflag:s22] =	ssyncadd.s32 s4;
	_ =	sdelay $0x1  }
0xa1: {  	s23 =	simm.s32 $0x1B8B  }
0xa2: {  	_ =	swait.ge [sflag:s23], $0x1  }
0xa3: {  	[sflag:s23] =	ssyncset.done $0x0  }
0xa4: {  	s25 =	simm.s32 $0x1B8E;
	s24 =	sld [smem:$0x3FFE];
	[sflag:s23] =	ssyncadd.s32 $0xFFFFFFFF  }
0xa5: {  	s26 =	simm.s32 $execute0_lowered;
	[smem:$0x3FD2] =	sst s25  }
0xa6: {  	s5 =	sshll.u32 s26, $0x1;
	_ =	strace $0x8000004F;
	[dreg:$0x1] =	wrdreg $0xFFFFFFFF  }
0xa7: {  	s28 =	simm.s32 $_size_execute0_lowered;
	s3 =	sadd.s32 s3, s5;
	[dreg:$0x0] =	wrdreg $0x0  }
0xa8: {  	s5 =	sshll.u32 s28, $0x1;
	[dreg:$0x2] =	wrdreg s3  }
0xa9: {  	[dreg:$0x3] =	wrdreg s5  }
0xaa: {  	[dreg:$0x4] =	wrdreg $0xC0  }
0xab: {  	_ =	task [dreg:s7], $0x5FFFF  }
0xac: {  	[dreg:$0x1] =	wrdreg $0xFFFFFFFF  }
0xad: {  	[dreg:$0x0] =	wrdreg $0x60  }
0xae: {  	[dreg:$0x2] =	wrdreg s24  }
0xaf: {  	[dreg:$0x3] =	wrdreg s2  }
0xb0: {  	[dreg:$0x4] =	wrdreg $0x5F000  }
0xb1: {  	[dreg:$0x5] =	wrdreg $0x9  }
0xb2: {  	_ =	task.clear_ibuf [dreg:s7], $0x6FFFF;
	_ =	strace $0x9000004F  }
0xb3: {  	s29 =	simm.s32 $0x9;
	_ =	strace $0x80000051  }
0xb4: {  	_ =	swait.ge [sflag:s29], $0x1  }
0xb5: {  	[sflag:s29] =	ssyncadd.s32 $0xFFFFFFFF  }
0xb6: {  	_ =	strace $0x90000051  }
0xb7: {  	_ =	sfence  }
0xb8: {  	s30 =	sld [smem:$0x0];
	_ =	sdelay $0x2  }
0xb9: {  	s31 =	sshll.u32 s1, $0xD;
	s1 =	sshrl.u32 s1, $0x2  }
0xba: {  	s3 =	sand.u32 $0x4000, s31;
	s1 =	sadd.s32 s1, s30  }
0xbb: {  	s0 =	sor.u32 s3, s0;
	s1 =	sshll.u32 s1, $0x11  }
0xbc: {  	s0 =	sor.u32 s1, s0  }
0xbd: {  	s0 =	sadd.s32 $0x8F2B, s0  }
0xbe: {  	[sflag:s0] =	ssyncadd.remote.s32 $0x1  }
0xbf: {  	_ =	sfence.sel $0xFFFF  }
0xc0: {  	[dreg:$0x0] =	wrdreg $0xFFFFFFFF;
	(pc) =	sbr.abs _section_cstart, $3  }
0xc1: {  	[dreg:$0x1] =	wrdreg $0xFFFFFFFF  }
0xc2: {  	_ =	task.clear_ibuf [dreg:s7], $0x2FFFF;
	_ =	strace $0x9FFFFFFF  }
0xc3: {  	(tm) =	ssettm $0x7FFFFFFF  }
tec
execute0_lowered:
.L_overlay_start_1:
0x0: {  	(tag) =	ssettag $0x1  }
0x1: {  	s0 =	rddreg [dreg:$0x0]  }
0x2: {  	s1 =	rddreg [dreg:$0x1]  }
0x3: {  	s2 =	rddreg [dreg:$0x2]  }
0x4: {  	s4 =	simm.s32 $0x0;
	s13 =	stileid.u32;
	s3 =	srdreg.scid  }
0x5: {  	s31 =	simm.s32 $0x5300;
	[smem:$0x7FF] =	sst s4;
	s7 =	smul.u32 $0x27000, s13  }
0x6: {  	s5 =	sadd.s32 $0xD800, s0;
	s6 =	sadd.s32 $0x3A00, s0;
	s10 =	smul.u32 $0x4E20, s13  }
0x7: {  	s0 =	sadd.s32 $0x34A00, s0;
	s3 =	sand.u32 $0x1, s3;
	s22 =	smul.u32 $0x138, s13  }
0x8: {  	p0 =	sne.s32 s13, $0xF;
	s28 =	sadd.s32 $0x9C000, s2;
	s29 =	sadd.s32 $0x9CC00, s2  }
0x9: {  	s30 =	sadd.s32 $0x9D800, s2;
	s13 =	simm.s32 $0x6;
	s18 =	smul.u32 $0x1388, s3  }
0xa: {  	_ =	strace $0x80000050;
	s8 =	ssub.s32 $0x2, s3;
	s3 =	smul.u32 $0x9C400, s3  }
0xb: {  	s7 =	sshrl.u32 s7, $0x2;
	s9 =	sshrl.u32 s8, $0x1;
	s17 =	sadd.s32 $0xA0, s10  }
0xc: {  	s19 =	sshrl.u32 s10, $0x3;
	s10 =	sadd.s32 $0xF0, s10;
	[dreg:$0x4] =	wrdreg s17  }
0xd: {  	s7 =	sadd.s32 s7, s2;
	s20 =	sadd.s32 s6, s19;
	[dreg:$0x5] =	wrdreg s10  }
0xe: {  	s8 =	ssub.s32 s8, s9;
	s21 =	sadd.s32 s1, s19;
	[dreg:$0x11] =	wrdreg s20  }
0xf: {  	s9 =	sadd.s32 s22, s18;
	s11 =	sadd.s32 $0xC00, s7;
	[dreg:$0x12] =	wrdreg s21  }
0x10: {  	s22 =	sadd.s32 $0xA, s19;
	s23 =	sadd.s32 $0x1800, s7;
	[dreg:$0x7] =	wrdreg s11  }
0x11: {  	s3 =	sshrl.u32 s3, $0x3;
	s24 =	sadd.s32 $0x2400, s7;
	[dreg:$0x8] =	wrdreg s23  }
0x12: {  	s10 =	simm.s32 $0x80;
	s25 =	sadd.s32 $0x3000, s7;
	[dreg:$0x9] =	wrdreg s24  }
0x13: {  	s17 =	simm.s32 $0x5;
	s26 =	sadd.s32 $0x3C00, s7;
	[dreg:$0xa] =	wrdreg s25  }
0x14: {  	v0 =	vmov s18;
	s18 =	simm.s32 $0x2;
	s12 =	sadd.s32 $0x4800, s7;
	[dreg:$0xb] =	wrdreg s26  }
0x15: {  	s19 =	simm.s32 $0x280;
	s14 =	sadd.s32 $0x5400, s7;
	[dreg:$0xc] =	wrdreg s12  }
0x16: {  	s15 =	sadd.s32 $0x6000, s7;
	s16 =	sadd.s32 $0x6C00, s7;
	[dreg:$0xd] =	wrdreg s14  }
0x17: {  	s9 =	sshll.u32 s9, $0x4;
	s20 =	simm.s32 $0x0;
	[dreg:$0xe] =	wrdreg s15  }
0x18: {  	[dreg:$0xf] =	wrdreg s16;
	s12 =	sadd.s32 $0x7800, s7;
	s9 =	sadd.s32 s0, s9  }
0x19: {  	s0 =	sadd.s32 s0, s3;
	s23 =	simm.s32 $0x200;
	[dreg:$0x10] =	wrdreg s12  }
0x1a: {  	s24 =	sadd.s32 s6, s22;
	s25 =	sadd.s32 s1, s22;
	[dreg:$0x13] =	wrdreg s9  }
0x1b: {  	s26 =	smax.u32 s8, $0x1;
	s3 =	simm.s32 $0x100;
	[dreg:$0x6] =	wrdreg s23  }
0x1c: {  	s8 =	simm.s32 $0x50;
	s11 =	simm.s32 $0x180;
	[dreg:$0x14] =	wrdreg s24  }
0x1d: {  	s14 =	simm.s32 $0x2B00;
	s15 =	simm.s32 $0x1;
	[dreg:$0x15] =	wrdreg s25  }
0x1e: {  	s16 =	simm.s32 $0x3;
	s0 =	sadd.s32 $0x13800, s0;
	[dreg:$0x17] =	wrdreg s26  }
0x1f: {  	s25 =	sadd.s32 $0x8400, s7;
	s26 =	sadd.s32 $0x9000, s7;
	s9 =	simm.s32 $0x300  }
0x20: {  	v1 =	vimm.f32 $0.0e+00;
	s12 =	simm.s32 $0x4;
	[dreg:$0x16] =	wrdreg s0;
	s0 =	simm.s32 $0x7  }
.LBB2_1:
0x21: {  	s21 =	sand.u32 $0x3E00, s4  }
0x22: {  	s22 =	sand.u32 $0x70, s4;
	s23 =	sshrl.u32 s21, $0x2  }
0x23: {  	s21 =	simm.s32 $0x40;
	s23 =	sor.u32 s22, s23;
	s22 =	simm.s32 $0x0  }
.LBB2_2:
0x24: {  	p1 =	sne.s32 s21, $0x2FC0  }
0x25: {  	[tilespmem:s23+$0x5300] =	vst v1;
	s22 =	sadd.s32 $0x10, s22;
	s23 =	smov.u32 s21;
	s21 =	sadd.s32 $0x40, s21  }
.Ltmp0:
0x26: {  	(pc) =	sbr.rel @p1 .LBB2_2-.Ltmp0, $4  }
0x27: {  	_ = 	snop  }
0x28: {  	s23 =	sand.u32 $0x3E00, s23  }
0x29: {  	s24 =	sand.u32 $0x70, s22;
	s23 =	sshrl.u32 s23, $0x2  }
0x2a: {  	s23 =	sor.u32 s24, s23  }
0x2b: {  	[tilespmem:s23+$0x5300] =	vst v1  }
0x2c: {  	[spmem:s7] =	stream.linear.scatter [tilespmem:s31], [sflag:$0x7], $0xC00, $0x38;
	[tilespmem:$0xFD40] =	vst v63  }
0x2d: {  	_ =	swait.ge [sflag:s0], $0xC00  }
0x2e: {  	[sflag:s0] =	ssyncset.done $0x0  }
0x2f: {  	s21 =	rddreg [dreg:$0x7];
	[sflag:s0] =	ssyncadd.s32 $0xFFFFF400  }
0x30: {  	[spmem:s21] =	stream.linear.scatter [tilespmem:s31], [sflag:$0x7], $0xC00, $0x38;
	[tilespmem:$0xFD40] =	vst v63  }
0x31: {  	_ =	swait.ge [sflag:s0], $0xC00  }
0x32: {  	[sflag:s0] =	ssyncset.done $0x0  }
0x33: {  	s23 =	rddreg [dreg:$0x8];
	[sflag:s0] =	ssyncadd.s32 $0xFFFFF400  }
0x34: {  	[spmem:s23] =	stream.linear.scatter [tilespmem:s31], [sflag:$0x7], $0xC00, $0x38;
	[tilespmem:$0xFD40] =	vst v63  }
0x35: {  	_ =	swait.ge [sflag:s0], $0xC00  }
0x36: {  	[sflag:s0] =	ssyncset.done $0x0  }
0x37: {  	s24 =	rddreg [dreg:$0x9];
	[sflag:s0] =	ssyncadd.s32 $0xFFFFF400  }
0x38: {  	[spmem:s24] =	stream.linear.scatter [tilespmem:s31], [sflag:$0x7], $0xC00, $0x38;
	[tilespmem:$0xFD40] =	vst v63  }
0x39: {  	_ =	swait.ge [sflag:s0], $0xC00  }
0x3a: {  	[sflag:s0] =	ssyncset.done $0x0  }
0x3b: {  	s22 =	rddreg [dreg:$0xa];
	[sflag:s0] =	ssyncadd.s32 $0xFFFFF400  }
0x3c: {  	[spmem:s22] =	stream.linear.scatter [tilespmem:s31], [sflag:$0x7], $0xC00, $0x38;
	[tilespmem:$0xFD40] =	vst v63  }
0x3d: {  	_ =	swait.ge [sflag:s0], $0xC00  }
0x3e: {  	[sflag:s0] =	ssyncset.done $0x0  }
0x3f: {  	s23 =	rddreg [dreg:$0xb];
	[sflag:s0] =	ssyncadd.s32 $0xFFFFF400  }
0x40: {  	[spmem:s23] =	stream.linear.scatter [tilespmem:s31], [sflag:$0x7], $0xC00, $0x38;
	[tilespmem:$0xFD40] =	vst v63  }
0x41: {  	_ =	swait.ge [sflag:s0], $0xC00  }
0x42: {  	[sflag:s0] =	ssyncset.done $0x0  }
0x43: {  	s24 =	rddreg [dreg:$0xc];
	[sflag:s0] =	ssyncadd.s32 $0xFFFFF400  }
0x44: {  	[spmem:s24] =	stream.linear.scatter [tilespmem:s31], [sflag:$0x7], $0xC00, $0x38;
	[tilespmem:$0xFD40] =	vst v63  }
0x45: {  	_ =	swait.ge [sflag:s0], $0xC00  }
0x46: {  	[sflag:s0] =	ssyncset.done $0x0  }
0x47: {  	s22 =	rddreg [dreg:$0xd];
	[sflag:s0] =	ssyncadd.s32 $0xFFFFF400  }
0x48: {  	[spmem:s22] =	stream.linear.scatter [tilespmem:s31], [sflag:$0x7], $0xC00, $0x38;
	[tilespmem:$0xFD40] =	vst v63  }
0x49: {  	_ =	swait.ge [sflag:s0], $0xC00  }
0x4a: {  	[sflag:s0] =	ssyncset.done $0x0  }
0x4b: {  	s23 =	rddreg [dreg:$0xe];
	[sflag:s0] =	ssyncadd.s32 $0xFFFFF400  }
0x4c: {  	[spmem:s23] =	stream.linear.scatter [tilespmem:s31], [sflag:$0x7], $0xC00, $0x38;
	[tilespmem:$0xFD40] =	vst v63  }
0x4d: {  	_ =	swait.ge [sflag:s0], $0xC00  }
0x4e: {  	[sflag:s0] =	ssyncset.done $0x0  }
0x4f: {  	s24 =	rddreg [dreg:$0xf];
	[sflag:s0] =	ssyncadd.s32 $0xFFFFF400  }
0x50: {  	[spmem:s24] =	stream.linear.scatter [tilespmem:s31], [sflag:$0x7], $0xC00, $0x38;
	[tilespmem:$0xFD40] =	vst v63  }
0x51: {  	_ =	swait.ge [sflag:s0], $0xC00  }
0x52: {  	[sflag:s0] =	ssyncset.done $0x0  }
0x53: {  	s22 =	rddreg [dreg:$0x10];
	[sflag:s0] =	ssyncadd.s32 $0xFFFFF400  }
0x54: {  	[spmem:s22] =	stream.linear.scatter [tilespmem:s31], [sflag:$0x7], $0xC00, $0x38;
	[tilespmem:$0xFD40] =	vst v63  }
0x55: {  	_ =	swait.ge [sflag:s0], $0xC00  }
0x56: {  	[sflag:s0] =	ssyncset.done $0x0  }
0x57: {  	[sflag:s0] =	ssyncadd.s32 $0xFFFFF400  }
0x58: {  	[spmem:s25] =	stream.linear.scatter [tilespmem:s31], [sflag:$0x7], $0xC00, $0x38;
	[tilespmem:$0xFD40] =	vst v63  }
0x59: {  	_ =	swait.ge [sflag:s0], $0xC00  }
0x5a: {  	[sflag:s0] =	ssyncset.done $0x0  }
0x5b: {  	[sflag:s0] =	ssyncadd.s32 $0xFFFFF400  }
0x5c: {  	[spmem:s26] =	stream.linear.scatter [tilespmem:s31], [sflag:$0x7], $0xC00, $0x38;
	[tilespmem:$0xFD40] =	vst v63  }
0x5d: {  	_ =	swait.ge [sflag:s0], $0xC00  }
0x5e: {  	[sflag:s0] =	ssyncset.done $0x0  }
0x5f: {  	s21 =	simm.s32 @!p0 $0x5300;
	s22 =	simm.s32 @!p0 $0x7;
	[sflag:s0] =	ssyncadd.s32 $0xFFFFF400  }
0x60: {  	[spmem:s28] =	stream.linear.scatter @!p0 [tilespmem:s21], [sflag:$0x7], $0xC00, $0x38;
	[tilespmem:$0xFD40] =	vst v63  }
0x61: {  	_ =	swait.ge @!p0 [sflag:s22], $0xC00  }
0x62: {  	[sflag:s22] =	ssyncset.done @!p0 $0x0  }
0x63: {  	[sflag:s22] =	ssyncadd.s32 @!p0 $0xFFFFF400  }
0x64: {  	[spmem:s29] =	stream.linear.scatter @!p0 [tilespmem:s21], [sflag:$0x7], $0xC00, $0x38;
	[tilespmem:$0xFD40] =	vst v63  }
0x65: {  	_ =	swait.ge @!p0 [sflag:s22], $0xC00  }
0x66: {  	[sflag:s22] =	ssyncset.done @!p0 $0x0  }
0x67: {  	[sflag:s22] =	ssyncadd.s32 @!p0 $0xFFFFF400  }
0x68: {  	[spmem:s30] =	stream.linear.scatter @!p0 [tilespmem:s21], [sflag:$0x7], $0xC00, $0x38;
	[tilespmem:$0xFD40] =	vst v63  }
0x69: {  	_ =	swait.ge @!p0 [sflag:s22], $0xC00  }
0x6a: {  	[sflag:s22] =	ssyncset.done @!p0 $0x0  }
0x6b: {  	[sflag:s22] =	ssyncadd.s32 @!p0 $0xFFFFF400  }
0x6c: {  	[bflag:$0x0] =	sbarrier.arrive $0xFFFF  }
0x6d: {  	s22 =	simm.s32 $0x0;
	s23 =	rddreg [dreg:$0x11]  }
0x6e: {  	[tilespmem:s22], [sflag:$0x7] =	stream.linear.gather [hbm4b:s23+s22], $0x50, $0x38;
	[tilespmem:$0xFD40] =	vst v63  }
0x6f: {  	_ =	swait.ge [sflag:s0], $0x50  }
0x70: {  	[sflag:s0] =	ssyncset.done $0x0  }
0x71: {  	s24 =	rddreg [dreg:$0x12];
	[sflag:s0] =	ssyncadd.s32 $0xFFFFFFB0  }
0x72: {  	[tilespmem:s3], [sflag:$0x7] =	stream.linear.gather [hbm4b:s24+s22], $0x50, $0x38;
	[tilespmem:$0xFD40] =	vst v63  }
0x73: {  	_ =	swait.ge [sflag:s0], $0x50  }
0x74: {  	[sflag:s0] =	ssyncset.done $0x0  }
0x75: {  	[sflag:s0] =	ssyncadd.s32 $0xFFFFFFB0  }
0x76: {  	[tilespmem:s9], [sflag:$0x1] =	stream.indirect.gather [hbm4b:s5+s8], $0x80, s22, s8, $0xb8;
	[tilespmem:$0xFD40] =	vst v63  }
0x77: {  	s23 =	rddreg [dreg:$0x14]  }
0x78: {  	[tilespmem:s10], [sflag:$0x4] =	stream.linear.gather [hbm4b:s23+s22], $0x50, $0x38;
	[tilespmem:$0xFD40] =	vst v63  }
0x79: {  	s24 =	rddreg [dreg:$0x15]  }
0x7a: {  	[tilespmem:s11], [sflag:$0x6] =	stream.linear.gather [hbm4b:s24+s22], $0x50, $0x38;
	[tilespmem:$0xFD40] =	vst v63  }
0x7b: {  	_ =	swait.ge [sflag:s12], $0x50  }
0x7c: {  	[sflag:s12] =	ssyncset.done $0x0  }
0x7d: {  	[sflag:s12] =	ssyncadd.s32 $0xFFFFFFB0  }
0x7e: {  	_ =	swait.ge [sflag:s13], $0x50  }
0x7f: {  	[sflag:s13] =	ssyncset.done $0x0  }
0x80: {  	[sflag:s13] =	ssyncadd.s32 $0xFFFFFFB0  }
0x81: {  	[tilespmem:s14], [sflag:$0x2] =	stream.indirect.gather [hbm4b:s5+s8], $0x80, s10, s8, $0xb8;
	[tilespmem:$0xFD40] =	vst v63  }
0x82: {  	_ =	swait.ge [sflag:s15], $0x2800  }
0x83: {  	[sflag:s15] =	ssyncset.done $0x0  }
0x84: {  	[sflag:s15] =	ssyncadd.s32 $0xFFFFD800  }
0x85: {  	v2 =	vld [tilespmem:$0x140]  }
0x86: {  	v3 =	vld [tilespmem:$0x130]  }
0x87: {  	v4 =	vld [tilespmem:$0x110]  }
0x88: {  	v5 =	vld [tilespmem:$0x120];
	_ =	sdelay $0x3  }
0x89: {  	v6 =	vld [tilespmem:$0x100];
	v2 =	vsub.s32 v2, v0;
	v3 =	vsub.s32 v3, v0;
	v4 =	vsub.s32 v4, v0  }
0x8a: {  	v5 =	vsub.s32 v5, v0;
	v7 =	vand.u32 $0x3F, v2;
	v8 =	vand.u32 $0x3F, v3  }
0x8b: {  	vm0 =	vlt.u32 v2, $0x1388;
	vm1 =	vlt.u32 v5, $0x1388;
	v7 =	vadd.s32 $0x1388, v7  }
0x8c: {  	vm2 =	vlt.u32 v3, $0x1388;
	v8 =	vadd.s32 $0x1388, v8;
	v2 =	vsel vm0, v2, v7  }
0x8d: {  	s23 =	smin.u32 s22, $0xF7;
	vm0 =	vlt.u32 v4, $0x1388;
	v7 =	vand.u32 $0x3F, v5;
	v3 =	vsel vm2, v3, v8  }
0x8e: {  	s21 =	smul.u32 $0x50, s23;
	[tilespmem:$0x240] =	vst v2;
	v2 =	vsub.s32 v6, v0;
	v6 =	vand.u32 $0x3F, v4;
	v7 =	vadd.s32 $0x1388, v7  }
0x8f: {  	s24 =	rddreg [dreg:$0x4];
	[tilespmem:$0x230] =	vst v3;
	v3 =	vand.u32 $0x3F, v2;
	v6 =	vadd.s32 $0x1388, v6;
	v5 =	vsel vm1, v5, v7  }
0x90: {  	s21 =	sadd.s32 s21, s24;
	vm1 =	vlt.u32 v2, $0x1388;
	v3 =	vadd.s32 $0x1388, v3;
	v4 =	vsel vm0, v4, v6;
	[tilespmem:$0x220] =	vst v5  }
0x91: {  	s21 =	sshrl.u32 s21, $0x3;
	v2 =	vsel vm1, v2, v3;
	[tilespmem:$0x210] =	vst v4  }
0x92: {  	s24 =	sadd.s32 s6, s21;
	[tilespmem:$0x200] =	vst v2  }
0x93: {  	[tilespmem:s4], [sflag:$0x3] =	stream.linear.gather [hbm4b:s24+s4], $0x50, $0x38;
	[tilespmem:$0xFD40] =	vst v63  }
0x94: {  	s21 =	sadd.s32 s1, s21  }
0x95: {  	[tilespmem:s3], [sflag:$0x5] =	stream.linear.gather [hbm4b:s21+s4], $0x50, $0x38;
	[tilespmem:$0xFD40] =	vst v63  }
0x96: {  	s24 =	rddreg [dreg:$0x6]  }
0x97: {  	[spmem:s2] =	stream.indirect.scatter.add.f32 [tilespmem:s9], [sflag:$0x7], $0x80, s24, s8, $0xb8;
	[tilespmem:$0xFD40] =	vst v63  }
0x98: {  	_ =	swait.ge [sflag:s0], $0x2800  }
0x99: {  	[sflag:s0] =	ssyncset.done $0x0  }
0x9a: {  	[sflag:s0] =	ssyncadd.s32 $0xFFFFD800  }
0x9b: {  	_ =	swait.ge [sflag:s16], $0x50  }
0x9c: {  	[sflag:s16] =	ssyncset.done $0x0  }
0x9d: {  	[sflag:s16] =	ssyncadd.s32 $0xFFFFFFB0  }
0x9e: {  	_ =	swait.ge [sflag:s17], $0x50  }
0x9f: {  	[sflag:s17] =	ssyncset.done $0x0  }
0xa0: {  	[sflag:s17] =	ssyncadd.s32 $0xFFFFFFB0  }
0xa1: {  	[tilespmem:s9], [sflag:$0x1] =	stream.indirect.gather [hbm4b:s5+s8], $0x80, s4, s8, $0xb8;
	[tilespmem:$0xFD40] =	vst v63  }
0xa2: {  	_ =	swait.ge [sflag:s18], $0x2800  }
0xa3: {  	[sflag:s18] =	ssyncset.done $0x0  }
0xa4: {  	[sflag:s18] =	ssyncadd.s32 $0xFFFFD800  }
0xa5: {  	v2 =	vld [tilespmem:$0x1B0]  }
0xa6: {  	v3 =	vld [tilespmem:$0x180]  }
0xa7: {  	v4 =	vld [tilespmem:$0x190]  }
0xa8: {  	v5 =	vld [tilespmem:$0x1A0]  }
0xa9: {  	v10 =	vld [tilespmem:$0x1C0];
	_ =	sdelay $0x2  }
0xaa: {  	v2 =	vsub.s32 v2, v0  }
0xab: {  	v9 =	vsub.s32 v3, v0;
	v6 =	vsub.s32 v4, v0;
	v4 =	vsub.s32 v5, v0  }
0xac: {  	v5 =	vsub.s32 v10, v0;
	vm0 =	vlt.u32 v2, $0x1388;
	v7 =	vand.u32 $0x3F, v9  }
0xad: {  	p1 =	por $0x1, $0x1;
	v3 =	vand.u32 $0x3F, v2;
	v11 =	vadd.s32 $0x1388, v7;
	v7 =	vand.u32 $0x3F, v6  }
0xae: {  	s22 =	simm.s32 @!p1 $0xF6;
	vm1 =	vlt.u32 v9, $0x1388;
	v3 =	vadd.s32 $0x1388, v3;
	v8 =	vadd.s32 $0x1388, v7  }
0xaf: {  	s21 =	simm.s32 $0x2;
	s24 =	smul.u32 $0x50, s22;
	s23 =	rddreg [dreg:$0x5];
	v7 =	vand.u32 $0x3F, v4;
	v9 =	vsel vm1, v9, v11;
	vm1 =	vlt.u32 v6, $0x1388  }
.LBB2_4:
0xb0: {  	[tilespmem:$0x280] =	vst v9;
	v6 =	vsel vm1, v6, v8;
	vm1 =	vlt.u32 v4, $0x1388  }
0xb1: {  	v7 =	vadd.s32 $0x1388, v7;
	v2 =	vsel vm0, v2, v3;
	[tilespmem:$0x290] =	vst v6;
	v6 =	vand.u32 $0x3F, v5  }
0xb2: {  	v4 =	vsel vm1, v4, v7;
	vm1 =	vlt.u32 v5, $0x1388;
	s23 =	sadd.s32 s24, s23;
	[tilespmem:$0x2B0] =	vst v2;
	v3 =	vadd.s32 $0x1388, v6  }
0xb3: {  	[tilespmem:$0x2A0] =	vst v4;
	s23 =	sshrl.u32 s23, $0x3;
	v2 =	vsel vm1, v5, v3  }
0xb4: {  	s24 =	sadd.s32 s6, s23;
	[tilespmem:$0x2C0] =	vst v2  }
0xb5: {  	[tilespmem:s10], [sflag:$0x4] =	stream.linear.gather [hbm4b:s24+s4], $0x50, $0x38;
	[tilespmem:$0xFD40] =	vst v63  }
0xb6: {  	s23 =	sadd.s32 s1, s23  }
0xb7: {  	[tilespmem:s11], [sflag:$0x6] =	stream.linear.gather [hbm4b:s23+s4], $0x50, $0x38;
	[tilespmem:$0xFD40] =	vst v63  }
0xb8: {  	_ = 	snop  }
0xb9: {  	[spmem:s2] =	stream.indirect.scatter.add.f32 [tilespmem:s14], [sflag:$0x7], $0x80, s19, s8, $0xb8;
	[tilespmem:$0xFD40] =	vst v63  }
0xba: {  	_ =	swait.ge [sflag:s0], $0x2800  }
0xbb: {  	[sflag:s0] =	ssyncset.done $0x0  }
0xbc: {  	[sflag:s0] =	ssyncadd.s32 $0xFFFFD800  }
0xbd: {  	_ =	swait.ge [sflag:s12], $0x50  }
0xbe: {  	[sflag:s12] =	ssyncset.done $0x0  }
0xbf: {  	[sflag:s12] =	ssyncadd.s32 $0xFFFFFFB0  }
0xc0: {  	_ =	swait.ge [sflag:s13], $0x50  }
0xc1: {  	[sflag:s13] =	ssyncset.done $0x0  }
0xc2: {  	[sflag:s13] =	ssyncadd.s32 $0xFFFFFFB0  }
0xc3: {  	[tilespmem:s14], [sflag:$0x2] =	stream.indirect.gather [hbm4b:s5+s8], $0x80, s10, s8, $0xb8;
	[tilespmem:$0xFD40] =	vst v63  }
0xc4: {  	_ =	swait.ge [sflag:s15], $0x2800  }
0xc5: {  	[sflag:s15] =	ssyncset.done $0x0  }
0xc6: {  	[sflag:s15] =	ssyncadd.s32 $0xFFFFD800  }
0xc7: {  	v2 =	vld [tilespmem:$0x140]  }
0xc8: {  	v3 =	vld [tilespmem:$0x130]  }
0xc9: {  	v4 =	vld [tilespmem:$0x110]  }
0xca: {  	v5 =	vld [tilespmem:$0x120];
	_ =	sdelay $0x3  }
0xcb: {  	v6 =	vld [tilespmem:$0x100];
	v2 =	vsub.s32 v2, v0;
	v3 =	vsub.s32 v3, v0;
	v4 =	vsub.s32 v4, v0  }
0xcc: {  	v5 =	vsub.s32 v5, v0;
	v7 =	vand.u32 $0x3F, v2;
	v8 =	vand.u32 $0x3F, v3  }
0xcd: {  	vm0 =	vlt.u32 v2, $0x1388;
	vm1 =	vlt.u32 v5, $0x1388;
	v7 =	vadd.s32 $0x1388, v7  }
0xce: {  	s22 =	smov.u32 s21;
	vm2 =	vlt.u32 v3, $0x1388;
	v8 =	vadd.s32 $0x1388, v8;
	v2 =	vsel vm0, v2, v7  }
0xcf: {  	s23 =	smin.u32 s22, $0xF7;
	vm0 =	vlt.u32 v4, $0x1388;
	v7 =	vand.u32 $0x3F, v5;
	v3 =	vsel vm2, v3, v8  }
0xd0: {  	s23 =	smul.u32 $0x50, s23;
	[tilespmem:$0x240] =	vst v2;
	v2 =	vsub.s32 v6, v0;
	v6 =	vand.u32 $0x3F, v4;
	v7 =	vadd.s32 $0x1388, v7  }
0xd1: {  	s24 =	rddreg [dreg:$0x4];
	[tilespmem:$0x230] =	vst v3;
	v3 =	vand.u32 $0x3F, v2;
	v6 =	vadd.s32 $0x1388, v6;
	v5 =	vsel vm1, v5, v7  }
0xd2: {  	s23 =	sadd.s32 s23, s24;
	vm1 =	vlt.u32 v2, $0x1388;
	v3 =	vadd.s32 $0x1388, v3;
	v4 =	vsel vm0, v4, v6;
	[tilespmem:$0x220] =	vst v5  }
0xd3: {  	s23 =	sshrl.u32 s23, $0x3;
	v2 =	vsel vm1, v2, v3;
	[tilespmem:$0x210] =	vst v4  }
0xd4: {  	s24 =	sadd.s32 s6, s23;
	[tilespmem:$0x200] =	vst v2  }
0xd5: {  	[tilespmem:s4], [sflag:$0x3] =	stream.linear.gather [hbm4b:s24+s4], $0x50, $0x38;
	[tilespmem:$0xFD40] =	vst v63  }
0xd6: {  	s23 =	sadd.s32 s1, s23  }
0xd7: {  	[tilespmem:s3], [sflag:$0x5] =	stream.linear.gather [hbm4b:s23+s4], $0x50, $0x38;
	[tilespmem:$0xFD40] =	vst v63  }
0xd8: {  	s24 =	rddreg [dreg:$0x6]  }
0xd9: {  	[spmem:s2] =	stream.indirect.scatter.add.f32 [tilespmem:s9], [sflag:$0x7], $0x80, s24, s8, $0xb8;
	[tilespmem:$0xFD40] =	vst v63  }
0xda: {  	_ =	swait.ge [sflag:s0], $0x2800  }
0xdb: {  	[sflag:s0] =	ssyncset.done $0x0  }
0xdc: {  	[sflag:s0] =	ssyncadd.s32 $0xFFFFD800  }
0xdd: {  	_ =	swait.ge [sflag:s16], $0x50  }
0xde: {  	[sflag:s16] =	ssyncset.done $0x0  }
0xdf: {  	[sflag:s16] =	ssyncadd.s32 $0xFFFFFFB0  }
0xe0: {  	_ =	swait.ge [sflag:s17], $0x50  }
0xe1: {  	[sflag:s17] =	ssyncset.done $0x0  }
0xe2: {  	[sflag:s17] =	ssyncadd.s32 $0xFFFFFFB0  }
0xe3: {  	[tilespmem:s9], [sflag:$0x1] =	stream.indirect.gather [hbm4b:s5+s8], $0x80, s4, s8, $0xb8;
	[tilespmem:$0xFD40] =	vst v63  }
0xe4: {  	_ =	swait.ge [sflag:s18], $0x2800  }
0xe5: {  	[sflag:s18] =	ssyncset.done $0x0  }
0xe6: {  	[sflag:s18] =	ssyncadd.s32 $0xFFFFD800  }
0xe7: {  	v2 =	vld [tilespmem:$0x1B0]  }
0xe8: {  	v3 =	vld [tilespmem:$0x180]  }
0xe9: {  	v4 =	vld [tilespmem:$0x190]  }
0xea: {  	v5 =	vld [tilespmem:$0x1A0]  }
0xeb: {  	v10 =	vld [tilespmem:$0x1C0];
	_ =	sdelay $0x2  }
0xec: {  	p1 =	sne.s32 s21, $0xF8;
	v2 =	vsub.s32 v2, v0  }
.Ltmp1:
0xed: {  	v9 =	vsub.s32 v3, v0;
	v6 =	vsub.s32 v4, v0;
	v4 =	vsub.s32 v5, v0;
	(pc) =	sbr.rel @p1 .LBB2_4-.Ltmp1, $4  }
0xee: {  	v5 =	vsub.s32 v10, v0;
	vm0 =	vlt.u32 v2, $0x1388;
	v7 =	vand.u32 $0x3F, v9  }
0xef: {  	p2 =	slt.s32 s22, $0xF6;
	v3 =	vand.u32 $0x3F, v2;
	v11 =	vadd.s32 $0x1388, v7;
	v7 =	vand.u32 $0x3F, v6  }
0xf0: {  	s22 =	simm.s32 @!p2 $0xF6;
	vm1 =	vlt.u32 v9, $0x1388;
	v3 =	vadd.s32 $0x1388, v3;
	v8 =	vadd.s32 $0x1388, v7  }
0xf1: {  	s21 =	sadd.s32 $0x2, s21;
	s24 =	smul.u32 $0x50, s22;
	s23 =	rddreg [dreg:$0x5];
	v7 =	vand.u32 $0x3F, v4;
	v9 =	vsel vm1, v9, v11;
	vm1 =	vlt.u32 v6, $0x1388  }
0xf2: {  	[tilespmem:$0x280] =	vst v9;
	v6 =	vsel vm1, v6, v8;
	vm14 =	vlt.u32 v4, $0x1388  }
0xf3: {  	v7 =	vadd.s32 $0x1388, v7;
	v63 =	vand.u32 $0x3F, v5;
	v2 =	vsel vm0, v2, v3;
	[tilespmem:$0x290] =	vst v6  }
0xf4: {  	vm15 =	vlt.u32 v5, $0x1388;
	v4 =	vsel vm14, v4, v7;
	s21 =	sadd.s32 s24, s23;
	v3 =	vadd.s32 $0x1388, v63;
	[tilespmem:$0x2B0] =	vst v2  }
0xf5: {  	[tilespmem:$0x2A0] =	vst v4;
	s21 =	sshrl.u32 s21, $0x3;
	v2 =	vsel vm15, v5, v3  }
0xf6: {  	s22 =	sadd.s32 s6, s21;
	[tilespmem:$0x2C0] =	vst v2  }
0xf7: {  	[tilespmem:s10], [sflag:$0x4] =	stream.linear.gather [hbm4b:s22+s4], $0x50, $0x38;
	[tilespmem:$0xFD40] =	vst v63  }
0xf8: {  	s21 =	sadd.s32 s1, s21  }
0xf9: {  	[tilespmem:s11], [sflag:$0x6] =	stream.linear.gather [hbm4b:s21+s4], $0x50, $0x38;
	[tilespmem:$0xFD40] =	vst v63  }
0xfa: {  	_ = 	snop  }
0xfb: {  	[spmem:s2] =	stream.indirect.scatter.add.f32 [tilespmem:s14], [sflag:$0x7], $0x80, s19, s8, $0xb8;
	[tilespmem:$0xFD40] =	vst v63  }
0xfc: {  	_ =	swait.ge [sflag:s0], $0x2800  }
0xfd: {  	[sflag:s0] =	ssyncset.done $0x0  }
0xfe: {  	[sflag:s0] =	ssyncadd.s32 $0xFFFFD800  }
0xff: {  	_ =	swait.ge [sflag:s12], $0x50  }
0x100: {  	[sflag:s12] =	ssyncset.done $0x0  }
0x101: {  	[sflag:s12] =	ssyncadd.s32 $0xFFFFFFB0  }
0x102: {  	_ =	swait.ge [sflag:s13], $0x50  }
0x103: {  	[sflag:s13] =	ssyncset.done $0x0  }
0x104: {  	[sflag:s13] =	ssyncadd.s32 $0xFFFFFFB0  }
0x105: {  	_ =	swait.ge [sflag:s15], $0x2800  }
0x106: {  	[sflag:s15] =	ssyncset.done $0x0  }
0x107: {  	s22 =	stileid.u32;
	[sflag:s15] =	ssyncadd.s32 $0xFFFFD800  }
0x108: {  	s21 =	sshll.u32 s22, $0x6;
	[bflag:$0x0] =	sbarrier.arrive $0xFFFF  }
0x109: {  	s23 =	sshrl.u32 s7, $0x3;
	s21 =	sor.u32 $0x1C07, s21;
	s24 =	rddreg [dreg:$0x13]  }
0x10a: {  	[hbm:s24], [sflag:s21] =	dma.local [spmem:s23], $0x1380  }
0x10b: {  	_ =	swait.ge [sflag:s0], $0x1380  }
0x10c: {  	[sflag:s0] =	ssyncset.done $0x0  }
0x10d: {  	s22 =	sshrl.u32 @!p0 s28, $0x3;
	s23 =	rddreg [dreg:$0x16];
	[sflag:s0] =	ssyncadd.s32 $0xFFFFEC80  }
0x10e: {  	[hbm:s23], [sflag:s21] =	dma.local @!p0 [spmem:s22], $0x80  }
0x10f: {  	s21 =	simm.s32 @!p0 $0x7  }
0x110: {  	_ =	swait.ge @!p0 [sflag:s21], $0x80  }
0x111: {  	s20 =	sadd.s32 $0x1, s20;
	s24 =	rddreg [dreg:$0x17]  }
0x112: {  	p1 =	sne.s32 s20, s24  }
.Ltmp2:
0x113: {  	_ = 	snop;
	(pc) =	sbr.rel @p1 .LBB2_1-.Ltmp2, $3  }
0x114: {  	_ =	sdelay $0x1  }
0x115: {  	[sflag:s21] =	ssyncset.done @!p0 $0x0  }
0x116: {  	[sflag:s21] =	ssyncadd.s32 @!p0 $0xFFFFFF80  }
0x117: {  	_ =	sfence.sel $0x180000  }
0x118: {  	[bflag:$0x0] =	sbarrier.arrive $0xFFFF  }
0x119: {  	_ =	strace $0x90000050  }
0x11a: {  	s0 =	stileid.u32;
	[bflag:$0x2] =	sbarrier.arrive $0xFFFF  }
0x11b: {  	p0 =	sne.s32 s0, $0x0;
	s0 =	rddreg [dreg:$0x3]  }
0x11c: {  	s0 =	sadd.s32 @!p0 $0x100000, s0  }
0x11d: {  	[sflag:s0] =	ssyncadd.tile.s32 @!p0 $0x1;
	_ =	shalt  }
.Lfunc_end2:
_tile_overlayer_lowered:
.L_overlay_start_2:
0x11e: {  	(tag) =	ssettag $0x2  }
0x11f: {  	s0 =	rddreg [dreg:$0x0];
	s2 =	stileid.u32  }
0x120: {  	s1 =	rddreg [dreg:$0x1];
	p0 =	sne.s32 s2, $0x0  }
0x121: {  	s3 =	rddreg [dreg:$0x2];
	[bflag:$0x3] =	sbarrier.arrive $0xFFFF;
	s2 =	simm.s32 @!p0 $0x1C07  }
0x122: {  	[timem:s3], [sflag:s2] =	dma.local @!p0 [hbm:s0], s1  }
0x123: {  	s0 =	simm.s32 @!p0 $0x7  }
0x124: {  	_ =	swait.ge @!p0 [sflag:s0], s1  }
0x125: {  	s1 =	ssub.s32 @!p0 $0x0, s1;
	[sflag:s0] =	ssyncset.done @!p0 $0x0  }
0x126: {  	[sflag:s0] =	ssyncadd.s32 @!p0 s1  }
0x127: {  	[bflag:$0x3] =	sbarrier.arrive $0xFFFF  }
0x128: {  	_ =	shalt  }

// kernel: kernel.9.cloned.1.call-start
scs
__scs_entry_jumppad:
0x0: {  	(pc) =	sbr.rel $0x88, $3  }
0x1: {  	(tag) =	ssettag $0x0;
	lr =	simm.s32 $0x1  }
0x2: {  	[smem:$0x3F92] =	sst lr;
	_ =	strace $0xD0000000  }
0x3: {  	_ = 	snop  }
0x4: {  	_ = 	snop  }
0x5: {  	_ = 	snop  }
0x6: {  	_ = 	snop  }
0x7: {  	_ = 	snop  }
__scs_overlays_trampoline_lowered:
0x8: {  	[smem:$0x3FA1] =	sst s0  }
0x9: {  	[smem:$0x3FA2] =	sst s1  }
0xa: {  	[smem:$0x3FA3] =	sst s2  }
0xb: {  	[smem:$0x3FA4] =	sst s3  }
0xc: {  	[smem:$0x3FA5] =	sst s4  }
0xd: {  	[smem:$0x3FA6] =	sst s5  }
0xe: {  	[smem:$0x3FA7] =	sst s6  }
0xf: {  	[smem:$0x3FA8] =	sst s7  }
0x10: {  	[smem:$0x3FA9] =	sst s8  }
0x11: {  	[smem:$0x3FAA] =	sst s9;
	s0 =	simm.s32 @!p0 $0x0  }
0x12: {  	s1 =	sld [smem:$0x3F90];
	s0 =	simm.s32 @p0 $0x1  }
0x13: {  	[smem:$0x3FAB] =	sst s0;
	s0 =	simm.s32 @!p1 $0x0  }
0x14: {  	s2 =	sld [smem:$0x3F8F];
	s0 =	simm.s32 @p1 $0x1  }
0x15: {  	[smem:$0x3FAC] =	sst s0;
	s0 =	simm.s32 @!p2 $0x0  }
0x16: {  	s3 =	sld [smem:$0x3FDB];
	s0 =	simm.s32 @p2 $0x1  }
0x17: {  	s4 =	simm.s32 $0x1BF5;
	[smem:$0x3FAE] =	sst s0  }
0x18: {  	s0 =	sld [smem:$0x3F91];
	_ =	swait.ge [sflag:s4], $0x0  }
0x19: {  	s7 =	sld [smem:$0x3F92]  }
0x1a: {  	s8 =	sadd.s32 $0xFFFFE003, lr  }
0x1b: {  	s9 =	sadd.s32 $0xFFFFFEF7, lr;
	s5 =	simm.s32 $0xFFFFFFFF;
	p2 =	slt.u32 s8, $0xFFFFF086  }
0x1c: {  	p1 =	slt.u32 s9, $0xF7A;
	s5 =	simm.s32 @!p2 $0x0  }
0x1d: {  	s5 =	simm.s32 @p1 $0x1;
	p0 =	seq.s32 s7, s2  }
0x1e: {  	s7 =	smul.u32 @!p0 $0xF7A, s2;
	p2 =	seq.s32 @!p0 s5, $0x0  }
0x1f: {  	s9 =	smul.u32 $0xF7A, s1;
	s8 =	simm.s32 @!p0 $0x1BF5;
	p2 =	por !p2, p0  }
0x20: {  	[sflag:s8] =	ssyncset.s32 @!p0 $0xFFFFF086;
	s6 =	sadd.s32 @!p0 s3, s7;
	s7 =	simm.s32 @!p0 $0x108  }
0x21: {  	s3 =	sadd.s32 s3, s9;
	s6 =	sadd.s32 @!p0 $0x88, s6;
	s7 =	simm.s32 @p2 $0x1082  }
0x22: {  	[simem:s7], [sflag:s8] =	dma.local @!p0 [hbm:s6], $0xF7A  }
0x23: {  	s9 =	sor.u32 $0xD0000000, s2;
	s6 =	simm.s32 $0x108;
	_ =	swait.ge @!p0 [sflag:s8], $0x0  }
0x24: {  	s3 =	sadd.s32 $0x88, s3;
	s6 =	simm.s32 @!p1 $0x1082;
	[sflag:s4] =	ssyncset.s32 $0xFFFFF086  }
0x25: {  	[simem:s6], [sflag:s4] =	dma.local [hbm:s3], $0xF7A  }
0x26: {  	[smem:$0x3F92] =	sst s1;
	(tag) =	ssettag s2;
	_ =	strace s9  }
0x27: {  	s1 =	sld [smem:$0x3FA2]  }
0x28: {  	s2 =	sld [smem:$0x3FA3]  }
0x29: {  	s4 =	sld [smem:$0x3FA5]  }
0x2a: {  	p0 =	seq.s32 s5, $0x0;
	s5 =	sld [smem:$0x3FA6]  }
0x2b: {  	s6 =	sld [smem:$0x3FA7]  }
0x2c: {  	s7 =	sld [smem:$0x3FA8]  }
0x2d: {  	s3 =	simm.s32 $0x108;
	s8 =	sld [smem:$0x3FA9]  }
0x2e: {  	s3 =	simm.s32 @!p0 $0x1082;
	s9 =	sld [smem:$0x3FAA]  }
0x2f: {  	lr =	sadd.s32 s0, s3;
	s0 =	sld [smem:$0x3FA1]  }
0x30: {  	s3 =	sld [smem:$0x3FA4]  }
0x31: {  	[smem:$0x3FAD] =	sst s10  }
0x32: {  	s10 =	sld [smem:$0x3FAB];
	_ =	sdelay $0x3  }
0x33: {  	p0 =	seq.s32 s10, $0x1;
	s10 =	sld [smem:$0x3FAD];
	_ =	sdelay $0x3  }
0x34: {  	[smem:$0x3FAD] =	sst s10  }
0x35: {  	s10 =	sld [smem:$0x3FAC];
	_ =	sdelay $0x3  }
0x36: {  	p1 =	seq.s32 s10, $0x1;
	s10 =	sld [smem:$0x3FAD];
	_ =	sdelay $0x3  }
0x37: {  	[smem:$0x3FAD] =	sst s10  }
0x38: {  	s10 =	sld [smem:$0x3FAE]  }
0x39: {  	_ = 	snop;
	(pc) =	sbr.ind lr, $3  }
0x3a: {  	_ = 	snop  }
0x3b: {  	_ = 	snop  }
0x3c: {  	p2 =	seq.s32 s10, $0x1;
	s10 =	sld [smem:$0x3FAD]  }
0x3d: {  	_ =	shalt  }
0x3e: {  	_ =	shalt  }
0x3f: {  	_ =	shalt  }
0x40: {  	_ =	shalt  }
0x41: {  	_ =	shalt  }
0x42: {  	_ =	shalt  }
0x43: {  	_ =	shalt  }
0x44: {  	_ =	shalt  }
0x45: {  	_ =	shalt  }
0x46: {  	_ =	shalt  }
0x47: {  	_ =	shalt  }
0x48: {  	_ =	shalt  }
0x49: {  	_ =	shalt  }
0x4a: {  	_ =	shalt  }
0x4b: {  	_ =	shalt  }
0x4c: {  	_ =	shalt  }
0x4d: {  	_ =	shalt  }
0x4e: {  	_ =	shalt  }
0x4f: {  	_ =	shalt  }
0x50: {  	_ =	shalt  }
0x51: {  	_ =	shalt  }
0x52: {  	_ =	shalt  }
0x53: {  	_ =	shalt  }
0x54: {  	_ =	shalt  }
0x55: {  	_ =	shalt  }
0x56: {  	_ =	shalt  }
0x57: {  	_ =	shalt  }
0x58: {  	_ =	shalt  }
0x59: {  	_ =	shalt  }
0x5a: {  	_ =	shalt  }
0x5b: {  	_ =	shalt  }
0x5c: {  	_ =	shalt  }
0x5d: {  	_ =	shalt  }
0x5e: {  	_ =	shalt  }
0x5f: {  	_ =	shalt  }
0x60: {  	_ =	shalt  }
0x61: {  	_ =	shalt  }
0x62: {  	_ =	shalt  }
0x63: {  	_ =	shalt  }
0x64: {  	_ =	shalt  }
0x65: {  	_ =	shalt  }
0x66: {  	_ =	shalt  }
0x67: {  	_ =	shalt  }
0x68: {  	_ =	shalt  }
0x69: {  	_ =	shalt  }
0x6a: {  	_ =	shalt  }
0x6b: {  	_ =	shalt  }
0x6c: {  	_ =	shalt  }
0x6d: {  	_ =	shalt  }
0x6e: {  	_ =	shalt  }
0x6f: {  	_ =	shalt  }
0x70: {  	_ =	shalt  }
0x71: {  	_ =	shalt  }
0x72: {  	_ =	shalt  }
0x73: {  	_ =	shalt  }
0x74: {  	_ =	shalt  }
0x75: {  	_ =	shalt  }
0x76: {  	_ =	shalt  }
0x77: {  	_ =	shalt  }
0x78: {  	_ =	shalt  }
0x79: {  	_ =	shalt  }
0x7a: {  	_ =	shalt  }
0x7b: {  	_ =	shalt  }
0x7c: {  	_ =	shalt  }
0x7d: {  	_ =	shalt  }
0x7e: {  	_ =	shalt  }
0x7f: {  	_ =	shalt  }
0x80: {  	_ =	shalt  }
0x81: {  	_ =	shalt  }
0x82: {  	_ =	shalt  }
0x83: {  	_ =	shalt  }
0x84: {  	_ =	shalt  }
0x85: {  	_ =	shalt  }
0x86: {  	_ =	shalt  }
0x87: {  	_ =	shalt  }
.Lfunc_end0:
.L_simem_size_0:
called_computation_lowered:
.L_overlay_start_0:
0x88: {  	s2 =	sld [smem:$0x3FD9]  }
0x89: {  	s3 =	sld [smem:$0x3FFE];
	_ =	sdelay $0x1  }
0x8a: {  	s1 =	srdreg.scid  }
0x8b: {  	s0 =	sand.u32 $0x1, s1  }
0x8c: {  	s17 =	sshll.u32 s0, $0xA;
	s2 =	sadd.s32 s3, s2  }
0x8d: {  	s2 =	sadd.s32 s2, s17  }
0x8e: {  	[smem:$0x3FB9] =	sst s2  }
0x8f: {  	_ = 	snop  }
0x90: {  	s18 =	sld [smem:$0x3FD0];
	(tm) =	ssettm $0x1  }
0x91: {  	s19 =	sld [smem:$0x3FFB];
	_ =	sdelay $0x3  }
0x92: {  	_ =	strace s19  }
0x93: {  	s2 =	sld [smem:$0x3FFC];
	_ =	sdelay $0x3  }
0x94: {  	_ =	strace s2  }
0x95: {  	s2 =	sld [smem:$0x3FFD];
	_ =	sdelay $0x3  }
0x96: {  	_ =	strace s2  }
0x97: {  	_ =	strace $0x8FFFFFFF  }
0x98: {  	s20 =	sld [smem:$0x3FDB];
	_ =	sdelay $0x1  }
0x99: {  	s4 =	simm.s32 $_scs_section_size  }
0x9a: {  	s5 =	simm.s32 $_size__tile_overlayer_lowered;
	s6 =	simm.s32 $_tile_overlayer_lowered  }
0x9b: {  	s7 =	simm.s32 $0x1BFF;
	s21 =	sshll.u32 s6, $0x1;
	s4 =	sadd.s32 s4, s20  }
0x9c: {  	s22 =	simm.s32 $0x0;
	s5 =	sshll.u32 s5, $0x1;
	s6 =	sadd.s32 s21, s4  }
0x9d: {  	[timem:s22], [sflag:s7] =	dma.local [hbm:s6], s5  }
0x9e: {  	_ =	swait.ge [sflag:s7], s5  }
0x9f: {  	s5 =	ssub.s32 $0x0, s5;
	[sflag:s7] =	ssyncset.done $0x0  }
0xa0: {  	[sflag:s7] =	ssyncadd.s32 s5;
	_ =	sdelay $0x1  }
0xa1: {  	s23 =	simm.s32 $0x1B8B  }
0xa2: {  	_ =	swait.ge [sflag:s23], $0x1  }
0xa3: {  	[sflag:s23] =	ssyncset.done $0x0  }
0xa4: {  	[sflag:s23] =	ssyncadd.s32 $0xFFFFFFFF  }
0xa5: {  	s5 =	sld [smem:$0x0]  }
0xa6: {  	s6 =	sand.u32 $0xFFFFFFFE, s1  }
0xa7: {  	p0 =	sne.s32 s1, s6  }
0xa8: {  	s6 =	sshll.u32 @p0 s6, $0xE  }
0xa9: {  	s6 =	sadd.s32 @p0 $0x11B8D, s6;
	s7 =	sshll.u32 @p0 s5, $0x11  }
0xaa: {  	s6 =	sor.u32 @p0 s7, s6  }
0xab: {  	[sflag:s6] =	ssyncadd.remote.s32 @p0 $0x1;
	_ =	sdelay $0x1  }
0xac: {  	s6 =	simm.s32 @p0 $0x1B8D  }
0xad: {  	_ =	swait.eq @p0 [sflag:s6], $0x1  }
0xae: {  	[sflag:s6] =	ssyncadd.s32 @p0 $0xFFFFFFFF  }
0xaf: {  	s7 =	sshll.u32 @!p0 s1, $0xE  }
0xb0: {  	s7 =	sor.u32 @!p0 $0x4000, s7;
	s6 =	simm.s32 @!p0 $0x1B8D  }
0xb1: {  	s5 =	sshll.u32 @!p0 s5, $0x11;
	s7 =	sadd.s32 @!p0 $0x11B8D, s7;
	_ =	swait.eq @!p0 [sflag:s6], $0x1  }
0xb2: {  	s5 =	sor.u32 @!p0 s5, s7;
	[sflag:s6] =	ssyncadd.s32 @!p0 $0xFFFFFFFF  }
0xb3: {  	s25 =	simm.s32 $0x1B8E;
	s24 =	sld [smem:$0x3FFE];
	[sflag:s5] =	ssyncadd.remote.s32 @!p0 $0x1  }
0xb4: {  	s26 =	simm.s32 $execute0_lowered;
	[smem:$0x3FD2] =	sst s25  }
0xb5: {  	s6 =	sshll.u32 s26, $0x1;
	_ =	strace $0x80000049;
	[dreg:$0x1] =	wrdreg $0xFFFFFFFF  }
0xb6: {  	s28 =	simm.s32 $_size_execute0_lowered;
	s4 =	sadd.s32 s4, s6;
	[dreg:$0x0] =	wrdreg $0x0  }
0xb7: {  	s6 =	sshll.u32 s28, $0x1;
	[dreg:$0x2] =	wrdreg s4  }
0xb8: {  	[dreg:$0x3] =	wrdreg s6  }
0xb9: {  	[dreg:$0x4] =	wrdreg $0xC0  }
0xba: {  	_ =	task [dreg:s22], $0x5FFFF  }
0xbb: {  	[dreg:$0x1] =	wrdreg $0xFFFFFFFF  }
0xbc: {  	[dreg:$0x0] =	wrdreg $0x60  }
0xbd: {  	[dreg:$0x2] =	wrdreg s18  }
0xbe: {  	[dreg:$0x3] =	wrdreg s24  }
0xbf: {  	[dreg:$0x4] =	wrdreg $0x36000  }
0xc0: {  	[dreg:$0x5] =	wrdreg $0x9  }
0xc1: {  	_ =	task.clear_ibuf [dreg:s22], $0x6FFFF;
	_ =	strace $0x90000049  }
0xc2: {  	s29 =	simm.s32 $0x9;
	_ =	strace $0x8000004B  }
0xc3: {  	_ =	swait.ge [sflag:s29], $0x1  }
0xc4: {  	[sflag:s29] =	ssyncadd.s32 $0xFFFFFFFF  }
0xc5: {  	_ =	strace $0x9000004B  }
0xc6: {  	_ =	sfence  }
0xc7: {  	s30 =	sld [smem:$0x0];
	_ =	sdelay $0x2  }
0xc8: {  	s31 =	sshll.u32 s1, $0xD;
	s1 =	sshrl.u32 s1, $0x2  }
0xc9: {  	s4 =	sand.u32 $0x4000, s31;
	s1 =	sadd.s32 s1, s30  }
0xca: {  	s0 =	sor.u32 s4, s0;
	s1 =	sshll.u32 s1, $0x11  }
0xcb: {  	s0 =	sor.u32 s1, s0  }
0xcc: {  	s0 =	sadd.s32 $0x8F2B, s0  }
0xcd: {  	[sflag:s0] =	ssyncadd.remote.s32 $0x1  }
0xce: {  	_ =	sfence.sel $0xFFFF  }
0xcf: {  	[dreg:$0x0] =	wrdreg $0xFFFFFFFF;
	(pc) =	sbr.abs _section_cstart, $3  }
0xd0: {  	[dreg:$0x1] =	wrdreg $0xFFFFFFFF  }
0xd1: {  	_ =	task.clear_ibuf [dreg:s22], $0x2FFFF;
	_ =	strace $0x9FFFFFFF  }
0xd2: {  	(tm) =	ssettm $0x7FFFFFFF  }
0xd3: {  	_ =	shalt  }
tec
execute0_lowered:
.L_overlay_start_1:
0x0: {  	(tag) =	ssettag $0x1  }
0x1: {  	s1 =	rddreg [dreg:$0x0]  }
0x2: {  	s0 =	rddreg [dreg:$0x1]  }
0x3: {  	s2 =	rddreg [dreg:$0x2];
	s4 =	simm.s32 $0x0  }
0x4: {  	s3 =	srdreg.scid;
	s11 =	stileid.u32;
	s29 =	simm.s32 $0x2A00  }
0x5: {  	s30 =	simm.s32 $0x3;
	s31 =	simm.s32 $0x80;
	s5 =	smul.u32 $0x27000, s11  }
0x6: {  	[smem:$0x7FF] =	sst s4;
	s3 =	sand.u32 $0x1, s3;
	s9 =	smul.u32 $0x4E20, s11  }
0x7: {  	s0 =	sadd.s32 $0x34A00, s0;
	s14 =	smul.u32 $0x138, s11;
	p0 =	sne.s32 s11, $0xF  }
0x8: {  	_ =	strace $0x8000004A;
	s8 =	smul.u32 $0x1388, s3;
	s5 =	sshrl.u32 s5, $0x2  }
0x9: {  	s6 =	ssub.s32 $0x2, s3;
	s3 =	smul.u32 $0x9C400, s3;
	s5 =	sadd.s32 s5, s2  }
0xa: {  	s7 =	sshrl.u32 s6, $0x1;
	s26 =	sshrl.u32 s9, $0x3;
	s10 =	sadd.s32 $0xC00, s5  }
0xb: {  	s6 =	ssub.s32 s6, s7;
	s18 =	sadd.s32 $0x1800, s5;
	[dreg:$0x4] =	wrdreg s10  }
0xc: {  	s7 =	sadd.s32 s14, s8;
	s19 =	sadd.s32 $0x2400, s5;
	[dreg:$0x5] =	wrdreg s18  }
0xd: {  	s3 =	sshrl.u32 s3, $0x3;
	s20 =	sadd.s32 $0x3000, s5;
	[dreg:$0x6] =	wrdreg s19  }
0xe: {  	v0 =	vmov s8;
	s8 =	simm.s32 $0x2;
	s21 =	sadd.s32 $0x3C00, s5;
	[dreg:$0x7] =	wrdreg s20  }
0xf: {  	s22 =	sadd.s32 $0x4800, s5;
	s23 =	sadd.s32 $0x5400, s5;
	[dreg:$0x8] =	wrdreg s21  }
0x10: {  	s24 =	sadd.s32 $0x6000, s5;
	s25 =	sadd.s32 $0x6C00, s5;
	[dreg:$0x9] =	wrdreg s22  }
0x11: {  	s15 =	sadd.s32 $0x7800, s5;
	s16 =	sadd.s32 $0x8400, s5;
	[dreg:$0xa] =	wrdreg s23  }
0x12: {  	s17 =	sadd.s32 $0x9000, s5;
	s7 =	sshll.u32 s7, $0x4;
	[dreg:$0xb] =	wrdreg s24  }
0x13: {  	[dreg:$0xc] =	wrdreg s25;
	s18 =	sadd.s32 $0x9C000, s2;
	s19 =	sadd.s32 s1, s26  }
0x14: {  	s20 =	sadd.s32 s0, s7;
	s0 =	sadd.s32 s0, s3;
	s21 =	sadd.s32 $0xA0, s9  }
0x15: {  	s22 =	sadd.s32 $0xF0, s9;
	s24 =	smax.u32 s6, $0x1;
	s25 =	sadd.s32 $0x9CC00, s2  }
0x16: {  	s26 =	sadd.s32 $0x9D800, s2;
	s3 =	simm.s32 $0x50;
	s6 =	simm.s32 $0x100  }
0x17: {  	s7 =	simm.s32 $0x200;
	s9 =	simm.s32 $0x180;
	s10 =	simm.s32 $0x0  }
0x18: {  	v1 =	vimm.f32 $0.0e+00;
	v2 =	vimm.f32 $1.000000000e+00;
	s23 =	sadd.s32 $0x13800, s0;
	s28 =	sadd.s32 $0xA, s19;
	s0 =	simm.s32 $0x1  }
.LBB2_1:
0x19: {  	s11 =	sand.u32 $0x3E00, s4  }
0x1a: {  	s12 =	sand.u32 $0x70, s4;
	s13 =	sshrl.u32 s11, $0x2  }
0x1b: {  	s11 =	simm.s32 $0x40;
	s13 =	sor.u32 s12, s13;
	s12 =	simm.s32 $0x0  }
.LBB2_2:
0x1c: {  	p1 =	sne.s32 s11, $0x2FC0  }
0x1d: {  	[tilespmem:s13+$0x2A00] =	vst v1;
	s12 =	sadd.s32 $0x10, s12;
	s13 =	smov.u32 s11;
	s11 =	sadd.s32 $0x40, s11  }
.Ltmp0:
0x1e: {  	(pc) =	sbr.rel @p1 .LBB2_2-.Ltmp0, $4  }
0x1f: {  	_ = 	snop  }
0x20: {  	s13 =	sand.u32 $0x3E00, s13  }
0x21: {  	s14 =	sand.u32 $0x70, s12;
	s13 =	sshrl.u32 s13, $0x2  }
0x22: {  	s13 =	sor.u32 s14, s13  }
0x23: {  	[tilespmem:s13+$0x2A00] =	vst v1  }
0x24: {  	[spmem:s5] =	stream.linear.scatter [tilespmem:s29], [sflag:$0x3], $0xC00, $0x38;
	[tilespmem:$0xD440] =	vst v63  }
0x25: {  	_ =	swait.ge [sflag:s30], $0xC00  }
0x26: {  	[sflag:s30] =	ssyncset.done $0x0  }
0x27: {  	s11 =	rddreg [dreg:$0x4];
	[sflag:s30] =	ssyncadd.s32 $0xFFFFF400  }
0x28: {  	[spmem:s11] =	stream.linear.scatter [tilespmem:s29], [sflag:$0x3], $0xC00, $0x38;
	[tilespmem:$0xD440] =	vst v63  }
0x29: {  	_ =	swait.ge [sflag:s30], $0xC00  }
0x2a: {  	[sflag:s30] =	ssyncset.done $0x0  }
0x2b: {  	s13 =	rddreg [dreg:$0x5];
	[sflag:s30] =	ssyncadd.s32 $0xFFFFF400  }
0x2c: {  	[spmem:s13] =	stream.linear.scatter [tilespmem:s29], [sflag:$0x3], $0xC00, $0x38;
	[tilespmem:$0xD440] =	vst v63  }
0x2d: {  	_ =	swait.ge [sflag:s30], $0xC00  }
0x2e: {  	[sflag:s30] =	ssyncset.done $0x0  }
0x2f: {  	s14 =	rddreg [dreg:$0x6];
	[sflag:s30] =	ssyncadd.s32 $0xFFFFF400  }
0x30: {  	[spmem:s14] =	stream.linear.scatter [tilespmem:s29], [sflag:$0x3], $0xC00, $0x38;
	[tilespmem:$0xD440] =	vst v63  }
0x31: {  	_ =	swait.ge [sflag:s30], $0xC00  }
0x32: {  	[sflag:s30] =	ssyncset.done $0x0  }
0x33: {  	s12 =	rddreg [dreg:$0x7];
	[sflag:s30] =	ssyncadd.s32 $0xFFFFF400  }
0x34: {  	[spmem:s12] =	stream.linear.scatter [tilespmem:s29], [sflag:$0x3], $0xC00, $0x38;
	[tilespmem:$0xD440] =	vst v63  }
0x35: {  	_ =	swait.ge [sflag:s30], $0xC00  }
0x36: {  	[sflag:s30] =	ssyncset.done $0x0  }
0x37: {  	s13 =	rddreg [dreg:$0x8];
	[sflag:s30] =	ssyncadd.s32 $0xFFFFF400  }
0x38: {  	[spmem:s13] =	stream.linear.scatter [tilespmem:s29], [sflag:$0x3], $0xC00, $0x38;
	[tilespmem:$0xD440] =	vst v63  }
0x39: {  	_ =	swait.ge [sflag:s30], $0xC00  }
0x3a: {  	[sflag:s30] =	ssyncset.done $0x0  }
0x3b: {  	s14 =	rddreg [dreg:$0x9];
	[sflag:s30] =	ssyncadd.s32 $0xFFFFF400  }
0x3c: {  	[spmem:s14] =	stream.linear.scatter [tilespmem:s29], [sflag:$0x3], $0xC00, $0x38;
	[tilespmem:$0xD440] =	vst v63  }
0x3d: {  	_ =	swait.ge [sflag:s30], $0xC00  }
0x3e: {  	[sflag:s30] =	ssyncset.done $0x0  }
0x3f: {  	s12 =	rddreg [dreg:$0xa];
	[sflag:s30] =	ssyncadd.s32 $0xFFFFF400  }
0x40: {  	[spmem:s12] =	stream.linear.scatter [tilespmem:s29], [sflag:$0x3], $0xC00, $0x38;
	[tilespmem:$0xD440] =	vst v63  }
0x41: {  	_ =	swait.ge [sflag:s30], $0xC00  }
0x42: {  	[sflag:s30] =	ssyncset.done $0x0  }
0x43: {  	s13 =	rddreg [dreg:$0xb];
	[sflag:s30] =	ssyncadd.s32 $0xFFFFF400  }
0x44: {  	[spmem:s13] =	stream.linear.scatter [tilespmem:s29], [sflag:$0x3], $0xC00, $0x38;
	[tilespmem:$0xD440] =	vst v63  }
0x45: {  	_ =	swait.ge [sflag:s30], $0xC00  }
0x46: {  	[sflag:s30] =	ssyncset.done $0x0  }
0x47: {  	s14 =	rddreg [dreg:$0xc];
	[sflag:s30] =	ssyncadd.s32 $0xFFFFF400  }
0x48: {  	[spmem:s14] =	stream.linear.scatter [tilespmem:s29], [sflag:$0x3], $0xC00, $0x38;
	[tilespmem:$0xD440] =	vst v63  }
0x49: {  	_ =	swait.ge [sflag:s30], $0xC00  }
0x4a: {  	[sflag:s30] =	ssyncset.done $0x0  }
0x4b: {  	[sflag:s30] =	ssyncadd.s32 $0xFFFFF400  }
0x4c: {  	[spmem:s15] =	stream.linear.scatter [tilespmem:s29], [sflag:$0x3], $0xC00, $0x38;
	[tilespmem:$0xD440] =	vst v63  }
0x4d: {  	_ =	swait.ge [sflag:s30], $0xC00  }
0x4e: {  	[sflag:s30] =	ssyncset.done $0x0  }
0x4f: {  	[sflag:s30] =	ssyncadd.s32 $0xFFFFF400  }
0x50: {  	[spmem:s16] =	stream.linear.scatter [tilespmem:s29], [sflag:$0x3], $0xC00, $0x38;
	[tilespmem:$0xD440] =	vst v63  }
0x51: {  	_ =	swait.ge [sflag:s30], $0xC00  }
0x52: {  	[sflag:s30] =	ssyncset.done $0x0  }
0x53: {  	[sflag:s30] =	ssyncadd.s32 $0xFFFFF400  }
0x54: {  	[spmem:s17] =	stream.linear.scatter [tilespmem:s29], [sflag:$0x3], $0xC00, $0x38;
	[tilespmem:$0xD440] =	vst v63  }
0x55: {  	_ =	swait.ge [sflag:s30], $0xC00  }
0x56: {  	[sflag:s30] =	ssyncset.done $0x0  }
0x57: {  	s11 =	simm.s32 @!p0 $0x2A00;
	s12 =	simm.s32 @!p0 $0x3;
	[sflag:s30] =	ssyncadd.s32 $0xFFFFF400  }
0x58: {  	[spmem:s18] =	stream.linear.scatter @!p0 [tilespmem:s11], [sflag:$0x3], $0xC00, $0x38;
	[tilespmem:$0xD440] =	vst v63  }
0x59: {  	_ =	swait.ge @!p0 [sflag:s12], $0xC00  }
0x5a: {  	[sflag:s12] =	ssyncset.done @!p0 $0x0  }
0x5b: {  	[sflag:s12] =	ssyncadd.s32 @!p0 $0xFFFFF400  }
0x5c: {  	[spmem:s25] =	stream.linear.scatter @!p0 [tilespmem:s11], [sflag:$0x3], $0xC00, $0x38;
	[tilespmem:$0xD440] =	vst v63  }
0x5d: {  	_ =	swait.ge @!p0 [sflag:s12], $0xC00  }
0x5e: {  	[sflag:s12] =	ssyncset.done @!p0 $0x0  }
0x5f: {  	[sflag:s12] =	ssyncadd.s32 @!p0 $0xFFFFF400  }
0x60: {  	[spmem:s26] =	stream.linear.scatter @!p0 [tilespmem:s11], [sflag:$0x3], $0xC00, $0x38;
	[tilespmem:$0xD440] =	vst v63  }
0x61: {  	s11 =	simm.s32 $0x0  }
0x62: {  	_ =	swait.ge @!p0 [sflag:s12], $0xC00;
	s13 =	sand.u32 $0xFE00, s11  }
0x63: {  	s14 =	sand.u32 $0x70, s11;
	[sflag:s12] =	ssyncset.done @!p0 $0x0;
	s13 =	sshrl.u32 s13, $0x2  }
0x64: {  	[sflag:s12] =	ssyncadd.s32 @!p0 $0xFFFFF400;
	s12 =	simm.s32 $0x40;
	s13 =	sor.u32 s14, s13  }
.LBB2_4:
0x65: {  	p1 =	sne.s32 s12, $0x9FC0  }
0x66: {  	[tilespmem:s13+$0x200] =	vst v2;
	s11 =	sadd.s32 $0x10, s11;
	s13 =	smov.u32 s12;
	s12 =	sadd.s32 $0x40, s12  }
.Ltmp1:
0x67: {  	(pc) =	sbr.rel @p1 .LBB2_4-.Ltmp1, $4  }
0x68: {  	_ = 	snop  }
0x69: {  	s13 =	sand.u32 $0xFE00, s13  }
0x6a: {  	s14 =	sand.u32 $0x70, s11;
	s13 =	sshrl.u32 s13, $0x2  }
0x6b: {  	s13 =	sor.u32 s14, s13  }
0x6c: {  	[tilespmem:s13+$0x200] =	vst v2  }
0x6d: {  	s11 =	simm.s32 $0x0;
	[bflag:$0x0] =	sbarrier.arrive $0xFFFF  }
0x6e: {  	[tilespmem:s11], [sflag:$0x1] =	stream.linear.gather [hbm4b:s19+s11], $0x50, $0x38;
	[tilespmem:$0xD440] =	vst v63  }
0x6f: {  	_ = 	snop  }
0x70: {  	[tilespmem:s31], [sflag:$0x2] =	stream.linear.gather [hbm4b:s28+s11], $0x50, $0x38;
	[tilespmem:$0xD440] =	vst v63  }
0x71: {  	_ =	swait.ge [sflag:s0], $0x50  }
0x72: {  	[sflag:s0] =	ssyncset.done $0x0  }
0x73: {  	[sflag:s0] =	ssyncadd.s32 $0xFFFFFFB0  }
0x74: {  	v4 =	vld [tilespmem:$0x20]  }
0x75: {  	v6 =	vld [tilespmem:$0x10]  }
0x76: {  	v3 =	vld [tilespmem:$0x40];
	_ =	sdelay $0x3  }
0x77: {  	v5 =	vsub.s32 v4, v0;
	v4 =	vsub.s32 v6, v0;
	v6 =	vld [tilespmem:$0x30]  }
0x78: {  	v7 =	vsub.s32 v3, v0  }
0x79: {  	v3 =	vld [tilespmem:$0x0];
	v8 =	vand.u32 $0x3F, v7  }
0x7a: {  	vm1 =	vlt.u32 v7, $0x1388;
	v9 =	vand.u32 $0x3F, v5;
	v10 =	vadd.s32 $0x1388, v8  }
0x7b: {  	s12 =	simm.s32 $0x2;
	vm0 =	vlt.u32 v5, $0x1388;
	v8 =	vadd.s32 $0x1388, v9;
	v7 =	vsel vm1, v7, v10  }
.LBB2_6:
0x7c: {  	p1 =	sne.s32 s12, $0xF8;
	v9 =	vand.u32 $0x3F, v4;
	v5 =	vsel vm0, v5, v8;
	v6 =	vsub.s32 v6, v0;
	s13 =	smov.u32 s12;
	s12 =	sadd.s32 $0x2, s12  }
0x7d: {  	vm0 =	vlt.u32 v4, $0x1388;
	v8 =	vadd.s32 $0x1388, v9;
	vm1 =	vlt.u32 v6, $0x1388;
	[tilespmem:$0x140] =	vst v7  }
0x7e: {  	v3 =	vsub.s32 v3, v0;
	s14 =	smin.u32 s11, $0xF7;
	v4 =	vsel vm0, v4, v8;
	[tilespmem:$0x120] =	vst v5;
	v5 =	vand.u32 $0x3F, v6  }
0x7f: {  	v7 =	vand.u32 $0x3F, v3;
	s14 =	smul.u32 $0x50, s14;
	[tilespmem:$0x110] =	vst v4;
	v4 =	vadd.s32 $0x1388, v5  }
0x80: {  	vm0 =	vlt.u32 v3, $0x1388;
	v5 =	vadd.s32 $0x1388, v7;
	v4 =	vsel vm1, v6, v4  }
0x81: {  	s14 =	sadd.s32 s14, s21;
	v3 =	vsel vm0, v3, v5  }
0x82: {  	s14 =	sshrl.u32 s14, $0x3;
	[tilespmem:$0x130] =	vst v4  }
0x83: {  	s14 =	sadd.s32 s1, s14;
	[tilespmem:$0x100] =	vst v3  }
0x84: {  	[tilespmem:s4], [sflag:$0x1] =	stream.linear.gather [hbm4b:s14+s4], $0x50, $0x38;
	[tilespmem:$0xD440] =	vst v63  }
0x85: {  	_ = 	snop  }
0x86: {  	[spmem:s2] =	stream.indirect.scatter.add.f32 [tilespmem:s7], [sflag:$0x3], $0x80, s6, s3, $0xb8;
	[tilespmem:$0xD440] =	vst v63  }
0x87: {  	_ =	swait.ge [sflag:s30], $0x2800  }
0x88: {  	[sflag:s30] =	ssyncset.done $0x0  }
0x89: {  	[sflag:s30] =	ssyncadd.s32 $0xFFFFD800  }
0x8a: {  	_ =	swait.ge [sflag:s8], $0x50  }
0x8b: {  	[sflag:s8] =	ssyncset.done $0x0  }
0x8c: {  	[sflag:s8] =	ssyncadd.s32 $0xFFFFFFB0  }
0x8d: {  	v3 =	vld [tilespmem:$0x80]  }
0x8e: {  	v4 =	vld [tilespmem:$0x90]  }
0x8f: {  	v5 =	vld [tilespmem:$0xA0];
	_ =	sdelay $0x1  }
0x90: {  	v6 =	vld [tilespmem:$0xB0]  }
0x91: {  	v3 =	vsub.s32 v3, v0;
	v7 =	vld [tilespmem:$0xC0]  }
0x92: {  	vm0 =	vlt.u32 v3, $0x1388;
	v8 =	vand.u32 $0x3F, v3;
	v4 =	vsub.s32 v4, v0  }
0x93: {  	v8 =	vadd.s32 $0x1388, v8;
	v9 =	vand.u32 $0x3F, v4;
	v5 =	vsub.s32 v5, v0  }
0x94: {  	vm1 =	vlt.u32 v4, $0x1388;
	v9 =	vadd.s32 $0x1388, v9;
	v10 =	vand.u32 $0x3F, v5  }
0x95: {  	p2 =	slt.s32 s11, $0xF6;
	s14 =	smov.u32 s11;
	v4 =	vsel vm1, v4, v9;
	vm1 =	vlt.u32 v5, $0x1388;
	v9 =	vadd.s32 $0x1388, v10  }
0x96: {  	s11 =	smov.u32 s13;
	s14 =	simm.s32 @!p2 $0xF6;
	v3 =	vsel vm0, v3, v8;
	[tilespmem:$0x190] =	vst v4;
	v4 =	vsel vm1, v5, v9;
	v5 =	vsub.s32 v6, v0  }
0x97: {  	s13 =	smul.u32 $0x50, s14;
	v6 =	vsub.s32 v7, v0;
	[tilespmem:$0x1A0] =	vst v4;
	v4 =	vand.u32 $0x3F, v5  }
0x98: {  	vm0 =	vlt.u32 v5, $0x1388;
	[tilespmem:$0x180] =	vst v3;
	v3 =	vadd.s32 $0x1388, v4;
	v4 =	vand.u32 $0x3F, v6  }
0x99: {  	s13 =	sadd.s32 s13, s22;
	v3 =	vsel vm0, v5, v3;
	vm0 =	vlt.u32 v6, $0x1388;
	v4 =	vadd.s32 $0x1388, v4  }
0x9a: {  	s13 =	sshrl.u32 s13, $0x3;
	[tilespmem:$0x1B0] =	vst v3;
	v3 =	vsel vm0, v6, v4  }
0x9b: {  	s13 =	sadd.s32 s1, s13;
	[tilespmem:$0x1C0] =	vst v3  }
0x9c: {  	[tilespmem:s31], [sflag:$0x2] =	stream.linear.gather [hbm4b:s13+s4], $0x50, $0x38;
	[tilespmem:$0xD440] =	vst v63  }
0x9d: {  	_ = 	snop  }
0x9e: {  	[spmem:s2] =	stream.indirect.scatter.add.f32 [tilespmem:s7], [sflag:$0x3], $0x80, s9, s3, $0xb8;
	[tilespmem:$0xD440] =	vst v63  }
0x9f: {  	_ =	swait.ge [sflag:s30], $0x2800  }
0xa0: {  	[sflag:s30] =	ssyncset.done $0x0  }
0xa1: {  	[sflag:s30] =	ssyncadd.s32 $0xFFFFD800  }
0xa2: {  	_ =	swait.ge [sflag:s0], $0x50  }
0xa3: {  	[sflag:s0] =	ssyncset.done $0x0  }
0xa4: {  	[sflag:s0] =	ssyncadd.s32 $0xFFFFFFB0  }
0xa5: {  	v4 =	vld [tilespmem:$0x40]  }
0xa6: {  	v5 =	vld [tilespmem:$0x20]  }
0xa7: {  	v7 =	vld [tilespmem:$0x10]  }
0xa8: {  	v3 =	vld [tilespmem:$0x0]  }
.Ltmp2:
0xa9: {  	v6 =	vld [tilespmem:$0x30];
	(pc) =	sbr.rel @p1 .LBB2_6-.Ltmp2, $4  }
0xaa: {  	v9 =	vsub.s32 v4, v0  }
0xab: {  	v5 =	vsub.s32 v5, v0;
	vm1 =	vlt.u32 v9, $0x1388;
	v8 =	vand.u32 $0x3F, v9  }
0xac: {  	v4 =	vsub.s32 v7, v0;
	v7 =	vand.u32 $0x3F, v5;
	v10 =	vadd.s32 $0x1388, v8  }
0xad: {  	vm0 =	vlt.u32 v5, $0x1388;
	v8 =	vadd.s32 $0x1388, v7;
	v7 =	vsel vm1, v9, v10  }
0xae: {  	v9 =	vand.u32 $0x3F, v4;
	v5 =	vsel vm0, v5, v8  }
0xaf: {  	v6 =	vsub.s32 v6, v0;
	vm9 =	vlt.u32 v4, $0x1388;
	s12 =	smin.u32 s11, $0xF7;
	v3 =	vsub.s32 v3, v0  }
0xb0: {  	[tilespmem:$0x140] =	vst v7;
	v47 =	vadd.s32 $0x1388, v9;
	vm1 =	vlt.u32 v6, $0x1388;
	v48 =	vand.u32 $0x3F, v6;
	s12 =	smul.u32 $0x50, s12  }
0xb1: {  	[tilespmem:$0x120] =	vst v5;
	v49 =	vand.u32 $0x3F, v3;
	v4 =	vsel vm9, v4, v47;
	v7 =	vadd.s32 $0x1388, v48  }
0xb2: {  	vm10 =	vlt.u32 v3, $0x1388;
	v50 =	vadd.s32 $0x1388, v49;
	[tilespmem:$0x110] =	vst v4;
	v51 =	vsel vm1, v6, v7;
	s12 =	sadd.s32 s12, s21  }
0xb3: {  	v3 =	vsel vm10, v3, v50;
	[tilespmem:$0x130] =	vst v51;
	s12 =	sshrl.u32 s12, $0x3  }
0xb4: {  	[tilespmem:$0x100] =	vst v3;
	s12 =	sadd.s32 s1, s12  }
0xb5: {  	[tilespmem:s4], [sflag:$0x1] =	stream.linear.gather [hbm4b:s12+s4], $0x50, $0x38;
	[tilespmem:$0xD440] =	vst v63  }
0xb6: {  	_ = 	snop  }
0xb7: {  	[spmem:s2] =	stream.indirect.scatter.add.f32 [tilespmem:s7], [sflag:$0x3], $0x80, s6, s3, $0xb8;
	[tilespmem:$0xD440] =	vst v63  }
0xb8: {  	_ =	swait.ge [sflag:s30], $0x2800  }
0xb9: {  	[sflag:s30] =	ssyncset.done $0x0  }
0xba: {  	[sflag:s30] =	ssyncadd.s32 $0xFFFFD800  }
0xbb: {  	_ =	swait.ge [sflag:s8], $0x50  }
0xbc: {  	[sflag:s8] =	ssyncset.done $0x0  }
0xbd: {  	[sflag:s8] =	ssyncadd.s32 $0xFFFFFFB0  }
0xbe: {  	v3 =	vld [tilespmem:$0x80]  }
0xbf: {  	v52 =	vld [tilespmem:$0x90]  }
0xc0: {  	v53 =	vld [tilespmem:$0xA0]  }
0xc1: {  	v54 =	vld [tilespmem:$0xB0]  }
0xc2: {  	v55 =	vld [tilespmem:$0xC0];
	_ =	sdelay $0x3  }
0xc3: {  	v3 =	vsub.s32 v3, v0;
	v4 =	vsub.s32 v52, v0;
	v5 =	vsub.s32 v53, v0  }
0xc4: {  	v6 =	vsub.s32 v54, v0;
	v7 =	vsub.s32 v55, v0;
	v56 =	vand.u32 $0x3F, v3  }
0xc5: {  	vm11 =	vlt.u32 v3, $0x1388;
	v57 =	vand.u32 $0x3F, v4;
	vm12 =	vlt.u32 v4, $0x1388  }
0xc6: {  	p1 =	slt.s32 s11, $0xF6;
	v10 =	vand.u32 $0x3F, v5;
	vm13 =	vlt.u32 v5, $0x1388;
	v9 =	vadd.s32 $0x1388, v57  }
0xc7: {  	s11 =	simm.s32 @!p1 $0xF6;
	v60 =	vand.u32 $0x3F, v6;
	v58 =	vadd.s32 $0x1388, v10;
	v4 =	vsel vm12, v4, v9  }
0xc8: {  	s11 =	smul.u32 $0x50, s11;
	vm14 =	vlt.u32 v6, $0x1388;
	v8 =	vadd.s32 $0x1388, v56;
	v59 =	vsel vm13, v5, v58;
	[tilespmem:$0x190] =	vst v4  }
0xc9: {  	v62 =	vand.u32 $0x3F, v7;
	v61 =	vadd.s32 $0x1388, v60;
	v3 =	vsel vm11, v3, v8;
	[tilespmem:$0x1A0] =	vst v59  }
0xca: {  	s11 =	sadd.s32 s11, s22;
	vm15 =	vlt.u32 v7, $0x1388;
	v63 =	vadd.s32 $0x1388, v62;
	[tilespmem:$0x180] =	vst v3;
	v3 =	vsel vm14, v6, v61  }
0xcb: {  	s11 =	sshrl.u32 s11, $0x3;
	[tilespmem:$0x1B0] =	vst v3;
	v3 =	vsel vm15, v7, v63  }
0xcc: {  	s11 =	sadd.s32 s1, s11;
	[tilespmem:$0x1C0] =	vst v3  }
0xcd: {  	[tilespmem:s31], [sflag:$0x2] =	stream.linear.gather [hbm4b:s11+s4], $0x50, $0x38;
	[tilespmem:$0xD440] =	vst v63  }
0xce: {  	_ = 	snop  }
0xcf: {  	[spmem:s2] =	stream.indirect.scatter.add.f32 [tilespmem:s7], [sflag:$0x3], $0x80, s9, s3, $0xb8;
	[tilespmem:$0xD440] =	vst v63  }
0xd0: {  	_ =	swait.ge [sflag:s30], $0x2800  }
0xd1: {  	[sflag:s30] =	ssyncset.done $0x0  }
0xd2: {  	[sflag:s30] =	ssyncadd.s32 $0xFFFFD800  }
0xd3: {  	_ =	swait.ge [sflag:s0], $0x50  }
0xd4: {  	[sflag:s0] =	ssyncset.done $0x0  }
0xd5: {  	[sflag:s0] =	ssyncadd.s32 $0xFFFFFFB0  }
0xd6: {  	_ =	swait.ge [sflag:s8], $0x50  }
0xd7: {  	s13 =	stileid.u32;
	[sflag:s8] =	ssyncset.done $0x0  }
0xd8: {  	s11 =	sshll.u32 s13, $0x6;
	[sflag:s8] =	ssyncadd.s32 $0xFFFFFFB0  }
0xd9: {  	s14 =	sshrl.u32 s5, $0x3;
	s11 =	sor.u32 $0x1C03, s11;
	[bflag:$0x0] =	sbarrier.arrive $0xFFFF  }
0xda: {  	[hbm:s20], [sflag:s11] =	dma.local [spmem:s14], $0x1380  }
0xdb: {  	_ =	swait.ge [sflag:s30], $0x1380  }
0xdc: {  	s10 =	sadd.s32 $0x1, s10;
	[sflag:s30] =	ssyncset.done $0x0  }
0xdd: {  	p1 =	sne.s32 s10, s24;
	s12 =	sshrl.u32 @!p0 s18, $0x3;
	[sflag:s30] =	ssyncadd.s32 $0xFFFFEC80  }
0xde: {  	[hbm:s23], [sflag:s11] =	dma.local @!p0 [spmem:s12], $0x80  }
.Ltmp3:
0xdf: {  	_ = 	snop;
	(pc) =	sbr.rel @p1 .LBB2_1-.Ltmp3, $4  }
0xe0: {  	s11 =	simm.s32 @!p0 $0x3  }
0xe1: {  	_ =	swait.ge @!p0 [sflag:s11], $0x80  }
0xe2: {  	[sflag:s11] =	ssyncset.done @!p0 $0x0  }
0xe3: {  	[sflag:s11] =	ssyncadd.s32 @!p0 $0xFFFFFF80  }
0xe4: {  	_ =	sfence.sel $0x180000  }
0xe5: {  	[bflag:$0x0] =	sbarrier.arrive $0xFFFF  }
0xe6: {  	_ =	strace $0x9000004A  }
0xe7: {  	s0 =	stileid.u32;
	[bflag:$0x2] =	sbarrier.arrive $0xFFFF  }
0xe8: {  	p0 =	sne.s32 s0, $0x0;
	s0 =	rddreg [dreg:$0x3]  }
0xe9: {  	s0 =	sadd.s32 @!p0 $0x100000, s0  }
0xea: {  	[sflag:s0] =	ssyncadd.tile.s32 @!p0 $0x1;
	_ =	shalt  }
.Lfunc_end2:
_tile_overlayer_lowered:
.L_overlay_start_2:
0xeb: {  	(tag) =	ssettag $0x2  }
0xec: {  	s0 =	rddreg [dreg:$0x0];
	s2 =	stileid.u32  }
0xed: {  	s1 =	rddreg [dreg:$0x1];
	p0 =	sne.s32 s2, $0x0  }
0xee: {  	s3 =	rddreg [dreg:$0x2];
	[bflag:$0x3] =	sbarrier.arrive $0xFFFF;
	s2 =	simm.s32 @!p0 $0x1C03  }
0xef: {  	[timem:s3], [sflag:s2] =	dma.local @!p0 [hbm:s0], s1  }
0xf0: {  	s0 =	simm.s32 @!p0 $0x3  }
0xf1: {  	_ =	swait.ge @!p0 [sflag:s0], s1  }
0xf2: {  	s1 =	ssub.s32 @!p0 $0x0, s1;
	[sflag:s0] =	ssyncset.done @!p0 $0x0  }
0xf3: {  	[sflag:s0] =	ssyncadd.s32 @!p0 s1  }
0xf4: {  	[bflag:$0x3] =	sbarrier.arrive $0xFFFF  }
0xf5: {  	_ =	shalt  }

</sc_bundles>
